<compile_context>
chip_gen: v7x
topology: tpu7x:2x2x1
jax: 0.10.2.dev20260603
libtpu: 0.0.44.dev20260713+nightly
codegen_flags: <defaults>
</compile_context>

<pallas_src>
import functools

import jax
import jax.numpy as jnp
import numpy as np
from jax import lax
from jax.experimental import pallas as pl
from jax.experimental.pallas import tpu as pltpu
from jax.experimental.pallas import tpu_sc as plsc

_CODE_WEIGHTS = np.array([1.0, 1.0, 1.0, 1.0, 1.0, 1.0, 1.0, 1.0, 0.2, 0.2],
                         dtype=np.float32)
_WEIGHT = 0.25
_EPS = 1e-4

_B, _C, _H, _W = 8, 2, 512, 512
_REG_C = 10
_M = 500
_HW = _H * _W
_PM = 512
_NW = 32
_PER_W = (_B * _PM) // _NW
_LANE = 16


_NCHUNK = _PER_W // _LANE


def _sc_gather_body(ind_hbm, cat_hbm, mask_hbm, gt_hbm, preg_hbm, phm_hbm,
                    reg_out, pos_out,
                    ind_v, cat_v, mask_v, gt_v, idx_v, idx2_v, rb, rb2,
                    acc_v, sem):
    wid = lax.axis_index("s") * 2 + lax.axis_index("c")
    b_const = wid // 4

    pltpu.sync_copy(ind_hbm.at[wid], ind_v)
    pltpu.sync_copy(cat_hbm.at[wid], cat_v)
    pltpu.sync_copy(mask_hbm.at[wid], mask_v)

    gt_copies = []
    off = pl.multiple_of(wid * _PER_W, _PER_W)
    for c in range(_REG_C):
        gt_copies.append(
            pltpu.async_copy(gt_hbm.at[c, pl.ds(off, _PER_W)], gt_v.at[c], sem))

    preg_base = b_const * (_REG_C * _HW)
    phm_base = b_const * (_C * _HW)
    for i in range(_NCHUNK):
        sl = pl.ds(_LANE * i, _LANE)
        ind_i = ind_v[sl]
        toff = (lax.shift_right_logical(ind_i, 12) * 4096
                + lax.bitwise_and(lax.shift_right_logical(ind_i, 7), 3) * 1024
                + lax.bitwise_and(lax.shift_right_logical(ind_i, 9), 7) * 128
                + lax.bitwise_and(ind_i, 127))
        for c in range(_REG_C):
            idx_v[c, sl] = toff + (preg_base + c * _HW)
        idx2_v[sl] = toff + (phm_base + cat_v[sl] * _HW)

    copies = []
    for c in range(_REG_C):
        copies.append(pltpu.async_copy(preg_hbm.at[idx_v.at[c]], rb.at[c], sem))
    copies.append(pltpu.async_copy(phm_hbm.at[idx2_v], rb2, sem))
    for cp in gt_copies:
        cp.wait()
    for cp in copies:
        cp.wait()

    for c in range(_REG_C):
        acc = jnp.zeros((_LANE,), jnp.float32)
        for i in range(_NCHUNK):
            sl = pl.ds(_LANE * i, _LANE)
            mf = mask_v[sl].astype(jnp.float32)
            acc = acc + mf * jnp.abs(rb[c, sl] - gt_v[c, sl])
        acc_v[pl.ds(_LANE * c, _LANE)] = acc

    pltpu.sync_copy(acc_v, reg_out.at[wid])
    pltpu.sync_copy(rb2, pos_out.at[wid])


_sc_gather = functools.partial(
    pl.kernel,
    out_type=[
        jax.ShapeDtypeStruct((_NW, _REG_C * _LANE), jnp.float32),
        jax.ShapeDtypeStruct((_NW, _PER_W), jnp.float32),
    ],
    mesh=plsc.VectorSubcoreMesh(core_axis_name="c", subcore_axis_name="s"),
    scratch_types=[
        pltpu.VMEM((_PER_W,), jnp.int32),
        pltpu.VMEM((_PER_W,), jnp.int32),
        pltpu.VMEM((_PER_W,), jnp.int32),
        pltpu.VMEM((_REG_C, _PER_W), jnp.float32),
        pltpu.VMEM((_REG_C, _PER_W), jnp.int32),
        pltpu.VMEM((_PER_W,), jnp.int32),
        pltpu.VMEM((_REG_C, _PER_W), jnp.float32),
        pltpu.VMEM((_PER_W,), jnp.float32),
        pltpu.VMEM((_REG_C * _LANE,), jnp.float32),
        pltpu.SemaphoreType.DMA,
    ],
)(_sc_gather_body)


_ROWS = 2048
_NSTEPS = (_B * _C * _H) // _ROWS


def _tc_neg_body(ph_ref, gt_ref, out_ref, acc_ref):
    i = pl.program_id(0)

    @pl.when(i == 0)
    def _():
        acc_ref[0] = 0.0

    x = ph_ref[...]
    t = gt_ref[...]
    om = jnp.clip(0.5 - 0.5 * jnp.tanh(0.5 * x), _EPS, 1.0 - _EPS)
    s = 1.0 - om
    g = 1.0 - t
    g2 = g * g
    acc_ref[0] += jnp.sum(jnp.log(om) * (s * s) * (g2 * g2))

    @pl.when(i == _NSTEPS - 1)
    def _():
        out_ref[0, 0] = acc_ref[0]


_tc_neg = pl.pallas_call(
    _tc_neg_body,
    grid=(_NSTEPS,),
    in_specs=[
        pl.BlockSpec((_ROWS, _W), lambda i: (i, 0)),
        pl.BlockSpec((_ROWS, _W), lambda i: (i, 0)),
    ],
    out_specs=pl.BlockSpec((1, 1), lambda i: (0, 0), memory_space=pltpu.SMEM),
    out_shape=jax.ShapeDtypeStruct((1, 1), jnp.float32),
    scratch_shapes=[pltpu.SMEM((1,), jnp.float32)],
)


def _tc_combine_body(neg_ref, pos_ref, msk_ref, rp_ref, out_ref):
    neg = neg_ref[0, 0]
    mf = msk_ref[...].astype(jnp.float32)
    sp = jnp.clip(1.0 / (1.0 + jnp.exp(-pos_ref[...])), _EPS, 1.0 - _EPS)
    om = 1.0 - sp
    pos_loss = jnp.sum(jnp.log(sp) * om * om * mf)
    num_pos = jnp.sum(mf)
    hm_loss = jnp.where(num_pos == 0.0, -neg,
                        -(pos_loss + neg) / jnp.maximum(num_pos, 1.0))
    col = lax.broadcasted_iota(jnp.int32, (_NW, _REG_C * _LANE), 1)
    wrow = jnp.where(col >= 8 * _LANE, 0.2, 1.0)
    loc = jnp.sum(rp_ref[...] * wrow) / (num_pos + 1e-4)
    out_ref[0, 0] = hm_loss + _WEIGHT * loc


_tc_combine = pl.pallas_call(
    _tc_combine_body,
    in_specs=[
        pl.BlockSpec(memory_space=pltpu.SMEM),
        pl.BlockSpec((_NW, _PER_W), lambda: (0, 0)),
        pl.BlockSpec((_NW, _PER_W), lambda: (0, 0)),
        pl.BlockSpec((_NW, _REG_C * _LANE), lambda: (0, 0)),
    ],
    out_specs=pl.BlockSpec(memory_space=pltpu.SMEM),
    out_shape=jax.ShapeDtypeStruct((1, 1), jnp.float32),
)


def kernel(pred_hm, gt_hm, pred_reg, gt_reg, ind, mask, cat):
    pad = _PM - _M
    ind_p = jnp.pad(ind.astype(jnp.int32), ((0, 0), (0, pad))).reshape(_NW, _PER_W)
    cat_p = jnp.pad(cat.astype(jnp.int32), ((0, 0), (0, pad))).reshape(_NW, _PER_W)
    mask_p = jnp.pad(mask.astype(jnp.int32), ((0, 0), (0, pad))).reshape(_NW, _PER_W)
    gt_t = jnp.pad(gt_reg, ((0, 0), (0, pad), (0, 0))).transpose(2, 0, 1)
    gt_t = gt_t.reshape(_REG_C, _B * _PM)

    def _tiled_flat(x, nc):
        x = x.reshape(_B, nc, _H // 8, 8, _W // 128, 128)
        return x.transpose(0, 1, 2, 4, 3, 5).reshape(-1)

    negp = _tc_neg(
        pred_hm.reshape(_B * _C * _H, _W),
        gt_hm.reshape(_B * _C * _H, _W),
    )

    reg_part, pos_log = _sc_gather(
        ind_p, cat_p, mask_p, gt_t,
        _tiled_flat(pred_reg, _REG_C),
        _tiled_flat(pred_hm, _C),
    )

    out = _tc_combine(negp, pos_log, mask_p, reg_part)
    return out[0, 0]

# --- scband reference (transcript-rebuilt; emitter-appended) ---
"""Pipeline reference for scband-center-point-loss-89069031784644 (READ-ONLY COPY).

The authoritative reference and input builder live on the scoring server;
editing this copy changes nothing except your own understanding.
"""

import jax, jax.numpy as jnp
import numpy as np

CODE_WEIGHTS = jnp.array([1.0, 1.0, 1.0, 1.0, 1.0, 1.0, 1.0, 1.0, 0.2, 0.2], dtype=jnp.float32)
WEIGHT = 0.25
EPS_SIG = 1e-4

B, C, H, W = 8, 2, 512, 512
REG_C = 10
M = 500


def clip_sigmoid(x):
    return jnp.clip(jax.nn.sigmoid(x), EPS_SIG, 1.0 - EPS_SIG)


def transpose_and_gather_feat(feat, ind):
    # feat: [B, C, H, W] -> [B, H*W, C], then gather rows by ind [B, M]
    b, c, h, w = feat.shape
    feat = jnp.transpose(feat, (0, 2, 3, 1)).reshape(b, h * w, c)
    return jnp.take_along_axis(feat, ind[..., None].astype(jnp.int32).repeat(c, axis=2), axis=1)


def fast_focal_loss(out, target, ind, mask, cat):
    maskf = mask.astype(jnp.float32)
    gt = jnp.power(1.0 - target, 4)
    neg_loss = (jnp.log(1.0 - out) * jnp.power(out, 2) * gt).sum()
    pos_pred_pix = transpose_and_gather_feat(out, ind)  # B x M x C
    pos_pred = jnp.take_along_axis(pos_pred_pix, cat[..., None].astype(jnp.int32), axis=2)  # B x M x 1
    num_pos = maskf.sum()
    pos_loss = jnp.log(pos_pred) * jnp.power(1.0 - pos_pred, 2) * maskf[..., None]
    pos_loss = pos_loss.sum()
    return jnp.where(num_pos == 0, -neg_loss, -(pos_loss + neg_loss) / jnp.maximum(num_pos, 1.0))


def reg_loss(output, mask, ind, target):
    pred = transpose_and_gather_feat(output, ind)  # B x M x C
    maskf = mask.astype(jnp.float32)[..., None]
    loss = jnp.abs(pred * maskf - target * maskf)
    loss = loss / (maskf.sum() + 1e-4)
    loss = jnp.transpose(loss, (2, 1, 0)).sum(axis=2).sum(axis=1)  # [C]
    return loss


def setup_inputs(seed: int = 0) -> dict:
    key = jax.random.key(seed)
    k1, k2, k3, k4, k5, k6, k7 = jax.random.split(key, 7)
    pred_hm = jax.random.normal(k1, (B, C, H, W), dtype=jnp.float32)
    gt_hm = jax.random.uniform(k2, (B, C, H, W), dtype=jnp.float32)
    pred_reg = jax.random.normal(k3, (B, REG_C, H, W), dtype=jnp.float32)
    gt_reg = jax.random.normal(k4, (B, M, REG_C), dtype=jnp.float32)
    ind = jax.random.randint(k5, (B, M), 0, H * W, dtype=jnp.int32).astype(jnp.int64)
    mask = jax.random.randint(k6, (B, M), 0, 2, dtype=jnp.int32).astype(jnp.int64)
    cat = jax.random.randint(k7, (B, M), 0, C, dtype=jnp.int32).astype(jnp.int64)
    return {"pred_hm": pred_hm, "gt_hm": gt_hm, "pred_reg": pred_reg, "gt_reg": gt_reg, "ind": ind, "mask": mask, "cat": cat}


def reference(pred_hm, gt_hm, pred_reg, gt_reg, ind, mask, cat):
    hm = clip_sigmoid(pred_hm)
    hm_loss = fast_focal_loss(hm, gt_hm, ind, mask, cat)
    box_loss = reg_loss(pred_reg, mask, ind, gt_reg)
    loc_loss = (box_loss * CODE_WEIGHTS).sum()
    return hm_loss + WEIGHT * loc_loss

if __name__ == "__main__":
    import jax
    _d = setup_inputs()
    print(jax.jit(kernel)(*tuple(_d.values())))

</pallas_src>

<mosaic_0001>
#map = affine_map<(d0, d1) -> (0, 0)>
#map1 = affine_map<(d0, d1) -> (0)>
module attributes {stable_mosaic.version = 14 : i64} {
  func.func @_sc_gather_body(%arg0: i32, %arg1: i32, %arg2: memref<32x128xi32, #tpu.memory_space<hbm>>, %arg3: memref<32x128xi32, #tpu.memory_space<hbm>>, %arg4: memref<32x128xi32, #tpu.memory_space<hbm>>, %arg5: memref<10x4096xf32, #tpu.memory_space<hbm>>, %arg6: memref<20971520xf32, #tpu.memory_space<hbm>>, %arg7: memref<4194304xf32, #tpu.memory_space<hbm>>, %arg8: memref<32x160xf32, #tpu.memory_space<hbm>>, %arg9: memref<32x128xf32, #tpu.memory_space<hbm>>, %arg10: memref<128xi32, #tpu.memory_space<vmem>>, %arg11: memref<128xi32, #tpu.memory_space<vmem>>, %arg12: memref<128xi32, #tpu.memory_space<vmem>>, %arg13: memref<10x128xf32, #tpu.memory_space<vmem>>, %arg14: memref<10x128xi32, #tpu.memory_space<vmem>>, %arg15: memref<128xi32, #tpu.memory_space<vmem>>, %arg16: memref<10x128xf32, #tpu.memory_space<vmem>>, %arg17: memref<128xf32, #tpu.memory_space<vmem>>, %arg18: memref<160xf32, #tpu.memory_space<vmem>>, %arg19: memref<!tpu.dma_semaphore, #tpu.memory_space<semaphore_mem>>) attributes {dimension_semantics = [#tpu.dimension_semantics<core_parallel>, #tpu.dimension_semantics<subcore_parallel>], iteration_bounds = array<i64: 2, 16>, scalar_prefetch = 0 : i64, scratch_operands = 10 : i64, tpu.core_type = #tpu.core_type<sc_vector_subcore>, window_params = [{transform_indices = #map}, {transform_indices = #map}, {transform_indices = #map}, {transform_indices = #map}, {transform_indices = #map1}, {transform_indices = #map1}, {transform_indices = #map}, {transform_indices = #map}]} {
    %mul3A = arith.constant 2 : i32
    %mul3A_0 = arith.muli %arg1, %mul3A : i32
    %add3A = arith.addi %mul3A_0, %arg0 : i32
    %jit3A = arith.constant 4 : i32
    %div3A = arith.divsi %add3A, %jit3A : i32
    %sign3A = arith.constant 0 : i32
    %sign3A_1 = arith.cmpi sgt, %add3A, %sign3A : i32
    %sign3A_2 = arith.extui %sign3A_1 : i1 to i32
    %sign3A_3 = arith.constant 0 : i32
    %sign3A_4 = arith.cmpi slt, %add3A, %sign3A_3 : i32
    %sign3A_5 = arith.extui %sign3A_4 : i1 to i32
    %sign3A_6 = arith.subi %sign3A_2, %sign3A_5 : i32
    %sign3A_7 = arith.constant 0 : i32
    %sign3A_8 = arith.cmpi sgt, %jit3A, %sign3A_7 : i32
    %sign3A_9 = arith.extui %sign3A_8 : i1 to i32
    %sign3A_10 = arith.constant 0 : i32
    %sign3A_11 = arith.cmpi slt, %jit3A, %sign3A_10 : i32
    %sign3A_12 = arith.extui %sign3A_11 : i1 to i32
    %sign3A_13 = arith.subi %sign3A_9, %sign3A_12 : i32
    %ne3A = arith.cmpi ne, %sign3A_6, %sign3A_13 : i32
    %rem3A = arith.remsi %add3A, %jit3A : i32
    %ne3A_14 = arith.constant 0 : i32
    %ne3A_15 = arith.cmpi ne, %rem3A, %ne3A_14 : i32
    %and3A = arith.andi %ne3A, %ne3A_15 : i1
    %sub3A = arith.constant 1 : i32
    %sub3A_16 = arith.subi %div3A, %sub3A : i32
    %select_n3A = arith.select %and3A, %sub3A_16, %div3A : i32
    "tpu.region"() ({
      %run_scoped3A = tpu.sem_alloc : memref<!tpu.dma_semaphore, #tpu.memory_space<semaphore_mem>>
      %dma_start3A_3127 = arith.constant 0 : i32
      %dma_start3A_3128 = tpu.memref_slice %arg2[%add3A, %dma_start3A_3127] : memref<32x128xi32, #tpu.memory_space<hbm>> -> memref<1x128xi32, #tpu.memory_space<hbm>>
      %dma_start3A_3129 = tpu.memref_squeeze %dma_start3A_3128 : memref<1x128xi32, #tpu.memory_space<hbm>> -> memref<128xi32, #tpu.memory_space<hbm>>
      %dma_start3A_3130 = arith.constant 0 : i32
      %dma_start3A_3131 = tpu.memref_slice %arg2[%add3A, %dma_start3A_3130] : memref<32x128xi32, #tpu.memory_space<hbm>> -> memref<1x128xi32, #tpu.memory_space<hbm>>
      %dma_start3A_3132 = tpu.memref_squeeze %dma_start3A_3131 : memref<1x128xi32, #tpu.memory_space<hbm>> -> memref<128xi32, #tpu.memory_space<hbm>>
      tpu.enqueue_dma source(%dma_start3A_3132 : memref<128xi32, #tpu.memory_space<hbm>>) target(%arg10 : memref<128xi32, #tpu.memory_space<vmem>>) target_semaphore(%run_scoped3A : memref<!tpu.dma_semaphore, #tpu.memory_space<semaphore_mem>>)
      %dma_wait3A_3133 = arith.constant 0 : i32
      %dma_wait3A_3134 = tpu.memref_slice %arg2[%add3A, %dma_wait3A_3133] : memref<32x128xi32, #tpu.memory_space<hbm>> -> memref<1x128xi32, #tpu.memory_space<hbm>>
      %dma_wait3A_3135 = tpu.memref_squeeze %dma_wait3A_3134 : memref<1x128xi32, #tpu.memory_space<hbm>> -> memref<128xi32, #tpu.memory_space<hbm>>
      %dma_wait3A_3136 = arith.constant 0 : i32
      %dma_wait3A_3137 = tpu.memref_slice %arg2[%add3A, %dma_wait3A_3136] : memref<32x128xi32, #tpu.memory_space<hbm>> -> memref<1x128xi32, #tpu.memory_space<hbm>>
      %dma_wait3A_3138 = tpu.memref_squeeze %dma_wait3A_3137 : memref<1x128xi32, #tpu.memory_space<hbm>> -> memref<128xi32, #tpu.memory_space<hbm>>
      tpu.wait_dma2 semaphore(%run_scoped3A : memref<!tpu.dma_semaphore, #tpu.memory_space<semaphore_mem>>) src(%dma_wait3A_3138 : memref<128xi32, #tpu.memory_space<hbm>>) dst(%arg10 : memref<128xi32, #tpu.memory_space<vmem>>)
      tpu.yield
    }) : () -> ()
    "tpu.region"() ({
      %run_scoped3A = tpu.sem_alloc : memref<!tpu.dma_semaphore, #tpu.memory_space<semaphore_mem>>
      %dma_start3A_3127 = arith.constant 0 : i32
      %dma_start3A_3128 = tpu.memref_slice %arg3[%add3A, %dma_start3A_3127] : memref<32x128xi32, #tpu.memory_space<hbm>> -> memref<1x128xi32, #tpu.memory_space<hbm>>
      %dma_start3A_3129 = tpu.memref_squeeze %dma_start3A_3128 : memref<1x128xi32, #tpu.memory_space<hbm>> -> memref<128xi32, #tpu.memory_space<hbm>>
      %dma_start3A_3130 = arith.constant 0 : i32
      %dma_start3A_3131 = tpu.memref_slice %arg3[%add3A, %dma_start3A_3130] : memref<32x128xi32, #tpu.memory_space<hbm>> -> memref<1x128xi32, #tpu.memory_space<hbm>>
      %dma_start3A_3132 = tpu.memref_squeeze %dma_start3A_3131 : memref<1x128xi32, #tpu.memory_space<hbm>> -> memref<128xi32, #tpu.memory_space<hbm>>
      tpu.enqueue_dma source(%dma_start3A_3132 : memref<128xi32, #tpu.memory_space<hbm>>) target(%arg11 : memref<128xi32, #tpu.memory_space<vmem>>) target_semaphore(%run_scoped3A : memref<!tpu.dma_semaphore, #tpu.memory_space<semaphore_mem>>)
      %dma_wait3A_3133 = arith.constant 0 : i32
      %dma_wait3A_3134 = tpu.memref_slice %arg3[%add3A, %dma_wait3A_3133] : memref<32x128xi32, #tpu.memory_space<hbm>> -> memref<1x128xi32, #tpu.memory_space<hbm>>
      %dma_wait3A_3135 = tpu.memref_squeeze %dma_wait3A_3134 : memref<1x128xi32, #tpu.memory_space<hbm>> -> memref<128xi32, #tpu.memory_space<hbm>>
      %dma_wait3A_3136 = arith.constant 0 : i32
      %dma_wait3A_3137 = tpu.memref_slice %arg3[%add3A, %dma_wait3A_3136] : memref<32x128xi32, #tpu.memory_space<hbm>> -> memref<1x128xi32, #tpu.memory_space<hbm>>
      %dma_wait3A_3138 = tpu.memref_squeeze %dma_wait3A_3137 : memref<1x128xi32, #tpu.memory_space<hbm>> -> memref<128xi32, #tpu.memory_space<hbm>>
      tpu.wait_dma2 semaphore(%run_scoped3A : memref<!tpu.dma_semaphore, #tpu.memory_space<semaphore_mem>>) src(%dma_wait3A_3138 : memref<128xi32, #tpu.memory_space<hbm>>) dst(%arg11 : memref<128xi32, #tpu.memory_space<vmem>>)
      tpu.yield
    }) : () -> ()
    "tpu.region"() ({
      %run_scoped3A = tpu.sem_alloc : memref<!tpu.dma_semaphore, #tpu.memory_space<semaphore_mem>>
      %dma_start3A_3127 = arith.constant 0 : i32
      %dma_start3A_3128 = tpu.memref_slice %arg4[%add3A, %dma_start3A_3127] : memref<32x128xi32, #tpu.memory_space<hbm>> -> memref<1x128xi32, #tpu.memory_space<hbm>>
      %dma_start3A_3129 = tpu.memref_squeeze %dma_start3A_3128 : memref<1x128xi32, #tpu.memory_space<hbm>> -> memref<128xi32, #tpu.memory_space<hbm>>
      %dma_start3A_3130 = arith.constant 0 : i32
      %dma_start3A_3131 = tpu.memref_slice %arg4[%add3A, %dma_start3A_3130] : memref<32x128xi32, #tpu.memory_space<hbm>> -> memref<1x128xi32, #tpu.memory_space<hbm>>
      %dma_start3A_3132 = tpu.memref_squeeze %dma_start3A_3131 : memref<1x128xi32, #tpu.memory_space<hbm>> -> memref<128xi32, #tpu.memory_space<hbm>>
      tpu.enqueue_dma source(%dma_start3A_3132 : memref<128xi32, #tpu.memory_space<hbm>>) target(%arg12 : memref<128xi32, #tpu.memory_space<vmem>>) target_semaphore(%run_scoped3A : memref<!tpu.dma_semaphore, #tpu.memory_space<semaphore_mem>>)
      %dma_wait3A_3133 = arith.constant 0 : i32
      %dma_wait3A_3134 = tpu.memref_slice %arg4[%add3A, %dma_wait3A_3133] : memref<32x128xi32, #tpu.memory_space<hbm>> -> memref<1x128xi32, #tpu.memory_space<hbm>>
      %dma_wait3A_3135 = tpu.memref_squeeze %dma_wait3A_3134 : memref<1x128xi32, #tpu.memory_space<hbm>> -> memref<128xi32, #tpu.memory_space<hbm>>
      %dma_wait3A_3136 = arith.constant 0 : i32
      %dma_wait3A_3137 = tpu.memref_slice %arg4[%add3A, %dma_wait3A_3136] : memref<32x128xi32, #tpu.memory_space<hbm>> -> memref<1x128xi32, #tpu.memory_space<hbm>>
      %dma_wait3A_3138 = tpu.memref_squeeze %dma_wait3A_3137 : memref<1x128xi32, #tpu.memory_space<hbm>> -> memref<128xi32, #tpu.memory_space<hbm>>
      tpu.wait_dma2 semaphore(%run_scoped3A : memref<!tpu.dma_semaphore, #tpu.memory_space<semaphore_mem>>) src(%dma_wait3A_3138 : memref<128xi32, #tpu.memory_space<hbm>>) dst(%arg12 : memref<128xi32, #tpu.memory_space<vmem>>)
      tpu.yield
    }) : () -> ()
    %mul3A_17 = arith.constant 128 : i32
    %mul3A_18 = arith.muli %add3A, %mul3A_17 : i32
    %multiple_of3A = tpu.assume_multiple %mul3A_18, 128 : i32
    %dma_start3A = arith.constant 0 : i32
    %dma_start3A_19 = arith.constant 0 : i32
    %dma_start3A_20 = arith.constant 0 : i32
    %dma_start3A_21 = tpu.memref_slice %arg13[%dma_start3A_19, %dma_start3A_20] : memref<10x128xf32, #tpu.memory_space<vmem>> -> memref<1x128xf32, #tpu.memory_space<vmem>>
    %dma_start3A_22 = tpu.memref_squeeze %dma_start3A_21 : memref<1x128xf32, #tpu.memory_space<vmem>> -> memref<128xf32, #tpu.memory_space<vmem>>
    %dma_start3A_23 = tpu.memref_slice %arg5[%dma_start3A, %multiple_of3A] : memref<10x4096xf32, #tpu.memory_space<hbm>> -> memref<1x128xf32, #tpu.memory_space<hbm>>
    %dma_start3A_24 = tpu.memref_squeeze %dma_start3A_23 : memref<1x128xf32, #tpu.memory_space<hbm>> -> memref<128xf32, #tpu.memory_space<hbm>>
    %dma_start3A_25 = arith.constant 0 : i32
    %dma_start3A_26 = tpu.memref_slice %arg13[%dma_start3A_19, %dma_start3A_25] : memref<10x128xf32, #tpu.memory_space<vmem>> -> memref<1x128xf32, #tpu.memory_space<vmem>>
    %dma_start3A_27 = tpu.memref_squeeze %dma_start3A_26 : memref<1x128xf32, #tpu.memory_space<vmem>> -> memref<128xf32, #tpu.memory_space<vmem>>
    %dma_start3A_28 = tpu.memref_slice %arg5[%dma_start3A, %multiple_of3A] : memref<10x4096xf32, #tpu.memory_space<hbm>> -> memref<1x128xf32, #tpu.memory_space<hbm>>
    %dma_start3A_29 = tpu.memref_squeeze %dma_start3A_28 : memref<1x128xf32, #tpu.memory_space<hbm>> -> memref<128xf32, #tpu.memory_space<hbm>>
    tpu.enqueue_dma source(%dma_start3A_29 : memref<128xf32, #tpu.memory_space<hbm>>) target(%dma_start3A_27 : memref<128xf32, #tpu.memory_space<vmem>>) target_semaphore(%arg19 : memref<!tpu.dma_semaphore, #tpu.memory_space<semaphore_mem>>)
    %dma_start3A_30 = arith.constant 1 : i32
    %dma_start3A_31 = arith.constant 1 : i32
    %dma_start3A_32 = arith.constant 0 : i32
    %dma_start3A_33 = tpu.memref_slice %arg13[%dma_start3A_31, %dma_start3A_32] : memref<10x128xf32, #tpu.memory_space<vmem>> -> memref<1x128xf32, #tpu.memory_space<vmem>>
    %dma_start3A_34 = tpu.memref_squeeze %dma_start3A_33 : memref<1x128xf32, #tpu.memory_space<vmem>> -> memref<128xf32, #tpu.memory_space<vmem>>
    %dma_start3A_35 = tpu.memref_slice %arg5[%dma_start3A_30, %multiple_of3A] : memref<10x4096xf32, #tpu.memory_space<hbm>> -> memref<1x128xf32, #tpu.memory_space<hbm>>
    %dma_start3A_36 = tpu.memref_squeeze %dma_start3A_35 : memref<1x128xf32, #tpu.memory_space<hbm>> -> memref<128xf32, #tpu.memory_space<hbm>>
    %dma_start3A_37 = arith.constant 0 : i32
    %dma_start3A_38 = tpu.memref_slice %arg13[%dma_start3A_31, %dma_start3A_37] : memref<10x128xf32, #tpu.memory_space<vmem>> -> memref<1x128xf32, #tpu.memory_space<vmem>>
    %dma_start3A_39 = tpu.memref_squeeze %dma_start3A_38 : memref<1x128xf32, #tpu.memory_space<vmem>> -> memref<128xf32, #tpu.memory_space<vmem>>
    %dma_start3A_40 = tpu.memref_slice %arg5[%dma_start3A_30, %multiple_of3A] : memref<10x4096xf32, #tpu.memory_space<hbm>> -> memref<1x128xf32, #tpu.memory_space<hbm>>
    %dma_start3A_41 = tpu.memref_squeeze %dma_start3A_40 : memref<1x128xf32, #tpu.memory_space<hbm>> -> memref<128xf32, #tpu.memory_space<hbm>>
    tpu.enqueue_dma source(%dma_start3A_41 : memref<128xf32, #tpu.memory_space<hbm>>) target(%dma_start3A_39 : memref<128xf32, #tpu.memory_space<vmem>>) target_semaphore(%arg19 : memref<!tpu.dma_semaphore, #tpu.memory_space<semaphore_mem>>)
    %dma_start3A_42 = arith.constant 2 : i32
    %dma_start3A_43 = arith.constant 2 : i32
    %dma_start3A_44 = arith.constant 0 : i32
    %dma_start3A_45 = tpu.memref_slice %arg13[%dma_start3A_43, %dma_start3A_44] : memref<10x128xf32, #tpu.memory_space<vmem>> -> memref<1x128xf32, #tpu.memory_space<vmem>>
    %dma_start3A_46 = tpu.memref_squeeze %dma_start3A_45 : memref<1x128xf32, #tpu.memory_space<vmem>> -> memref<128xf32, #tpu.memory_space<vmem>>
    %dma_start3A_47 = tpu.memref_slice %arg5[%dma_start3A_42, %multiple_of3A] : memref<10x4096xf32, #tpu.memory_space<hbm>> -> memref<1x128xf32, #tpu.memory_space<hbm>>
    %dma_start3A_48 = tpu.memref_squeeze %dma_start3A_47 : memref<1x128xf32, #tpu.memory_space<hbm>> -> memref<128xf32, #tpu.memory_space<hbm>>
    %dma_start3A_49 = arith.constant 0 : i32
    %dma_start3A_50 = tpu.memref_slice %arg13[%dma_start3A_43, %dma_start3A_49] : memref<10x128xf32, #tpu.memory_space<vmem>> -> memref<1x128xf32, #tpu.memory_space<vmem>>
    %dma_start3A_51 = tpu.memref_squeeze %dma_start3A_50 : memref<1x128xf32, #tpu.memory_space<vmem>> -> memref<128xf32, #tpu.memory_space<vmem>>
    %dma_start3A_52 = tpu.memref_slice %arg5[%dma_start3A_42, %multiple_of3A] : memref<10x4096xf32, #tpu.memory_space<hbm>> -> memref<1x128xf32, #tpu.memory_space<hbm>>
    %dma_start3A_53 = tpu.memref_squeeze %dma_start3A_52 : memref<1x128xf32, #tpu.memory_space<hbm>> -> memref<128xf32, #tpu.memory_space<hbm>>
    tpu.enqueue_dma source(%dma_start3A_53 : memref<128xf32, #tpu.memory_space<hbm>>) target(%dma_start3A_51 : memref<128xf32, #tpu.memory_space<vmem>>) target_semaphore(%arg19 : memref<!tpu.dma_semaphore, #tpu.memory_space<semaphore_mem>>)
    %dma_start3A_54 = arith.constant 3 : i32
    %dma_start3A_55 = arith.constant 3 : i32
    %dma_start3A_56 = arith.constant 0 : i32
    %dma_start3A_57 = tpu.memref_slice %arg13[%dma_start3A_55, %dma_start3A_56] : memref<10x128xf32, #tpu.memory_space<vmem>> -> memref<1x128xf32, #tpu.memory_space<vmem>>
    %dma_start3A_58 = tpu.memref_squeeze %dma_start3A_57 : memref<1x128xf32, #tpu.memory_space<vmem>> -> memref<128xf32, #tpu.memory_space<vmem>>
    %dma_start3A_59 = tpu.memref_slice %arg5[%dma_start3A_54, %multiple_of3A] : memref<10x4096xf32, #tpu.memory_space<hbm>> -> memref<1x128xf32, #tpu.memory_space<hbm>>
    %dma_start3A_60 = tpu.memref_squeeze %dma_start3A_59 : memref<1x128xf32, #tpu.memory_space<hbm>> -> memref<128xf32, #tpu.memory_space<hbm>>
    %dma_start3A_61 = arith.constant 0 : i32
    %dma_start3A_62 = tpu.memref_slice %arg13[%dma_start3A_55, %dma_start3A_61] : memref<10x128xf32, #tpu.memory_space<vmem>> -> memref<1x128xf32, #tpu.memory_space<vmem>>
    %dma_start3A_63 = tpu.memref_squeeze %dma_start3A_62 : memref<1x128xf32, #tpu.memory_space<vmem>> -> memref<128xf32, #tpu.memory_space<vmem>>
    %dma_start3A_64 = tpu.memref_slice %arg5[%dma_start3A_54, %multiple_of3A] : memref<10x4096xf32, #tpu.memory_space<hbm>> -> memref<1x128xf32, #tpu.memory_space<hbm>>
    %dma_start3A_65 = tpu.memref_squeeze %dma_start3A_64 : memref<1x128xf32, #tpu.memory_space<hbm>> -> memref<128xf32, #tpu.memory_space<hbm>>
    tpu.enqueue_dma source(%dma_start3A_65 : memref<128xf32, #tpu.memory_space<hbm>>) target(%dma_start3A_63 : memref<128xf32, #tpu.memory_space<vmem>>) target_semaphore(%arg19 : memref<!tpu.dma_semaphore, #tpu.memory_space<semaphore_mem>>)
    %dma_start3A_66 = arith.constant 4 : i32
    %dma_start3A_67 = arith.constant 4 : i32
    %dma_start3A_68 = arith.constant 0 : i32
    %dma_start3A_69 = tpu.memref_slice %arg13[%dma_start3A_67, %dma_start3A_68] : memref<10x128xf32, #tpu.memory_space<vmem>> -> memref<1x128xf32, #tpu.memory_space<vmem>>
    %dma_start3A_70 = tpu.memref_squeeze %dma_start3A_69 : memref<1x128xf32, #tpu.memory_space<vmem>> -> memref<128xf32, #tpu.memory_space<vmem>>
    %dma_start3A_71 = tpu.memref_slice %arg5[%dma_start3A_66, %multiple_of3A] : memref<10x4096xf32, #tpu.memory_space<hbm>> -> memref<1x128xf32, #tpu.memory_space<hbm>>
    %dma_start3A_72 = tpu.memref_squeeze %dma_start3A_71 : memref<1x128xf32, #tpu.memory_space<hbm>> -> memref<128xf32, #tpu.memory_space<hbm>>
    %dma_start3A_73 = arith.constant 0 : i32
    %dma_start3A_74 = tpu.memref_slice %arg13[%dma_start3A_67, %dma_start3A_73] : memref<10x128xf32, #tpu.memory_space<vmem>> -> memref<1x128xf32, #tpu.memory_space<vmem>>
    %dma_start3A_75 = tpu.memref_squeeze %dma_start3A_74 : memref<1x128xf32, #tpu.memory_space<vmem>> -> memref<128xf32, #tpu.memory_space<vmem>>
    %dma_start3A_76 = tpu.memref_slice %arg5[%dma_start3A_66, %multiple_of3A] : memref<10x4096xf32, #tpu.memory_space<hbm>> -> memref<1x128xf32, #tpu.memory_space<hbm>>
    %dma_start3A_77 = tpu.memref_squeeze %dma_start3A_76 : memref<1x128xf32, #tpu.memory_space<hbm>> -> memref<128xf32, #tpu.memory_space<hbm>>
    tpu.enqueue_dma source(%dma_start3A_77 : memref<128xf32, #tpu.memory_space<hbm>>) target(%dma_start3A_75 : memref<128xf32, #tpu.memory_space<vmem>>) target_semaphore(%arg19 : memref<!tpu.dma_semaphore, #tpu.memory_space<semaphore_mem>>)
    %dma_start3A_78 = arith.constant 5 : i32
    %dma_start3A_79 = arith.constant 5 : i32
    %dma_start3A_80 = arith.constant 0 : i32
    %dma_start3A_81 = tpu.memref_slice %arg13[%dma_start3A_79, %dma_start3A_80] : memref<10x128xf32, #tpu.memory_space<vmem>> -> memref<1x128xf32, #tpu.memory_space<vmem>>
    %dma_start3A_82 = tpu.memref_squeeze %dma_start3A_81 : memref<1x128xf32, #tpu.memory_space<vmem>> -> memref<128xf32, #tpu.memory_space<vmem>>
    %dma_start3A_83 = tpu.memref_slice %arg5[%dma_start3A_78, %multiple_of3A] : memref<10x4096xf32, #tpu.memory_space<hbm>> -> memref<1x128xf32, #tpu.memory_space<hbm>>
    %dma_start3A_84 = tpu.memref_squeeze %dma_start3A_83 : memref<1x128xf32, #tpu.memory_space<hbm>> -> memref<128xf32, #tpu.memory_space<hbm>>
    %dma_start3A_85 = arith.constant 0 : i32
    %dma_start3A_86 = tpu.memref_slice %arg13[%dma_start3A_79, %dma_start3A_85] : memref<10x128xf32, #tpu.memory_space<vmem>> -> memref<1x128xf32, #tpu.memory_space<vmem>>
    %dma_start3A_87 = tpu.memref_squeeze %dma_start3A_86 : memref<1x128xf32, #tpu.memory_space<vmem>> -> memref<128xf32, #tpu.memory_space<vmem>>
    %dma_start3A_88 = tpu.memref_slice %arg5[%dma_start3A_78, %multiple_of3A] : memref<10x4096xf32, #tpu.memory_space<hbm>> -> memref<1x128xf32, #tpu.memory_space<hbm>>
    %dma_start3A_89 = tpu.memref_squeeze %dma_start3A_88 : memref<1x128xf32, #tpu.memory_space<hbm>> -> memref<128xf32, #tpu.memory_space<hbm>>
    tpu.enqueue_dma source(%dma_start3A_89 : memref<128xf32, #tpu.memory_space<hbm>>) target(%dma_start3A_87 : memref<128xf32, #tpu.memory_space<vmem>>) target_semaphore(%arg19 : memref<!tpu.dma_semaphore, #tpu.memory_space<semaphore_mem>>)
    %dma_start3A_90 = arith.constant 6 : i32
    %dma_start3A_91 = arith.constant 6 : i32
    %dma_start3A_92 = arith.constant 0 : i32
    %dma_start3A_93 = tpu.memref_slice %arg13[%dma_start3A_91, %dma_start3A_92] : memref<10x128xf32, #tpu.memory_space<vmem>> -> memref<1x128xf32, #tpu.memory_space<vmem>>
    %dma_start3A_94 = tpu.memref_squeeze %dma_start3A_93 : memref<1x128xf32, #tpu.memory_space<vmem>> -> memref<128xf32, #tpu.memory_space<vmem>>
    %dma_start3A_95 = tpu.memref_slice %arg5[%dma_start3A_90, %multiple_of3A] : memref<10x4096xf32, #tpu.memory_space<hbm>> -> memref<1x128xf32, #tpu.memory_space<hbm>>
    %dma_start3A_96 = tpu.memref_squeeze %dma_start3A_95 : memref<1x128xf32, #tpu.memory_space<hbm>> -> memref<128xf32, #tpu.memory_space<hbm>>
    %dma_start3A_97 = arith.constant 0 : i32
    %dma_start3A_98 = tpu.memref_slice %arg13[%dma_start3A_91, %dma_start3A_97] : memref<10x128xf32, #tpu.memory_space<vmem>> -> memref<1x128xf32, #tpu.memory_space<vmem>>
    %dma_start3A_99 = tpu.memref_squeeze %dma_start3A_98 : memref<1x128xf32, #tpu.memory_space<vmem>> -> memref<128xf32, #tpu.memory_space<vmem>>
    %dma_start3A_100 = tpu.memref_slice %arg5[%dma_start3A_90, %multiple_of3A] : memref<10x4096xf32, #tpu.memory_space<hbm>> -> memref<1x128xf32, #tpu.memory_space<hbm>>
    %dma_start3A_101 = tpu.memref_squeeze %dma_start3A_100 : memref<1x128xf32, #tpu.memory_space<hbm>> -> memref<128xf32, #tpu.memory_space<hbm>>
    tpu.enqueue_dma source(%dma_start3A_101 : memref<128xf32, #tpu.memory_space<hbm>>) target(%dma_start3A_99 : memref<128xf32, #tpu.memory_space<vmem>>) target_semaphore(%arg19 : memref<!tpu.dma_semaphore, #tpu.memory_space<semaphore_mem>>)
    %dma_start3A_102 = arith.constant 7 : i32
    %dma_start3A_103 = arith.constant 7 : i32
    %dma_start3A_104 = arith.constant 0 : i32
    %dma_start3A_105 = tpu.memref_slice %arg13[%dma_start3A_103, %dma_start3A_104] : memref<10x128xf32, #tpu.memory_space<vmem>> -> memref<1x128xf32, #tpu.memory_space<vmem>>
    %dma_start3A_106 = tpu.memref_squeeze %dma_start3A_105 : memref<1x128xf32, #tpu.memory_space<vmem>> -> memref<128xf32, #tpu.memory_space<vmem>>
    %dma_start3A_107 = tpu.memref_slice %arg5[%dma_start3A_102, %multiple_of3A] : memref<10x4096xf32, #tpu.memory_space<hbm>> -> memref<1x128xf32, #tpu.memory_space<hbm>>
    %dma_start3A_108 = tpu.memref_squeeze %dma_start3A_107 : memref<1x128xf32, #tpu.memory_space<hbm>> -> memref<128xf32, #tpu.memory_space<hbm>>
    %dma_start3A_109 = arith.constant 0 : i32
    %dma_start3A_110 = tpu.memref_slice %arg13[%dma_start3A_103, %dma_start3A_109] : memref<10x128xf32, #tpu.memory_space<vmem>> -> memref<1x128xf32, #tpu.memory_space<vmem>>
    %dma_start3A_111 = tpu.memref_squeeze %dma_start3A_110 : memref<1x128xf32, #tpu.memory_space<vmem>> -> memref<128xf32, #tpu.memory_space<vmem>>
    %dma_start3A_112 = tpu.memref_slice %arg5[%dma_start3A_102, %multiple_of3A] : memref<10x4096xf32, #tpu.memory_space<hbm>> -> memref<1x128xf32, #tpu.memory_space<hbm>>
    %dma_start3A_113 = tpu.memref_squeeze %dma_start3A_112 : memref<1x128xf32, #tpu.memory_space<hbm>> -> memref<128xf32, #tpu.memory_space<hbm>>
    tpu.enqueue_dma source(%dma_start3A_113 : memref<128xf32, #tpu.memory_space<hbm>>) target(%dma_start3A_111 : memref<128xf32, #tpu.memory_space<vmem>>) target_semaphore(%arg19 : memref<!tpu.dma_semaphore, #tpu.memory_space<semaphore_mem>>)
    %dma_start3A_114 = arith.constant 8 : i32
    %dma_start3A_115 = arith.constant 8 : i32
    %dma_start3A_116 = arith.constant 0 : i32
    %dma_start3A_117 = tpu.memref_slice %arg13[%dma_start3A_115, %dma_start3A_116] : memref<10x128xf32, #tpu.memory_space<vmem>> -> memref<1x128xf32, #tpu.memory_space<vmem>>
    %dma_start3A_118 = tpu.memref_squeeze %dma_start3A_117 : memref<1x128xf32, #tpu.memory_space<vmem>> -> memref<128xf32, #tpu.memory_space<vmem>>
    %dma_start3A_119 = tpu.memref_slice %arg5[%dma_start3A_114, %multiple_of3A] : memref<10x4096xf32, #tpu.memory_space<hbm>> -> memref<1x128xf32, #tpu.memory_space<hbm>>
    %dma_start3A_120 = tpu.memref_squeeze %dma_start3A_119 : memref<1x128xf32, #tpu.memory_space<hbm>> -> memref<128xf32, #tpu.memory_space<hbm>>
    %dma_start3A_121 = arith.constant 0 : i32
    %dma_start3A_122 = tpu.memref_slice %arg13[%dma_start3A_115, %dma_start3A_121] : memref<10x128xf32, #tpu.memory_space<vmem>> -> memref<1x128xf32, #tpu.memory_space<vmem>>
    %dma_start3A_123 = tpu.memref_squeeze %dma_start3A_122 : memref<1x128xf32, #tpu.memory_space<vmem>> -> memref<128xf32, #tpu.memory_space<vmem>>
    %dma_start3A_124 = tpu.memref_slice %arg5[%dma_start3A_114, %multiple_of3A] : memref<10x4096xf32, #tpu.memory_space<hbm>> -> memref<1x128xf32, #tpu.memory_space<hbm>>
    %dma_start3A_125 = tpu.memref_squeeze %dma_start3A_124 : memref<1x128xf32, #tpu.memory_space<hbm>> -> memref<128xf32, #tpu.memory_space<hbm>>
    tpu.enqueue_dma source(%dma_start3A_125 : memref<128xf32, #tpu.memory_space<hbm>>) target(%dma_start3A_123 : memref<128xf32, #tpu.memory_space<vmem>>) target_semaphore(%arg19 : memref<!tpu.dma_semaphore, #tpu.memory_space<semaphore_mem>>)
    %dma_start3A_126 = arith.constant 9 : i32
    %dma_start3A_127 = arith.constant 9 : i32
    %dma_start3A_128 = arith.constant 0 : i32
    %dma_start3A_129 = tpu.memref_slice %arg13[%dma_start3A_127, %dma_start3A_128] : memref<10x128xf32, #tpu.memory_space<vmem>> -> memref<1x128xf32, #tpu.memory_space<vmem>>
    %dma_start3A_130 = tpu.memref_squeeze %dma_start3A_129 : memref<1x128xf32, #tpu.memory_space<vmem>> -> memref<128xf32, #tpu.memory_space<vmem>>
    %dma_start3A_131 = tpu.memref_slice %arg5[%dma_start3A_126, %multiple_of3A] : memref<10x4096xf32, #tpu.memory_space<hbm>> -> memref<1x128xf32, #tpu.memory_space<hbm>>
    %dma_start3A_132 = tpu.memref_squeeze %dma_start3A_131 : memref<1x128xf32, #tpu.memory_space<hbm>> -> memref<128xf32, #tpu.memory_space<hbm>>
    %dma_start3A_133 = arith.constant 0 : i32
    %dma_start3A_134 = tpu.memref_slice %arg13[%dma_start3A_127, %dma_start3A_133] : memref<10x128xf32, #tpu.memory_space<vmem>> -> memref<1x128xf32, #tpu.memory_space<vmem>>
    %dma_start3A_135 = tpu.memref_squeeze %dma_start3A_134 : memref<1x128xf32, #tpu.memory_space<vmem>> -> memref<128xf32, #tpu.memory_space<vmem>>
    %dma_start3A_136 = tpu.memref_slice %arg5[%dma_start3A_126, %multiple_of3A] : memref<10x4096xf32, #tpu.memory_space<hbm>> -> memref<1x128xf32, #tpu.memory_space<hbm>>
    %dma_start3A_137 = tpu.memref_squeeze %dma_start3A_136 : memref<1x128xf32, #tpu.memory_space<hbm>> -> memref<128xf32, #tpu.memory_space<hbm>>
    tpu.enqueue_dma source(%dma_start3A_137 : memref<128xf32, #tpu.memory_space<hbm>>) target(%dma_start3A_135 : memref<128xf32, #tpu.memory_space<vmem>>) target_semaphore(%arg19 : memref<!tpu.dma_semaphore, #tpu.memory_space<semaphore_mem>>)
    %mul3A_138 = arith.constant 2621440 : i32
    %mul3A_139 = arith.muli %select_n3A, %mul3A_138 : i32
    %mul3A_140 = arith.constant 524288 : i32
    %mul3A_141 = arith.muli %select_n3A, %mul3A_140 : i32
    %get3A = arith.constant 0 : index
    %get3A_142 = tpu.vector_load %arg10[%get3A] {strides = array<i32>} : memref<128xi32, #tpu.memory_space<vmem>>, vector<16xi32>,
    %get3A_143 = vector.shape_cast %get3A_142 : vector<16xi32> to vector<16xi32>
    %shift_right_logical3A = arith.constant 12 : i32
    %shift_right_logical3A_144 = vector.broadcast %shift_right_logical3A : i32 to vector<16xi32>
    %shift_right_logical3A_145 = arith.shrui %get3A_143, %shift_right_logical3A_144 : vector<16xi32>
    %mul3A_146 = arith.constant 4096 : i32
    %mul3A_147 = vector.broadcast %mul3A_146 : i32 to vector<16xi32>
    %mul3A_148 = arith.muli %shift_right_logical3A_145, %mul3A_147 : vector<16xi32>
    %shift_right_logical3A_149 = arith.constant 7 : i32
    %shift_right_logical3A_150 = vector.broadcast %shift_right_logical3A_149 : i32 to vector<16xi32>
    %shift_right_logical3A_151 = arith.shrui %get3A_143, %shift_right_logical3A_150 : vector<16xi32>
    %and3A_152 = arith.constant 3 : i32
    %and3A_153 = vector.broadcast %and3A_152 : i32 to vector<16xi32>
    %and3A_154 = arith.andi %shift_right_logical3A_151, %and3A_153 : vector<16xi32>
    %mul3A_155 = arith.constant 1024 : i32
    %mul3A_156 = vector.broadcast %mul3A_155 : i32 to vector<16xi32>
    %mul3A_157 = arith.muli %and3A_154, %mul3A_156 : vector<16xi32>
    %add3A_158 = arith.addi %mul3A_148, %mul3A_157 : vector<16xi32>
    %shift_right_logical3A_159 = arith.constant 9 : i32
    %shift_right_logical3A_160 = vector.broadcast %shift_right_logical3A_159 : i32 to vector<16xi32>
    %shift_right_logical3A_161 = arith.shrui %get3A_143, %shift_right_logical3A_160 : vector<16xi32>
    %and3A_162 = arith.constant 7 : i32
    %and3A_163 = vector.broadcast %and3A_162 : i32 to vector<16xi32>
    %and3A_164 = arith.andi %shift_right_logical3A_161, %and3A_163 : vector<16xi32>
    %mul3A_165 = arith.constant 128 : i32
    %mul3A_166 = vector.broadcast %mul3A_165 : i32 to vector<16xi32>
    %mul3A_167 = arith.muli %and3A_164, %mul3A_166 : vector<16xi32>
    %add3A_168 = arith.addi %add3A_158, %mul3A_167 : vector<16xi32>
    %and3A_169 = arith.constant 127 : i32
    %and3A_170 = vector.broadcast %and3A_169 : i32 to vector<16xi32>
    %and3A_171 = arith.andi %get3A_143, %and3A_170 : vector<16xi32>
    %add3A_172 = arith.addi %add3A_168, %and3A_171 : vector<16xi32>
    %add3A_173 = arith.constant 0 : i32
    %add3A_174 = arith.addi %mul3A_139, %add3A_173 : i32
    %add3A_175 = vector.broadcast %add3A_174 : i32 to vector<16xi32>
    %add3A_176 = arith.addi %add3A_172, %add3A_175 : vector<16xi32>
    %swap3A = arith.constant 0 : i32
    %swap3A_177 = arith.index_cast %swap3A : i32 to index
    %swap3A_178 = arith.constant 0 : index
    %swap3A_179 = tpu.vector_load %arg14[%swap3A_177, %swap3A_178] {strides = array<i32>} : memref<10x128xi32, #tpu.memory_space<vmem>>, vector<1x16xi32>,
    %swap3A_180 = vector.shape_cast %swap3A_179 : vector<1x16xi32> to vector<16xi32>
    %swap3A_181 = vector.shape_cast %add3A_176 : vector<16xi32> to vector<1x16xi32>
    tpu.vector_store %arg14[%swap3A_177, %swap3A_178], %swap3A_181 {strides = array<i32>} : memref<10x128xi32, #tpu.memory_space<vmem>>, vector<1x16xi32>,
    %add3A_182 = arith.constant 262144 : i32
    %add3A_183 = arith.addi %mul3A_139, %add3A_182 : i32
    %add3A_184 = vector.broadcast %add3A_183 : i32 to vector<16xi32>
    %add3A_185 = arith.addi %add3A_172, %add3A_184 : vector<16xi32>
    %swap3A_186 = arith.constant 1 : i32
    %swap3A_187 = arith.index_cast %swap3A_186 : i32 to index
    %swap3A_188 = arith.constant 0 : index
    %swap3A_189 = tpu.vector_load %arg14[%swap3A_187, %swap3A_188] {strides = array<i32>} : memref<10x128xi32, #tpu.memory_space<vmem>>, vector<1x16xi32>,
    %swap3A_190 = vector.shape_cast %swap3A_189 : vector<1x16xi32> to vector<16xi32>
    %swap3A_191 = vector.shape_cast %add3A_185 : vector<16xi32> to vector<1x16xi32>
    tpu.vector_store %arg14[%swap3A_187, %swap3A_188], %swap3A_191 {strides = array<i32>} : memref<10x128xi32, #tpu.memory_space<vmem>>, vector<1x16xi32>,
    %add3A_192 = arith.constant 524288 : i32
    %add3A_193 = arith.addi %mul3A_139, %add3A_192 : i32
    %add3A_194 = vector.broadcast %add3A_193 : i32 to vector<16xi32>
    %add3A_195 = arith.addi %add3A_172, %add3A_194 : vector<16xi32>
    %swap3A_196 = arith.constant 2 : i32
    %swap3A_197 = arith.index_cast %swap3A_196 : i32 to index
    %swap3A_198 = arith.constant 0 : index
    %swap3A_199 = tpu.vector_load %arg14[%swap3A_197, %swap3A_198] {strides = array<i32>} : memref<10x128xi32, #tpu.memory_space<vmem>>, vector<1x16xi32>,
    %swap3A_200 = vector.shape_cast %swap3A_199 : vector<1x16xi32> to vector<16xi32>
    %swap3A_201 = vector.shape_cast %add3A_195 : vector<16xi32> to vector<1x16xi32>
    tpu.vector_store %arg14[%swap3A_197, %swap3A_198], %swap3A_201 {strides = array<i32>} : memref<10x128xi32, #tpu.memory_space<vmem>>, vector<1x16xi32>,
    %add3A_202 = arith.constant 786432 : i32
    %add3A_203 = arith.addi %mul3A_139, %add3A_202 : i32
    %add3A_204 = vector.broadcast %add3A_203 : i32 to vector<16xi32>
    %add3A_205 = arith.addi %add3A_172, %add3A_204 : vector<16xi32>
    %swap3A_206 = arith.constant 3 : i32
    %swap3A_207 = arith.index_cast %swap3A_206 : i32 to index
    %swap3A_208 = arith.constant 0 : index
    %swap3A_209 = tpu.vector_load %arg14[%swap3A_207, %swap3A_208] {strides = array<i32>} : memref<10x128xi32, #tpu.memory_space<vmem>>, vector<1x16xi32>,
    %swap3A_210 = vector.shape_cast %swap3A_209 : vector<1x16xi32> to vector<16xi32>
    %swap3A_211 = vector.shape_cast %add3A_205 : vector<16xi32> to vector<1x16xi32>
    tpu.vector_store %arg14[%swap3A_207, %swap3A_208], %swap3A_211 {strides = array<i32>} : memref<10x128xi32, #tpu.memory_space<vmem>>, vector<1x16xi32>,
    %add3A_212 = arith.constant 1048576 : i32
    %add3A_213 = arith.addi %mul3A_139, %add3A_212 : i32
    %add3A_214 = vector.broadcast %add3A_213 : i32 to vector<16xi32>
    %add3A_215 = arith.addi %add3A_172, %add3A_214 : vector<16xi32>
    %swap3A_216 = arith.constant 4 : i32
    %swap3A_217 = arith.index_cast %swap3A_216 : i32 to index
    %swap3A_218 = arith.constant 0 : index
    %swap3A_219 = tpu.vector_load %arg14[%swap3A_217, %swap3A_218] {strides = array<i32>} : memref<10x128xi32, #tpu.memory_space<vmem>>, vector<1x16xi32>,
    %swap3A_220 = vector.shape_cast %swap3A_219 : vector<1x16xi32> to vector<16xi32>
    %swap3A_221 = vector.shape_cast %add3A_215 : vector<16xi32> to vector<1x16xi32>
    tpu.vector_store %arg14[%swap3A_217, %swap3A_218], %swap3A_221 {strides = array<i32>} : memref<10x128xi32, #tpu.memory_space<vmem>>, vector<1x16xi32>,
    %add3A_222 = arith.constant 1310720 : i32
    %add3A_223 = arith.addi %mul3A_139, %add3A_222 : i32
    %add3A_224 = vector.broadcast %add3A_223 : i32 to vector<16xi32>
    %add3A_225 = arith.addi %add3A_172, %add3A_224 : vector<16xi32>
    %swap3A_226 = arith.constant 5 : i32
    %swap3A_227 = arith.index_cast %swap3A_226 : i32 to index
    %swap3A_228 = arith.constant 0 : index
    %swap3A_229 = tpu.vector_load %arg14[%swap3A_227, %swap3A_228] {strides = array<i32>} : memref<10x128xi32, #tpu.memory_space<vmem>>, vector<1x16xi32>,
    %swap3A_230 = vector.shape_cast %swap3A_229 : vector<1x16xi32> to vector<16xi32>
    %swap3A_231 = vector.shape_cast %add3A_225 : vector<16xi32> to vector<1x16xi32>
    tpu.vector_store %arg14[%swap3A_227, %swap3A_228], %swap3A_231 {strides = array<i32>} : memref<10x128xi32, #tpu.memory_space<vmem>>, vector<1x16xi32>,
    %add3A_232 = arith.constant 1572864 : i32
    %add3A_233 = arith.addi %mul3A_139, %add3A_232 : i32
    %add3A_234 = vector.broadcast %add3A_233 : i32 to vector<16xi32>
    %add3A_235 = arith.addi %add3A_172, %add3A_234 : vector<16xi32>
    %swap3A_236 = arith.constant 6 : i32
    %swap3A_237 = arith.index_cast %swap3A_236 : i32 to index
    %swap3A_238 = arith.constant 0 : index
    %swap3A_239 = tpu.vector_load %arg14[%swap3A_237, %swap3A_238] {strides = array<i32>} : memref<10x128xi32, #tpu.memory_space<vmem>>, vector<1x16xi32>,
    %swap3A_240 = vector.shape_cast %swap3A_239 : vector<1x16xi32> to vector<16xi32>
    %swap3A_241 = vector.shape_cast %add3A_235 : vector<16xi32> to vector<1x16xi32>
    tpu.vector_store %arg14[%swap3A_237, %swap3A_238], %swap3A_241 {strides = array<i32>} : memref<10x128xi32, #tpu.memory_space<vmem>>, vector<1x16xi32>,
    %add3A_242 = arith.constant 1835008 : i32
    %add3A_243 = arith.addi %mul3A_139, %add3A_242 : i32
    %add3A_244 = vector.broadcast %add3A_243 : i32 to vector<16xi32>
    %add3A_245 = arith.addi %add3A_172, %add3A_244 : vector<16xi32>
    %swap3A_246 = arith.constant 7 : i32
    %swap3A_247 = arith.index_cast %swap3A_246 : i32 to index
    %swap3A_248 = arith.constant 0 : index
    %swap3A_249 = tpu.vector_load %arg14[%swap3A_247, %swap3A_248] {strides = array<i32>} : memref<10x128xi32, #tpu.memory_space<vmem>>, vector<1x16xi32>,
    %swap3A_250 = vector.shape_cast %swap3A_249 : vector<1x16xi32> to vector<16xi32>
    %swap3A_251 = vector.shape_cast %add3A_245 : vector<16xi32> to vector<1x16xi32>
    tpu.vector_store %arg14[%swap3A_247, %swap3A_248], %swap3A_251 {strides = array<i32>} : memref<10x128xi32, #tpu.memory_space<vmem>>, vector<1x16xi32>,
    %add3A_252 = arith.constant 2097152 : i32
    %add3A_253 = arith.addi %mul3A_139, %add3A_252 : i32
    %add3A_254 = vector.broadcast %add3A_253 : i32 to vector<16xi32>
    %add3A_255 = arith.addi %add3A_172, %add3A_254 : vector<16xi32>
    %swap3A_256 = arith.constant 8 : i32
    %swap3A_257 = arith.index_cast %swap3A_256 : i32 to index
    %swap3A_258 = arith.constant 0 : index
    %swap3A_259 = tpu.vector_load %arg14[%swap3A_257, %swap3A_258] {strides = array<i32>} : memref<10x128xi32, #tpu.memory_space<vmem>>, vector<1x16xi32>,
    %swap3A_260 = vector.shape_cast %swap3A_259 : vector<1x16xi32> to vector<16xi32>
    %swap3A_261 = vector.shape_cast %add3A_255 : vector<16xi32> to vector<1x16xi32>
    tpu.vector_store %arg14[%swap3A_257, %swap3A_258], %swap3A_261 {strides = array<i32>} : memref<10x128xi32, #tpu.memory_space<vmem>>, vector<1x16xi32>,
    %add3A_262 = arith.constant 2359296 : i32
    %add3A_263 = arith.addi %mul3A_139, %add3A_262 : i32
    %add3A_264 = vector.broadcast %add3A_263 : i32 to vector<16xi32>
    %add3A_265 = arith.addi %add3A_172, %add3A_264 : vector<16xi32>
    %swap3A_266 = arith.constant 9 : i32
    %swap3A_267 = arith.index_cast %swap3A_266 : i32 to index
    %swap3A_268 = arith.constant 0 : index
    %swap3A_269 = tpu.vector_load %arg14[%swap3A_267, %swap3A_268] {strides = array<i32>} : memref<10x128xi32, #tpu.memory_space<vmem>>, vector<1x16xi32>,
    %swap3A_270 = vector.shape_cast %swap3A_269 : vector<1x16xi32> to vector<16xi32>
    %swap3A_271 = vector.shape_cast %add3A_265 : vector<16xi32> to vector<1x16xi32>
    tpu.vector_store %arg14[%swap3A_267, %swap3A_268], %swap3A_271 {strides = array<i32>} : memref<10x128xi32, #tpu.memory_space<vmem>>, vector<1x16xi32>,
    %get3A_272 = arith.constant 0 : index
    %get3A_273 = tpu.vector_load %arg11[%get3A_272] {strides = array<i32>} : memref<128xi32, #tpu.memory_space<vmem>>, vector<16xi32>,
    %get3A_274 = vector.shape_cast %get3A_273 : vector<16xi32> to vector<16xi32>
    %mul3A_275 = arith.constant 262144 : i32
    %mul3A_276 = vector.broadcast %mul3A_275 : i32 to vector<16xi32>
    %mul3A_277 = arith.muli %get3A_274, %mul3A_276 : vector<16xi32>
    %add3A_278 = vector.broadcast %mul3A_141 : i32 to vector<16xi32>
    %add3A_279 = arith.addi %add3A_278, %mul3A_277 : vector<16xi32>
    %add3A_280 = arith.addi %add3A_172, %add3A_279 : vector<16xi32>
    %swap3A_281 = arith.constant 0 : index
    %swap3A_282 = tpu.vector_load %arg15[%swap3A_281] {strides = array<i32>} : memref<128xi32, #tpu.memory_space<vmem>>, vector<16xi32>,
    %swap3A_283 = vector.shape_cast %swap3A_282 : vector<16xi32> to vector<16xi32>
    %swap3A_284 = vector.shape_cast %add3A_280 : vector<16xi32> to vector<16xi32>
    tpu.vector_store %arg15[%swap3A_281], %swap3A_284 {strides = array<i32>} : memref<128xi32, #tpu.memory_space<vmem>>, vector<16xi32>,
    %get3A_285 = arith.constant 16 : index
    %get3A_286 = tpu.vector_load %arg10[%get3A_285] {strides = array<i32>} : memref<128xi32, #tpu.memory_space<vmem>>, vector<16xi32>,
    %get3A_287 = vector.shape_cast %get3A_286 : vector<16xi32> to vector<16xi32>
    %shift_right_logical3A_288 = arith.constant 12 : i32
    %shift_right_logical3A_289 = vector.broadcast %shift_right_logical3A_288 : i32 to vector<16xi32>
    %shift_right_logical3A_290 = arith.shrui %get3A_287, %shift_right_logical3A_289 : vector<16xi32>
    %mul3A_291 = arith.constant 4096 : i32
    %mul3A_292 = vector.broadcast %mul3A_291 : i32 to vector<16xi32>
    %mul3A_293 = arith.muli %shift_right_logical3A_290, %mul3A_292 : vector<16xi32>
    %shift_right_logical3A_294 = arith.constant 7 : i32
    %shift_right_logical3A_295 = vector.broadcast %shift_right_logical3A_294 : i32 to vector<16xi32>
    %shift_right_logical3A_296 = arith.shrui %get3A_287, %shift_right_logical3A_295 : vector<16xi32>
    %and3A_297 = arith.constant 3 : i32
    %and3A_298 = vector.broadcast %and3A_297 : i32 to vector<16xi32>
    %and3A_299 = arith.andi %shift_right_logical3A_296, %and3A_298 : vector<16xi32>
    %mul3A_300 = arith.constant 1024 : i32
    %mul3A_301 = vector.broadcast %mul3A_300 : i32 to vector<16xi32>
    %mul3A_302 = arith.muli %and3A_299, %mul3A_301 : vector<16xi32>
    %add3A_303 = arith.addi %mul3A_293, %mul3A_302 : vector<16xi32>
    %shift_right_logical3A_304 = arith.constant 9 : i32
    %shift_right_logical3A_305 = vector.broadcast %shift_right_logical3A_304 : i32 to vector<16xi32>
    %shift_right_logical3A_306 = arith.shrui %get3A_287, %shift_right_logical3A_305 : vector<16xi32>
    %and3A_307 = arith.constant 7 : i32
    %and3A_308 = vector.broadcast %and3A_307 : i32 to vector<16xi32>
    %and3A_309 = arith.andi %shift_right_logical3A_306, %and3A_308 : vector<16xi32>
    %mul3A_310 = arith.constant 128 : i32
    %mul3A_311 = vector.broadcast %mul3A_310 : i32 to vector<16xi32>
    %mul3A_312 = arith.muli %and3A_309, %mul3A_311 : vector<16xi32>
    %add3A_313 = arith.addi %add3A_303, %mul3A_312 : vector<16xi32>
    %and3A_314 = arith.constant 127 : i32
    %and3A_315 = vector.broadcast %and3A_314 : i32 to vector<16xi32>
    %and3A_316 = arith.andi %get3A_287, %and3A_315 : vector<16xi32>
    %add3A_317 = arith.addi %add3A_313, %and3A_316 : vector<16xi32>
    %add3A_318 = arith.constant 0 : i32
    %add3A_319 = arith.addi %mul3A_139, %add3A_318 : i32
    %add3A_320 = vector.broadcast %add3A_319 : i32 to vector<16xi32>
    %add3A_321 = arith.addi %add3A_317, %add3A_320 : vector<16xi32>
    %swap3A_322 = arith.constant 0 : i32
    %swap3A_323 = arith.index_cast %swap3A_322 : i32 to index
    %swap3A_324 = arith.constant 16 : index
    %swap3A_325 = tpu.vector_load %arg14[%swap3A_323, %swap3A_324] {strides = array<i32>} : memref<10x128xi32, #tpu.memory_space<vmem>>, vector<1x16xi32>,
    %swap3A_326 = vector.shape_cast %swap3A_325 : vector<1x16xi32> to vector<16xi32>
    %swap3A_327 = vector.shape_cast %add3A_321 : vector<16xi32> to vector<1x16xi32>
    tpu.vector_store %arg14[%swap3A_323, %swap3A_324], %swap3A_327 {strides = array<i32>} : memref<10x128xi32, #tpu.memory_space<vmem>>, vector<1x16xi32>,
    %add3A_328 = arith.constant 262144 : i32
    %add3A_329 = arith.addi %mul3A_139, %add3A_328 : i32
    %add3A_330 = vector.broadcast %add3A_329 : i32 to vector<16xi32>
    %add3A_331 = arith.addi %add3A_317, %add3A_330 : vector<16xi32>
    %swap3A_332 = arith.constant 1 : i32
    %swap3A_333 = arith.index_cast %swap3A_332 : i32 to index
    %swap3A_334 = arith.constant 16 : index
    %swap3A_335 = tpu.vector_load %arg14[%swap3A_333, %swap3A_334] {strides = array<i32>} : memref<10x128xi32, #tpu.memory_space<vmem>>, vector<1x16xi32>,
    %swap3A_336 = vector.shape_cast %swap3A_335 : vector<1x16xi32> to vector<16xi32>
    %swap3A_337 = vector.shape_cast %add3A_331 : vector<16xi32> to vector<1x16xi32>
    tpu.vector_store %arg14[%swap3A_333, %swap3A_334], %swap3A_337 {strides = array<i32>} : memref<10x128xi32, #tpu.memory_space<vmem>>, vector<1x16xi32>,
    %add3A_338 = arith.constant 524288 : i32
    %add3A_339 = arith.addi %mul3A_139, %add3A_338 : i32
    %add3A_340 = vector.broadcast %add3A_339 : i32 to vector<16xi32>
    %add3A_341 = arith.addi %add3A_317, %add3A_340 : vector<16xi32>
    %swap3A_342 = arith.constant 2 : i32
    %swap3A_343 = arith.index_cast %swap3A_342 : i32 to index
    %swap3A_344 = arith.constant 16 : index
    %swap3A_345 = tpu.vector_load %arg14[%swap3A_343, %swap3A_344] {strides = array<i32>} : memref<10x128xi32, #tpu.memory_space<vmem>>, vector<1x16xi32>,
    %swap3A_346 = vector.shape_cast %swap3A_345 : vector<1x16xi32> to vector<16xi32>
    %swap3A_347 = vector.shape_cast %add3A_341 : vector<16xi32> to vector<1x16xi32>
    tpu.vector_store %arg14[%swap3A_343, %swap3A_344], %swap3A_347 {strides = array<i32>} : memref<10x128xi32, #tpu.memory_space<vmem>>, vector<1x16xi32>,
    %add3A_348 = arith.constant 786432 : i32
    %add3A_349 = arith.addi %mul3A_139, %add3A_348 : i32
    %add3A_350 = vector.broadcast %add3A_349 : i32 to vector<16xi32>
    %add3A_351 = arith.addi %add3A_317, %add3A_350 : vector<16xi32>
    %swap3A_352 = arith.constant 3 : i32
    %swap3A_353 = arith.index_cast %swap3A_352 : i32 to index
    %swap3A_354 = arith.constant 16 : index
    %swap3A_355 = tpu.vector_load %arg14[%swap3A_353, %swap3A_354] {strides = array<i32>} : memref<10x128xi32, #tpu.memory_space<vmem>>, vector<1x16xi32>,
    %swap3A_356 = vector.shape_cast %swap3A_355 : vector<1x16xi32> to vector<16xi32>
    %swap3A_357 = vector.shape_cast %add3A_351 : vector<16xi32> to vector<1x16xi32>
    tpu.vector_store %arg14[%swap3A_353, %swap3A_354], %swap3A_357 {strides = array<i32>} : memref<10x128xi32, #tpu.memory_space<vmem>>, vector<1x16xi32>,
    %add3A_358 = arith.constant 1048576 : i32
    %add3A_359 = arith.addi %mul3A_139, %add3A_358 : i32
    %add3A_360 = vector.broadcast %add3A_359 : i32 to vector<16xi32>
    %add3A_361 = arith.addi %add3A_317, %add3A_360 : vector<16xi32>
    %swap3A_362 = arith.constant 4 : i32
    %swap3A_363 = arith.index_cast %swap3A_362 : i32 to index
    %swap3A_364 = arith.constant 16 : index
    %swap3A_365 = tpu.vector_load %arg14[%swap3A_363, %swap3A_364] {strides = array<i32>} : memref<10x128xi32, #tpu.memory_space<vmem>>, vector<1x16xi32>,
    %swap3A_366 = vector.shape_cast %swap3A_365 : vector<1x16xi32> to vector<16xi32>
    %swap3A_367 = vector.shape_cast %add3A_361 : vector<16xi32> to vector<1x16xi32>
    tpu.vector_store %arg14[%swap3A_363, %swap3A_364], %swap3A_367 {strides = array<i32>} : memref<10x128xi32, #tpu.memory_space<vmem>>, vector<1x16xi32>,
    %add3A_368 = arith.constant 1310720 : i32
    %add3A_369 = arith.addi %mul3A_139, %add3A_368 : i32
    %add3A_370 = vector.broadcast %add3A_369 : i32 to vector<16xi32>
    %add3A_371 = arith.addi %add3A_317, %add3A_370 : vector<16xi32>
    %swap3A_372 = arith.constant 5 : i32
    %swap3A_373 = arith.index_cast %swap3A_372 : i32 to index
    %swap3A_374 = arith.constant 16 : index
    %swap3A_375 = tpu.vector_load %arg14[%swap3A_373, %swap3A_374] {strides = array<i32>} : memref<10x128xi32, #tpu.memory_space<vmem>>, vector<1x16xi32>,
    %swap3A_376 = vector.shape_cast %swap3A_375 : vector<1x16xi32> to vector<16xi32>
    %swap3A_377 = vector.shape_cast %add3A_371 : vector<16xi32> to vector<1x16xi32>
    tpu.vector_store %arg14[%swap3A_373, %swap3A_374], %swap3A_377 {strides = array<i32>} : memref<10x128xi32, #tpu.memory_space<vmem>>, vector<1x16xi32>,
    %add3A_378 = arith.constant 1572864 : i32
    %add3A_379 = arith.addi %mul3A_139, %add3A_378 : i32
    %add3A_380 = vector.broadcast %add3A_379 : i32 to vector<16xi32>
    %add3A_381 = arith.addi %add3A_317, %add3A_380 : vector<16xi32>
    %swap3A_382 = arith.constant 6 : i32
    %swap3A_383 = arith.index_cast %swap3A_382 : i32 to index
    %swap3A_384 = arith.constant 16 : index
    %swap3A_385 = tpu.vector_load %arg14[%swap3A_383, %swap3A_384] {strides = array<i32>} : memref<10x128xi32, #tpu.memory_space<vmem>>, vector<1x16xi32>,
    %swap3A_386 = vector.shape_cast %swap3A_385 : vector<1x16xi32> to vector<16xi32>
    %swap3A_387 = vector.shape_cast %add3A_381 : vector<16xi32> to vector<1x16xi32>
    tpu.vector_store %arg14[%swap3A_383, %swap3A_384], %swap3A_387 {strides = array<i32>} : memref<10x128xi32, #tpu.memory_space<vmem>>, vector<1x16xi32>,
    %add3A_388 = arith.constant 1835008 : i32
    %add3A_389 = arith.addi %mul3A_139, %add3A_388 : i32
    %add3A_390 = vector.broadcast %add3A_389 : i32 to vector<16xi32>
    %add3A_391 = arith.addi %add3A_317, %add3A_390 : vector<16xi32>
    %swap3A_392 = arith.constant 7 : i32
    %swap3A_393 = arith.index_cast %swap3A_392 : i32 to index
    %swap3A_394 = arith.constant 16 : index
    %swap3A_395 = tpu.vector_load %arg14[%swap3A_393, %swap3A_394] {strides = array<i32>} : memref<10x128xi32, #tpu.memory_space<vmem>>, vector<1x16xi32>,
    %swap3A_396 = vector.shape_cast %swap3A_395 : vector<1x16xi32> to vector<16xi32>
    %swap3A_397 = vector.shape_cast %add3A_391 : vector<16xi32> to vector<1x16xi32>
    tpu.vector_store %arg14[%swap3A_393, %swap3A_394], %swap3A_397 {strides = array<i32>} : memref<10x128xi32, #tpu.memory_space<vmem>>, vector<1x16xi32>,
    %add3A_398 = arith.constant 2097152 : i32
    %add3A_399 = arith.addi %mul3A_139, %add3A_398 : i32
    %add3A_400 = vector.broadcast %add3A_399 : i32 to vector<16xi32>
    %add3A_401 = arith.addi %add3A_317, %add3A_400 : vector<16xi32>
    %swap3A_402 = arith.constant 8 : i32
    %swap3A_403 = arith.index_cast %swap3A_402 : i32 to index
    %swap3A_404 = arith.constant 16 : index
    %swap3A_405 = tpu.vector_load %arg14[%swap3A_403, %swap3A_404] {strides = array<i32>} : memref<10x128xi32, #tpu.memory_space<vmem>>, vector<1x16xi32>,
    %swap3A_406 = vector.shape_cast %swap3A_405 : vector<1x16xi32> to vector<16xi32>
    %swap3A_407 = vector.shape_cast %add3A_401 : vector<16xi32> to vector<1x16xi32>
    tpu.vector_store %arg14[%swap3A_403, %swap3A_404], %swap3A_407 {strides = array<i32>} : memref<10x128xi32, #tpu.memory_space<vmem>>, vector<1x16xi32>,
    %add3A_408 = arith.constant 2359296 : i32
    %add3A_409 = arith.addi %mul3A_139, %add3A_408 : i32
    %add3A_410 = vector.broadcast %add3A_409 : i32 to vector<16xi32>
    %add3A_411 = arith.addi %add3A_317, %add3A_410 : vector<16xi32>
    %swap3A_412 = arith.constant 9 : i32
    %swap3A_413 = arith.index_cast %swap3A_412 : i32 to index
    %swap3A_414 = arith.constant 16 : index
    %swap3A_415 = tpu.vector_load %arg14[%swap3A_413, %swap3A_414] {strides = array<i32>} : memref<10x128xi32, #tpu.memory_space<vmem>>, vector<1x16xi32>,
    %swap3A_416 = vector.shape_cast %swap3A_415 : vector<1x16xi32> to vector<16xi32>
    %swap3A_417 = vector.shape_cast %add3A_411 : vector<16xi32> to vector<1x16xi32>
    tpu.vector_store %arg14[%swap3A_413, %swap3A_414], %swap3A_417 {strides = array<i32>} : memref<10x128xi32, #tpu.memory_space<vmem>>, vector<1x16xi32>,
    %get3A_418 = arith.constant 16 : index
    %get3A_419 = tpu.vector_load %arg11[%get3A_418] {strides = array<i32>} : memref<128xi32, #tpu.memory_space<vmem>>, vector<16xi32>,
    %get3A_420 = vector.shape_cast %get3A_419 : vector<16xi32> to vector<16xi32>
    %mul3A_421 = arith.constant 262144 : i32
    %mul3A_422 = vector.broadcast %mul3A_421 : i32 to vector<16xi32>
    %mul3A_423 = arith.muli %get3A_420, %mul3A_422 : vector<16xi32>
    %add3A_424 = vector.broadcast %mul3A_141 : i32 to vector<16xi32>
    %add3A_425 = arith.addi %add3A_424, %mul3A_423 : vector<16xi32>
    %add3A_426 = arith.addi %add3A_317, %add3A_425 : vector<16xi32>
    %swap3A_427 = arith.constant 16 : index
    %swap3A_428 = tpu.vector_load %arg15[%swap3A_427] {strides = array<i32>} : memref<128xi32, #tpu.memory_space<vmem>>, vector<16xi32>,
    %swap3A_429 = vector.shape_cast %swap3A_428 : vector<16xi32> to vector<16xi32>
    %swap3A_430 = vector.shape_cast %add3A_426 : vector<16xi32> to vector<16xi32>
    tpu.vector_store %arg15[%swap3A_427], %swap3A_430 {strides = array<i32>} : memref<128xi32, #tpu.memory_space<vmem>>, vector<16xi32>,
    %get3A_431 = arith.constant 32 : index
    %get3A_432 = tpu.vector_load %arg10[%get3A_431] {strides = array<i32>} : memref<128xi32, #tpu.memory_space<vmem>>, vector<16xi32>,
    %get3A_433 = vector.shape_cast %get3A_432 : vector<16xi32> to vector<16xi32>
    %shift_right_logical3A_434 = arith.constant 12 : i32
    %shift_right_logical3A_435 = vector.broadcast %shift_right_logical3A_434 : i32 to vector<16xi32>
    %shift_right_logical3A_436 = arith.shrui %get3A_433, %shift_right_logical3A_435 : vector<16xi32>
    %mul3A_437 = arith.constant 4096 : i32
    %mul3A_438 = vector.broadcast %mul3A_437 : i32 to vector<16xi32>
    %mul3A_439 = arith.muli %shift_right_logical3A_436, %mul3A_438 : vector<16xi32>
    %shift_right_logical3A_440 = arith.constant 7 : i32
    %shift_right_logical3A_441 = vector.broadcast %shift_right_logical3A_440 : i32 to vector<16xi32>
    %shift_right_logical3A_442 = arith.shrui %get3A_433, %shift_right_logical3A_441 : vector<16xi32>
    %and3A_443 = arith.constant 3 : i32
    %and3A_444 = vector.broadcast %and3A_443 : i32 to vector<16xi32>
    %and3A_445 = arith.andi %shift_right_logical3A_442, %and3A_444 : vector<16xi32>
    %mul3A_446 = arith.constant 1024 : i32
    %mul3A_447 = vector.broadcast %mul3A_446 : i32 to vector<16xi32>
    %mul3A_448 = arith.muli %and3A_445, %mul3A_447 : vector<16xi32>
    %add3A_449 = arith.addi %mul3A_439, %mul3A_448 : vector<16xi32>
    %shift_right_logical3A_450 = arith.constant 9 : i32
    %shift_right_logical3A_451 = vector.broadcast %shift_right_logical3A_450 : i32 to vector<16xi32>
    %shift_right_logical3A_452 = arith.shrui %get3A_433, %shift_right_logical3A_451 : vector<16xi32>
    %and3A_453 = arith.constant 7 : i32
    %and3A_454 = vector.broadcast %and3A_453 : i32 to vector<16xi32>
    %and3A_455 = arith.andi %shift_right_logical3A_452, %and3A_454 : vector<16xi32>
    %mul3A_456 = arith.constant 128 : i32
    %mul3A_457 = vector.broadcast %mul3A_456 : i32 to vector<16xi32>
    %mul3A_458 = arith.muli %and3A_455, %mul3A_457 : vector<16xi32>
    %add3A_459 = arith.addi %add3A_449, %mul3A_458 : vector<16xi32>
    %and3A_460 = arith.constant 127 : i32
    %and3A_461 = vector.broadcast %and3A_460 : i32 to vector<16xi32>
    %and3A_462 = arith.andi %get3A_433, %and3A_461 : vector<16xi32>
    %add3A_463 = arith.addi %add3A_459, %and3A_462 : vector<16xi32>
    %add3A_464 = arith.constant 0 : i32
    %add3A_465 = arith.addi %mul3A_139, %add3A_464 : i32
    %add3A_466 = vector.broadcast %add3A_465 : i32 to vector<16xi32>
    %add3A_467 = arith.addi %add3A_463, %add3A_466 : vector<16xi32>
    %swap3A_468 = arith.constant 0 : i32
    %swap3A_469 = arith.index_cast %swap3A_468 : i32 to index
    %swap3A_470 = arith.constant 32 : index
    %swap3A_471 = tpu.vector_load %arg14[%swap3A_469, %swap3A_470] {strides = array<i32>} : memref<10x128xi32, #tpu.memory_space<vmem>>, vector<1x16xi32>,
    %swap3A_472 = vector.shape_cast %swap3A_471 : vector<1x16xi32> to vector<16xi32>
    %swap3A_473 = vector.shape_cast %add3A_467 : vector<16xi32> to vector<1x16xi32>
    tpu.vector_store %arg14[%swap3A_469, %swap3A_470], %swap3A_473 {strides = array<i32>} : memref<10x128xi32, #tpu.memory_space<vmem>>, vector<1x16xi32>,
    %add3A_474 = arith.constant 262144 : i32
    %add3A_475 = arith.addi %mul3A_139, %add3A_474 : i32
    %add3A_476 = vector.broadcast %add3A_475 : i32 to vector<16xi32>
    %add3A_477 = arith.addi %add3A_463, %add3A_476 : vector<16xi32>
    %swap3A_478 = arith.constant 1 : i32
    %swap3A_479 = arith.index_cast %swap3A_478 : i32 to index
    %swap3A_480 = arith.constant 32 : index
    %swap3A_481 = tpu.vector_load %arg14[%swap3A_479, %swap3A_480] {strides = array<i32>} : memref<10x128xi32, #tpu.memory_space<vmem>>, vector<1x16xi32>,
    %swap3A_482 = vector.shape_cast %swap3A_481 : vector<1x16xi32> to vector<16xi32>
    %swap3A_483 = vector.shape_cast %add3A_477 : vector<16xi32> to vector<1x16xi32>
    tpu.vector_store %arg14[%swap3A_479, %swap3A_480], %swap3A_483 {strides = array<i32>} : memref<10x128xi32, #tpu.memory_space<vmem>>, vector<1x16xi32>,
    %add3A_484 = arith.constant 524288 : i32
    %add3A_485 = arith.addi %mul3A_139, %add3A_484 : i32
    %add3A_486 = vector.broadcast %add3A_485 : i32 to vector<16xi32>
    %add3A_487 = arith.addi %add3A_463, %add3A_486 : vector<16xi32>
    %swap3A_488 = arith.constant 2 : i32
    %swap3A_489 = arith.index_cast %swap3A_488 : i32 to index
    %swap3A_490 = arith.constant 32 : index
    %swap3A_491 = tpu.vector_load %arg14[%swap3A_489, %swap3A_490] {strides = array<i32>} : memref<10x128xi32, #tpu.memory_space<vmem>>, vector<1x16xi32>,
    %swap3A_492 = vector.shape_cast %swap3A_491 : vector<1x16xi32> to vector<16xi32>
    %swap3A_493 = vector.shape_cast %add3A_487 : vector<16xi32> to vector<1x16xi32>
    tpu.vector_store %arg14[%swap3A_489, %swap3A_490], %swap3A_493 {strides = array<i32>} : memref<10x128xi32, #tpu.memory_space<vmem>>, vector<1x16xi32>,
    %add3A_494 = arith.constant 786432 : i32
    %add3A_495 = arith.addi %mul3A_139, %add3A_494 : i32
    %add3A_496 = vector.broadcast %add3A_495 : i32 to vector<16xi32>
    %add3A_497 = arith.addi %add3A_463, %add3A_496 : vector<16xi32>
    %swap3A_498 = arith.constant 3 : i32
    %swap3A_499 = arith.index_cast %swap3A_498 : i32 to index
    %swap3A_500 = arith.constant 32 : index
    %swap3A_501 = tpu.vector_load %arg14[%swap3A_499, %swap3A_500] {strides = array<i32>} : memref<10x128xi32, #tpu.memory_space<vmem>>, vector<1x16xi32>,
    %swap3A_502 = vector.shape_cast %swap3A_501 : vector<1x16xi32> to vector<16xi32>
    %swap3A_503 = vector.shape_cast %add3A_497 : vector<16xi32> to vector<1x16xi32>
    tpu.vector_store %arg14[%swap3A_499, %swap3A_500], %swap3A_503 {strides = array<i32>} : memref<10x128xi32, #tpu.memory_space<vmem>>, vector<1x16xi32>,
    %add3A_504 = arith.constant 1048576 : i32
    %add3A_505 = arith.addi %mul3A_139, %add3A_504 : i32
    %add3A_506 = vector.broadcast %add3A_505 : i32 to vector<16xi32>
    %add3A_507 = arith.addi %add3A_463, %add3A_506 : vector<16xi32>
    %swap3A_508 = arith.constant 4 : i32
    %swap3A_509 = arith.index_cast %swap3A_508 : i32 to index
    %swap3A_510 = arith.constant 32 : index
    %swap3A_511 = tpu.vector_load %arg14[%swap3A_509, %swap3A_510] {strides = array<i32>} : memref<10x128xi32, #tpu.memory_space<vmem>>, vector<1x16xi32>,
    %swap3A_512 = vector.shape_cast %swap3A_511 : vector<1x16xi32> to vector<16xi32>
    %swap3A_513 = vector.shape_cast %add3A_507 : vector<16xi32> to vector<1x16xi32>
    tpu.vector_store %arg14[%swap3A_509, %swap3A_510], %swap3A_513 {strides = array<i32>} : memref<10x128xi32, #tpu.memory_space<vmem>>, vector<1x16xi32>,
    %add3A_514 = arith.constant 1310720 : i32
    %add3A_515 = arith.addi %mul3A_139, %add3A_514 : i32
    %add3A_516 = vector.broadcast %add3A_515 : i32 to vector<16xi32>
    %add3A_517 = arith.addi %add3A_463, %add3A_516 : vector<16xi32>
    %swap3A_518 = arith.constant 5 : i32
    %swap3A_519 = arith.index_cast %swap3A_518 : i32 to index
    %swap3A_520 = arith.constant 32 : index
    %swap3A_521 = tpu.vector_load %arg14[%swap3A_519, %swap3A_520] {strides = array<i32>} : memref<10x128xi32, #tpu.memory_space<vmem>>, vector<1x16xi32>,
    %swap3A_522 = vector.shape_cast %swap3A_521 : vector<1x16xi32> to vector<16xi32>
    %swap3A_523 = vector.shape_cast %add3A_517 : vector<16xi32> to vector<1x16xi32>
    tpu.vector_store %arg14[%swap3A_519, %swap3A_520], %swap3A_523 {strides = array<i32>} : memref<10x128xi32, #tpu.memory_space<vmem>>, vector<1x16xi32>,
    %add3A_524 = arith.constant 1572864 : i32
    %add3A_525 = arith.addi %mul3A_139, %add3A_524 : i32
    %add3A_526 = vector.broadcast %add3A_525 : i32 to vector<16xi32>
    %add3A_527 = arith.addi %add3A_463, %add3A_526 : vector<16xi32>
    %swap3A_528 = arith.constant 6 : i32
    %swap3A_529 = arith.index_cast %swap3A_528 : i32 to index
    %swap3A_530 = arith.constant 32 : index
    %swap3A_531 = tpu.vector_load %arg14[%swap3A_529, %swap3A_530] {strides = array<i32>} : memref<10x128xi32, #tpu.memory_space<vmem>>, vector<1x16xi32>,
    %swap3A_532 = vector.shape_cast %swap3A_531 : vector<1x16xi32> to vector<16xi32>
    %swap3A_533 = vector.shape_cast %add3A_527 : vector<16xi32> to vector<1x16xi32>
    tpu.vector_store %arg14[%swap3A_529, %swap3A_530], %swap3A_533 {strides = array<i32>} : memref<10x128xi32, #tpu.memory_space<vmem>>, vector<1x16xi32>,
    %add3A_534 = arith.constant 1835008 : i32
    %add3A_535 = arith.addi %mul3A_139, %add3A_534 : i32
    %add3A_536 = vector.broadcast %add3A_535 : i32 to vector<16xi32>
    %add3A_537 = arith.addi %add3A_463, %add3A_536 : vector<16xi32>
    %swap3A_538 = arith.constant 7 : i32
    %swap3A_539 = arith.index_cast %swap3A_538 : i32 to index
    %swap3A_540 = arith.constant 32 : index
    %swap3A_541 = tpu.vector_load %arg14[%swap3A_539, %swap3A_540] {strides = array<i32>} : memref<10x128xi32, #tpu.memory_space<vmem>>, vector<1x16xi32>,
    %swap3A_542 = vector.shape_cast %swap3A_541 : vector<1x16xi32> to vector<16xi32>
    %swap3A_543 = vector.shape_cast %add3A_537 : vector<16xi32> to vector<1x16xi32>
    tpu.vector_store %arg14[%swap3A_539, %swap3A_540], %swap3A_543 {strides = array<i32>} : memref<10x128xi32, #tpu.memory_space<vmem>>, vector<1x16xi32>,
    %add3A_544 = arith.constant 2097152 : i32
    %add3A_545 = arith.addi %mul3A_139, %add3A_544 : i32
    %add3A_546 = vector.broadcast %add3A_545 : i32 to vector<16xi32>
    %add3A_547 = arith.addi %add3A_463, %add3A_546 : vector<16xi32>
    %swap3A_548 = arith.constant 8 : i32
    %swap3A_549 = arith.index_cast %swap3A_548 : i32 to index
    %swap3A_550 = arith.constant 32 : index
    %swap3A_551 = tpu.vector_load %arg14[%swap3A_549, %swap3A_550] {strides = array<i32>} : memref<10x128xi32, #tpu.memory_space<vmem>>, vector<1x16xi32>,
    %swap3A_552 = vector.shape_cast %swap3A_551 : vector<1x16xi32> to vector<16xi32>
    %swap3A_553 = vector.shape_cast %add3A_547 : vector<16xi32> to vector<1x16xi32>
    tpu.vector_store %arg14[%swap3A_549, %swap3A_550], %swap3A_553 {strides = array<i32>} : memref<10x128xi32, #tpu.memory_space<vmem>>, vector<1x16xi32>,
    %add3A_554 = arith.constant 2359296 : i32
    %add3A_555 = arith.addi %mul3A_139, %add3A_554 : i32
    %add3A_556 = vector.broadcast %add3A_555 : i32 to vector<16xi32>
    %add3A_557 = arith.addi %add3A_463, %add3A_556 : vector<16xi32>
    %swap3A_558 = arith.constant 9 : i32
    %swap3A_559 = arith.index_cast %swap3A_558 : i32 to index
    %swap3A_560 = arith.constant 32 : index
    %swap3A_561 = tpu.vector_load %arg14[%swap3A_559, %swap3A_560] {strides = array<i32>} : memref<10x128xi32, #tpu.memory_space<vmem>>, vector<1x16xi32>,
    %swap3A_562 = vector.shape_cast %swap3A_561 : vector<1x16xi32> to vector<16xi32>
    %swap3A_563 = vector.shape_cast %add3A_557 : vector<16xi32> to vector<1x16xi32>
    tpu.vector_store %arg14[%swap3A_559, %swap3A_560], %swap3A_563 {strides = array<i32>} : memref<10x128xi32, #tpu.memory_space<vmem>>, vector<1x16xi32>,
    %get3A_564 = arith.constant 32 : index
    %get3A_565 = tpu.vector_load %arg11[%get3A_564] {strides = array<i32>} : memref<128xi32, #tpu.memory_space<vmem>>, vector<16xi32>,
    %get3A_566 = vector.shape_cast %get3A_565 : vector<16xi32> to vector<16xi32>
    %mul3A_567 = arith.constant 262144 : i32
    %mul3A_568 = vector.broadcast %mul3A_567 : i32 to vector<16xi32>
    %mul3A_569 = arith.muli %get3A_566, %mul3A_568 : vector<16xi32>
    %add3A_570 = vector.broadcast %mul3A_141 : i32 to vector<16xi32>
    %add3A_571 = arith.addi %add3A_570, %mul3A_569 : vector<16xi32>
    %add3A_572 = arith.addi %add3A_463, %add3A_571 : vector<16xi32>
    %swap3A_573 = arith.constant 32 : index
    %swap3A_574 = tpu.vector_load %arg15[%swap3A_573] {strides = array<i32>} : memref<128xi32, #tpu.memory_space<vmem>>, vector<16xi32>,
    %swap3A_575 = vector.shape_cast %swap3A_574 : vector<16xi32> to vector<16xi32>
    %swap3A_576 = vector.shape_cast %add3A_572 : vector<16xi32> to vector<16xi32>
    tpu.vector_store %arg15[%swap3A_573], %swap3A_576 {strides = array<i32>} : memref<128xi32, #tpu.memory_space<vmem>>, vector<16xi32>,
    %get3A_577 = arith.constant 48 : index
    %get3A_578 = tpu.vector_load %arg10[%get3A_577] {strides = array<i32>} : memref<128xi32, #tpu.memory_space<vmem>>, vector<16xi32>,
    %get3A_579 = vector.shape_cast %get3A_578 : vector<16xi32> to vector<16xi32>
    %shift_right_logical3A_580 = arith.constant 12 : i32
    %shift_right_logical3A_581 = vector.broadcast %shift_right_logical3A_580 : i32 to vector<16xi32>
    %shift_right_logical3A_582 = arith.shrui %get3A_579, %shift_right_logical3A_581 : vector<16xi32>
    %mul3A_583 = arith.constant 4096 : i32
    %mul3A_584 = vector.broadcast %mul3A_583 : i32 to vector<16xi32>
    %mul3A_585 = arith.muli %shift_right_logical3A_582, %mul3A_584 : vector<16xi32>
    %shift_right_logical3A_586 = arith.constant 7 : i32
    %shift_right_logical3A_587 = vector.broadcast %shift_right_logical3A_586 : i32 to vector<16xi32>
    %shift_right_logical3A_588 = arith.shrui %get3A_579, %shift_right_logical3A_587 : vector<16xi32>
    %and3A_589 = arith.constant 3 : i32
    %and3A_590 = vector.broadcast %and3A_589 : i32 to vector<16xi32>
    %and3A_591 = arith.andi %shift_right_logical3A_588, %and3A_590 : vector<16xi32>
    %mul3A_592 = arith.constant 1024 : i32
    %mul3A_593 = vector.broadcast %mul3A_592 : i32 to vector<16xi32>
    %mul3A_594 = arith.muli %and3A_591, %mul3A_593 : vector<16xi32>
    %add3A_595 = arith.addi %mul3A_585, %mul3A_594 : vector<16xi32>
    %shift_right_logical3A_596 = arith.constant 9 : i32
    %shift_right_logical3A_597 = vector.broadcast %shift_right_logical3A_596 : i32 to vector<16xi32>
    %shift_right_logical3A_598 = arith.shrui %get3A_579, %shift_right_logical3A_597 : vector<16xi32>
    %and3A_599 = arith.constant 7 : i32
    %and3A_600 = vector.broadcast %and3A_599 : i32 to vector<16xi32>
    %and3A_601 = arith.andi %shift_right_logical3A_598, %and3A_600 : vector<16xi32>
    %mul3A_602 = arith.constant 128 : i32
    %mul3A_603 = vector.broadcast %mul3A_602 : i32 to vector<16xi32>
    %mul3A_604 = arith.muli %and3A_601, %mul3A_603 : vector<16xi32>
    %add3A_605 = arith.addi %add3A_595, %mul3A_604 : vector<16xi32>
    %and3A_606 = arith.constant 127 : i32
    %and3A_607 = vector.broadcast %and3A_606 : i32 to vector<16xi32>
    %and3A_608 = arith.andi %get3A_579, %and3A_607 : vector<16xi32>
    %add3A_609 = arith.addi %add3A_605, %and3A_608 : vector<16xi32>
    %add3A_610 = arith.constant 0 : i32
    %add3A_611 = arith.addi %mul3A_139, %add3A_610 : i32
    %add3A_612 = vector.broadcast %add3A_611 : i32 to vector<16xi32>
    %add3A_613 = arith.addi %add3A_609, %add3A_612 : vector<16xi32>
    %swap3A_614 = arith.constant 0 : i32
    %swap3A_615 = arith.index_cast %swap3A_614 : i32 to index
    %swap3A_616 = arith.constant 48 : index
    %swap3A_617 = tpu.vector_load %arg14[%swap3A_615, %swap3A_616] {strides = array<i32>} : memref<10x128xi32, #tpu.memory_space<vmem>>, vector<1x16xi32>,
    %swap3A_618 = vector.shape_cast %swap3A_617 : vector<1x16xi32> to vector<16xi32>
    %swap3A_619 = vector.shape_cast %add3A_613 : vector<16xi32> to vector<1x16xi32>
    tpu.vector_store %arg14[%swap3A_615, %swap3A_616], %swap3A_619 {strides = array<i32>} : memref<10x128xi32, #tpu.memory_space<vmem>>, vector<1x16xi32>,
    %add3A_620 = arith.constant 262144 : i32
    %add3A_621 = arith.addi %mul3A_139, %add3A_620 : i32
    %add3A_622 = vector.broadcast %add3A_621 : i32 to vector<16xi32>
    %add3A_623 = arith.addi %add3A_609, %add3A_622 : vector<16xi32>
    %swap3A_624 = arith.constant 1 : i32
    %swap3A_625 = arith.index_cast %swap3A_624 : i32 to index
    %swap3A_626 = arith.constant 48 : index
    %swap3A_627 = tpu.vector_load %arg14[%swap3A_625, %swap3A_626] {strides = array<i32>} : memref<10x128xi32, #tpu.memory_space<vmem>>, vector<1x16xi32>,
    %swap3A_628 = vector.shape_cast %swap3A_627 : vector<1x16xi32> to vector<16xi32>
    %swap3A_629 = vector.shape_cast %add3A_623 : vector<16xi32> to vector<1x16xi32>
    tpu.vector_store %arg14[%swap3A_625, %swap3A_626], %swap3A_629 {strides = array<i32>} : memref<10x128xi32, #tpu.memory_space<vmem>>, vector<1x16xi32>,
    %add3A_630 = arith.constant 524288 : i32
    %add3A_631 = arith.addi %mul3A_139, %add3A_630 : i32
    %add3A_632 = vector.broadcast %add3A_631 : i32 to vector<16xi32>
    %add3A_633 = arith.addi %add3A_609, %add3A_632 : vector<16xi32>
    %swap3A_634 = arith.constant 2 : i32
    %swap3A_635 = arith.index_cast %swap3A_634 : i32 to index
    %swap3A_636 = arith.constant 48 : index
    %swap3A_637 = tpu.vector_load %arg14[%swap3A_635, %swap3A_636] {strides = array<i32>} : memref<10x128xi32, #tpu.memory_space<vmem>>, vector<1x16xi32>,
    %swap3A_638 = vector.shape_cast %swap3A_637 : vector<1x16xi32> to vector<16xi32>
    %swap3A_639 = vector.shape_cast %add3A_633 : vector<16xi32> to vector<1x16xi32>
    tpu.vector_store %arg14[%swap3A_635, %swap3A_636], %swap3A_639 {strides = array<i32>} : memref<10x128xi32, #tpu.memory_space<vmem>>, vector<1x16xi32>,
    %add3A_640 = arith.constant 786432 : i32
    %add3A_641 = arith.addi %mul3A_139, %add3A_640 : i32
    %add3A_642 = vector.broadcast %add3A_641 : i32 to vector<16xi32>
    %add3A_643 = arith.addi %add3A_609, %add3A_642 : vector<16xi32>
    %swap3A_644 = arith.constant 3 : i32
    %swap3A_645 = arith.index_cast %swap3A_644 : i32 to index
    %swap3A_646 = arith.constant 48 : index
    %swap3A_647 = tpu.vector_load %arg14[%swap3A_645, %swap3A_646] {strides = array<i32>} : memref<10x128xi32, #tpu.memory_space<vmem>>, vector<1x16xi32>,
    %swap3A_648 = vector.shape_cast %swap3A_647 : vector<1x16xi32> to vector<16xi32>
    %swap3A_649 = vector.shape_cast %add3A_643 : vector<16xi32> to vector<1x16xi32>
    tpu.vector_store %arg14[%swap3A_645, %swap3A_646], %swap3A_649 {strides = array<i32>} : memref<10x128xi32, #tpu.memory_space<vmem>>, vector<1x16xi32>,
    %add3A_650 = arith.constant 1048576 : i32
    %add3A_651 = arith.addi %mul3A_139, %add3A_650 : i32
    %add3A_652 = vector.broadcast %add3A_651 : i32 to vector<16xi32>
    %add3A_653 = arith.addi %add3A_609, %add3A_652 : vector<16xi32>
    %swap3A_654 = arith.constant 4 : i32
    %swap3A_655 = arith.index_cast %swap3A_654 : i32 to index
    %swap3A_656 = arith.constant 48 : index
    %swap3A_657 = tpu.vector_load %arg14[%swap3A_655, %swap3A_656] {strides = array<i32>} : memref<10x128xi32, #tpu.memory_space<vmem>>, vector<1x16xi32>,
    %swap3A_658 = vector.shape_cast %swap3A_657 : vector<1x16xi32> to vector<16xi32>
    %swap3A_659 = vector.shape_cast %add3A_653 : vector<16xi32> to vector<1x16xi32>
    tpu.vector_store %arg14[%swap3A_655, %swap3A_656], %swap3A_659 {strides = array<i32>} : memref<10x128xi32, #tpu.memory_space<vmem>>, vector<1x16xi32>,
    %add3A_660 = arith.constant 1310720 : i32
    %add3A_661 = arith.addi %mul3A_139, %add3A_660 : i32
    %add3A_662 = vector.broadcast %add3A_661 : i32 to vector<16xi32>
    %add3A_663 = arith.addi %add3A_609, %add3A_662 : vector<16xi32>
    %swap3A_664 = arith.constant 5 : i32
    %swap3A_665 = arith.index_cast %swap3A_664 : i32 to index
    %swap3A_666 = arith.constant 48 : index
    %swap3A_667 = tpu.vector_load %arg14[%swap3A_665, %swap3A_666] {strides = array<i32>} : memref<10x128xi32, #tpu.memory_space<vmem>>, vector<1x16xi32>,
    %swap3A_668 = vector.shape_cast %swap3A_667 : vector<1x16xi32> to vector<16xi32>
    %swap3A_669 = vector.shape_cast %add3A_663 : vector<16xi32> to vector<1x16xi32>
    tpu.vector_store %arg14[%swap3A_665, %swap3A_666], %swap3A_669 {strides = array<i32>} : memref<10x128xi32, #tpu.memory_space<vmem>>, vector<1x16xi32>,
    %add3A_670 = arith.constant 1572864 : i32
    %add3A_671 = arith.addi %mul3A_139, %add3A_670 : i32
    %add3A_672 = vector.broadcast %add3A_671 : i32 to vector<16xi32>
    %add3A_673 = arith.addi %add3A_609, %add3A_672 : vector<16xi32>
    %swap3A_674 = arith.constant 6 : i32
    %swap3A_675 = arith.index_cast %swap3A_674 : i32 to index
    %swap3A_676 = arith.constant 48 : index
    %swap3A_677 = tpu.vector_load %arg14[%swap3A_675, %swap3A_676] {strides = array<i32>} : memref<10x128xi32, #tpu.memory_space<vmem>>, vector<1x16xi32>,
    %swap3A_678 = vector.shape_cast %swap3A_677 : vector<1x16xi32> to vector<16xi32>
    %swap3A_679 = vector.shape_cast %add3A_673 : vector<16xi32> to vector<1x16xi32>
    tpu.vector_store %arg14[%swap3A_675, %swap3A_676], %swap3A_679 {strides = array<i32>} : memref<10x128xi32, #tpu.memory_space<vmem>>, vector<1x16xi32>,
    %add3A_680 = arith.constant 1835008 : i32
    %add3A_681 = arith.addi %mul3A_139, %add3A_680 : i32
    %add3A_682 = vector.broadcast %add3A_681 : i32 to vector<16xi32>
    %add3A_683 = arith.addi %add3A_609, %add3A_682 : vector<16xi32>
    %swap3A_684 = arith.constant 7 : i32
    %swap3A_685 = arith.index_cast %swap3A_684 : i32 to index
    %swap3A_686 = arith.constant 48 : index
    %swap3A_687 = tpu.vector_load %arg14[%swap3A_685, %swap3A_686] {strides = array<i32>} : memref<10x128xi32, #tpu.memory_space<vmem>>, vector<1x16xi32>,
    %swap3A_688 = vector.shape_cast %swap3A_687 : vector<1x16xi32> to vector<16xi32>
    %swap3A_689 = vector.shape_cast %add3A_683 : vector<16xi32> to vector<1x16xi32>
    tpu.vector_store %arg14[%swap3A_685, %swap3A_686], %swap3A_689 {strides = array<i32>} : memref<10x128xi32, #tpu.memory_space<vmem>>, vector<1x16xi32>,
    %add3A_690 = arith.constant 2097152 : i32
    %add3A_691 = arith.addi %mul3A_139, %add3A_690 : i32
    %add3A_692 = vector.broadcast %add3A_691 : i32 to vector<16xi32>
    %add3A_693 = arith.addi %add3A_609, %add3A_692 : vector<16xi32>
    %swap3A_694 = arith.constant 8 : i32
    %swap3A_695 = arith.index_cast %swap3A_694 : i32 to index
    %swap3A_696 = arith.constant 48 : index
    %swap3A_697 = tpu.vector_load %arg14[%swap3A_695, %swap3A_696] {strides = array<i32>} : memref<10x128xi32, #tpu.memory_space<vmem>>, vector<1x16xi32>,
    %swap3A_698 = vector.shape_cast %swap3A_697 : vector<1x16xi32> to vector<16xi32>
    %swap3A_699 = vector.shape_cast %add3A_693 : vector<16xi32> to vector<1x16xi32>
    tpu.vector_store %arg14[%swap3A_695, %swap3A_696], %swap3A_699 {strides = array<i32>} : memref<10x128xi32, #tpu.memory_space<vmem>>, vector<1x16xi32>,
    %add3A_700 = arith.constant 2359296 : i32
    %add3A_701 = arith.addi %mul3A_139, %add3A_700 : i32
    %add3A_702 = vector.broadcast %add3A_701 : i32 to vector<16xi32>
    %add3A_703 = arith.addi %add3A_609, %add3A_702 : vector<16xi32>
    %swap3A_704 = arith.constant 9 : i32
    %swap3A_705 = arith.index_cast %swap3A_704 : i32 to index
    %swap3A_706 = arith.constant 48 : index
    %swap3A_707 = tpu.vector_load %arg14[%swap3A_705, %swap3A_706] {strides = array<i32>} : memref<10x128xi32, #tpu.memory_space<vmem>>, vector<1x16xi32>,
    %swap3A_708 = vector.shape_cast %swap3A_707 : vector<1x16xi32> to vector<16xi32>
    %swap3A_709 = vector.shape_cast %add3A_703 : vector<16xi32> to vector<1x16xi32>
    tpu.vector_store %arg14[%swap3A_705, %swap3A_706], %swap3A_709 {strides = array<i32>} : memref<10x128xi32, #tpu.memory_space<vmem>>, vector<1x16xi32>,
    %get3A_710 = arith.constant 48 : index
    %get3A_711 = tpu.vector_load %arg11[%get3A_710] {strides = array<i32>} : memref<128xi32, #tpu.memory_space<vmem>>, vector<16xi32>,
    %get3A_712 = vector.shape_cast %get3A_711 : vector<16xi32> to vector<16xi32>
    %mul3A_713 = arith.constant 262144 : i32
    %mul3A_714 = vector.broadcast %mul3A_713 : i32 to vector<16xi32>
    %mul3A_715 = arith.muli %get3A_712, %mul3A_714 : vector<16xi32>
    %add3A_716 = vector.broadcast %mul3A_141 : i32 to vector<16xi32>
    %add3A_717 = arith.addi %add3A_716, %mul3A_715 : vector<16xi32>
    %add3A_718 = arith.addi %add3A_609, %add3A_717 : vector<16xi32>
    %swap3A_719 = arith.constant 48 : index
    %swap3A_720 = tpu.vector_load %arg15[%swap3A_719] {strides = array<i32>} : memref<128xi32, #tpu.memory_space<vmem>>, vector<16xi32>,
    %swap3A_721 = vector.shape_cast %swap3A_720 : vector<16xi32> to vector<16xi32>
    %swap3A_722 = vector.shape_cast %add3A_718 : vector<16xi32> to vector<16xi32>
    tpu.vector_store %arg15[%swap3A_719], %swap3A_722 {strides = array<i32>} : memref<128xi32, #tpu.memory_space<vmem>>, vector<16xi32>,
    %get3A_723 = arith.constant 64 : index
    %get3A_724 = tpu.vector_load %arg10[%get3A_723] {strides = array<i32>} : memref<128xi32, #tpu.memory_space<vmem>>, vector<16xi32>,
    %get3A_725 = vector.shape_cast %get3A_724 : vector<16xi32> to vector<16xi32>
    %shift_right_logical3A_726 = arith.constant 12 : i32
    %shift_right_logical3A_727 = vector.broadcast %shift_right_logical3A_726 : i32 to vector<16xi32>
    %shift_right_logical3A_728 = arith.shrui %get3A_725, %shift_right_logical3A_727 : vector<16xi32>
    %mul3A_729 = arith.constant 4096 : i32
    %mul3A_730 = vector.broadcast %mul3A_729 : i32 to vector<16xi32>
    %mul3A_731 = arith.muli %shift_right_logical3A_728, %mul3A_730 : vector<16xi32>
    %shift_right_logical3A_732 = arith.constant 7 : i32
    %shift_right_logical3A_733 = vector.broadcast %shift_right_logical3A_732 : i32 to vector<16xi32>
    %shift_right_logical3A_734 = arith.shrui %get3A_725, %shift_right_logical3A_733 : vector<16xi32>
    %and3A_735 = arith.constant 3 : i32
    %and3A_736 = vector.broadcast %and3A_735 : i32 to vector<16xi32>
    %and3A_737 = arith.andi %shift_right_logical3A_734, %and3A_736 : vector<16xi32>
    %mul3A_738 = arith.constant 1024 : i32
    %mul3A_739 = vector.broadcast %mul3A_738 : i32 to vector<16xi32>
    %mul3A_740 = arith.muli %and3A_737, %mul3A_739 : vector<16xi32>
    %add3A_741 = arith.addi %mul3A_731, %mul3A_740 : vector<16xi32>
    %shift_right_logical3A_742 = arith.constant 9 : i32
    %shift_right_logical3A_743 = vector.broadcast %shift_right_logical3A_742 : i32 to vector<16xi32>
    %shift_right_logical3A_744 = arith.shrui %get3A_725, %shift_right_logical3A_743 : vector<16xi32>
    %and3A_745 = arith.constant 7 : i32
    %and3A_746 = vector.broadcast %and3A_745 : i32 to vector<16xi32>
    %and3A_747 = arith.andi %shift_right_logical3A_744, %and3A_746 : vector<16xi32>
    %mul3A_748 = arith.constant 128 : i32
    %mul3A_749 = vector.broadcast %mul3A_748 : i32 to vector<16xi32>
    %mul3A_750 = arith.muli %and3A_747, %mul3A_749 : vector<16xi32>
    %add3A_751 = arith.addi %add3A_741, %mul3A_750 : vector<16xi32>
    %and3A_752 = arith.constant 127 : i32
    %and3A_753 = vector.broadcast %and3A_752 : i32 to vector<16xi32>
    %and3A_754 = arith.andi %get3A_725, %and3A_753 : vector<16xi32>
    %add3A_755 = arith.addi %add3A_751, %and3A_754 : vector<16xi32>
    %add3A_756 = arith.constant 0 : i32
    %add3A_757 = arith.addi %mul3A_139, %add3A_756 : i32
    %add3A_758 = vector.broadcast %add3A_757 : i32 to vector<16xi32>
    %add3A_759 = arith.addi %add3A_755, %add3A_758 : vector<16xi32>
    %swap3A_760 = arith.constant 0 : i32
    %swap3A_761 = arith.index_cast %swap3A_760 : i32 to index
    %swap3A_762 = arith.constant 64 : index
    %swap3A_763 = tpu.vector_load %arg14[%swap3A_761, %swap3A_762] {strides = array<i32>} : memref<10x128xi32, #tpu.memory_space<vmem>>, vector<1x16xi32>,
    %swap3A_764 = vector.shape_cast %swap3A_763 : vector<1x16xi32> to vector<16xi32>
    %swap3A_765 = vector.shape_cast %add3A_759 : vector<16xi32> to vector<1x16xi32>
    tpu.vector_store %arg14[%swap3A_761, %swap3A_762], %swap3A_765 {strides = array<i32>} : memref<10x128xi32, #tpu.memory_space<vmem>>, vector<1x16xi32>,
    %add3A_766 = arith.constant 262144 : i32
    %add3A_767 = arith.addi %mul3A_139, %add3A_766 : i32
    %add3A_768 = vector.broadcast %add3A_767 : i32 to vector<16xi32>
    %add3A_769 = arith.addi %add3A_755, %add3A_768 : vector<16xi32>
    %swap3A_770 = arith.constant 1 : i32
    %swap3A_771 = arith.index_cast %swap3A_770 : i32 to index
    %swap3A_772 = arith.constant 64 : index
    %swap3A_773 = tpu.vector_load %arg14[%swap3A_771, %swap3A_772] {strides = array<i32>} : memref<10x128xi32, #tpu.memory_space<vmem>>, vector<1x16xi32>,
    %swap3A_774 = vector.shape_cast %swap3A_773 : vector<1x16xi32> to vector<16xi32>
    %swap3A_775 = vector.shape_cast %add3A_769 : vector<16xi32> to vector<1x16xi32>
    tpu.vector_store %arg14[%swap3A_771, %swap3A_772], %swap3A_775 {strides = array<i32>} : memref<10x128xi32, #tpu.memory_space<vmem>>, vector<1x16xi32>,
    %add3A_776 = arith.constant 524288 : i32
    %add3A_777 = arith.addi %mul3A_139, %add3A_776 : i32
    %add3A_778 = vector.broadcast %add3A_777 : i32 to vector<16xi32>
    %add3A_779 = arith.addi %add3A_755, %add3A_778 : vector<16xi32>
    %swap3A_780 = arith.constant 2 : i32
    %swap3A_781 = arith.index_cast %swap3A_780 : i32 to index
    %swap3A_782 = arith.constant 64 : index
    %swap3A_783 = tpu.vector_load %arg14[%swap3A_781, %swap3A_782] {strides = array<i32>} : memref<10x128xi32, #tpu.memory_space<vmem>>, vector<1x16xi32>,
    %swap3A_784 = vector.shape_cast %swap3A_783 : vector<1x16xi32> to vector<16xi32>
    %swap3A_785 = vector.shape_cast %add3A_779 : vector<16xi32> to vector<1x16xi32>
    tpu.vector_store %arg14[%swap3A_781, %swap3A_782], %swap3A_785 {strides = array<i32>} : memref<10x128xi32, #tpu.memory_space<vmem>>, vector<1x16xi32>,
    %add3A_786 = arith.constant 786432 : i32
    %add3A_787 = arith.addi %mul3A_139, %add3A_786 : i32
    %add3A_788 = vector.broadcast %add3A_787 : i32 to vector<16xi32>
    %add3A_789 = arith.addi %add3A_755, %add3A_788 : vector<16xi32>
    %swap3A_790 = arith.constant 3 : i32
    %swap3A_791 = arith.index_cast %swap3A_790 : i32 to index
    %swap3A_792 = arith.constant 64 : index
    %swap3A_793 = tpu.vector_load %arg14[%swap3A_791, %swap3A_792] {strides = array<i32>} : memref<10x128xi32, #tpu.memory_space<vmem>>, vector<1x16xi32>,
    %swap3A_794 = vector.shape_cast %swap3A_793 : vector<1x16xi32> to vector<16xi32>
    %swap3A_795 = vector.shape_cast %add3A_789 : vector<16xi32> to vector<1x16xi32>
    tpu.vector_store %arg14[%swap3A_791, %swap3A_792], %swap3A_795 {strides = array<i32>} : memref<10x128xi32, #tpu.memory_space<vmem>>, vector<1x16xi32>,
    %add3A_796 = arith.constant 1048576 : i32
    %add3A_797 = arith.addi %mul3A_139, %add3A_796 : i32
    %add3A_798 = vector.broadcast %add3A_797 : i32 to vector<16xi32>
    %add3A_799 = arith.addi %add3A_755, %add3A_798 : vector<16xi32>
    %swap3A_800 = arith.constant 4 : i32
    %swap3A_801 = arith.index_cast %swap3A_800 : i32 to index
    %swap3A_802 = arith.constant 64 : index
    %swap3A_803 = tpu.vector_load %arg14[%swap3A_801, %swap3A_802] {strides = array<i32>} : memref<10x128xi32, #tpu.memory_space<vmem>>, vector<1x16xi32>,
    %swap3A_804 = vector.shape_cast %swap3A_803 : vector<1x16xi32> to vector<16xi32>
    %swap3A_805 = vector.shape_cast %add3A_799 : vector<16xi32> to vector<1x16xi32>
    tpu.vector_store %arg14[%swap3A_801, %swap3A_802], %swap3A_805 {strides = array<i32>} : memref<10x128xi32, #tpu.memory_space<vmem>>, vector<1x16xi32>,
    %add3A_806 = arith.constant 1310720 : i32
    %add3A_807 = arith.addi %mul3A_139, %add3A_806 : i32
    %add3A_808 = vector.broadcast %add3A_807 : i32 to vector<16xi32>
    %add3A_809 = arith.addi %add3A_755, %add3A_808 : vector<16xi32>
    %swap3A_810 = arith.constant 5 : i32
    %swap3A_811 = arith.index_cast %swap3A_810 : i32 to index
    %swap3A_812 = arith.constant 64 : index
    %swap3A_813 = tpu.vector_load %arg14[%swap3A_811, %swap3A_812] {strides = array<i32>} : memref<10x128xi32, #tpu.memory_space<vmem>>, vector<1x16xi32>,
    %swap3A_814 = vector.shape_cast %swap3A_813 : vector<1x16xi32> to vector<16xi32>
    %swap3A_815 = vector.shape_cast %add3A_809 : vector<16xi32> to vector<1x16xi32>
    tpu.vector_store %arg14[%swap3A_811, %swap3A_812], %swap3A_815 {strides = array<i32>} : memref<10x128xi32, #tpu.memory_space<vmem>>, vector<1x16xi32>,
    %add3A_816 = arith.constant 1572864 : i32
    %add3A_817 = arith.addi %mul3A_139, %add3A_816 : i32
    %add3A_818 = vector.broadcast %add3A_817 : i32 to vector<16xi32>
    %add3A_819 = arith.addi %add3A_755, %add3A_818 : vector<16xi32>
    %swap3A_820 = arith.constant 6 : i32
    %swap3A_821 = arith.index_cast %swap3A_820 : i32 to index
    %swap3A_822 = arith.constant 64 : index
    %swap3A_823 = tpu.vector_load %arg14[%swap3A_821, %swap3A_822] {strides = array<i32>} : memref<10x128xi32, #tpu.memory_space<vmem>>, vector<1x16xi32>,
    %swap3A_824 = vector.shape_cast %swap3A_823 : vector<1x16xi32> to vector<16xi32>
    %swap3A_825 = vector.shape_cast %add3A_819 : vector<16xi32> to vector<1x16xi32>
    tpu.vector_store %arg14[%swap3A_821, %swap3A_822], %swap3A_825 {strides = array<i32>} : memref<10x128xi32, #tpu.memory_space<vmem>>, vector<1x16xi32>,
    %add3A_826 = arith.constant 1835008 : i32
    %add3A_827 = arith.addi %mul3A_139, %add3A_826 : i32
    %add3A_828 = vector.broadcast %add3A_827 : i32 to vector<16xi32>
    %add3A_829 = arith.addi %add3A_755, %add3A_828 : vector<16xi32>
    %swap3A_830 = arith.constant 7 : i32
    %swap3A_831 = arith.index_cast %swap3A_830 : i32 to index
    %swap3A_832 = arith.constant 64 : index
    %swap3A_833 = tpu.vector_load %arg14[%swap3A_831, %swap3A_832] {strides = array<i32>} : memref<10x128xi32, #tpu.memory_space<vmem>>, vector<1x16xi32>,
    %swap3A_834 = vector.shape_cast %swap3A_833 : vector<1x16xi32> to vector<16xi32>
    %swap3A_835 = vector.shape_cast %add3A_829 : vector<16xi32> to vector<1x16xi32>
    tpu.vector_store %arg14[%swap3A_831, %swap3A_832], %swap3A_835 {strides = array<i32>} : memref<10x128xi32, #tpu.memory_space<vmem>>, vector<1x16xi32>,
    %add3A_836 = arith.constant 2097152 : i32
    %add3A_837 = arith.addi %mul3A_139, %add3A_836 : i32
    %add3A_838 = vector.broadcast %add3A_837 : i32 to vector<16xi32>
    %add3A_839 = arith.addi %add3A_755, %add3A_838 : vector<16xi32>
    %swap3A_840 = arith.constant 8 : i32
    %swap3A_841 = arith.index_cast %swap3A_840 : i32 to index
    %swap3A_842 = arith.constant 64 : index
    %swap3A_843 = tpu.vector_load %arg14[%swap3A_841, %swap3A_842] {strides = array<i32>} : memref<10x128xi32, #tpu.memory_space<vmem>>, vector<1x16xi32>,
    %swap3A_844 = vector.shape_cast %swap3A_843 : vector<1x16xi32> to vector<16xi32>
    %swap3A_845 = vector.shape_cast %add3A_839 : vector<16xi32> to vector<1x16xi32>
    tpu.vector_store %arg14[%swap3A_841, %swap3A_842], %swap3A_845 {strides = array<i32>} : memref<10x128xi32, #tpu.memory_space<vmem>>, vector<1x16xi32>,
    %add3A_846 = arith.constant 2359296 : i32
    %add3A_847 = arith.addi %mul3A_139, %add3A_846 : i32
    %add3A_848 = vector.broadcast %add3A_847 : i32 to vector<16xi32>
    %add3A_849 = arith.addi %add3A_755, %add3A_848 : vector<16xi32>
    %swap3A_850 = arith.constant 9 : i32
    %swap3A_851 = arith.index_cast %swap3A_850 : i32 to index
    %swap3A_852 = arith.constant 64 : index
    %swap3A_853 = tpu.vector_load %arg14[%swap3A_851, %swap3A_852] {strides = array<i32>} : memref<10x128xi32, #tpu.memory_space<vmem>>, vector<1x16xi32>,
    %swap3A_854 = vector.shape_cast %swap3A_853 : vector<1x16xi32> to vector<16xi32>
    %swap3A_855 = vector.shape_cast %add3A_849 : vector<16xi32> to vector<1x16xi32>
    tpu.vector_store %arg14[%swap3A_851, %swap3A_852], %swap3A_855 {strides = array<i32>} : memref<10x128xi32, #tpu.memory_space<vmem>>, vector<1x16xi32>,
    %get3A_856 = arith.constant 64 : index
    %get3A_857 = tpu.vector_load %arg11[%get3A_856] {strides = array<i32>} : memref<128xi32, #tpu.memory_space<vmem>>, vector<16xi32>,
    %get3A_858 = vector.shape_cast %get3A_857 : vector<16xi32> to vector<16xi32>
    %mul3A_859 = arith.constant 262144 : i32
    %mul3A_860 = vector.broadcast %mul3A_859 : i32 to vector<16xi32>
    %mul3A_861 = arith.muli %get3A_858, %mul3A_860 : vector<16xi32>
    %add3A_862 = vector.broadcast %mul3A_141 : i32 to vector<16xi32>
    %add3A_863 = arith.addi %add3A_862, %mul3A_861 : vector<16xi32>
    %add3A_864 = arith.addi %add3A_755, %add3A_863 : vector<16xi32>
    %swap3A_865 = arith.constant 64 : index
    %swap3A_866 = tpu.vector_load %arg15[%swap3A_865] {strides = array<i32>} : memref<128xi32, #tpu.memory_space<vmem>>, vector<16xi32>,
    %swap3A_867 = vector.shape_cast %swap3A_866 : vector<16xi32> to vector<16xi32>
    %swap3A_868 = vector.shape_cast %add3A_864 : vector<16xi32> to vector<16xi32>
    tpu.vector_store %arg15[%swap3A_865], %swap3A_868 {strides = array<i32>} : memref<128xi32, #tpu.memory_space<vmem>>, vector<16xi32>,
    %get3A_869 = arith.constant 80 : index
    %get3A_870 = tpu.vector_load %arg10[%get3A_869] {strides = array<i32>} : memref<128xi32, #tpu.memory_space<vmem>>, vector<16xi32>,
    %get3A_871 = vector.shape_cast %get3A_870 : vector<16xi32> to vector<16xi32>
    %shift_right_logical3A_872 = arith.constant 12 : i32
    %shift_right_logical3A_873 = vector.broadcast %shift_right_logical3A_872 : i32 to vector<16xi32>
    %shift_right_logical3A_874 = arith.shrui %get3A_871, %shift_right_logical3A_873 : vector<16xi32>
    %mul3A_875 = arith.constant 4096 : i32
    %mul3A_876 = vector.broadcast %mul3A_875 : i32 to vector<16xi32>
    %mul3A_877 = arith.muli %shift_right_logical3A_874, %mul3A_876 : vector<16xi32>
    %shift_right_logical3A_878 = arith.constant 7 : i32
    %shift_right_logical3A_879 = vector.broadcast %shift_right_logical3A_878 : i32 to vector<16xi32>
    %shift_right_logical3A_880 = arith.shrui %get3A_871, %shift_right_logical3A_879 : vector<16xi32>
    %and3A_881 = arith.constant 3 : i32
    %and3A_882 = vector.broadcast %and3A_881 : i32 to vector<16xi32>
    %and3A_883 = arith.andi %shift_right_logical3A_880, %and3A_882 : vector<16xi32>
    %mul3A_884 = arith.constant 1024 : i32
    %mul3A_885 = vector.broadcast %mul3A_884 : i32 to vector<16xi32>
    %mul3A_886 = arith.muli %and3A_883, %mul3A_885 : vector<16xi32>
    %add3A_887 = arith.addi %mul3A_877, %mul3A_886 : vector<16xi32>
    %shift_right_logical3A_888 = arith.constant 9 : i32
    %shift_right_logical3A_889 = vector.broadcast %shift_right_logical3A_888 : i32 to vector<16xi32>
    %shift_right_logical3A_890 = arith.shrui %get3A_871, %shift_right_logical3A_889 : vector<16xi32>
    %and3A_891 = arith.constant 7 : i32
    %and3A_892 = vector.broadcast %and3A_891 : i32 to vector<16xi32>
    %and3A_893 = arith.andi %shift_right_logical3A_890, %and3A_892 : vector<16xi32>
    %mul3A_894 = arith.constant 128 : i32
    %mul3A_895 = vector.broadcast %mul3A_894 : i32 to vector<16xi32>
    %mul3A_896 = arith.muli %and3A_893, %mul3A_895 : vector<16xi32>
    %add3A_897 = arith.addi %add3A_887, %mul3A_896 : vector<16xi32>
    %and3A_898 = arith.constant 127 : i32
    %and3A_899 = vector.broadcast %and3A_898 : i32 to vector<16xi32>
    %and3A_900 = arith.andi %get3A_871, %and3A_899 : vector<16xi32>
    %add3A_901 = arith.addi %add3A_897, %and3A_900 : vector<16xi32>
    %add3A_902 = arith.constant 0 : i32
    %add3A_903 = arith.addi %mul3A_139, %add3A_902 : i32
    %add3A_904 = vector.broadcast %add3A_903 : i32 to vector<16xi32>
    %add3A_905 = arith.addi %add3A_901, %add3A_904 : vector<16xi32>
    %swap3A_906 = arith.constant 0 : i32
    %swap3A_907 = arith.index_cast %swap3A_906 : i32 to index
    %swap3A_908 = arith.constant 80 : index
    %swap3A_909 = tpu.vector_load %arg14[%swap3A_907, %swap3A_908] {strides = array<i32>} : memref<10x128xi32, #tpu.memory_space<vmem>>, vector<1x16xi32>,
    %swap3A_910 = vector.shape_cast %swap3A_909 : vector<1x16xi32> to vector<16xi32>
    %swap3A_911 = vector.shape_cast %add3A_905 : vector<16xi32> to vector<1x16xi32>
    tpu.vector_store %arg14[%swap3A_907, %swap3A_908], %swap3A_911 {strides = array<i32>} : memref<10x128xi32, #tpu.memory_space<vmem>>, vector<1x16xi32>,
    %add3A_912 = arith.constant 262144 : i32
    %add3A_913 = arith.addi %mul3A_139, %add3A_912 : i32
    %add3A_914 = vector.broadcast %add3A_913 : i32 to vector<16xi32>
    %add3A_915 = arith.addi %add3A_901, %add3A_914 : vector<16xi32>
    %swap3A_916 = arith.constant 1 : i32
    %swap3A_917 = arith.index_cast %swap3A_916 : i32 to index
    %swap3A_918 = arith.constant 80 : index
    %swap3A_919 = tpu.vector_load %arg14[%swap3A_917, %swap3A_918] {strides = array<i32>} : memref<10x128xi32, #tpu.memory_space<vmem>>, vector<1x16xi32>,
    %swap3A_920 = vector.shape_cast %swap3A_919 : vector<1x16xi32> to vector<16xi32>
    %swap3A_921 = vector.shape_cast %add3A_915 : vector<16xi32> to vector<1x16xi32>
    tpu.vector_store %arg14[%swap3A_917, %swap3A_918], %swap3A_921 {strides = array<i32>} : memref<10x128xi32, #tpu.memory_space<vmem>>, vector<1x16xi32>,
    %add3A_922 = arith.constant 524288 : i32
    %add3A_923 = arith.addi %mul3A_139, %add3A_922 : i32
    %add3A_924 = vector.broadcast %add3A_923 : i32 to vector<16xi32>
    %add3A_925 = arith.addi %add3A_901, %add3A_924 : vector<16xi32>
    %swap3A_926 = arith.constant 2 : i32
    %swap3A_927 = arith.index_cast %swap3A_926 : i32 to index
    %swap3A_928 = arith.constant 80 : index
    %swap3A_929 = tpu.vector_load %arg14[%swap3A_927, %swap3A_928] {strides = array<i32>} : memref<10x128xi32, #tpu.memory_space<vmem>>, vector<1x16xi32>,
    %swap3A_930 = vector.shape_cast %swap3A_929 : vector<1x16xi32> to vector<16xi32>
    %swap3A_931 = vector.shape_cast %add3A_925 : vector<16xi32> to vector<1x16xi32>
    tpu.vector_store %arg14[%swap3A_927, %swap3A_928], %swap3A_931 {strides = array<i32>} : memref<10x128xi32, #tpu.memory_space<vmem>>, vector<1x16xi32>,
    %add3A_932 = arith.constant 786432 : i32
    %add3A_933 = arith.addi %mul3A_139, %add3A_932 : i32
    %add3A_934 = vector.broadcast %add3A_933 : i32 to vector<16xi32>
    %add3A_935 = arith.addi %add3A_901, %add3A_934 : vector<16xi32>
    %swap3A_936 = arith.constant 3 : i32
    %swap3A_937 = arith.index_cast %swap3A_936 : i32 to index
    %swap3A_938 = arith.constant 80 : index
    %swap3A_939 = tpu.vector_load %arg14[%swap3A_937, %swap3A_938] {strides = array<i32>} : memref<10x128xi32, #tpu.memory_space<vmem>>, vector<1x16xi32>,
    %swap3A_940 = vector.shape_cast %swap3A_939 : vector<1x16xi32> to vector<16xi32>
    %swap3A_941 = vector.shape_cast %add3A_935 : vector<16xi32> to vector<1x16xi32>
    tpu.vector_store %arg14[%swap3A_937, %swap3A_938], %swap3A_941 {strides = array<i32>} : memref<10x128xi32, #tpu.memory_space<vmem>>, vector<1x16xi32>,
    %add3A_942 = arith.constant 1048576 : i32
    %add3A_943 = arith.addi %mul3A_139, %add3A_942 : i32
    %add3A_944 = vector.broadcast %add3A_943 : i32 to vector<16xi32>
    %add3A_945 = arith.addi %add3A_901, %add3A_944 : vector<16xi32>
    %swap3A_946 = arith.constant 4 : i32
    %swap3A_947 = arith.index_cast %swap3A_946 : i32 to index
    %swap3A_948 = arith.constant 80 : index
    %swap3A_949 = tpu.vector_load %arg14[%swap3A_947, %swap3A_948] {strides = array<i32>} : memref<10x128xi32, #tpu.memory_space<vmem>>, vector<1x16xi32>,
    %swap3A_950 = vector.shape_cast %swap3A_949 : vector<1x16xi32> to vector<16xi32>
    %swap3A_951 = vector.shape_cast %add3A_945 : vector<16xi32> to vector<1x16xi32>
    tpu.vector_store %arg14[%swap3A_947, %swap3A_948], %swap3A_951 {strides = array<i32>} : memref<10x128xi32, #tpu.memory_space<vmem>>, vector<1x16xi32>,
    %add3A_952 = arith.constant 1310720 : i32
    %add3A_953 = arith.addi %mul3A_139, %add3A_952 : i32
    %add3A_954 = vector.broadcast %add3A_953 : i32 to vector<16xi32>
    %add3A_955 = arith.addi %add3A_901, %add3A_954 : vector<16xi32>
    %swap3A_956 = arith.constant 5 : i32
    %swap3A_957 = arith.index_cast %swap3A_956 : i32 to index
    %swap3A_958 = arith.constant 80 : index
    %swap3A_959 = tpu.vector_load %arg14[%swap3A_957, %swap3A_958] {strides = array<i32>} : memref<10x128xi32, #tpu.memory_space<vmem>>, vector<1x16xi32>,
    %swap3A_960 = vector.shape_cast %swap3A_959 : vector<1x16xi32> to vector<16xi32>
    %swap3A_961 = vector.shape_cast %add3A_955 : vector<16xi32> to vector<1x16xi32>
    tpu.vector_store %arg14[%swap3A_957, %swap3A_958], %swap3A_961 {strides = array<i32>} : memref<10x128xi32, #tpu.memory_space<vmem>>, vector<1x16xi32>,
    %add3A_962 = arith.constant 1572864 : i32
    %add3A_963 = arith.addi %mul3A_139, %add3A_962 : i32
    %add3A_964 = vector.broadcast %add3A_963 : i32 to vector<16xi32>
    %add3A_965 = arith.addi %add3A_901, %add3A_964 : vector<16xi32>
    %swap3A_966 = arith.constant 6 : i32
    %swap3A_967 = arith.index_cast %swap3A_966 : i32 to index
    %swap3A_968 = arith.constant 80 : index
    %swap3A_969 = tpu.vector_load %arg14[%swap3A_967, %swap3A_968] {strides = array<i32>} : memref<10x128xi32, #tpu.memory_space<vmem>>, vector<1x16xi32>,
    %swap3A_970 = vector.shape_cast %swap3A_969 : vector<1x16xi32> to vector<16xi32>
    %swap3A_971 = vector.shape_cast %add3A_965 : vector<16xi32> to vector<1x16xi32>
    tpu.vector_store %arg14[%swap3A_967, %swap3A_968], %swap3A_971 {strides = array<i32>} : memref<10x128xi32, #tpu.memory_space<vmem>>, vector<1x16xi32>,
    %add3A_972 = arith.constant 1835008 : i32
    %add3A_973 = arith.addi %mul3A_139, %add3A_972 : i32
    %add3A_974 = vector.broadcast %add3A_973 : i32 to vector<16xi32>
    %add3A_975 = arith.addi %add3A_901, %add3A_974 : vector<16xi32>
    %swap3A_976 = arith.constant 7 : i32
    %swap3A_977 = arith.index_cast %swap3A_976 : i32 to index
    %swap3A_978 = arith.constant 80 : index
    %swap3A_979 = tpu.vector_load %arg14[%swap3A_977, %swap3A_978] {strides = array<i32>} : memref<10x128xi32, #tpu.memory_space<vmem>>, vector<1x16xi32>,
    %swap3A_980 = vector.shape_cast %swap3A_979 : vector<1x16xi32> to vector<16xi32>
    %swap3A_981 = vector.shape_cast %add3A_975 : vector<16xi32> to vector<1x16xi32>
    tpu.vector_store %arg14[%swap3A_977, %swap3A_978], %swap3A_981 {strides = array<i32>} : memref<10x128xi32, #tpu.memory_space<vmem>>, vector<1x16xi32>,
    %add3A_982 = arith.constant 2097152 : i32
    %add3A_983 = arith.addi %mul3A_139, %add3A_982 : i32
    %add3A_984 = vector.broadcast %add3A_983 : i32 to vector<16xi32>
    %add3A_985 = arith.addi %add3A_901, %add3A_984 : vector<16xi32>
    %swap3A_986 = arith.constant 8 : i32
    %swap3A_987 = arith.index_cast %swap3A_986 : i32 to index
    %swap3A_988 = arith.constant 80 : index
    %swap3A_989 = tpu.vector_load %arg14[%swap3A_987, %swap3A_988] {strides = array<i32>} : memref<10x128xi32, #tpu.memory_space<vmem>>, vector<1x16xi32>,
    %swap3A_990 = vector.shape_cast %swap3A_989 : vector<1x16xi32> to vector<16xi32>
    %swap3A_991 = vector.shape_cast %add3A_985 : vector<16xi32> to vector<1x16xi32>
    tpu.vector_store %arg14[%swap3A_987, %swap3A_988], %swap3A_991 {strides = array<i32>} : memref<10x128xi32, #tpu.memory_space<vmem>>, vector<1x16xi32>,
    %add3A_992 = arith.constant 2359296 : i32
    %add3A_993 = arith.addi %mul3A_139, %add3A_992 : i32
    %add3A_994 = vector.broadcast %add3A_993 : i32 to vector<16xi32>
    %add3A_995 = arith.addi %add3A_901, %add3A_994 : vector<16xi32>
    %swap3A_996 = arith.constant 9 : i32
    %swap3A_997 = arith.index_cast %swap3A_996 : i32 to index
    %swap3A_998 = arith.constant 80 : index
    %swap3A_999 = tpu.vector_load %arg14[%swap3A_997, %swap3A_998] {strides = array<i32>} : memref<10x128xi32, #tpu.memory_space<vmem>>, vector<1x16xi32>,
    %swap3A_1000 = vector.shape_cast %swap3A_999 : vector<1x16xi32> to vector<16xi32>
    %swap3A_1001 = vector.shape_cast %add3A_995 : vector<16xi32> to vector<1x16xi32>
    tpu.vector_store %arg14[%swap3A_997, %swap3A_998], %swap3A_1001 {strides = array<i32>} : memref<10x128xi32, #tpu.memory_space<vmem>>, vector<1x16xi32>,
    %get3A_1002 = arith.constant 80 : index
    %get3A_1003 = tpu.vector_load %arg11[%get3A_1002] {strides = array<i32>} : memref<128xi32, #tpu.memory_space<vmem>>, vector<16xi32>,
    %get3A_1004 = vector.shape_cast %get3A_1003 : vector<16xi32> to vector<16xi32>
    %mul3A_1005 = arith.constant 262144 : i32
    %mul3A_1006 = vector.broadcast %mul3A_1005 : i32 to vector<16xi32>
    %mul3A_1007 = arith.muli %get3A_1004, %mul3A_1006 : vector<16xi32>
    %add3A_1008 = vector.broadcast %mul3A_141 : i32 to vector<16xi32>
    %add3A_1009 = arith.addi %add3A_1008, %mul3A_1007 : vector<16xi32>
    %add3A_1010 = arith.addi %add3A_901, %add3A_1009 : vector<16xi32>
    %swap3A_1011 = arith.constant 80 : index
    %swap3A_1012 = tpu.vector_load %arg15[%swap3A_1011] {strides = array<i32>} : memref<128xi32, #tpu.memory_space<vmem>>, vector<16xi32>,
    %swap3A_1013 = vector.shape_cast %swap3A_1012 : vector<16xi32> to vector<16xi32>
    %swap3A_1014 = vector.shape_cast %add3A_1010 : vector<16xi32> to vector<16xi32>
    tpu.vector_store %arg15[%swap3A_1011], %swap3A_1014 {strides = array<i32>} : memref<128xi32, #tpu.memory_space<vmem>>, vector<16xi32>,
    %get3A_1015 = arith.constant 96 : index
    %get3A_1016 = tpu.vector_load %arg10[%get3A_1015] {strides = array<i32>} : memref<128xi32, #tpu.memory_space<vmem>>, vector<16xi32>,
    %get3A_1017 = vector.shape_cast %get3A_1016 : vector<16xi32> to vector<16xi32>
    %shift_right_logical3A_1018 = arith.constant 12 : i32
    %shift_right_logical3A_1019 = vector.broadcast %shift_right_logical3A_1018 : i32 to vector<16xi32>
    %shift_right_logical3A_1020 = arith.shrui %get3A_1017, %shift_right_logical3A_1019 : vector<16xi32>
    %mul3A_1021 = arith.constant 4096 : i32
    %mul3A_1022 = vector.broadcast %mul3A_1021 : i32 to vector<16xi32>
    %mul3A_1023 = arith.muli %shift_right_logical3A_1020, %mul3A_1022 : vector<16xi32>
    %shift_right_logical3A_1024 = arith.constant 7 : i32
    %shift_right_logical3A_1025 = vector.broadcast %shift_right_logical3A_1024 : i32 to vector<16xi32>
    %shift_right_logical3A_1026 = arith.shrui %get3A_1017, %shift_right_logical3A_1025 : vector<16xi32>
    %and3A_1027 = arith.constant 3 : i32
    %and3A_1028 = vector.broadcast %and3A_1027 : i32 to vector<16xi32>
    %and3A_1029 = arith.andi %shift_right_logical3A_1026, %and3A_1028 : vector<16xi32>
    %mul3A_1030 = arith.constant 1024 : i32
    %mul3A_1031 = vector.broadcast %mul3A_1030 : i32 to vector<16xi32>
    %mul3A_1032 = arith.muli %and3A_1029, %mul3A_1031 : vector<16xi32>
    %add3A_1033 = arith.addi %mul3A_1023, %mul3A_1032 : vector<16xi32>
    %shift_right_logical3A_1034 = arith.constant 9 : i32
    %shift_right_logical3A_1035 = vector.broadcast %shift_right_logical3A_1034 : i32 to vector<16xi32>
    %shift_right_logical3A_1036 = arith.shrui %get3A_1017, %shift_right_logical3A_1035 : vector<16xi32>
    %and3A_1037 = arith.constant 7 : i32
    %and3A_1038 = vector.broadcast %and3A_1037 : i32 to vector<16xi32>
    %and3A_1039 = arith.andi %shift_right_logical3A_1036, %and3A_1038 : vector<16xi32>
    %mul3A_1040 = arith.constant 128 : i32
    %mul3A_1041 = vector.broadcast %mul3A_1040 : i32 to vector<16xi32>
    %mul3A_1042 = arith.muli %and3A_1039, %mul3A_1041 : vector<16xi32>
    %add3A_1043 = arith.addi %add3A_1033, %mul3A_1042 : vector<16xi32>
    %and3A_1044 = arith.constant 127 : i32
    %and3A_1045 = vector.broadcast %and3A_1044 : i32 to vector<16xi32>
    %and3A_1046 = arith.andi %get3A_1017, %and3A_1045 : vector<16xi32>
    %add3A_1047 = arith.addi %add3A_1043, %and3A_1046 : vector<16xi32>
    %add3A_1048 = arith.constant 0 : i32
    %add3A_1049 = arith.addi %mul3A_139, %add3A_1048 : i32
    %add3A_1050 = vector.broadcast %add3A_1049 : i32 to vector<16xi32>
    %add3A_1051 = arith.addi %add3A_1047, %add3A_1050 : vector<16xi32>
    %swap3A_1052 = arith.constant 0 : i32
    %swap3A_1053 = arith.index_cast %swap3A_1052 : i32 to index
    %swap3A_1054 = arith.constant 96 : index
    %swap3A_1055 = tpu.vector_load %arg14[%swap3A_1053, %swap3A_1054] {strides = array<i32>} : memref<10x128xi32, #tpu.memory_space<vmem>>, vector<1x16xi32>,
    %swap3A_1056 = vector.shape_cast %swap3A_1055 : vector<1x16xi32> to vector<16xi32>
    %swap3A_1057 = vector.shape_cast %add3A_1051 : vector<16xi32> to vector<1x16xi32>
    tpu.vector_store %arg14[%swap3A_1053, %swap3A_1054], %swap3A_1057 {strides = array<i32>} : memref<10x128xi32, #tpu.memory_space<vmem>>, vector<1x16xi32>,
    %add3A_1058 = arith.constant 262144 : i32
    %add3A_1059 = arith.addi %mul3A_139, %add3A_1058 : i32
    %add3A_1060 = vector.broadcast %add3A_1059 : i32 to vector<16xi32>
    %add3A_1061 = arith.addi %add3A_1047, %add3A_1060 : vector<16xi32>
    %swap3A_1062 = arith.constant 1 : i32
    %swap3A_1063 = arith.index_cast %swap3A_1062 : i32 to index
    %swap3A_1064 = arith.constant 96 : index
    %swap3A_1065 = tpu.vector_load %arg14[%swap3A_1063, %swap3A_1064] {strides = array<i32>} : memref<10x128xi32, #tpu.memory_space<vmem>>, vector<1x16xi32>,
    %swap3A_1066 = vector.shape_cast %swap3A_1065 : vector<1x16xi32> to vector<16xi32>
    %swap3A_1067 = vector.shape_cast %add3A_1061 : vector<16xi32> to vector<1x16xi32>
    tpu.vector_store %arg14[%swap3A_1063, %swap3A_1064], %swap3A_1067 {strides = array<i32>} : memref<10x128xi32, #tpu.memory_space<vmem>>, vector<1x16xi32>,
    %add3A_1068 = arith.constant 524288 : i32
    %add3A_1069 = arith.addi %mul3A_139, %add3A_1068 : i32
    %add3A_1070 = vector.broadcast %add3A_1069 : i32 to vector<16xi32>
    %add3A_1071 = arith.addi %add3A_1047, %add3A_1070 : vector<16xi32>
    %swap3A_1072 = arith.constant 2 : i32
    %swap3A_1073 = arith.index_cast %swap3A_1072 : i32 to index
    %swap3A_1074 = arith.constant 96 : index
    %swap3A_1075 = tpu.vector_load %arg14[%swap3A_1073, %swap3A_1074] {strides = array<i32>} : memref<10x128xi32, #tpu.memory_space<vmem>>, vector<1x16xi32>,
    %swap3A_1076 = vector.shape_cast %swap3A_1075 : vector<1x16xi32> to vector<16xi32>
    %swap3A_1077 = vector.shape_cast %add3A_1071 : vector<16xi32> to vector<1x16xi32>
    tpu.vector_store %arg14[%swap3A_1073, %swap3A_1074], %swap3A_1077 {strides = array<i32>} : memref<10x128xi32, #tpu.memory_space<vmem>>, vector<1x16xi32>,
    %add3A_1078 = arith.constant 786432 : i32
    %add3A_1079 = arith.addi %mul3A_139, %add3A_1078 : i32
    %add3A_1080 = vector.broadcast %add3A_1079 : i32 to vector<16xi32>
    %add3A_1081 = arith.addi %add3A_1047, %add3A_1080 : vector<16xi32>
    %swap3A_1082 = arith.constant 3 : i32
    %swap3A_1083 = arith.index_cast %swap3A_1082 : i32 to index
    %swap3A_1084 = arith.constant 96 : index
    %swap3A_1085 = tpu.vector_load %arg14[%swap3A_1083, %swap3A_1084] {strides = array<i32>} : memref<10x128xi32, #tpu.memory_space<vmem>>, vector<1x16xi32>,
    %swap3A_1086 = vector.shape_cast %swap3A_1085 : vector<1x16xi32> to vector<16xi32>
    %swap3A_1087 = vector.shape_cast %add3A_1081 : vector<16xi32> to vector<1x16xi32>
    tpu.vector_store %arg14[%swap3A_1083, %swap3A_1084], %swap3A_1087 {strides = array<i32>} : memref<10x128xi32, #tpu.memory_space<vmem>>, vector<1x16xi32>,
    %add3A_1088 = arith.constant 1048576 : i32
    %add3A_1089 = arith.addi %mul3A_139, %add3A_1088 : i32
    %add3A_1090 = vector.broadcast %add3A_1089 : i32 to vector<16xi32>
    %add3A_1091 = arith.addi %add3A_1047, %add3A_1090 : vector<16xi32>
    %swap3A_1092 = arith.constant 4 : i32
    %swap3A_1093 = arith.index_cast %swap3A_1092 : i32 to index
    %swap3A_1094 = arith.constant 96 : index
    %swap3A_1095 = tpu.vector_load %arg14[%swap3A_1093, %swap3A_1094] {strides = array<i32>} : memref<10x128xi32, #tpu.memory_space<vmem>>, vector<1x16xi32>,
    %swap3A_1096 = vector.shape_cast %swap3A_1095 : vector<1x16xi32> to vector<16xi32>
    %swap3A_1097 = vector.shape_cast %add3A_1091 : vector<16xi32> to vector<1x16xi32>
    tpu.vector_store %arg14[%swap3A_1093, %swap3A_1094], %swap3A_1097 {strides = array<i32>} : memref<10x128xi32, #tpu.memory_space<vmem>>, vector<1x16xi32>,
    %add3A_1098 = arith.constant 1310720 : i32
    %add3A_1099 = arith.addi %mul3A_139, %add3A_1098 : i32
    %add3A_1100 = vector.broadcast %add3A_1099 : i32 to vector<16xi32>
    %add3A_1101 = arith.addi %add3A_1047, %add3A_1100 : vector<16xi32>
    %swap3A_1102 = arith.constant 5 : i32
    %swap3A_1103 = arith.index_cast %swap3A_1102 : i32 to index
    %swap3A_1104 = arith.constant 96 : index
    %swap3A_1105 = tpu.vector_load %arg14[%swap3A_1103, %swap3A_1104] {strides = array<i32>} : memref<10x128xi32, #tpu.memory_space<vmem>>, vector<1x16xi32>,
    %swap3A_1106 = vector.shape_cast %swap3A_1105 : vector<1x16xi32> to vector<16xi32>
    %swap3A_1107 = vector.shape_cast %add3A_1101 : vector<16xi32> to vector<1x16xi32>
    tpu.vector_store %arg14[%swap3A_1103, %swap3A_1104], %swap3A_1107 {strides = array<i32>} : memref<10x128xi32, #tpu.memory_space<vmem>>, vector<1x16xi32>,
    %add3A_1108 = arith.constant 1572864 : i32
    %add3A_1109 = arith.addi %mul3A_139, %add3A_1108 : i32
    %add3A_1110 = vector.broadcast %add3A_1109 : i32 to vector<16xi32>
    %add3A_1111 = arith.addi %add3A_1047, %add3A_1110 : vector<16xi32>
    %swap3A_1112 = arith.constant 6 : i32
    %swap3A_1113 = arith.index_cast %swap3A_1112 : i32 to index
    %swap3A_1114 = arith.constant 96 : index
    %swap3A_1115 = tpu.vector_load %arg14[%swap3A_1113, %swap3A_1114] {strides = array<i32>} : memref<10x128xi32, #tpu.memory_space<vmem>>, vector<1x16xi32>,
    %swap3A_1116 = vector.shape_cast %swap3A_1115 : vector<1x16xi32> to vector<16xi32>
    %swap3A_1117 = vector.shape_cast %add3A_1111 : vector<16xi32> to vector<1x16xi32>
    tpu.vector_store %arg14[%swap3A_1113, %swap3A_1114], %swap3A_1117 {strides = array<i32>} : memref<10x128xi32, #tpu.memory_space<vmem>>, vector<1x16xi32>,
    %add3A_1118 = arith.constant 1835008 : i32
    %add3A_1119 = arith.addi %mul3A_139, %add3A_1118 : i32
    %add3A_1120 = vector.broadcast %add3A_1119 : i32 to vector<16xi32>
    %add3A_1121 = arith.addi %add3A_1047, %add3A_1120 : vector<16xi32>
    %swap3A_1122 = arith.constant 7 : i32
    %swap3A_1123 = arith.index_cast %swap3A_1122 : i32 to index
    %swap3A_1124 = arith.constant 96 : index
    %swap3A_1125 = tpu.vector_load %arg14[%swap3A_1123, %swap3A_1124] {strides = array<i32>} : memref<10x128xi32, #tpu.memory_space<vmem>>, vector<1x16xi32>,
    %swap3A_1126 = vector.shape_cast %swap3A_1125 : vector<1x16xi32> to vector<16xi32>
    %swap3A_1127 = vector.shape_cast %add3A_1121 : vector<16xi32> to vector<1x16xi32>
    tpu.vector_store %arg14[%swap3A_1123, %swap3A_1124], %swap3A_1127 {strides = array<i32>} : memref<10x128xi32, #tpu.memory_space<vmem>>, vector<1x16xi32>,
    %add3A_1128 = arith.constant 2097152 : i32
    %add3A_1129 = arith.addi %mul3A_139, %add3A_1128 : i32
    %add3A_1130 = vector.broadcast %add3A_1129 : i32 to vector<16xi32>
    %add3A_1131 = arith.addi %add3A_1047, %add3A_1130 : vector<16xi32>
    %swap3A_1132 = arith.constant 8 : i32
    %swap3A_1133 = arith.index_cast %swap3A_1132 : i32 to index
    %swap3A_1134 = arith.constant 96 : index
    %swap3A_1135 = tpu.vector_load %arg14[%swap3A_1133, %swap3A_1134] {strides = array<i32>} : memref<10x128xi32, #tpu.memory_space<vmem>>, vector<1x16xi32>,
    %swap3A_1136 = vector.shape_cast %swap3A_1135 : vector<1x16xi32> to vector<16xi32>
    %swap3A_1137 = vector.shape_cast %add3A_1131 : vector<16xi32> to vector<1x16xi32>
    tpu.vector_store %arg14[%swap3A_1133, %swap3A_1134], %swap3A_1137 {strides = array<i32>} : memref<10x128xi32, #tpu.memory_space<vmem>>, vector<1x16xi32>,
    %add3A_1138 = arith.constant 2359296 : i32
    %add3A_1139 = arith.addi %mul3A_139, %add3A_1138 : i32
    %add3A_1140 = vector.broadcast %add3A_1139 : i32 to vector<16xi32>
    %add3A_1141 = arith.addi %add3A_1047, %add3A_1140 : vector<16xi32>
    %swap3A_1142 = arith.constant 9 : i32
    %swap3A_1143 = arith.index_cast %swap3A_1142 : i32 to index
    %swap3A_1144 = arith.constant 96 : index
    %swap3A_1145 = tpu.vector_load %arg14[%swap3A_1143, %swap3A_1144] {strides = array<i32>} : memref<10x128xi32, #tpu.memory_space<vmem>>, vector<1x16xi32>,
    %swap3A_1146 = vector.shape_cast %swap3A_1145 : vector<1x16xi32> to vector<16xi32>
    %swap3A_1147 = vector.shape_cast %add3A_1141 : vector<16xi32> to vector<1x16xi32>
    tpu.vector_store %arg14[%swap3A_1143, %swap3A_1144], %swap3A_1147 {strides = array<i32>} : memref<10x128xi32, #tpu.memory_space<vmem>>, vector<1x16xi32>,
    %get3A_1148 = arith.constant 96 : index
    %get3A_1149 = tpu.vector_load %arg11[%get3A_1148] {strides = array<i32>} : memref<128xi32, #tpu.memory_space<vmem>>, vector<16xi32>,
    %get3A_1150 = vector.shape_cast %get3A_1149 : vector<16xi32> to vector<16xi32>
    %mul3A_1151 = arith.constant 262144 : i32
    %mul3A_1152 = vector.broadcast %mul3A_1151 : i32 to vector<16xi32>
    %mul3A_1153 = arith.muli %get3A_1150, %mul3A_1152 : vector<16xi32>
    %add3A_1154 = vector.broadcast %mul3A_141 : i32 to vector<16xi32>
    %add3A_1155 = arith.addi %add3A_1154, %mul3A_1153 : vector<16xi32>
    %add3A_1156 = arith.addi %add3A_1047, %add3A_1155 : vector<16xi32>
    %swap3A_1157 = arith.constant 96 : index
    %swap3A_1158 = tpu.vector_load %arg15[%swap3A_1157] {strides = array<i32>} : memref<128xi32, #tpu.memory_space<vmem>>, vector<16xi32>,
    %swap3A_1159 = vector.shape_cast %swap3A_1158 : vector<16xi32> to vector<16xi32>
    %swap3A_1160 = vector.shape_cast %add3A_1156 : vector<16xi32> to vector<16xi32>
    tpu.vector_store %arg15[%swap3A_1157], %swap3A_1160 {strides = array<i32>} : memref<128xi32, #tpu.memory_space<vmem>>, vector<16xi32>,
    %get3A_1161 = arith.constant 112 : index
    %get3A_1162 = tpu.vector_load %arg10[%get3A_1161] {strides = array<i32>} : memref<128xi32, #tpu.memory_space<vmem>>, vector<16xi32>,
    %get3A_1163 = vector.shape_cast %get3A_1162 : vector<16xi32> to vector<16xi32>
    %shift_right_logical3A_1164 = arith.constant 12 : i32
    %shift_right_logical3A_1165 = vector.broadcast %shift_right_logical3A_1164 : i32 to vector<16xi32>
    %shift_right_logical3A_1166 = arith.shrui %get3A_1163, %shift_right_logical3A_1165 : vector<16xi32>
    %mul3A_1167 = arith.constant 4096 : i32
    %mul3A_1168 = vector.broadcast %mul3A_1167 : i32 to vector<16xi32>
    %mul3A_1169 = arith.muli %shift_right_logical3A_1166, %mul3A_1168 : vector<16xi32>
    %shift_right_logical3A_1170 = arith.constant 7 : i32
    %shift_right_logical3A_1171 = vector.broadcast %shift_right_logical3A_1170 : i32 to vector<16xi32>
    %shift_right_logical3A_1172 = arith.shrui %get3A_1163, %shift_right_logical3A_1171 : vector<16xi32>
    %and3A_1173 = arith.constant 3 : i32
    %and3A_1174 = vector.broadcast %and3A_1173 : i32 to vector<16xi32>
    %and3A_1175 = arith.andi %shift_right_logical3A_1172, %and3A_1174 : vector<16xi32>
    %mul3A_1176 = arith.constant 1024 : i32
    %mul3A_1177 = vector.broadcast %mul3A_1176 : i32 to vector<16xi32>
    %mul3A_1178 = arith.muli %and3A_1175, %mul3A_1177 : vector<16xi32>
    %add3A_1179 = arith.addi %mul3A_1169, %mul3A_1178 : vector<16xi32>
    %shift_right_logical3A_1180 = arith.constant 9 : i32
    %shift_right_logical3A_1181 = vector.broadcast %shift_right_logical3A_1180 : i32 to vector<16xi32>
    %shift_right_logical3A_1182 = arith.shrui %get3A_1163, %shift_right_logical3A_1181 : vector<16xi32>
    %and3A_1183 = arith.constant 7 : i32
    %and3A_1184 = vector.broadcast %and3A_1183 : i32 to vector<16xi32>
    %and3A_1185 = arith.andi %shift_right_logical3A_1182, %and3A_1184 : vector<16xi32>
    %mul3A_1186 = arith.constant 128 : i32
    %mul3A_1187 = vector.broadcast %mul3A_1186 : i32 to vector<16xi32>
    %mul3A_1188 = arith.muli %and3A_1185, %mul3A_1187 : vector<16xi32>
    %add3A_1189 = arith.addi %add3A_1179, %mul3A_1188 : vector<16xi32>
    %and3A_1190 = arith.constant 127 : i32
    %and3A_1191 = vector.broadcast %and3A_1190 : i32 to vector<16xi32>
    %and3A_1192 = arith.andi %get3A_1163, %and3A_1191 : vector<16xi32>
    %add3A_1193 = arith.addi %add3A_1189, %and3A_1192 : vector<16xi32>
    %add3A_1194 = arith.constant 0 : i32
    %add3A_1195 = arith.addi %mul3A_139, %add3A_1194 : i32
    %add3A_1196 = vector.broadcast %add3A_1195 : i32 to vector<16xi32>
    %add3A_1197 = arith.addi %add3A_1193, %add3A_1196 : vector<16xi32>
    %swap3A_1198 = arith.constant 0 : i32
    %swap3A_1199 = arith.index_cast %swap3A_1198 : i32 to index
    %swap3A_1200 = arith.constant 112 : index
    %swap3A_1201 = tpu.vector_load %arg14[%swap3A_1199, %swap3A_1200] {strides = array<i32>} : memref<10x128xi32, #tpu.memory_space<vmem>>, vector<1x16xi32>,
    %swap3A_1202 = vector.shape_cast %swap3A_1201 : vector<1x16xi32> to vector<16xi32>
    %swap3A_1203 = vector.shape_cast %add3A_1197 : vector<16xi32> to vector<1x16xi32>
    tpu.vector_store %arg14[%swap3A_1199, %swap3A_1200], %swap3A_1203 {strides = array<i32>} : memref<10x128xi32, #tpu.memory_space<vmem>>, vector<1x16xi32>,
    %add3A_1204 = arith.constant 262144 : i32
    %add3A_1205 = arith.addi %mul3A_139, %add3A_1204 : i32
    %add3A_1206 = vector.broadcast %add3A_1205 : i32 to vector<16xi32>
    %add3A_1207 = arith.addi %add3A_1193, %add3A_1206 : vector<16xi32>
    %swap3A_1208 = arith.constant 1 : i32
    %swap3A_1209 = arith.index_cast %swap3A_1208 : i32 to index
    %swap3A_1210 = arith.constant 112 : index
    %swap3A_1211 = tpu.vector_load %arg14[%swap3A_1209, %swap3A_1210] {strides = array<i32>} : memref<10x128xi32, #tpu.memory_space<vmem>>, vector<1x16xi32>,
    %swap3A_1212 = vector.shape_cast %swap3A_1211 : vector<1x16xi32> to vector<16xi32>
    %swap3A_1213 = vector.shape_cast %add3A_1207 : vector<16xi32> to vector<1x16xi32>
    tpu.vector_store %arg14[%swap3A_1209, %swap3A_1210], %swap3A_1213 {strides = array<i32>} : memref<10x128xi32, #tpu.memory_space<vmem>>, vector<1x16xi32>,
    %add3A_1214 = arith.constant 524288 : i32
    %add3A_1215 = arith.addi %mul3A_139, %add3A_1214 : i32
    %add3A_1216 = vector.broadcast %add3A_1215 : i32 to vector<16xi32>
    %add3A_1217 = arith.addi %add3A_1193, %add3A_1216 : vector<16xi32>
    %swap3A_1218 = arith.constant 2 : i32
    %swap3A_1219 = arith.index_cast %swap3A_1218 : i32 to index
    %swap3A_1220 = arith.constant 112 : index
    %swap3A_1221 = tpu.vector_load %arg14[%swap3A_1219, %swap3A_1220] {strides = array<i32>} : memref<10x128xi32, #tpu.memory_space<vmem>>, vector<1x16xi32>,
    %swap3A_1222 = vector.shape_cast %swap3A_1221 : vector<1x16xi32> to vector<16xi32>
    %swap3A_1223 = vector.shape_cast %add3A_1217 : vector<16xi32> to vector<1x16xi32>
    tpu.vector_store %arg14[%swap3A_1219, %swap3A_1220], %swap3A_1223 {strides = array<i32>} : memref<10x128xi32, #tpu.memory_space<vmem>>, vector<1x16xi32>,
    %add3A_1224 = arith.constant 786432 : i32
    %add3A_1225 = arith.addi %mul3A_139, %add3A_1224 : i32
    %add3A_1226 = vector.broadcast %add3A_1225 : i32 to vector<16xi32>
    %add3A_1227 = arith.addi %add3A_1193, %add3A_1226 : vector<16xi32>
    %swap3A_1228 = arith.constant 3 : i32
    %swap3A_1229 = arith.index_cast %swap3A_1228 : i32 to index
    %swap3A_1230 = arith.constant 112 : index
    %swap3A_1231 = tpu.vector_load %arg14[%swap3A_1229, %swap3A_1230] {strides = array<i32>} : memref<10x128xi32, #tpu.memory_space<vmem>>, vector<1x16xi32>,
    %swap3A_1232 = vector.shape_cast %swap3A_1231 : vector<1x16xi32> to vector<16xi32>
    %swap3A_1233 = vector.shape_cast %add3A_1227 : vector<16xi32> to vector<1x16xi32>
    tpu.vector_store %arg14[%swap3A_1229, %swap3A_1230], %swap3A_1233 {strides = array<i32>} : memref<10x128xi32, #tpu.memory_space<vmem>>, vector<1x16xi32>,
    %add3A_1234 = arith.constant 1048576 : i32
    %add3A_1235 = arith.addi %mul3A_139, %add3A_1234 : i32
    %add3A_1236 = vector.broadcast %add3A_1235 : i32 to vector<16xi32>
    %add3A_1237 = arith.addi %add3A_1193, %add3A_1236 : vector<16xi32>
    %swap3A_1238 = arith.constant 4 : i32
    %swap3A_1239 = arith.index_cast %swap3A_1238 : i32 to index
    %swap3A_1240 = arith.constant 112 : index
    %swap3A_1241 = tpu.vector_load %arg14[%swap3A_1239, %swap3A_1240] {strides = array<i32>} : memref<10x128xi32, #tpu.memory_space<vmem>>, vector<1x16xi32>,
    %swap3A_1242 = vector.shape_cast %swap3A_1241 : vector<1x16xi32> to vector<16xi32>
    %swap3A_1243 = vector.shape_cast %add3A_1237 : vector<16xi32> to vector<1x16xi32>
    tpu.vector_store %arg14[%swap3A_1239, %swap3A_1240], %swap3A_1243 {strides = array<i32>} : memref<10x128xi32, #tpu.memory_space<vmem>>, vector<1x16xi32>,
    %add3A_1244 = arith.constant 1310720 : i32
    %add3A_1245 = arith.addi %mul3A_139, %add3A_1244 : i32
    %add3A_1246 = vector.broadcast %add3A_1245 : i32 to vector<16xi32>
    %add3A_1247 = arith.addi %add3A_1193, %add3A_1246 : vector<16xi32>
    %swap3A_1248 = arith.constant 5 : i32
    %swap3A_1249 = arith.index_cast %swap3A_1248 : i32 to index
    %swap3A_1250 = arith.constant 112 : index
    %swap3A_1251 = tpu.vector_load %arg14[%swap3A_1249, %swap3A_1250] {strides = array<i32>} : memref<10x128xi32, #tpu.memory_space<vmem>>, vector<1x16xi32>,
    %swap3A_1252 = vector.shape_cast %swap3A_1251 : vector<1x16xi32> to vector<16xi32>
    %swap3A_1253 = vector.shape_cast %add3A_1247 : vector<16xi32> to vector<1x16xi32>
    tpu.vector_store %arg14[%swap3A_1249, %swap3A_1250], %swap3A_1253 {strides = array<i32>} : memref<10x128xi32, #tpu.memory_space<vmem>>, vector<1x16xi32>,
    %add3A_1254 = arith.constant 1572864 : i32
    %add3A_1255 = arith.addi %mul3A_139, %add3A_1254 : i32
    %add3A_1256 = vector.broadcast %add3A_1255 : i32 to vector<16xi32>
    %add3A_1257 = arith.addi %add3A_1193, %add3A_1256 : vector<16xi32>
    %swap3A_1258 = arith.constant 6 : i32
    %swap3A_1259 = arith.index_cast %swap3A_1258 : i32 to index
    %swap3A_1260 = arith.constant 112 : index
    %swap3A_1261 = tpu.vector_load %arg14[%swap3A_1259, %swap3A_1260] {strides = array<i32>} : memref<10x128xi32, #tpu.memory_space<vmem>>, vector<1x16xi32>,
    %swap3A_1262 = vector.shape_cast %swap3A_1261 : vector<1x16xi32> to vector<16xi32>
    %swap3A_1263 = vector.shape_cast %add3A_1257 : vector<16xi32> to vector<1x16xi32>
    tpu.vector_store %arg14[%swap3A_1259, %swap3A_1260], %swap3A_1263 {strides = array<i32>} : memref<10x128xi32, #tpu.memory_space<vmem>>, vector<1x16xi32>,
    %add3A_1264 = arith.constant 1835008 : i32
    %add3A_1265 = arith.addi %mul3A_139, %add3A_1264 : i32
    %add3A_1266 = vector.broadcast %add3A_1265 : i32 to vector<16xi32>
    %add3A_1267 = arith.addi %add3A_1193, %add3A_1266 : vector<16xi32>
    %swap3A_1268 = arith.constant 7 : i32
    %swap3A_1269 = arith.index_cast %swap3A_1268 : i32 to index
    %swap3A_1270 = arith.constant 112 : index
    %swap3A_1271 = tpu.vector_load %arg14[%swap3A_1269, %swap3A_1270] {strides = array<i32>} : memref<10x128xi32, #tpu.memory_space<vmem>>, vector<1x16xi32>,
    %swap3A_1272 = vector.shape_cast %swap3A_1271 : vector<1x16xi32> to vector<16xi32>
    %swap3A_1273 = vector.shape_cast %add3A_1267 : vector<16xi32> to vector<1x16xi32>
    tpu.vector_store %arg14[%swap3A_1269, %swap3A_1270], %swap3A_1273 {strides = array<i32>} : memref<10x128xi32, #tpu.memory_space<vmem>>, vector<1x16xi32>,
    %add3A_1274 = arith.constant 2097152 : i32
    %add3A_1275 = arith.addi %mul3A_139, %add3A_1274 : i32
    %add3A_1276 = vector.broadcast %add3A_1275 : i32 to vector<16xi32>
    %add3A_1277 = arith.addi %add3A_1193, %add3A_1276 : vector<16xi32>
    %swap3A_1278 = arith.constant 8 : i32
    %swap3A_1279 = arith.index_cast %swap3A_1278 : i32 to index
    %swap3A_1280 = arith.constant 112 : index
    %swap3A_1281 = tpu.vector_load %arg14[%swap3A_1279, %swap3A_1280] {strides = array<i32>} : memref<10x128xi32, #tpu.memory_space<vmem>>, vector<1x16xi32>,
    %swap3A_1282 = vector.shape_cast %swap3A_1281 : vector<1x16xi32> to vector<16xi32>
    %swap3A_1283 = vector.shape_cast %add3A_1277 : vector<16xi32> to vector<1x16xi32>
    tpu.vector_store %arg14[%swap3A_1279, %swap3A_1280], %swap3A_1283 {strides = array<i32>} : memref<10x128xi32, #tpu.memory_space<vmem>>, vector<1x16xi32>,
    %add3A_1284 = arith.constant 2359296 : i32
    %add3A_1285 = arith.addi %mul3A_139, %add3A_1284 : i32
    %add3A_1286 = vector.broadcast %add3A_1285 : i32 to vector<16xi32>
    %add3A_1287 = arith.addi %add3A_1193, %add3A_1286 : vector<16xi32>
    %swap3A_1288 = arith.constant 9 : i32
    %swap3A_1289 = arith.index_cast %swap3A_1288 : i32 to index
    %swap3A_1290 = arith.constant 112 : index
    %swap3A_1291 = tpu.vector_load %arg14[%swap3A_1289, %swap3A_1290] {strides = array<i32>} : memref<10x128xi32, #tpu.memory_space<vmem>>, vector<1x16xi32>,
    %swap3A_1292 = vector.shape_cast %swap3A_1291 : vector<1x16xi32> to vector<16xi32>
    %swap3A_1293 = vector.shape_cast %add3A_1287 : vector<16xi32> to vector<1x16xi32>
    tpu.vector_store %arg14[%swap3A_1289, %swap3A_1290], %swap3A_1293 {strides = array<i32>} : memref<10x128xi32, #tpu.memory_space<vmem>>, vector<1x16xi32>,
    %get3A_1294 = arith.constant 112 : index
    %get3A_1295 = tpu.vector_load %arg11[%get3A_1294] {strides = array<i32>} : memref<128xi32, #tpu.memory_space<vmem>>, vector<16xi32>,
    %get3A_1296 = vector.shape_cast %get3A_1295 : vector<16xi32> to vector<16xi32>
    %mul3A_1297 = arith.constant 262144 : i32
    %mul3A_1298 = vector.broadcast %mul3A_1297 : i32 to vector<16xi32>
    %mul3A_1299 = arith.muli %get3A_1296, %mul3A_1298 : vector<16xi32>
    %add3A_1300 = vector.broadcast %mul3A_141 : i32 to vector<16xi32>
    %add3A_1301 = arith.addi %add3A_1300, %mul3A_1299 : vector<16xi32>
    %add3A_1302 = arith.addi %add3A_1193, %add3A_1301 : vector<16xi32>
    %swap3A_1303 = arith.constant 112 : index
    %swap3A_1304 = tpu.vector_load %arg15[%swap3A_1303] {strides = array<i32>} : memref<128xi32, #tpu.memory_space<vmem>>, vector<16xi32>,
    %swap3A_1305 = vector.shape_cast %swap3A_1304 : vector<16xi32> to vector<16xi32>
    %swap3A_1306 = vector.shape_cast %add3A_1302 : vector<16xi32> to vector<16xi32>
    tpu.vector_store %arg15[%swap3A_1303], %swap3A_1306 {strides = array<i32>} : memref<128xi32, #tpu.memory_space<vmem>>, vector<16xi32>,
    %dma_start3A_1307 = arith.constant 0 : i32
    %dma_start3A_1308 = arith.constant 0 : i32
    %dma_start3A_1309 = arith.constant 0 : i32
    %dma_start3A_1310 = tpu.memref_slice %arg16[%dma_start3A_1308, %dma_start3A_1309] : memref<10x128xf32, #tpu.memory_space<vmem>> -> memref<1x128xf32, #tpu.memory_space<vmem>>
    %dma_start3A_1311 = tpu.memref_squeeze %dma_start3A_1310 : memref<1x128xf32, #tpu.memory_space<vmem>> -> memref<128xf32, #tpu.memory_space<vmem>>
    %dma_start3A_1312 = arith.constant 0 : i32
    %dma_start3A_1313 = tpu.memref_slice %arg14[%dma_start3A_1307, %dma_start3A_1312] : memref<10x128xi32, #tpu.memory_space<vmem>> -> memref<1x128xi32, #tpu.memory_space<vmem>>
    %dma_start3A_1314 = tpu.memref_squeeze %dma_start3A_1313 : memref<1x128xi32, #tpu.memory_space<vmem>> -> memref<128xi32, #tpu.memory_space<vmem>>
    %dma_start3A_1315 = arith.constant 0 : i32
    %dma_start3A_1316 = tpu.memref_slice %arg6[%dma_start3A_1315] : memref<20971520xf32, #tpu.memory_space<hbm>> -> memref<20971520xf32, #tpu.memory_space<hbm>>
    tpu.enqueue_indirect_dma source(%dma_start3A_1316 : memref<20971520xf32, #tpu.memory_space<hbm>>) target(%dma_start3A_1311 : memref<128xf32, #tpu.memory_space<vmem>>) offsets(%dma_start3A_1314 : memref<128xi32, #tpu.memory_space<vmem>>) semaphore(%arg19 : memref<!tpu.dma_semaphore, #tpu.memory_space<semaphore_mem>>)
    %dma_start3A_1317 = arith.constant 1 : i32
    %dma_start3A_1318 = arith.constant 1 : i32
    %dma_start3A_1319 = arith.constant 0 : i32
    %dma_start3A_1320 = tpu.memref_slice %arg16[%dma_start3A_1318, %dma_start3A_1319] : memref<10x128xf32, #tpu.memory_space<vmem>> -> memref<1x128xf32, #tpu.memory_space<vmem>>
    %dma_start3A_1321 = tpu.memref_squeeze %dma_start3A_1320 : memref<1x128xf32, #tpu.memory_space<vmem>> -> memref<128xf32, #tpu.memory_space<vmem>>
    %dma_start3A_1322 = arith.constant 0 : i32
    %dma_start3A_1323 = tpu.memref_slice %arg14[%dma_start3A_1317, %dma_start3A_1322] : memref<10x128xi32, #tpu.memory_space<vmem>> -> memref<1x128xi32, #tpu.memory_space<vmem>>
    %dma_start3A_1324 = tpu.memref_squeeze %dma_start3A_1323 : memref<1x128xi32, #tpu.memory_space<vmem>> -> memref<128xi32, #tpu.memory_space<vmem>>
    %dma_start3A_1325 = arith.constant 0 : i32
    %dma_start3A_1326 = tpu.memref_slice %arg6[%dma_start3A_1325] : memref<20971520xf32, #tpu.memory_space<hbm>> -> memref<20971520xf32, #tpu.memory_space<hbm>>
    tpu.enqueue_indirect_dma source(%dma_start3A_1326 : memref<20971520xf32, #tpu.memory_space<hbm>>) target(%dma_start3A_1321 : memref<128xf32, #tpu.memory_space<vmem>>) offsets(%dma_start3A_1324 : memref<128xi32, #tpu.memory_space<vmem>>) semaphore(%arg19 : memref<!tpu.dma_semaphore, #tpu.memory_space<semaphore_mem>>)
    %dma_start3A_1327 = arith.constant 2 : i32
    %dma_start3A_1328 = arith.constant 2 : i32
    %dma_start3A_1329 = arith.constant 0 : i32
    %dma_start3A_1330 = tpu.memref_slice %arg16[%dma_start3A_1328, %dma_start3A_1329] : memref<10x128xf32, #tpu.memory_space<vmem>> -> memref<1x128xf32, #tpu.memory_space<vmem>>
    %dma_start3A_1331 = tpu.memref_squeeze %dma_start3A_1330 : memref<1x128xf32, #tpu.memory_space<vmem>> -> memref<128xf32, #tpu.memory_space<vmem>>
    %dma_start3A_1332 = arith.constant 0 : i32
    %dma_start3A_1333 = tpu.memref_slice %arg14[%dma_start3A_1327, %dma_start3A_1332] : memref<10x128xi32, #tpu.memory_space<vmem>> -> memref<1x128xi32, #tpu.memory_space<vmem>>
    %dma_start3A_1334 = tpu.memref_squeeze %dma_start3A_1333 : memref<1x128xi32, #tpu.memory_space<vmem>> -> memref<128xi32, #tpu.memory_space<vmem>>
    %dma_start3A_1335 = arith.constant 0 : i32
    %dma_start3A_1336 = tpu.memref_slice %arg6[%dma_start3A_1335] : memref<20971520xf32, #tpu.memory_space<hbm>> -> memref<20971520xf32, #tpu.memory_space<hbm>>
    tpu.enqueue_indirect_dma source(%dma_start3A_1336 : memref<20971520xf32, #tpu.memory_space<hbm>>) target(%dma_start3A_1331 : memref<128xf32, #tpu.memory_space<vmem>>) offsets(%dma_start3A_1334 : memref<128xi32, #tpu.memory_space<vmem>>) semaphore(%arg19 : memref<!tpu.dma_semaphore, #tpu.memory_space<semaphore_mem>>)
    %dma_start3A_1337 = arith.constant 3 : i32
    %dma_start3A_1338 = arith.constant 3 : i32
    %dma_start3A_1339 = arith.constant 0 : i32
    %dma_start3A_1340 = tpu.memref_slice %arg16[%dma_start3A_1338, %dma_start3A_1339] : memref<10x128xf32, #tpu.memory_space<vmem>> -> memref<1x128xf32, #tpu.memory_space<vmem>>
    %dma_start3A_1341 = tpu.memref_squeeze %dma_start3A_1340 : memref<1x128xf32, #tpu.memory_space<vmem>> -> memref<128xf32, #tpu.memory_space<vmem>>
    %dma_start3A_1342 = arith.constant 0 : i32
    %dma_start3A_1343 = tpu.memref_slice %arg14[%dma_start3A_1337, %dma_start3A_1342] : memref<10x128xi32, #tpu.memory_space<vmem>> -> memref<1x128xi32, #tpu.memory_space<vmem>>
    %dma_start3A_1344 = tpu.memref_squeeze %dma_start3A_1343 : memref<1x128xi32, #tpu.memory_space<vmem>> -> memref<128xi32, #tpu.memory_space<vmem>>
    %dma_start3A_1345 = arith.constant 0 : i32
    %dma_start3A_1346 = tpu.memref_slice %arg6[%dma_start3A_1345] : memref<20971520xf32, #tpu.memory_space<hbm>> -> memref<20971520xf32, #tpu.memory_space<hbm>>
    tpu.enqueue_indirect_dma source(%dma_start3A_1346 : memref<20971520xf32, #tpu.memory_space<hbm>>) target(%dma_start3A_1341 : memref<128xf32, #tpu.memory_space<vmem>>) offsets(%dma_start3A_1344 : memref<128xi32, #tpu.memory_space<vmem>>) semaphore(%arg19 : memref<!tpu.dma_semaphore, #tpu.memory_space<semaphore_mem>>)
    %dma_start3A_1347 = arith.constant 4 : i32
    %dma_start3A_1348 = arith.constant 4 : i32
    %dma_start3A_1349 = arith.constant 0 : i32
    %dma_start3A_1350 = tpu.memref_slice %arg16[%dma_start3A_1348, %dma_start3A_1349] : memref<10x128xf32, #tpu.memory_space<vmem>> -> memref<1x128xf32, #tpu.memory_space<vmem>>
    %dma_start3A_1351 = tpu.memref_squeeze %dma_start3A_1350 : memref<1x128xf32, #tpu.memory_space<vmem>> -> memref<128xf32, #tpu.memory_space<vmem>>
    %dma_start3A_1352 = arith.constant 0 : i32
    %dma_start3A_1353 = tpu.memref_slice %arg14[%dma_start3A_1347, %dma_start3A_1352] : memref<10x128xi32, #tpu.memory_space<vmem>> -> memref<1x128xi32, #tpu.memory_space<vmem>>
    %dma_start3A_1354 = tpu.memref_squeeze %dma_start3A_1353 : memref<1x128xi32, #tpu.memory_space<vmem>> -> memref<128xi32, #tpu.memory_space<vmem>>
    %dma_start3A_1355 = arith.constant 0 : i32
    %dma_start3A_1356 = tpu.memref_slice %arg6[%dma_start3A_1355] : memref<20971520xf32, #tpu.memory_space<hbm>> -> memref<20971520xf32, #tpu.memory_space<hbm>>
    tpu.enqueue_indirect_dma source(%dma_start3A_1356 : memref<20971520xf32, #tpu.memory_space<hbm>>) target(%dma_start3A_1351 : memref<128xf32, #tpu.memory_space<vmem>>) offsets(%dma_start3A_1354 : memref<128xi32, #tpu.memory_space<vmem>>) semaphore(%arg19 : memref<!tpu.dma_semaphore, #tpu.memory_space<semaphore_mem>>)
    %dma_start3A_1357 = arith.constant 5 : i32
    %dma_start3A_1358 = arith.constant 5 : i32
    %dma_start3A_1359 = arith.constant 0 : i32
    %dma_start3A_1360 = tpu.memref_slice %arg16[%dma_start3A_1358, %dma_start3A_1359] : memref<10x128xf32, #tpu.memory_space<vmem>> -> memref<1x128xf32, #tpu.memory_space<vmem>>
    %dma_start3A_1361 = tpu.memref_squeeze %dma_start3A_1360 : memref<1x128xf32, #tpu.memory_space<vmem>> -> memref<128xf32, #tpu.memory_space<vmem>>
    %dma_start3A_1362 = arith.constant 0 : i32
    %dma_start3A_1363 = tpu.memref_slice %arg14[%dma_start3A_1357, %dma_start3A_1362] : memref<10x128xi32, #tpu.memory_space<vmem>> -> memref<1x128xi32, #tpu.memory_space<vmem>>
    %dma_start3A_1364 = tpu.memref_squeeze %dma_start3A_1363 : memref<1x128xi32, #tpu.memory_space<vmem>> -> memref<128xi32, #tpu.memory_space<vmem>>
    %dma_start3A_1365 = arith.constant 0 : i32
    %dma_start3A_1366 = tpu.memref_slice %arg6[%dma_start3A_1365] : memref<20971520xf32, #tpu.memory_space<hbm>> -> memref<20971520xf32, #tpu.memory_space<hbm>>
    tpu.enqueue_indirect_dma source(%dma_start3A_1366 : memref<20971520xf32, #tpu.memory_space<hbm>>) target(%dma_start3A_1361 : memref<128xf32, #tpu.memory_space<vmem>>) offsets(%dma_start3A_1364 : memref<128xi32, #tpu.memory_space<vmem>>) semaphore(%arg19 : memref<!tpu.dma_semaphore, #tpu.memory_space<semaphore_mem>>)
    %dma_start3A_1367 = arith.constant 6 : i32
    %dma_start3A_1368 = arith.constant 6 : i32
    %dma_start3A_1369 = arith.constant 0 : i32
    %dma_start3A_1370 = tpu.memref_slice %arg16[%dma_start3A_1368, %dma_start3A_1369] : memref<10x128xf32, #tpu.memory_space<vmem>> -> memref<1x128xf32, #tpu.memory_space<vmem>>
    %dma_start3A_1371 = tpu.memref_squeeze %dma_start3A_1370 : memref<1x128xf32, #tpu.memory_space<vmem>> -> memref<128xf32, #tpu.memory_space<vmem>>
    %dma_start3A_1372 = arith.constant 0 : i32
    %dma_start3A_1373 = tpu.memref_slice %arg14[%dma_start3A_1367, %dma_start3A_1372] : memref<10x128xi32, #tpu.memory_space<vmem>> -> memref<1x128xi32, #tpu.memory_space<vmem>>
    %dma_start3A_1374 = tpu.memref_squeeze %dma_start3A_1373 : memref<1x128xi32, #tpu.memory_space<vmem>> -> memref<128xi32, #tpu.memory_space<vmem>>
    %dma_start3A_1375 = arith.constant 0 : i32
    %dma_start3A_1376 = tpu.memref_slice %arg6[%dma_start3A_1375] : memref<20971520xf32, #tpu.memory_space<hbm>> -> memref<20971520xf32, #tpu.memory_space<hbm>>
    tpu.enqueue_indirect_dma source(%dma_start3A_1376 : memref<20971520xf32, #tpu.memory_space<hbm>>) target(%dma_start3A_1371 : memref<128xf32, #tpu.memory_space<vmem>>) offsets(%dma_start3A_1374 : memref<128xi32, #tpu.memory_space<vmem>>) semaphore(%arg19 : memref<!tpu.dma_semaphore, #tpu.memory_space<semaphore_mem>>)
    %dma_start3A_1377 = arith.constant 7 : i32
    %dma_start3A_1378 = arith.constant 7 : i32
    %dma_start3A_1379 = arith.constant 0 : i32
    %dma_start3A_1380 = tpu.memref_slice %arg16[%dma_start3A_1378, %dma_start3A_1379] : memref<10x128xf32, #tpu.memory_space<vmem>> -> memref<1x128xf32, #tpu.memory_space<vmem>>
    %dma_start3A_1381 = tpu.memref_squeeze %dma_start3A_1380 : memref<1x128xf32, #tpu.memory_space<vmem>> -> memref<128xf32, #tpu.memory_space<vmem>>
    %dma_start3A_1382 = arith.constant 0 : i32
    %dma_start3A_1383 = tpu.memref_slice %arg14[%dma_start3A_1377, %dma_start3A_1382] : memref<10x128xi32, #tpu.memory_space<vmem>> -> memref<1x128xi32, #tpu.memory_space<vmem>>
    %dma_start3A_1384 = tpu.memref_squeeze %dma_start3A_1383 : memref<1x128xi32, #tpu.memory_space<vmem>> -> memref<128xi32, #tpu.memory_space<vmem>>
    %dma_start3A_1385 = arith.constant 0 : i32
    %dma_start3A_1386 = tpu.memref_slice %arg6[%dma_start3A_1385] : memref<20971520xf32, #tpu.memory_space<hbm>> -> memref<20971520xf32, #tpu.memory_space<hbm>>
    tpu.enqueue_indirect_dma source(%dma_start3A_1386 : memref<20971520xf32, #tpu.memory_space<hbm>>) target(%dma_start3A_1381 : memref<128xf32, #tpu.memory_space<vmem>>) offsets(%dma_start3A_1384 : memref<128xi32, #tpu.memory_space<vmem>>) semaphore(%arg19 : memref<!tpu.dma_semaphore, #tpu.memory_space<semaphore_mem>>)
    %dma_start3A_1387 = arith.constant 8 : i32
    %dma_start3A_1388 = arith.constant 8 : i32
    %dma_start3A_1389 = arith.constant 0 : i32
    %dma_start3A_1390 = tpu.memref_slice %arg16[%dma_start3A_1388, %dma_start3A_1389] : memref<10x128xf32, #tpu.memory_space<vmem>> -> memref<1x128xf32, #tpu.memory_space<vmem>>
    %dma_start3A_1391 = tpu.memref_squeeze %dma_start3A_1390 : memref<1x128xf32, #tpu.memory_space<vmem>> -> memref<128xf32, #tpu.memory_space<vmem>>
    %dma_start3A_1392 = arith.constant 0 : i32
    %dma_start3A_1393 = tpu.memref_slice %arg14[%dma_start3A_1387, %dma_start3A_1392] : memref<10x128xi32, #tpu.memory_space<vmem>> -> memref<1x128xi32, #tpu.memory_space<vmem>>
    %dma_start3A_1394 = tpu.memref_squeeze %dma_start3A_1393 : memref<1x128xi32, #tpu.memory_space<vmem>> -> memref<128xi32, #tpu.memory_space<vmem>>
    %dma_start3A_1395 = arith.constant 0 : i32
    %dma_start3A_1396 = tpu.memref_slice %arg6[%dma_start3A_1395] : memref<20971520xf32, #tpu.memory_space<hbm>> -> memref<20971520xf32, #tpu.memory_space<hbm>>
    tpu.enqueue_indirect_dma source(%dma_start3A_1396 : memref<20971520xf32, #tpu.memory_space<hbm>>) target(%dma_start3A_1391 : memref<128xf32, #tpu.memory_space<vmem>>) offsets(%dma_start3A_1394 : memref<128xi32, #tpu.memory_space<vmem>>) semaphore(%arg19 : memref<!tpu.dma_semaphore, #tpu.memory_space<semaphore_mem>>)
    %dma_start3A_1397 = arith.constant 9 : i32
    %dma_start3A_1398 = arith.constant 9 : i32
    %dma_start3A_1399 = arith.constant 0 : i32
    %dma_start3A_1400 = tpu.memref_slice %arg16[%dma_start3A_1398, %dma_start3A_1399] : memref<10x128xf32, #tpu.memory_space<vmem>> -> memref<1x128xf32, #tpu.memory_space<vmem>>
    %dma_start3A_1401 = tpu.memref_squeeze %dma_start3A_1400 : memref<1x128xf32, #tpu.memory_space<vmem>> -> memref<128xf32, #tpu.memory_space<vmem>>
    %dma_start3A_1402 = arith.constant 0 : i32
    %dma_start3A_1403 = tpu.memref_slice %arg14[%dma_start3A_1397, %dma_start3A_1402] : memref<10x128xi32, #tpu.memory_space<vmem>> -> memref<1x128xi32, #tpu.memory_space<vmem>>
    %dma_start3A_1404 = tpu.memref_squeeze %dma_start3A_1403 : memref<1x128xi32, #tpu.memory_space<vmem>> -> memref<128xi32, #tpu.memory_space<vmem>>
    %dma_start3A_1405 = arith.constant 0 : i32
    %dma_start3A_1406 = tpu.memref_slice %arg6[%dma_start3A_1405] : memref<20971520xf32, #tpu.memory_space<hbm>> -> memref<20971520xf32, #tpu.memory_space<hbm>>
    tpu.enqueue_indirect_dma source(%dma_start3A_1406 : memref<20971520xf32, #tpu.memory_space<hbm>>) target(%dma_start3A_1401 : memref<128xf32, #tpu.memory_space<vmem>>) offsets(%dma_start3A_1404 : memref<128xi32, #tpu.memory_space<vmem>>) semaphore(%arg19 : memref<!tpu.dma_semaphore, #tpu.memory_space<semaphore_mem>>)
    %dma_start3A_1407 = arith.constant 0 : i32
    %dma_start3A_1408 = tpu.memref_slice %arg7[%dma_start3A_1407] : memref<4194304xf32, #tpu.memory_space<hbm>> -> memref<4194304xf32, #tpu.memory_space<hbm>>
    tpu.enqueue_indirect_dma source(%dma_start3A_1408 : memref<4194304xf32, #tpu.memory_space<hbm>>) target(%arg17 : memref<128xf32, #tpu.memory_space<vmem>>) offsets(%arg15 : memref<128xi32, #tpu.memory_space<vmem>>) semaphore(%arg19 : memref<!tpu.dma_semaphore, #tpu.memory_space<semaphore_mem>>)
    %dma_wait3A = arith.constant 0 : i32
    %dma_wait3A_1409 = arith.constant 0 : i32
    %dma_wait3A_1410 = arith.constant 0 : i32
    %dma_wait3A_1411 = tpu.memref_slice %arg13[%dma_wait3A_1409, %dma_wait3A_1410] : memref<10x128xf32, #tpu.memory_space<vmem>> -> memref<1x128xf32, #tpu.memory_space<vmem>>
    %dma_wait3A_1412 = tpu.memref_squeeze %dma_wait3A_1411 : memref<1x128xf32, #tpu.memory_space<vmem>> -> memref<128xf32, #tpu.memory_space<vmem>>
    %dma_wait3A_1413 = tpu.memref_slice %arg5[%dma_wait3A, %multiple_of3A] : memref<10x4096xf32, #tpu.memory_space<hbm>> -> memref<1x128xf32, #tpu.memory_space<hbm>>
    %dma_wait3A_1414 = tpu.memref_squeeze %dma_wait3A_1413 : memref<1x128xf32, #tpu.memory_space<hbm>> -> memref<128xf32, #tpu.memory_space<hbm>>
    %dma_wait3A_1415 = arith.constant 0 : i32
    %dma_wait3A_1416 = tpu.memref_slice %arg13[%dma_wait3A_1409, %dma_wait3A_1415] : memref<10x128xf32, #tpu.memory_space<vmem>> -> memref<1x128xf32, #tpu.memory_space<vmem>>
    %dma_wait3A_1417 = tpu.memref_squeeze %dma_wait3A_1416 : memref<1x128xf32, #tpu.memory_space<vmem>> -> memref<128xf32, #tpu.memory_space<vmem>>
    %dma_wait3A_1418 = tpu.memref_slice %arg5[%dma_wait3A, %multiple_of3A] : memref<10x4096xf32, #tpu.memory_space<hbm>> -> memref<1x128xf32, #tpu.memory_space<hbm>>
    %dma_wait3A_1419 = tpu.memref_squeeze %dma_wait3A_1418 : memref<1x128xf32, #tpu.memory_space<hbm>> -> memref<128xf32, #tpu.memory_space<hbm>>
    tpu.wait_dma2 semaphore(%arg19 : memref<!tpu.dma_semaphore, #tpu.memory_space<semaphore_mem>>) src(%dma_wait3A_1419 : memref<128xf32, #tpu.memory_space<hbm>>) dst(%dma_wait3A_1417 : memref<128xf32, #tpu.memory_space<vmem>>)
    %dma_wait3A_1420 = arith.constant 1 : i32
    %dma_wait3A_1421 = arith.constant 1 : i32
    %dma_wait3A_1422 = arith.constant 0 : i32
    %dma_wait3A_1423 = tpu.memref_slice %arg13[%dma_wait3A_1421, %dma_wait3A_1422] : memref<10x128xf32, #tpu.memory_space<vmem>> -> memref<1x128xf32, #tpu.memory_space<vmem>>
    %dma_wait3A_1424 = tpu.memref_squeeze %dma_wait3A_1423 : memref<1x128xf32, #tpu.memory_space<vmem>> -> memref<128xf32, #tpu.memory_space<vmem>>
    %dma_wait3A_1425 = tpu.memref_slice %arg5[%dma_wait3A_1420, %multiple_of3A] : memref<10x4096xf32, #tpu.memory_space<hbm>> -> memref<1x128xf32, #tpu.memory_space<hbm>>
    %dma_wait3A_1426 = tpu.memref_squeeze %dma_wait3A_1425 : memref<1x128xf32, #tpu.memory_space<hbm>> -> memref<128xf32, #tpu.memory_space<hbm>>
    %dma_wait3A_1427 = arith.constant 0 : i32
    %dma_wait3A_1428 = tpu.memref_slice %arg13[%dma_wait3A_1421, %dma_wait3A_1427] : memref<10x128xf32, #tpu.memory_space<vmem>> -> memref<1x128xf32, #tpu.memory_space<vmem>>
    %dma_wait3A_1429 = tpu.memref_squeeze %dma_wait3A_1428 : memref<1x128xf32, #tpu.memory_space<vmem>> -> memref<128xf32, #tpu.memory_space<vmem>>
    %dma_wait3A_1430 = tpu.memref_slice %arg5[%dma_wait3A_1420, %multiple_of3A] : memref<10x4096xf32, #tpu.memory_space<hbm>> -> memref<1x128xf32, #tpu.memory_space<hbm>>
    %dma_wait3A_1431 = tpu.memref_squeeze %dma_wait3A_1430 : memref<1x128xf32, #tpu.memory_space<hbm>> -> memref<128xf32, #tpu.memory_space<hbm>>
    tpu.wait_dma2 semaphore(%arg19 : memref<!tpu.dma_semaphore, #tpu.memory_space<semaphore_mem>>) src(%dma_wait3A_1431 : memref<128xf32, #tpu.memory_space<hbm>>) dst(%dma_wait3A_1429 : memref<128xf32, #tpu.memory_space<vmem>>)
    %dma_wait3A_1432 = arith.constant 2 : i32
    %dma_wait3A_1433 = arith.constant 2 : i32
    %dma_wait3A_1434 = arith.constant 0 : i32
    %dma_wait3A_1435 = tpu.memref_slice %arg13[%dma_wait3A_1433, %dma_wait3A_1434] : memref<10x128xf32, #tpu.memory_space<vmem>> -> memref<1x128xf32, #tpu.memory_space<vmem>>
    %dma_wait3A_1436 = tpu.memref_squeeze %dma_wait3A_1435 : memref<1x128xf32, #tpu.memory_space<vmem>> -> memref<128xf32, #tpu.memory_space<vmem>>
    %dma_wait3A_1437 = tpu.memref_slice %arg5[%dma_wait3A_1432, %multiple_of3A] : memref<10x4096xf32, #tpu.memory_space<hbm>> -> memref<1x128xf32, #tpu.memory_space<hbm>>
    %dma_wait3A_1438 = tpu.memref_squeeze %dma_wait3A_1437 : memref<1x128xf32, #tpu.memory_space<hbm>> -> memref<128xf32, #tpu.memory_space<hbm>>
    %dma_wait3A_1439 = arith.constant 0 : i32
    %dma_wait3A_1440 = tpu.memref_slice %arg13[%dma_wait3A_1433, %dma_wait3A_1439] : memref<10x128xf32, #tpu.memory_space<vmem>> -> memref<1x128xf32, #tpu.memory_space<vmem>>
    %dma_wait3A_1441 = tpu.memref_squeeze %dma_wait3A_1440 : memref<1x128xf32, #tpu.memory_space<vmem>> -> memref<128xf32, #tpu.memory_space<vmem>>
    %dma_wait3A_1442 = tpu.memref_slice %arg5[%dma_wait3A_1432, %multiple_of3A] : memref<10x4096xf32, #tpu.memory_space<hbm>> -> memref<1x128xf32, #tpu.memory_space<hbm>>
    %dma_wait3A_1443 = tpu.memref_squeeze %dma_wait3A_1442 : memref<1x128xf32, #tpu.memory_space<hbm>> -> memref<128xf32, #tpu.memory_space<hbm>>
    tpu.wait_dma2 semaphore(%arg19 : memref<!tpu.dma_semaphore, #tpu.memory_space<semaphore_mem>>) src(%dma_wait3A_1443 : memref<128xf32, #tpu.memory_space<hbm>>) dst(%dma_wait3A_1441 : memref<128xf32, #tpu.memory_space<vmem>>)
    %dma_wait3A_1444 = arith.constant 3 : i32
    %dma_wait3A_1445 = arith.constant 3 : i32
    %dma_wait3A_1446 = arith.constant 0 : i32
    %dma_wait3A_1447 = tpu.memref_slice %arg13[%dma_wait3A_1445, %dma_wait3A_1446] : memref<10x128xf32, #tpu.memory_space<vmem>> -> memref<1x128xf32, #tpu.memory_space<vmem>>
    %dma_wait3A_1448 = tpu.memref_squeeze %dma_wait3A_1447 : memref<1x128xf32, #tpu.memory_space<vmem>> -> memref<128xf32, #tpu.memory_space<vmem>>
    %dma_wait3A_1449 = tpu.memref_slice %arg5[%dma_wait3A_1444, %multiple_of3A] : memref<10x4096xf32, #tpu.memory_space<hbm>> -> memref<1x128xf32, #tpu.memory_space<hbm>>
    %dma_wait3A_1450 = tpu.memref_squeeze %dma_wait3A_1449 : memref<1x128xf32, #tpu.memory_space<hbm>> -> memref<128xf32, #tpu.memory_space<hbm>>
    %dma_wait3A_1451 = arith.constant 0 : i32
    %dma_wait3A_1452 = tpu.memref_slice %arg13[%dma_wait3A_1445, %dma_wait3A_1451] : memref<10x128xf32, #tpu.memory_space<vmem>> -> memref<1x128xf32, #tpu.memory_space<vmem>>
    %dma_wait3A_1453 = tpu.memref_squeeze %dma_wait3A_1452 : memref<1x128xf32, #tpu.memory_space<vmem>> -> memref<128xf32, #tpu.memory_space<vmem>>
    %dma_wait3A_1454 = tpu.memref_slice %arg5[%dma_wait3A_1444, %multiple_of3A] : memref<10x4096xf32, #tpu.memory_space<hbm>> -> memref<1x128xf32, #tpu.memory_space<hbm>>
    %dma_wait3A_1455 = tpu.memref_squeeze %dma_wait3A_1454 : memref<1x128xf32, #tpu.memory_space<hbm>> -> memref<128xf32, #tpu.memory_space<hbm>>
    tpu.wait_dma2 semaphore(%arg19 : memref<!tpu.dma_semaphore, #tpu.memory_space<semaphore_mem>>) src(%dma_wait3A_1455 : memref<128xf32, #tpu.memory_space<hbm>>) dst(%dma_wait3A_1453 : memref<128xf32, #tpu.memory_space<vmem>>)
    %dma_wait3A_1456 = arith.constant 4 : i32
    %dma_wait3A_1457 = arith.constant 4 : i32
    %dma_wait3A_1458 = arith.constant 0 : i32
    %dma_wait3A_1459 = tpu.memref_slice %arg13[%dma_wait3A_1457, %dma_wait3A_1458] : memref<10x128xf32, #tpu.memory_space<vmem>> -> memref<1x128xf32, #tpu.memory_space<vmem>>
    %dma_wait3A_1460 = tpu.memref_squeeze %dma_wait3A_1459 : memref<1x128xf32, #tpu.memory_space<vmem>> -> memref<128xf32, #tpu.memory_space<vmem>>
    %dma_wait3A_1461 = tpu.memref_slice %arg5[%dma_wait3A_1456, %multiple_of3A] : memref<10x4096xf32, #tpu.memory_space<hbm>> -> memref<1x128xf32, #tpu.memory_space<hbm>>
    %dma_wait3A_1462 = tpu.memref_squeeze %dma_wait3A_1461 : memref<1x128xf32, #tpu.memory_space<hbm>> -> memref<128xf32, #tpu.memory_space<hbm>>
    %dma_wait3A_1463 = arith.constant 0 : i32
    %dma_wait3A_1464 = tpu.memref_slice %arg13[%dma_wait3A_1457, %dma_wait3A_1463] : memref<10x128xf32, #tpu.memory_space<vmem>> -> memref<1x128xf32, #tpu.memory_space<vmem>>
    %dma_wait3A_1465 = tpu.memref_squeeze %dma_wait3A_1464 : memref<1x128xf32, #tpu.memory_space<vmem>> -> memref<128xf32, #tpu.memory_space<vmem>>
    %dma_wait3A_1466 = tpu.memref_slice %arg5[%dma_wait3A_1456, %multiple_of3A] : memref<10x4096xf32, #tpu.memory_space<hbm>> -> memref<1x128xf32, #tpu.memory_space<hbm>>
    %dma_wait3A_1467 = tpu.memref_squeeze %dma_wait3A_1466 : memref<1x128xf32, #tpu.memory_space<hbm>> -> memref<128xf32, #tpu.memory_space<hbm>>
    tpu.wait_dma2 semaphore(%arg19 : memref<!tpu.dma_semaphore, #tpu.memory_space<semaphore_mem>>) src(%dma_wait3A_1467 : memref<128xf32, #tpu.memory_space<hbm>>) dst(%dma_wait3A_1465 : memref<128xf32, #tpu.memory_space<vmem>>)
    %dma_wait3A_1468 = arith.constant 5 : i32
    %dma_wait3A_1469 = arith.constant 5 : i32
    %dma_wait3A_1470 = arith.constant 0 : i32
    %dma_wait3A_1471 = tpu.memref_slice %arg13[%dma_wait3A_1469, %dma_wait3A_1470] : memref<10x128xf32, #tpu.memory_space<vmem>> -> memref<1x128xf32, #tpu.memory_space<vmem>>
    %dma_wait3A_1472 = tpu.memref_squeeze %dma_wait3A_1471 : memref<1x128xf32, #tpu.memory_space<vmem>> -> memref<128xf32, #tpu.memory_space<vmem>>
    %dma_wait3A_1473 = tpu.memref_slice %arg5[%dma_wait3A_1468, %multiple_of3A] : memref<10x4096xf32, #tpu.memory_space<hbm>> -> memref<1x128xf32, #tpu.memory_space<hbm>>
    %dma_wait3A_1474 = tpu.memref_squeeze %dma_wait3A_1473 : memref<1x128xf32, #tpu.memory_space<hbm>> -> memref<128xf32, #tpu.memory_space<hbm>>
    %dma_wait3A_1475 = arith.constant 0 : i32
    %dma_wait3A_1476 = tpu.memref_slice %arg13[%dma_wait3A_1469, %dma_wait3A_1475] : memref<10x128xf32, #tpu.memory_space<vmem>> -> memref<1x128xf32, #tpu.memory_space<vmem>>
    %dma_wait3A_1477 = tpu.memref_squeeze %dma_wait3A_1476 : memref<1x128xf32, #tpu.memory_space<vmem>> -> memref<128xf32, #tpu.memory_space<vmem>>
    %dma_wait3A_1478 = tpu.memref_slice %arg5[%dma_wait3A_1468, %multiple_of3A] : memref<10x4096xf32, #tpu.memory_space<hbm>> -> memref<1x128xf32, #tpu.memory_space<hbm>>
    %dma_wait3A_1479 = tpu.memref_squeeze %dma_wait3A_1478 : memref<1x128xf32, #tpu.memory_space<hbm>> -> memref<128xf32, #tpu.memory_space<hbm>>
    tpu.wait_dma2 semaphore(%arg19 : memref<!tpu.dma_semaphore, #tpu.memory_space<semaphore_mem>>) src(%dma_wait3A_1479 : memref<128xf32, #tpu.memory_space<hbm>>) dst(%dma_wait3A_1477 : memref<128xf32, #tpu.memory_space<vmem>>)
    %dma_wait3A_1480 = arith.constant 6 : i32
    %dma_wait3A_1481 = arith.constant 6 : i32
    %dma_wait3A_1482 = arith.constant 0 : i32
    %dma_wait3A_1483 = tpu.memref_slice %arg13[%dma_wait3A_1481, %dma_wait3A_1482] : memref<10x128xf32, #tpu.memory_space<vmem>> -> memref<1x128xf32, #tpu.memory_space<vmem>>
    %dma_wait3A_1484 = tpu.memref_squeeze %dma_wait3A_1483 : memref<1x128xf32, #tpu.memory_space<vmem>> -> memref<128xf32, #tpu.memory_space<vmem>>
    %dma_wait3A_1485 = tpu.memref_slice %arg5[%dma_wait3A_1480, %multiple_of3A] : memref<10x4096xf32, #tpu.memory_space<hbm>> -> memref<1x128xf32, #tpu.memory_space<hbm>>
    %dma_wait3A_1486 = tpu.memref_squeeze %dma_wait3A_1485 : memref<1x128xf32, #tpu.memory_space<hbm>> -> memref<128xf32, #tpu.memory_space<hbm>>
    %dma_wait3A_1487 = arith.constant 0 : i32
    %dma_wait3A_1488 = tpu.memref_slice %arg13[%dma_wait3A_1481, %dma_wait3A_1487] : memref<10x128xf32, #tpu.memory_space<vmem>> -> memref<1x128xf32, #tpu.memory_space<vmem>>
    %dma_wait3A_1489 = tpu.memref_squeeze %dma_wait3A_1488 : memref<1x128xf32, #tpu.memory_space<vmem>> -> memref<128xf32, #tpu.memory_space<vmem>>
    %dma_wait3A_1490 = tpu.memref_slice %arg5[%dma_wait3A_1480, %multiple_of3A] : memref<10x4096xf32, #tpu.memory_space<hbm>> -> memref<1x128xf32, #tpu.memory_space<hbm>>
    %dma_wait3A_1491 = tpu.memref_squeeze %dma_wait3A_1490 : memref<1x128xf32, #tpu.memory_space<hbm>> -> memref<128xf32, #tpu.memory_space<hbm>>
    tpu.wait_dma2 semaphore(%arg19 : memref<!tpu.dma_semaphore, #tpu.memory_space<semaphore_mem>>) src(%dma_wait3A_1491 : memref<128xf32, #tpu.memory_space<hbm>>) dst(%dma_wait3A_1489 : memref<128xf32, #tpu.memory_space<vmem>>)
    %dma_wait3A_1492 = arith.constant 7 : i32
    %dma_wait3A_1493 = arith.constant 7 : i32
    %dma_wait3A_1494 = arith.constant 0 : i32
    %dma_wait3A_1495 = tpu.memref_slice %arg13[%dma_wait3A_1493, %dma_wait3A_1494] : memref<10x128xf32, #tpu.memory_space<vmem>> -> memref<1x128xf32, #tpu.memory_space<vmem>>
    %dma_wait3A_1496 = tpu.memref_squeeze %dma_wait3A_1495 : memref<1x128xf32, #tpu.memory_space<vmem>> -> memref<128xf32, #tpu.memory_space<vmem>>
    %dma_wait3A_1497 = tpu.memref_slice %arg5[%dma_wait3A_1492, %multiple_of3A] : memref<10x4096xf32, #tpu.memory_space<hbm>> -> memref<1x128xf32, #tpu.memory_space<hbm>>
    %dma_wait3A_1498 = tpu.memref_squeeze %dma_wait3A_1497 : memref<1x128xf32, #tpu.memory_space<hbm>> -> memref<128xf32, #tpu.memory_space<hbm>>
    %dma_wait3A_1499 = arith.constant 0 : i32
    %dma_wait3A_1500 = tpu.memref_slice %arg13[%dma_wait3A_1493, %dma_wait3A_1499] : memref<10x128xf32, #tpu.memory_space<vmem>> -> memref<1x128xf32, #tpu.memory_space<vmem>>
    %dma_wait3A_1501 = tpu.memref_squeeze %dma_wait3A_1500 : memref<1x128xf32, #tpu.memory_space<vmem>> -> memref<128xf32, #tpu.memory_space<vmem>>
    %dma_wait3A_1502 = tpu.memref_slice %arg5[%dma_wait3A_1492, %multiple_of3A] : memref<10x4096xf32, #tpu.memory_space<hbm>> -> memref<1x128xf32, #tpu.memory_space<hbm>>
    %dma_wait3A_1503 = tpu.memref_squeeze %dma_wait3A_1502 : memref<1x128xf32, #tpu.memory_space<hbm>> -> memref<128xf32, #tpu.memory_space<hbm>>
    tpu.wait_dma2 semaphore(%arg19 : memref<!tpu.dma_semaphore, #tpu.memory_space<semaphore_mem>>) src(%dma_wait3A_1503 : memref<128xf32, #tpu.memory_space<hbm>>) dst(%dma_wait3A_1501 : memref<128xf32, #tpu.memory_space<vmem>>)
    %dma_wait3A_1504 = arith.constant 8 : i32
    %dma_wait3A_1505 = arith.constant 8 : i32
    %dma_wait3A_1506 = arith.constant 0 : i32
    %dma_wait3A_1507 = tpu.memref_slice %arg13[%dma_wait3A_1505, %dma_wait3A_1506] : memref<10x128xf32, #tpu.memory_space<vmem>> -> memref<1x128xf32, #tpu.memory_space<vmem>>
    %dma_wait3A_1508 = tpu.memref_squeeze %dma_wait3A_1507 : memref<1x128xf32, #tpu.memory_space<vmem>> -> memref<128xf32, #tpu.memory_space<vmem>>
    %dma_wait3A_1509 = tpu.memref_slice %arg5[%dma_wait3A_1504, %multiple_of3A] : memref<10x4096xf32, #tpu.memory_space<hbm>> -> memref<1x128xf32, #tpu.memory_space<hbm>>
    %dma_wait3A_1510 = tpu.memref_squeeze %dma_wait3A_1509 : memref<1x128xf32, #tpu.memory_space<hbm>> -> memref<128xf32, #tpu.memory_space<hbm>>
    %dma_wait3A_1511 = arith.constant 0 : i32
    %dma_wait3A_1512 = tpu.memref_slice %arg13[%dma_wait3A_1505, %dma_wait3A_1511] : memref<10x128xf32, #tpu.memory_space<vmem>> -> memref<1x128xf32, #tpu.memory_space<vmem>>
    %dma_wait3A_1513 = tpu.memref_squeeze %dma_wait3A_1512 : memref<1x128xf32, #tpu.memory_space<vmem>> -> memref<128xf32, #tpu.memory_space<vmem>>
    %dma_wait3A_1514 = tpu.memref_slice %arg5[%dma_wait3A_1504, %multiple_of3A] : memref<10x4096xf32, #tpu.memory_space<hbm>> -> memref<1x128xf32, #tpu.memory_space<hbm>>
    %dma_wait3A_1515 = tpu.memref_squeeze %dma_wait3A_1514 : memref<1x128xf32, #tpu.memory_space<hbm>> -> memref<128xf32, #tpu.memory_space<hbm>>
    tpu.wait_dma2 semaphore(%arg19 : memref<!tpu.dma_semaphore, #tpu.memory_space<semaphore_mem>>) src(%dma_wait3A_1515 : memref<128xf32, #tpu.memory_space<hbm>>) dst(%dma_wait3A_1513 : memref<128xf32, #tpu.memory_space<vmem>>)
    %dma_wait3A_1516 = arith.constant 9 : i32
    %dma_wait3A_1517 = arith.constant 9 : i32
    %dma_wait3A_1518 = arith.constant 0 : i32
    %dma_wait3A_1519 = tpu.memref_slice %arg13[%dma_wait3A_1517, %dma_wait3A_1518] : memref<10x128xf32, #tpu.memory_space<vmem>> -> memref<1x128xf32, #tpu.memory_space<vmem>>
    %dma_wait3A_1520 = tpu.memref_squeeze %dma_wait3A_1519 : memref<1x128xf32, #tpu.memory_space<vmem>> -> memref<128xf32, #tpu.memory_space<vmem>>
    %dma_wait3A_1521 = tpu.memref_slice %arg5[%dma_wait3A_1516, %multiple_of3A] : memref<10x4096xf32, #tpu.memory_space<hbm>> -> memref<1x128xf32, #tpu.memory_space<hbm>>
    %dma_wait3A_1522 = tpu.memref_squeeze %dma_wait3A_1521 : memref<1x128xf32, #tpu.memory_space<hbm>> -> memref<128xf32, #tpu.memory_space<hbm>>
    %dma_wait3A_1523 = arith.constant 0 : i32
    %dma_wait3A_1524 = tpu.memref_slice %arg13[%dma_wait3A_1517, %dma_wait3A_1523] : memref<10x128xf32, #tpu.memory_space<vmem>> -> memref<1x128xf32, #tpu.memory_space<vmem>>
    %dma_wait3A_1525 = tpu.memref_squeeze %dma_wait3A_1524 : memref<1x128xf32, #tpu.memory_space<vmem>> -> memref<128xf32, #tpu.memory_space<vmem>>
    %dma_wait3A_1526 = tpu.memref_slice %arg5[%dma_wait3A_1516, %multiple_of3A] : memref<10x4096xf32, #tpu.memory_space<hbm>> -> memref<1x128xf32, #tpu.memory_space<hbm>>
    %dma_wait3A_1527 = tpu.memref_squeeze %dma_wait3A_1526 : memref<1x128xf32, #tpu.memory_space<hbm>> -> memref<128xf32, #tpu.memory_space<hbm>>
    tpu.wait_dma2 semaphore(%arg19 : memref<!tpu.dma_semaphore, #tpu.memory_space<semaphore_mem>>) src(%dma_wait3A_1527 : memref<128xf32, #tpu.memory_space<hbm>>) dst(%dma_wait3A_1525 : memref<128xf32, #tpu.memory_space<vmem>>)
    %dma_wait3A_1528 = arith.constant 0 : i32
    %dma_wait3A_1529 = arith.constant 0 : i32
    %dma_wait3A_1530 = arith.constant 0 : i32
    %dma_wait3A_1531 = tpu.memref_slice %arg16[%dma_wait3A_1529, %dma_wait3A_1530] : memref<10x128xf32, #tpu.memory_space<vmem>> -> memref<1x128xf32, #tpu.memory_space<vmem>>
    %dma_wait3A_1532 = tpu.memref_squeeze %dma_wait3A_1531 : memref<1x128xf32, #tpu.memory_space<vmem>> -> memref<128xf32, #tpu.memory_space<vmem>>
    %dma_wait3A_1533 = arith.constant 0 : i32
    %dma_wait3A_1534 = tpu.memref_slice %arg14[%dma_wait3A_1528, %dma_wait3A_1533] : memref<10x128xi32, #tpu.memory_space<vmem>> -> memref<1x128xi32, #tpu.memory_space<vmem>>
    %dma_wait3A_1535 = tpu.memref_squeeze %dma_wait3A_1534 : memref<1x128xi32, #tpu.memory_space<vmem>> -> memref<128xi32, #tpu.memory_space<vmem>>
    %dma_wait3A_1536 = arith.constant 0 : i32
    %dma_wait3A_1537 = tpu.memref_slice %arg6[%dma_wait3A_1536] : memref<20971520xf32, #tpu.memory_space<hbm>> -> memref<20971520xf32, #tpu.memory_space<hbm>>
    tpu.wait_indirect_dma semaphore(%arg19 : memref<!tpu.dma_semaphore, #tpu.memory_space<semaphore_mem>>) src(%dma_wait3A_1537 : memref<20971520xf32, #tpu.memory_space<hbm>>) dst(%dma_wait3A_1532 : memref<128xf32, #tpu.memory_space<vmem>>)
    %dma_wait3A_1538 = arith.constant 1 : i32
    %dma_wait3A_1539 = arith.constant 1 : i32
    %dma_wait3A_1540 = arith.constant 0 : i32
    %dma_wait3A_1541 = tpu.memref_slice %arg16[%dma_wait3A_1539, %dma_wait3A_1540] : memref<10x128xf32, #tpu.memory_space<vmem>> -> memref<1x128xf32, #tpu.memory_space<vmem>>
    %dma_wait3A_1542 = tpu.memref_squeeze %dma_wait3A_1541 : memref<1x128xf32, #tpu.memory_space<vmem>> -> memref<128xf32, #tpu.memory_space<vmem>>
    %dma_wait3A_1543 = arith.constant 0 : i32
    %dma_wait3A_1544 = tpu.memref_slice %arg14[%dma_wait3A_1538, %dma_wait3A_1543] : memref<10x128xi32, #tpu.memory_space<vmem>> -> memref<1x128xi32, #tpu.memory_space<vmem>>
    %dma_wait3A_1545 = tpu.memref_squeeze %dma_wait3A_1544 : memref<1x128xi32, #tpu.memory_space<vmem>> -> memref<128xi32, #tpu.memory_space<vmem>>
    %dma_wait3A_1546 = arith.constant 0 : i32
    %dma_wait3A_1547 = tpu.memref_slice %arg6[%dma_wait3A_1546] : memref<20971520xf32, #tpu.memory_space<hbm>> -> memref<20971520xf32, #tpu.memory_space<hbm>>
    tpu.wait_indirect_dma semaphore(%arg19 : memref<!tpu.dma_semaphore, #tpu.memory_space<semaphore_mem>>) src(%dma_wait3A_1547 : memref<20971520xf32, #tpu.memory_space<hbm>>) dst(%dma_wait3A_1542 : memref<128xf32, #tpu.memory_space<vmem>>)
    %dma_wait3A_1548 = arith.constant 2 : i32
    %dma_wait3A_1549 = arith.constant 2 : i32
    %dma_wait3A_1550 = arith.constant 0 : i32
    %dma_wait3A_1551 = tpu.memref_slice %arg16[%dma_wait3A_1549, %dma_wait3A_1550] : memref<10x128xf32, #tpu.memory_space<vmem>> -> memref<1x128xf32, #tpu.memory_space<vmem>>
    %dma_wait3A_1552 = tpu.memref_squeeze %dma_wait3A_1551 : memref<1x128xf32, #tpu.memory_space<vmem>> -> memref<128xf32, #tpu.memory_space<vmem>>
    %dma_wait3A_1553 = arith.constant 0 : i32
    %dma_wait3A_1554 = tpu.memref_slice %arg14[%dma_wait3A_1548, %dma_wait3A_1553] : memref<10x128xi32, #tpu.memory_space<vmem>> -> memref<1x128xi32, #tpu.memory_space<vmem>>
    %dma_wait3A_1555 = tpu.memref_squeeze %dma_wait3A_1554 : memref<1x128xi32, #tpu.memory_space<vmem>> -> memref<128xi32, #tpu.memory_space<vmem>>
    %dma_wait3A_1556 = arith.constant 0 : i32
    %dma_wait3A_1557 = tpu.memref_slice %arg6[%dma_wait3A_1556] : memref<20971520xf32, #tpu.memory_space<hbm>> -> memref<20971520xf32, #tpu.memory_space<hbm>>
    tpu.wait_indirect_dma semaphore(%arg19 : memref<!tpu.dma_semaphore, #tpu.memory_space<semaphore_mem>>) src(%dma_wait3A_1557 : memref<20971520xf32, #tpu.memory_space<hbm>>) dst(%dma_wait3A_1552 : memref<128xf32, #tpu.memory_space<vmem>>)
    %dma_wait3A_1558 = arith.constant 3 : i32
    %dma_wait3A_1559 = arith.constant 3 : i32
    %dma_wait3A_1560 = arith.constant 0 : i32
    %dma_wait3A_1561 = tpu.memref_slice %arg16[%dma_wait3A_1559, %dma_wait3A_1560] : memref<10x128xf32, #tpu.memory_space<vmem>> -> memref<1x128xf32, #tpu.memory_space<vmem>>
    %dma_wait3A_1562 = tpu.memref_squeeze %dma_wait3A_1561 : memref<1x128xf32, #tpu.memory_space<vmem>> -> memref<128xf32, #tpu.memory_space<vmem>>
    %dma_wait3A_1563 = arith.constant 0 : i32
    %dma_wait3A_1564 = tpu.memref_slice %arg14[%dma_wait3A_1558, %dma_wait3A_1563] : memref<10x128xi32, #tpu.memory_space<vmem>> -> memref<1x128xi32, #tpu.memory_space<vmem>>
    %dma_wait3A_1565 = tpu.memref_squeeze %dma_wait3A_1564 : memref<1x128xi32, #tpu.memory_space<vmem>> -> memref<128xi32, #tpu.memory_space<vmem>>
    %dma_wait3A_1566 = arith.constant 0 : i32
    %dma_wait3A_1567 = tpu.memref_slice %arg6[%dma_wait3A_1566] : memref<20971520xf32, #tpu.memory_space<hbm>> -> memref<20971520xf32, #tpu.memory_space<hbm>>
    tpu.wait_indirect_dma semaphore(%arg19 : memref<!tpu.dma_semaphore, #tpu.memory_space<semaphore_mem>>) src(%dma_wait3A_1567 : memref<20971520xf32, #tpu.memory_space<hbm>>) dst(%dma_wait3A_1562 : memref<128xf32, #tpu.memory_space<vmem>>)
    %dma_wait3A_1568 = arith.constant 4 : i32
    %dma_wait3A_1569 = arith.constant 4 : i32
    %dma_wait3A_1570 = arith.constant 0 : i32
    %dma_wait3A_1571 = tpu.memref_slice %arg16[%dma_wait3A_1569, %dma_wait3A_1570] : memref<10x128xf32, #tpu.memory_space<vmem>> -> memref<1x128xf32, #tpu.memory_space<vmem>>
    %dma_wait3A_1572 = tpu.memref_squeeze %dma_wait3A_1571 : memref<1x128xf32, #tpu.memory_space<vmem>> -> memref<128xf32, #tpu.memory_space<vmem>>
    %dma_wait3A_1573 = arith.constant 0 : i32
    %dma_wait3A_1574 = tpu.memref_slice %arg14[%dma_wait3A_1568, %dma_wait3A_1573] : memref<10x128xi32, #tpu.memory_space<vmem>> -> memref<1x128xi32, #tpu.memory_space<vmem>>
    %dma_wait3A_1575 = tpu.memref_squeeze %dma_wait3A_1574 : memref<1x128xi32, #tpu.memory_space<vmem>> -> memref<128xi32, #tpu.memory_space<vmem>>
    %dma_wait3A_1576 = arith.constant 0 : i32
    %dma_wait3A_1577 = tpu.memref_slice %arg6[%dma_wait3A_1576] : memref<20971520xf32, #tpu.memory_space<hbm>> -> memref<20971520xf32, #tpu.memory_space<hbm>>
    tpu.wait_indirect_dma semaphore(%arg19 : memref<!tpu.dma_semaphore, #tpu.memory_space<semaphore_mem>>) src(%dma_wait3A_1577 : memref<20971520xf32, #tpu.memory_space<hbm>>) dst(%dma_wait3A_1572 : memref<128xf32, #tpu.memory_space<vmem>>)
    %dma_wait3A_1578 = arith.constant 5 : i32
    %dma_wait3A_1579 = arith.constant 5 : i32
    %dma_wait3A_1580 = arith.constant 0 : i32
    %dma_wait3A_1581 = tpu.memref_slice %arg16[%dma_wait3A_1579, %dma_wait3A_1580] : memref<10x128xf32, #tpu.memory_space<vmem>> -> memref<1x128xf32, #tpu.memory_space<vmem>>
    %dma_wait3A_1582 = tpu.memref_squeeze %dma_wait3A_1581 : memref<1x128xf32, #tpu.memory_space<vmem>> -> memref<128xf32, #tpu.memory_space<vmem>>
    %dma_wait3A_1583 = arith.constant 0 : i32
    %dma_wait3A_1584 = tpu.memref_slice %arg14[%dma_wait3A_1578, %dma_wait3A_1583] : memref<10x128xi32, #tpu.memory_space<vmem>> -> memref<1x128xi32, #tpu.memory_space<vmem>>
    %dma_wait3A_1585 = tpu.memref_squeeze %dma_wait3A_1584 : memref<1x128xi32, #tpu.memory_space<vmem>> -> memref<128xi32, #tpu.memory_space<vmem>>
    %dma_wait3A_1586 = arith.constant 0 : i32
    %dma_wait3A_1587 = tpu.memref_slice %arg6[%dma_wait3A_1586] : memref<20971520xf32, #tpu.memory_space<hbm>> -> memref<20971520xf32, #tpu.memory_space<hbm>>
    tpu.wait_indirect_dma semaphore(%arg19 : memref<!tpu.dma_semaphore, #tpu.memory_space<semaphore_mem>>) src(%dma_wait3A_1587 : memref<20971520xf32, #tpu.memory_space<hbm>>) dst(%dma_wait3A_1582 : memref<128xf32, #tpu.memory_space<vmem>>)
    %dma_wait3A_1588 = arith.constant 6 : i32
    %dma_wait3A_1589 = arith.constant 6 : i32
    %dma_wait3A_1590 = arith.constant 0 : i32
    %dma_wait3A_1591 = tpu.memref_slice %arg16[%dma_wait3A_1589, %dma_wait3A_1590] : memref<10x128xf32, #tpu.memory_space<vmem>> -> memref<1x128xf32, #tpu.memory_space<vmem>>
    %dma_wait3A_1592 = tpu.memref_squeeze %dma_wait3A_1591 : memref<1x128xf32, #tpu.memory_space<vmem>> -> memref<128xf32, #tpu.memory_space<vmem>>
    %dma_wait3A_1593 = arith.constant 0 : i32
    %dma_wait3A_1594 = tpu.memref_slice %arg14[%dma_wait3A_1588, %dma_wait3A_1593] : memref<10x128xi32, #tpu.memory_space<vmem>> -> memref<1x128xi32, #tpu.memory_space<vmem>>
    %dma_wait3A_1595 = tpu.memref_squeeze %dma_wait3A_1594 : memref<1x128xi32, #tpu.memory_space<vmem>> -> memref<128xi32, #tpu.memory_space<vmem>>
    %dma_wait3A_1596 = arith.constant 0 : i32
    %dma_wait3A_1597 = tpu.memref_slice %arg6[%dma_wait3A_1596] : memref<20971520xf32, #tpu.memory_space<hbm>> -> memref<20971520xf32, #tpu.memory_space<hbm>>
    tpu.wait_indirect_dma semaphore(%arg19 : memref<!tpu.dma_semaphore, #tpu.memory_space<semaphore_mem>>) src(%dma_wait3A_1597 : memref<20971520xf32, #tpu.memory_space<hbm>>) dst(%dma_wait3A_1592 : memref<128xf32, #tpu.memory_space<vmem>>)
    %dma_wait3A_1598 = arith.constant 7 : i32
    %dma_wait3A_1599 = arith.constant 7 : i32
    %dma_wait3A_1600 = arith.constant 0 : i32
    %dma_wait3A_1601 = tpu.memref_slice %arg16[%dma_wait3A_1599, %dma_wait3A_1600] : memref<10x128xf32, #tpu.memory_space<vmem>> -> memref<1x128xf32, #tpu.memory_space<vmem>>
    %dma_wait3A_1602 = tpu.memref_squeeze %dma_wait3A_1601 : memref<1x128xf32, #tpu.memory_space<vmem>> -> memref<128xf32, #tpu.memory_space<vmem>>
    %dma_wait3A_1603 = arith.constant 0 : i32
    %dma_wait3A_1604 = tpu.memref_slice %arg14[%dma_wait3A_1598, %dma_wait3A_1603] : memref<10x128xi32, #tpu.memory_space<vmem>> -> memref<1x128xi32, #tpu.memory_space<vmem>>
    %dma_wait3A_1605 = tpu.memref_squeeze %dma_wait3A_1604 : memref<1x128xi32, #tpu.memory_space<vmem>> -> memref<128xi32, #tpu.memory_space<vmem>>
    %dma_wait3A_1606 = arith.constant 0 : i32
    %dma_wait3A_1607 = tpu.memref_slice %arg6[%dma_wait3A_1606] : memref<20971520xf32, #tpu.memory_space<hbm>> -> memref<20971520xf32, #tpu.memory_space<hbm>>
    tpu.wait_indirect_dma semaphore(%arg19 : memref<!tpu.dma_semaphore, #tpu.memory_space<semaphore_mem>>) src(%dma_wait3A_1607 : memref<20971520xf32, #tpu.memory_space<hbm>>) dst(%dma_wait3A_1602 : memref<128xf32, #tpu.memory_space<vmem>>)
    %dma_wait3A_1608 = arith.constant 8 : i32
    %dma_wait3A_1609 = arith.constant 8 : i32
    %dma_wait3A_1610 = arith.constant 0 : i32
    %dma_wait3A_1611 = tpu.memref_slice %arg16[%dma_wait3A_1609, %dma_wait3A_1610] : memref<10x128xf32, #tpu.memory_space<vmem>> -> memref<1x128xf32, #tpu.memory_space<vmem>>
    %dma_wait3A_1612 = tpu.memref_squeeze %dma_wait3A_1611 : memref<1x128xf32, #tpu.memory_space<vmem>> -> memref<128xf32, #tpu.memory_space<vmem>>
    %dma_wait3A_1613 = arith.constant 0 : i32
    %dma_wait3A_1614 = tpu.memref_slice %arg14[%dma_wait3A_1608, %dma_wait3A_1613] : memref<10x128xi32, #tpu.memory_space<vmem>> -> memref<1x128xi32, #tpu.memory_space<vmem>>
    %dma_wait3A_1615 = tpu.memref_squeeze %dma_wait3A_1614 : memref<1x128xi32, #tpu.memory_space<vmem>> -> memref<128xi32, #tpu.memory_space<vmem>>
    %dma_wait3A_1616 = arith.constant 0 : i32
    %dma_wait3A_1617 = tpu.memref_slice %arg6[%dma_wait3A_1616] : memref<20971520xf32, #tpu.memory_space<hbm>> -> memref<20971520xf32, #tpu.memory_space<hbm>>
    tpu.wait_indirect_dma semaphore(%arg19 : memref<!tpu.dma_semaphore, #tpu.memory_space<semaphore_mem>>) src(%dma_wait3A_1617 : memref<20971520xf32, #tpu.memory_space<hbm>>) dst(%dma_wait3A_1612 : memref<128xf32, #tpu.memory_space<vmem>>)
    %dma_wait3A_1618 = arith.constant 9 : i32
    %dma_wait3A_1619 = arith.constant 9 : i32
    %dma_wait3A_1620 = arith.constant 0 : i32
    %dma_wait3A_1621 = tpu.memref_slice %arg16[%dma_wait3A_1619, %dma_wait3A_1620] : memref<10x128xf32, #tpu.memory_space<vmem>> -> memref<1x128xf32, #tpu.memory_space<vmem>>
    %dma_wait3A_1622 = tpu.memref_squeeze %dma_wait3A_1621 : memref<1x128xf32, #tpu.memory_space<vmem>> -> memref<128xf32, #tpu.memory_space<vmem>>
    %dma_wait3A_1623 = arith.constant 0 : i32
    %dma_wait3A_1624 = tpu.memref_slice %arg14[%dma_wait3A_1618, %dma_wait3A_1623] : memref<10x128xi32, #tpu.memory_space<vmem>> -> memref<1x128xi32, #tpu.memory_space<vmem>>
    %dma_wait3A_1625 = tpu.memref_squeeze %dma_wait3A_1624 : memref<1x128xi32, #tpu.memory_space<vmem>> -> memref<128xi32, #tpu.memory_space<vmem>>
    %dma_wait3A_1626 = arith.constant 0 : i32
    %dma_wait3A_1627 = tpu.memref_slice %arg6[%dma_wait3A_1626] : memref<20971520xf32, #tpu.memory_space<hbm>> -> memref<20971520xf32, #tpu.memory_space<hbm>>
    tpu.wait_indirect_dma semaphore(%arg19 : memref<!tpu.dma_semaphore, #tpu.memory_space<semaphore_mem>>) src(%dma_wait3A_1627 : memref<20971520xf32, #tpu.memory_space<hbm>>) dst(%dma_wait3A_1622 : memref<128xf32, #tpu.memory_space<vmem>>)
    %dma_wait3A_1628 = arith.constant 0 : i32
    %dma_wait3A_1629 = tpu.memref_slice %arg7[%dma_wait3A_1628] : memref<4194304xf32, #tpu.memory_space<hbm>> -> memref<4194304xf32, #tpu.memory_space<hbm>>
    tpu.wait_indirect_dma semaphore(%arg19 : memref<!tpu.dma_semaphore, #tpu.memory_space<semaphore_mem>>) src(%dma_wait3A_1629 : memref<4194304xf32, #tpu.memory_space<hbm>>) dst(%arg17 : memref<128xf32, #tpu.memory_space<vmem>>)
    %broadcast_in_dim3A = arith.constant 0.000000e+00 : f32
    %broadcast_in_dim3A_1630 = vector.broadcast %broadcast_in_dim3A : f32 to vector<16xf32>
    %get3A_1631 = arith.constant 0 : index
    %get3A_1632 = tpu.vector_load %arg12[%get3A_1631] {strides = array<i32>} : memref<128xi32, #tpu.memory_space<vmem>>, vector<16xi32>,
    %get3A_1633 = vector.shape_cast %get3A_1632 : vector<16xi32> to vector<16xi32>
    %convert_element_type3A = arith.sitofp %get3A_1633 : vector<16xi32> to vector<16xf32>
    %get3A_1634 = arith.constant 0 : i32
    %get3A_1635 = arith.index_cast %get3A_1634 : i32 to index
    %get3A_1636 = arith.constant 0 : index
    %get3A_1637 = tpu.vector_load %arg16[%get3A_1635, %get3A_1636] {strides = array<i32>} : memref<10x128xf32, #tpu.memory_space<vmem>>, vector<1x16xf32>,
    %get3A_1638 = vector.shape_cast %get3A_1637 : vector<1x16xf32> to vector<16xf32>
    %get3A_1639 = arith.constant 0 : i32
    %get3A_1640 = arith.index_cast %get3A_1639 : i32 to index
    %get3A_1641 = arith.constant 0 : index
    %get3A_1642 = tpu.vector_load %arg13[%get3A_1640, %get3A_1641] {strides = array<i32>} : memref<10x128xf32, #tpu.memory_space<vmem>>, vector<1x16xf32>,
    %get3A_1643 = vector.shape_cast %get3A_1642 : vector<1x16xf32> to vector<16xf32>
    %sub3A_1644 = arith.subf %get3A_1638, %get3A_1643 : vector<16xf32>
    %abs3A = math.absf %sub3A_1644 : vector<16xf32>
    %mul3A_1645 = arith.mulf %convert_element_type3A, %abs3A : vector<16xf32>
    %add3A_1646 = arith.addf %broadcast_in_dim3A_1630, %mul3A_1645 : vector<16xf32>
    %get3A_1647 = arith.constant 16 : index
    %get3A_1648 = tpu.vector_load %arg12[%get3A_1647] {strides = array<i32>} : memref<128xi32, #tpu.memory_space<vmem>>, vector<16xi32>,
    %get3A_1649 = vector.shape_cast %get3A_1648 : vector<16xi32> to vector<16xi32>
    %convert_element_type3A_1650 = arith.sitofp %get3A_1649 : vector<16xi32> to vector<16xf32>
    %get3A_1651 = arith.constant 0 : i32
    %get3A_1652 = arith.index_cast %get3A_1651 : i32 to index
    %get3A_1653 = arith.constant 16 : index
    %get3A_1654 = tpu.vector_load %arg16[%get3A_1652, %get3A_1653] {strides = array<i32>} : memref<10x128xf32, #tpu.memory_space<vmem>>, vector<1x16xf32>,
    %get3A_1655 = vector.shape_cast %get3A_1654 : vector<1x16xf32> to vector<16xf32>
    %get3A_1656 = arith.constant 0 : i32
    %get3A_1657 = arith.index_cast %get3A_1656 : i32 to index
    %get3A_1658 = arith.constant 16 : index
    %get3A_1659 = tpu.vector_load %arg13[%get3A_1657, %get3A_1658] {strides = array<i32>} : memref<10x128xf32, #tpu.memory_space<vmem>>, vector<1x16xf32>,
    %get3A_1660 = vector.shape_cast %get3A_1659 : vector<1x16xf32> to vector<16xf32>
    %sub3A_1661 = arith.subf %get3A_1655, %get3A_1660 : vector<16xf32>
    %abs3A_1662 = math.absf %sub3A_1661 : vector<16xf32>
    %mul3A_1663 = arith.mulf %convert_element_type3A_1650, %abs3A_1662 : vector<16xf32>
    %add3A_1664 = arith.addf %add3A_1646, %mul3A_1663 : vector<16xf32>
    %get3A_1665 = arith.constant 32 : index
    %get3A_1666 = tpu.vector_load %arg12[%get3A_1665] {strides = array<i32>} : memref<128xi32, #tpu.memory_space<vmem>>, vector<16xi32>,
    %get3A_1667 = vector.shape_cast %get3A_1666 : vector<16xi32> to vector<16xi32>
    %convert_element_type3A_1668 = arith.sitofp %get3A_1667 : vector<16xi32> to vector<16xf32>
    %get3A_1669 = arith.constant 0 : i32
    %get3A_1670 = arith.index_cast %get3A_1669 : i32 to index
    %get3A_1671 = arith.constant 32 : index
    %get3A_1672 = tpu.vector_load %arg16[%get3A_1670, %get3A_1671] {strides = array<i32>} : memref<10x128xf32, #tpu.memory_space<vmem>>, vector<1x16xf32>,
    %get3A_1673 = vector.shape_cast %get3A_1672 : vector<1x16xf32> to vector<16xf32>
    %get3A_1674 = arith.constant 0 : i32
    %get3A_1675 = arith.index_cast %get3A_1674 : i32 to index
    %get3A_1676 = arith.constant 32 : index
    %get3A_1677 = tpu.vector_load %arg13[%get3A_1675, %get3A_1676] {strides = array<i32>} : memref<10x128xf32, #tpu.memory_space<vmem>>, vector<1x16xf32>,
    %get3A_1678 = vector.shape_cast %get3A_1677 : vector<1x16xf32> to vector<16xf32>
    %sub3A_1679 = arith.subf %get3A_1673, %get3A_1678 : vector<16xf32>
    %abs3A_1680 = math.absf %sub3A_1679 : vector<16xf32>
    %mul3A_1681 = arith.mulf %convert_element_type3A_1668, %abs3A_1680 : vector<16xf32>
    %add3A_1682 = arith.addf %add3A_1664, %mul3A_1681 : vector<16xf32>
    %get3A_1683 = arith.constant 48 : index
    %get3A_1684 = tpu.vector_load %arg12[%get3A_1683] {strides = array<i32>} : memref<128xi32, #tpu.memory_space<vmem>>, vector<16xi32>,
    %get3A_1685 = vector.shape_cast %get3A_1684 : vector<16xi32> to vector<16xi32>
    %convert_element_type3A_1686 = arith.sitofp %get3A_1685 : vector<16xi32> to vector<16xf32>
    %get3A_1687 = arith.constant 0 : i32
    %get3A_1688 = arith.index_cast %get3A_1687 : i32 to index
    %get3A_1689 = arith.constant 48 : index
    %get3A_1690 = tpu.vector_load %arg16[%get3A_1688, %get3A_1689] {strides = array<i32>} : memref<10x128xf32, #tpu.memory_space<vmem>>, vector<1x16xf32>,
    %get3A_1691 = vector.shape_cast %get3A_1690 : vector<1x16xf32> to vector<16xf32>
    %get3A_1692 = arith.constant 0 : i32
    %get3A_1693 = arith.index_cast %get3A_1692 : i32 to index
    %get3A_1694 = arith.constant 48 : index
    %get3A_1695 = tpu.vector_load %arg13[%get3A_1693, %get3A_1694] {strides = array<i32>} : memref<10x128xf32, #tpu.memory_space<vmem>>, vector<1x16xf32>,
    %get3A_1696 = vector.shape_cast %get3A_1695 : vector<1x16xf32> to vector<16xf32>
    %sub3A_1697 = arith.subf %get3A_1691, %get3A_1696 : vector<16xf32>
    %abs3A_1698 = math.absf %sub3A_1697 : vector<16xf32>
    %mul3A_1699 = arith.mulf %convert_element_type3A_1686, %abs3A_1698 : vector<16xf32>
    %add3A_1700 = arith.addf %add3A_1682, %mul3A_1699 : vector<16xf32>
    %get3A_1701 = arith.constant 64 : index
    %get3A_1702 = tpu.vector_load %arg12[%get3A_1701] {strides = array<i32>} : memref<128xi32, #tpu.memory_space<vmem>>, vector<16xi32>,
    %get3A_1703 = vector.shape_cast %get3A_1702 : vector<16xi32> to vector<16xi32>
    %convert_element_type3A_1704 = arith.sitofp %get3A_1703 : vector<16xi32> to vector<16xf32>
    %get3A_1705 = arith.constant 0 : i32
    %get3A_1706 = arith.index_cast %get3A_1705 : i32 to index
    %get3A_1707 = arith.constant 64 : index
    %get3A_1708 = tpu.vector_load %arg16[%get3A_1706, %get3A_1707] {strides = array<i32>} : memref<10x128xf32, #tpu.memory_space<vmem>>, vector<1x16xf32>,
    %get3A_1709 = vector.shape_cast %get3A_1708 : vector<1x16xf32> to vector<16xf32>
    %get3A_1710 = arith.constant 0 : i32
    %get3A_1711 = arith.index_cast %get3A_1710 : i32 to index
    %get3A_1712 = arith.constant 64 : index
    %get3A_1713 = tpu.vector_load %arg13[%get3A_1711, %get3A_1712] {strides = array<i32>} : memref<10x128xf32, #tpu.memory_space<vmem>>, vector<1x16xf32>,
    %get3A_1714 = vector.shape_cast %get3A_1713 : vector<1x16xf32> to vector<16xf32>
    %sub3A_1715 = arith.subf %get3A_1709, %get3A_1714 : vector<16xf32>
    %abs3A_1716 = math.absf %sub3A_1715 : vector<16xf32>
    %mul3A_1717 = arith.mulf %convert_element_type3A_1704, %abs3A_1716 : vector<16xf32>
    %add3A_1718 = arith.addf %add3A_1700, %mul3A_1717 : vector<16xf32>
    %get3A_1719 = arith.constant 80 : index
    %get3A_1720 = tpu.vector_load %arg12[%get3A_1719] {strides = array<i32>} : memref<128xi32, #tpu.memory_space<vmem>>, vector<16xi32>,
    %get3A_1721 = vector.shape_cast %get3A_1720 : vector<16xi32> to vector<16xi32>
    %convert_element_type3A_1722 = arith.sitofp %get3A_1721 : vector<16xi32> to vector<16xf32>
    %get3A_1723 = arith.constant 0 : i32
    %get3A_1724 = arith.index_cast %get3A_1723 : i32 to index
    %get3A_1725 = arith.constant 80 : index
    %get3A_1726 = tpu.vector_load %arg16[%get3A_1724, %get3A_1725] {strides = array<i32>} : memref<10x128xf32, #tpu.memory_space<vmem>>, vector<1x16xf32>,
    %get3A_1727 = vector.shape_cast %get3A_1726 : vector<1x16xf32> to vector<16xf32>
    %get3A_1728 = arith.constant 0 : i32
    %get3A_1729 = arith.index_cast %get3A_1728 : i32 to index
    %get3A_1730 = arith.constant 80 : index
    %get3A_1731 = tpu.vector_load %arg13[%get3A_1729, %get3A_1730] {strides = array<i32>} : memref<10x128xf32, #tpu.memory_space<vmem>>, vector<1x16xf32>,
    %get3A_1732 = vector.shape_cast %get3A_1731 : vector<1x16xf32> to vector<16xf32>
    %sub3A_1733 = arith.subf %get3A_1727, %get3A_1732 : vector<16xf32>
    %abs3A_1734 = math.absf %sub3A_1733 : vector<16xf32>
    %mul3A_1735 = arith.mulf %convert_element_type3A_1722, %abs3A_1734 : vector<16xf32>
    %add3A_1736 = arith.addf %add3A_1718, %mul3A_1735 : vector<16xf32>
    %get3A_1737 = arith.constant 96 : index
    %get3A_1738 = tpu.vector_load %arg12[%get3A_1737] {strides = array<i32>} : memref<128xi32, #tpu.memory_space<vmem>>, vector<16xi32>,
    %get3A_1739 = vector.shape_cast %get3A_1738 : vector<16xi32> to vector<16xi32>
    %convert_element_type3A_1740 = arith.sitofp %get3A_1739 : vector<16xi32> to vector<16xf32>
    %get3A_1741 = arith.constant 0 : i32
    %get3A_1742 = arith.index_cast %get3A_1741 : i32 to index
    %get3A_1743 = arith.constant 96 : index
    %get3A_1744 = tpu.vector_load %arg16[%get3A_1742, %get3A_1743] {strides = array<i32>} : memref<10x128xf32, #tpu.memory_space<vmem>>, vector<1x16xf32>,
    %get3A_1745 = vector.shape_cast %get3A_1744 : vector<1x16xf32> to vector<16xf32>
    %get3A_1746 = arith.constant 0 : i32
    %get3A_1747 = arith.index_cast %get3A_1746 : i32 to index
    %get3A_1748 = arith.constant 96 : index
    %get3A_1749 = tpu.vector_load %arg13[%get3A_1747, %get3A_1748] {strides = array<i32>} : memref<10x128xf32, #tpu.memory_space<vmem>>, vector<1x16xf32>,
    %get3A_1750 = vector.shape_cast %get3A_1749 : vector<1x16xf32> to vector<16xf32>
    %sub3A_1751 = arith.subf %get3A_1745, %get3A_1750 : vector<16xf32>
    %abs3A_1752 = math.absf %sub3A_1751 : vector<16xf32>
    %mul3A_1753 = arith.mulf %convert_element_type3A_1740, %abs3A_1752 : vector<16xf32>
    %add3A_1754 = arith.addf %add3A_1736, %mul3A_1753 : vector<16xf32>
    %get3A_1755 = arith.constant 112 : index
    %get3A_1756 = tpu.vector_load %arg12[%get3A_1755] {strides = array<i32>} : memref<128xi32, #tpu.memory_space<vmem>>, vector<16xi32>,
    %get3A_1757 = vector.shape_cast %get3A_1756 : vector<16xi32> to vector<16xi32>
    %convert_element_type3A_1758 = arith.sitofp %get3A_1757 : vector<16xi32> to vector<16xf32>
    %get3A_1759 = arith.constant 0 : i32
    %get3A_1760 = arith.index_cast %get3A_1759 : i32 to index
    %get3A_1761 = arith.constant 112 : index
    %get3A_1762 = tpu.vector_load %arg16[%get3A_1760, %get3A_1761] {strides = array<i32>} : memref<10x128xf32, #tpu.memory_space<vmem>>, vector<1x16xf32>,
    %get3A_1763 = vector.shape_cast %get3A_1762 : vector<1x16xf32> to vector<16xf32>
    %get3A_1764 = arith.constant 0 : i32
    %get3A_1765 = arith.index_cast %get3A_1764 : i32 to index
    %get3A_1766 = arith.constant 112 : index
    %get3A_1767 = tpu.vector_load %arg13[%get3A_1765, %get3A_1766] {strides = array<i32>} : memref<10x128xf32, #tpu.memory_space<vmem>>, vector<1x16xf32>,
    %get3A_1768 = vector.shape_cast %get3A_1767 : vector<1x16xf32> to vector<16xf32>
    %sub3A_1769 = arith.subf %get3A_1763, %get3A_1768 : vector<16xf32>
    %abs3A_1770 = math.absf %sub3A_1769 : vector<16xf32>
    %mul3A_1771 = arith.mulf %convert_element_type3A_1758, %abs3A_1770 : vector<16xf32>
    %add3A_1772 = arith.addf %add3A_1754, %mul3A_1771 : vector<16xf32>
    %swap3A_1773 = arith.constant 0 : index
    %swap3A_1774 = tpu.vector_load %arg18[%swap3A_1773] {strides = array<i32>} : memref<160xf32, #tpu.memory_space<vmem>>, vector<16xf32>,
    %swap3A_1775 = vector.shape_cast %swap3A_1774 : vector<16xf32> to vector<16xf32>
    %swap3A_1776 = vector.shape_cast %add3A_1772 : vector<16xf32> to vector<16xf32>
    tpu.vector_store %arg18[%swap3A_1773], %swap3A_1776 {strides = array<i32>} : memref<160xf32, #tpu.memory_space<vmem>>, vector<16xf32>,
    %broadcast_in_dim3A_1777 = arith.constant 0.000000e+00 : f32
    %broadcast_in_dim3A_1778 = vector.broadcast %broadcast_in_dim3A_1777 : f32 to vector<16xf32>
    %get3A_1779 = arith.constant 0 : index
    %get3A_1780 = tpu.vector_load %arg12[%get3A_1779] {strides = array<i32>} : memref<128xi32, #tpu.memory_space<vmem>>, vector<16xi32>,
    %get3A_1781 = vector.shape_cast %get3A_1780 : vector<16xi32> to vector<16xi32>
    %convert_element_type3A_1782 = arith.sitofp %get3A_1781 : vector<16xi32> to vector<16xf32>
    %get3A_1783 = arith.constant 1 : i32
    %get3A_1784 = arith.index_cast %get3A_1783 : i32 to index
    %get3A_1785 = arith.constant 0 : index
    %get3A_1786 = tpu.vector_load %arg16[%get3A_1784, %get3A_1785] {strides = array<i32>} : memref<10x128xf32, #tpu.memory_space<vmem>>, vector<1x16xf32>,
    %get3A_1787 = vector.shape_cast %get3A_1786 : vector<1x16xf32> to vector<16xf32>
    %get3A_1788 = arith.constant 1 : i32
    %get3A_1789 = arith.index_cast %get3A_1788 : i32 to index
    %get3A_1790 = arith.constant 0 : index
    %get3A_1791 = tpu.vector_load %arg13[%get3A_1789, %get3A_1790] {strides = array<i32>} : memref<10x128xf32, #tpu.memory_space<vmem>>, vector<1x16xf32>,
    %get3A_1792 = vector.shape_cast %get3A_1791 : vector<1x16xf32> to vector<16xf32>
    %sub3A_1793 = arith.subf %get3A_1787, %get3A_1792 : vector<16xf32>
    %abs3A_1794 = math.absf %sub3A_1793 : vector<16xf32>
    %mul3A_1795 = arith.mulf %convert_element_type3A_1782, %abs3A_1794 : vector<16xf32>
    %add3A_1796 = arith.addf %broadcast_in_dim3A_1778, %mul3A_1795 : vector<16xf32>
    %get3A_1797 = arith.constant 16 : index
    %get3A_1798 = tpu.vector_load %arg12[%get3A_1797] {strides = array<i32>} : memref<128xi32, #tpu.memory_space<vmem>>, vector<16xi32>,
    %get3A_1799 = vector.shape_cast %get3A_1798 : vector<16xi32> to vector<16xi32>
    %convert_element_type3A_1800 = arith.sitofp %get3A_1799 : vector<16xi32> to vector<16xf32>
    %get3A_1801 = arith.constant 1 : i32
    %get3A_1802 = arith.index_cast %get3A_1801 : i32 to index
    %get3A_1803 = arith.constant 16 : index
    %get3A_1804 = tpu.vector_load %arg16[%get3A_1802, %get3A_1803] {strides = array<i32>} : memref<10x128xf32, #tpu.memory_space<vmem>>, vector<1x16xf32>,
    %get3A_1805 = vector.shape_cast %get3A_1804 : vector<1x16xf32> to vector<16xf32>
    %get3A_1806 = arith.constant 1 : i32
    %get3A_1807 = arith.index_cast %get3A_1806 : i32 to index
    %get3A_1808 = arith.constant 16 : index
    %get3A_1809 = tpu.vector_load %arg13[%get3A_1807, %get3A_1808] {strides = array<i32>} : memref<10x128xf32, #tpu.memory_space<vmem>>, vector<1x16xf32>,
    %get3A_1810 = vector.shape_cast %get3A_1809 : vector<1x16xf32> to vector<16xf32>
    %sub3A_1811 = arith.subf %get3A_1805, %get3A_1810 : vector<16xf32>
    %abs3A_1812 = math.absf %sub3A_1811 : vector<16xf32>
    %mul3A_1813 = arith.mulf %convert_element_type3A_1800, %abs3A_1812 : vector<16xf32>
    %add3A_1814 = arith.addf %add3A_1796, %mul3A_1813 : vector<16xf32>
    %get3A_1815 = arith.constant 32 : index
    %get3A_1816 = tpu.vector_load %arg12[%get3A_1815] {strides = array<i32>} : memref<128xi32, #tpu.memory_space<vmem>>, vector<16xi32>,
    %get3A_1817 = vector.shape_cast %get3A_1816 : vector<16xi32> to vector<16xi32>
    %convert_element_type3A_1818 = arith.sitofp %get3A_1817 : vector<16xi32> to vector<16xf32>
    %get3A_1819 = arith.constant 1 : i32
    %get3A_1820 = arith.index_cast %get3A_1819 : i32 to index
    %get3A_1821 = arith.constant 32 : index
    %get3A_1822 = tpu.vector_load %arg16[%get3A_1820, %get3A_1821] {strides = array<i32>} : memref<10x128xf32, #tpu.memory_space<vmem>>, vector<1x16xf32>,
    %get3A_1823 = vector.shape_cast %get3A_1822 : vector<1x16xf32> to vector<16xf32>
    %get3A_1824 = arith.constant 1 : i32
    %get3A_1825 = arith.index_cast %get3A_1824 : i32 to index
    %get3A_1826 = arith.constant 32 : index
    %get3A_1827 = tpu.vector_load %arg13[%get3A_1825, %get3A_1826] {strides = array<i32>} : memref<10x128xf32, #tpu.memory_space<vmem>>, vector<1x16xf32>,
    %get3A_1828 = vector.shape_cast %get3A_1827 : vector<1x16xf32> to vector<16xf32>
    %sub3A_1829 = arith.subf %get3A_1823, %get3A_1828 : vector<16xf32>
    %abs3A_1830 = math.absf %sub3A_1829 : vector<16xf32>
    %mul3A_1831 = arith.mulf %convert_element_type3A_1818, %abs3A_1830 : vector<16xf32>
    %add3A_1832 = arith.addf %add3A_1814, %mul3A_1831 : vector<16xf32>
    %get3A_1833 = arith.constant 48 : index
    %get3A_1834 = tpu.vector_load %arg12[%get3A_1833] {strides = array<i32>} : memref<128xi32, #tpu.memory_space<vmem>>, vector<16xi32>,
    %get3A_1835 = vector.shape_cast %get3A_1834 : vector<16xi32> to vector<16xi32>
    %convert_element_type3A_1836 = arith.sitofp %get3A_1835 : vector<16xi32> to vector<16xf32>
    %get3A_1837 = arith.constant 1 : i32
    %get3A_1838 = arith.index_cast %get3A_1837 : i32 to index
    %get3A_1839 = arith.constant 48 : index
    %get3A_1840 = tpu.vector_load %arg16[%get3A_1838, %get3A_1839] {strides = array<i32>} : memref<10x128xf32, #tpu.memory_space<vmem>>, vector<1x16xf32>,
    %get3A_1841 = vector.shape_cast %get3A_1840 : vector<1x16xf32> to vector<16xf32>
    %get3A_1842 = arith.constant 1 : i32
    %get3A_1843 = arith.index_cast %get3A_1842 : i32 to index
    %get3A_1844 = arith.constant 48 : index
    %get3A_1845 = tpu.vector_load %arg13[%get3A_1843, %get3A_1844] {strides = array<i32>} : memref<10x128xf32, #tpu.memory_space<vmem>>, vector<1x16xf32>,
    %get3A_1846 = vector.shape_cast %get3A_1845 : vector<1x16xf32> to vector<16xf32>
    %sub3A_1847 = arith.subf %get3A_1841, %get3A_1846 : vector<16xf32>
    %abs3A_1848 = math.absf %sub3A_1847 : vector<16xf32>
    %mul3A_1849 = arith.mulf %convert_element_type3A_1836, %abs3A_1848 : vector<16xf32>
    %add3A_1850 = arith.addf %add3A_1832, %mul3A_1849 : vector<16xf32>
    %get3A_1851 = arith.constant 64 : index
    %get3A_1852 = tpu.vector_load %arg12[%get3A_1851] {strides = array<i32>} : memref<128xi32, #tpu.memory_space<vmem>>, vector<16xi32>,
    %get3A_1853 = vector.shape_cast %get3A_1852 : vector<16xi32> to vector<16xi32>
    %convert_element_type3A_1854 = arith.sitofp %get3A_1853 : vector<16xi32> to vector<16xf32>
    %get3A_1855 = arith.constant 1 : i32
    %get3A_1856 = arith.index_cast %get3A_1855 : i32 to index
    %get3A_1857 = arith.constant 64 : index
    %get3A_1858 = tpu.vector_load %arg16[%get3A_1856, %get3A_1857] {strides = array<i32>} : memref<10x128xf32, #tpu.memory_space<vmem>>, vector<1x16xf32>,
    %get3A_1859 = vector.shape_cast %get3A_1858 : vector<1x16xf32> to vector<16xf32>
    %get3A_1860 = arith.constant 1 : i32
    %get3A_1861 = arith.index_cast %get3A_1860 : i32 to index
    %get3A_1862 = arith.constant 64 : index
    %get3A_1863 = tpu.vector_load %arg13[%get3A_1861, %get3A_1862] {strides = array<i32>} : memref<10x128xf32, #tpu.memory_space<vmem>>, vector<1x16xf32>,
    %get3A_1864 = vector.shape_cast %get3A_1863 : vector<1x16xf32> to vector<16xf32>
    %sub3A_1865 = arith.subf %get3A_1859, %get3A_1864 : vector<16xf32>
    %abs3A_1866 = math.absf %sub3A_1865 : vector<16xf32>
    %mul3A_1867 = arith.mulf %convert_element_type3A_1854, %abs3A_1866 : vector<16xf32>
    %add3A_1868 = arith.addf %add3A_1850, %mul3A_1867 : vector<16xf32>
    %get3A_1869 = arith.constant 80 : index
    %get3A_1870 = tpu.vector_load %arg12[%get3A_1869] {strides = array<i32>} : memref<128xi32, #tpu.memory_space<vmem>>, vector<16xi32>,
    %get3A_1871 = vector.shape_cast %get3A_1870 : vector<16xi32> to vector<16xi32>
    %convert_element_type3A_1872 = arith.sitofp %get3A_1871 : vector<16xi32> to vector<16xf32>
    %get3A_1873 = arith.constant 1 : i32
    %get3A_1874 = arith.index_cast %get3A_1873 : i32 to index
    %get3A_1875 = arith.constant 80 : index
    %get3A_1876 = tpu.vector_load %arg16[%get3A_1874, %get3A_1875] {strides = array<i32>} : memref<10x128xf32, #tpu.memory_space<vmem>>, vector<1x16xf32>,
    %get3A_1877 = vector.shape_cast %get3A_1876 : vector<1x16xf32> to vector<16xf32>
    %get3A_1878 = arith.constant 1 : i32
    %get3A_1879 = arith.index_cast %get3A_1878 : i32 to index
    %get3A_1880 = arith.constant 80 : index
    %get3A_1881 = tpu.vector_load %arg13[%get3A_1879, %get3A_1880] {strides = array<i32>} : memref<10x128xf32, #tpu.memory_space<vmem>>, vector<1x16xf32>,
    %get3A_1882 = vector.shape_cast %get3A_1881 : vector<1x16xf32> to vector<16xf32>
    %sub3A_1883 = arith.subf %get3A_1877, %get3A_1882 : vector<16xf32>
    %abs3A_1884 = math.absf %sub3A_1883 : vector<16xf32>
    %mul3A_1885 = arith.mulf %convert_element_type3A_1872, %abs3A_1884 : vector<16xf32>
    %add3A_1886 = arith.addf %add3A_1868, %mul3A_1885 : vector<16xf32>
    %get3A_1887 = arith.constant 96 : index
    %get3A_1888 = tpu.vector_load %arg12[%get3A_1887] {strides = array<i32>} : memref<128xi32, #tpu.memory_space<vmem>>, vector<16xi32>,
    %get3A_1889 = vector.shape_cast %get3A_1888 : vector<16xi32> to vector<16xi32>
    %convert_element_type3A_1890 = arith.sitofp %get3A_1889 : vector<16xi32> to vector<16xf32>
    %get3A_1891 = arith.constant 1 : i32
    %get3A_1892 = arith.index_cast %get3A_1891 : i32 to index
    %get3A_1893 = arith.constant 96 : index
    %get3A_1894 = tpu.vector_load %arg16[%get3A_1892, %get3A_1893] {strides = array<i32>} : memref<10x128xf32, #tpu.memory_space<vmem>>, vector<1x16xf32>,
    %get3A_1895 = vector.shape_cast %get3A_1894 : vector<1x16xf32> to vector<16xf32>
    %get3A_1896 = arith.constant 1 : i32
    %get3A_1897 = arith.index_cast %get3A_1896 : i32 to index
    %get3A_1898 = arith.constant 96 : index
    %get3A_1899 = tpu.vector_load %arg13[%get3A_1897, %get3A_1898] {strides = array<i32>} : memref<10x128xf32, #tpu.memory_space<vmem>>, vector<1x16xf32>,
    %get3A_1900 = vector.shape_cast %get3A_1899 : vector<1x16xf32> to vector<16xf32>
    %sub3A_1901 = arith.subf %get3A_1895, %get3A_1900 : vector<16xf32>
    %abs3A_1902 = math.absf %sub3A_1901 : vector<16xf32>
    %mul3A_1903 = arith.mulf %convert_element_type3A_1890, %abs3A_1902 : vector<16xf32>
    %add3A_1904 = arith.addf %add3A_1886, %mul3A_1903 : vector<16xf32>
    %get3A_1905 = arith.constant 112 : index
    %get3A_1906 = tpu.vector_load %arg12[%get3A_1905] {strides = array<i32>} : memref<128xi32, #tpu.memory_space<vmem>>, vector<16xi32>,
    %get3A_1907 = vector.shape_cast %get3A_1906 : vector<16xi32> to vector<16xi32>
    %convert_element_type3A_1908 = arith.sitofp %get3A_1907 : vector<16xi32> to vector<16xf32>
    %get3A_1909 = arith.constant 1 : i32
    %get3A_1910 = arith.index_cast %get3A_1909 : i32 to index
    %get3A_1911 = arith.constant 112 : index
    %get3A_1912 = tpu.vector_load %arg16[%get3A_1910, %get3A_1911] {strides = array<i32>} : memref<10x128xf32, #tpu.memory_space<vmem>>, vector<1x16xf32>,
    %get3A_1913 = vector.shape_cast %get3A_1912 : vector<1x16xf32> to vector<16xf32>
    %get3A_1914 = arith.constant 1 : i32
    %get3A_1915 = arith.index_cast %get3A_1914 : i32 to index
    %get3A_1916 = arith.constant 112 : index
    %get3A_1917 = tpu.vector_load %arg13[%get3A_1915, %get3A_1916] {strides = array<i32>} : memref<10x128xf32, #tpu.memory_space<vmem>>, vector<1x16xf32>,
    %get3A_1918 = vector.shape_cast %get3A_1917 : vector<1x16xf32> to vector<16xf32>
    %sub3A_1919 = arith.subf %get3A_1913, %get3A_1918 : vector<16xf32>
    %abs3A_1920 = math.absf %sub3A_1919 : vector<16xf32>
    %mul3A_1921 = arith.mulf %convert_element_type3A_1908, %abs3A_1920 : vector<16xf32>
    %add3A_1922 = arith.addf %add3A_1904, %mul3A_1921 : vector<16xf32>
    %swap3A_1923 = arith.constant 16 : index
    %swap3A_1924 = tpu.vector_load %arg18[%swap3A_1923] {strides = array<i32>} : memref<160xf32, #tpu.memory_space<vmem>>, vector<16xf32>,
    %swap3A_1925 = vector.shape_cast %swap3A_1924 : vector<16xf32> to vector<16xf32>
    %swap3A_1926 = vector.shape_cast %add3A_1922 : vector<16xf32> to vector<16xf32>
    tpu.vector_store %arg18[%swap3A_1923], %swap3A_1926 {strides = array<i32>} : memref<160xf32, #tpu.memory_space<vmem>>, vector<16xf32>,
    %broadcast_in_dim3A_1927 = arith.constant 0.000000e+00 : f32
    %broadcast_in_dim3A_1928 = vector.broadcast %broadcast_in_dim3A_1927 : f32 to vector<16xf32>
    %get3A_1929 = arith.constant 0 : index
    %get3A_1930 = tpu.vector_load %arg12[%get3A_1929] {strides = array<i32>} : memref<128xi32, #tpu.memory_space<vmem>>, vector<16xi32>,
    %get3A_1931 = vector.shape_cast %get3A_1930 : vector<16xi32> to vector<16xi32>
    %convert_element_type3A_1932 = arith.sitofp %get3A_1931 : vector<16xi32> to vector<16xf32>
    %get3A_1933 = arith.constant 2 : i32
    %get3A_1934 = arith.index_cast %get3A_1933 : i32 to index
    %get3A_1935 = arith.constant 0 : index
    %get3A_1936 = tpu.vector_load %arg16[%get3A_1934, %get3A_1935] {strides = array<i32>} : memref<10x128xf32, #tpu.memory_space<vmem>>, vector<1x16xf32>,
    %get3A_1937 = vector.shape_cast %get3A_1936 : vector<1x16xf32> to vector<16xf32>
    %get3A_1938 = arith.constant 2 : i32
    %get3A_1939 = arith.index_cast %get3A_1938 : i32 to index
    %get3A_1940 = arith.constant 0 : index
    %get3A_1941 = tpu.vector_load %arg13[%get3A_1939, %get3A_1940] {strides = array<i32>} : memref<10x128xf32, #tpu.memory_space<vmem>>, vector<1x16xf32>,
    %get3A_1942 = vector.shape_cast %get3A_1941 : vector<1x16xf32> to vector<16xf32>
    %sub3A_1943 = arith.subf %get3A_1937, %get3A_1942 : vector<16xf32>
    %abs3A_1944 = math.absf %sub3A_1943 : vector<16xf32>
    %mul3A_1945 = arith.mulf %convert_element_type3A_1932, %abs3A_1944 : vector<16xf32>
    %add3A_1946 = arith.addf %broadcast_in_dim3A_1928, %mul3A_1945 : vector<16xf32>
    %get3A_1947 = arith.constant 16 : index
    %get3A_1948 = tpu.vector_load %arg12[%get3A_1947] {strides = array<i32>} : memref<128xi32, #tpu.memory_space<vmem>>, vector<16xi32>,
    %get3A_1949 = vector.shape_cast %get3A_1948 : vector<16xi32> to vector<16xi32>
    %convert_element_type3A_1950 = arith.sitofp %get3A_1949 : vector<16xi32> to vector<16xf32>
    %get3A_1951 = arith.constant 2 : i32
    %get3A_1952 = arith.index_cast %get3A_1951 : i32 to index
    %get3A_1953 = arith.constant 16 : index
    %get3A_1954 = tpu.vector_load %arg16[%get3A_1952, %get3A_1953] {strides = array<i32>} : memref<10x128xf32, #tpu.memory_space<vmem>>, vector<1x16xf32>,
    %get3A_1955 = vector.shape_cast %get3A_1954 : vector<1x16xf32> to vector<16xf32>
    %get3A_1956 = arith.constant 2 : i32
    %get3A_1957 = arith.index_cast %get3A_1956 : i32 to index
    %get3A_1958 = arith.constant 16 : index
    %get3A_1959 = tpu.vector_load %arg13[%get3A_1957, %get3A_1958] {strides = array<i32>} : memref<10x128xf32, #tpu.memory_space<vmem>>, vector<1x16xf32>,
    %get3A_1960 = vector.shape_cast %get3A_1959 : vector<1x16xf32> to vector<16xf32>
    %sub3A_1961 = arith.subf %get3A_1955, %get3A_1960 : vector<16xf32>
    %abs3A_1962 = math.absf %sub3A_1961 : vector<16xf32>
    %mul3A_1963 = arith.mulf %convert_element_type3A_1950, %abs3A_1962 : vector<16xf32>
    %add3A_1964 = arith.addf %add3A_1946, %mul3A_1963 : vector<16xf32>
    %get3A_1965 = arith.constant 32 : index
    %get3A_1966 = tpu.vector_load %arg12[%get3A_1965] {strides = array<i32>} : memref<128xi32, #tpu.memory_space<vmem>>, vector<16xi32>,
    %get3A_1967 = vector.shape_cast %get3A_1966 : vector<16xi32> to vector<16xi32>
    %convert_element_type3A_1968 = arith.sitofp %get3A_1967 : vector<16xi32> to vector<16xf32>
    %get3A_1969 = arith.constant 2 : i32
    %get3A_1970 = arith.index_cast %get3A_1969 : i32 to index
    %get3A_1971 = arith.constant 32 : index
    %get3A_1972 = tpu.vector_load %arg16[%get3A_1970, %get3A_1971] {strides = array<i32>} : memref<10x128xf32, #tpu.memory_space<vmem>>, vector<1x16xf32>,
    %get3A_1973 = vector.shape_cast %get3A_1972 : vector<1x16xf32> to vector<16xf32>
    %get3A_1974 = arith.constant 2 : i32
    %get3A_1975 = arith.index_cast %get3A_1974 : i32 to index
    %get3A_1976 = arith.constant 32 : index
    %get3A_1977 = tpu.vector_load %arg13[%get3A_1975, %get3A_1976] {strides = array<i32>} : memref<10x128xf32, #tpu.memory_space<vmem>>, vector<1x16xf32>,
    %get3A_1978 = vector.shape_cast %get3A_1977 : vector<1x16xf32> to vector<16xf32>
    %sub3A_1979 = arith.subf %get3A_1973, %get3A_1978 : vector<16xf32>
    %abs3A_1980 = math.absf %sub3A_1979 : vector<16xf32>
    %mul3A_1981 = arith.mulf %convert_element_type3A_1968, %abs3A_1980 : vector<16xf32>
    %add3A_1982 = arith.addf %add3A_1964, %mul3A_1981 : vector<16xf32>
    %get3A_1983 = arith.constant 48 : index
    %get3A_1984 = tpu.vector_load %arg12[%get3A_1983] {strides = array<i32>} : memref<128xi32, #tpu.memory_space<vmem>>, vector<16xi32>,
    %get3A_1985 = vector.shape_cast %get3A_1984 : vector<16xi32> to vector<16xi32>
    %convert_element_type3A_1986 = arith.sitofp %get3A_1985 : vector<16xi32> to vector<16xf32>
    %get3A_1987 = arith.constant 2 : i32
    %get3A_1988 = arith.index_cast %get3A_1987 : i32 to index
    %get3A_1989 = arith.constant 48 : index
    %get3A_1990 = tpu.vector_load %arg16[%get3A_1988, %get3A_1989] {strides = array<i32>} : memref<10x128xf32, #tpu.memory_space<vmem>>, vector<1x16xf32>,
    %get3A_1991 = vector.shape_cast %get3A_1990 : vector<1x16xf32> to vector<16xf32>
    %get3A_1992 = arith.constant 2 : i32
    %get3A_1993 = arith.index_cast %get3A_1992 : i32 to index
    %get3A_1994 = arith.constant 48 : index
    %get3A_1995 = tpu.vector_load %arg13[%get3A_1993, %get3A_1994] {strides = array<i32>} : memref<10x128xf32, #tpu.memory_space<vmem>>, vector<1x16xf32>,
    %get3A_1996 = vector.shape_cast %get3A_1995 : vector<1x16xf32> to vector<16xf32>
    %sub3A_1997 = arith.subf %get3A_1991, %get3A_1996 : vector<16xf32>
    %abs3A_1998 = math.absf %sub3A_1997 : vector<16xf32>
    %mul3A_1999 = arith.mulf %convert_element_type3A_1986, %abs3A_1998 : vector<16xf32>
    %add3A_2000 = arith.addf %add3A_1982, %mul3A_1999 : vector<16xf32>
    %get3A_2001 = arith.constant 64 : index
    %get3A_2002 = tpu.vector_load %arg12[%get3A_2001] {strides = array<i32>} : memref<128xi32, #tpu.memory_space<vmem>>, vector<16xi32>,
    %get3A_2003 = vector.shape_cast %get3A_2002 : vector<16xi32> to vector<16xi32>
    %convert_element_type3A_2004 = arith.sitofp %get3A_2003 : vector<16xi32> to vector<16xf32>
    %get3A_2005 = arith.constant 2 : i32
    %get3A_2006 = arith.index_cast %get3A_2005 : i32 to index
    %get3A_2007 = arith.constant 64 : index
    %get3A_2008 = tpu.vector_load %arg16[%get3A_2006, %get3A_2007] {strides = array<i32>} : memref<10x128xf32, #tpu.memory_space<vmem>>, vector<1x16xf32>,
    %get3A_2009 = vector.shape_cast %get3A_2008 : vector<1x16xf32> to vector<16xf32>
    %get3A_2010 = arith.constant 2 : i32
    %get3A_2011 = arith.index_cast %get3A_2010 : i32 to index
    %get3A_2012 = arith.constant 64 : index
    %get3A_2013 = tpu.vector_load %arg13[%get3A_2011, %get3A_2012] {strides = array<i32>} : memref<10x128xf32, #tpu.memory_space<vmem>>, vector<1x16xf32>,
    %get3A_2014 = vector.shape_cast %get3A_2013 : vector<1x16xf32> to vector<16xf32>
    %sub3A_2015 = arith.subf %get3A_2009, %get3A_2014 : vector<16xf32>
    %abs3A_2016 = math.absf %sub3A_2015 : vector<16xf32>
    %mul3A_2017 = arith.mulf %convert_element_type3A_2004, %abs3A_2016 : vector<16xf32>
    %add3A_2018 = arith.addf %add3A_2000, %mul3A_2017 : vector<16xf32>
    %get3A_2019 = arith.constant 80 : index
    %get3A_2020 = tpu.vector_load %arg12[%get3A_2019] {strides = array<i32>} : memref<128xi32, #tpu.memory_space<vmem>>, vector<16xi32>,
    %get3A_2021 = vector.shape_cast %get3A_2020 : vector<16xi32> to vector<16xi32>
    %convert_element_type3A_2022 = arith.sitofp %get3A_2021 : vector<16xi32> to vector<16xf32>
    %get3A_2023 = arith.constant 2 : i32
    %get3A_2024 = arith.index_cast %get3A_2023 : i32 to index
    %get3A_2025 = arith.constant 80 : index
    %get3A_2026 = tpu.vector_load %arg16[%get3A_2024, %get3A_2025] {strides = array<i32>} : memref<10x128xf32, #tpu.memory_space<vmem>>, vector<1x16xf32>,
    %get3A_2027 = vector.shape_cast %get3A_2026 : vector<1x16xf32> to vector<16xf32>
    %get3A_2028 = arith.constant 2 : i32
    %get3A_2029 = arith.index_cast %get3A_2028 : i32 to index
    %get3A_2030 = arith.constant 80 : index
    %get3A_2031 = tpu.vector_load %arg13[%get3A_2029, %get3A_2030] {strides = array<i32>} : memref<10x128xf32, #tpu.memory_space<vmem>>, vector<1x16xf32>,
    %get3A_2032 = vector.shape_cast %get3A_2031 : vector<1x16xf32> to vector<16xf32>
    %sub3A_2033 = arith.subf %get3A_2027, %get3A_2032 : vector<16xf32>
    %abs3A_2034 = math.absf %sub3A_2033 : vector<16xf32>
    %mul3A_2035 = arith.mulf %convert_element_type3A_2022, %abs3A_2034 : vector<16xf32>
    %add3A_2036 = arith.addf %add3A_2018, %mul3A_2035 : vector<16xf32>
    %get3A_2037 = arith.constant 96 : index
    %get3A_2038 = tpu.vector_load %arg12[%get3A_2037] {strides = array<i32>} : memref<128xi32, #tpu.memory_space<vmem>>, vector<16xi32>,
    %get3A_2039 = vector.shape_cast %get3A_2038 : vector<16xi32> to vector<16xi32>
    %convert_element_type3A_2040 = arith.sitofp %get3A_2039 : vector<16xi32> to vector<16xf32>
    %get3A_2041 = arith.constant 2 : i32
    %get3A_2042 = arith.index_cast %get3A_2041 : i32 to index
    %get3A_2043 = arith.constant 96 : index
    %get3A_2044 = tpu.vector_load %arg16[%get3A_2042, %get3A_2043] {strides = array<i32>} : memref<10x128xf32, #tpu.memory_space<vmem>>, vector<1x16xf32>,
    %get3A_2045 = vector.shape_cast %get3A_2044 : vector<1x16xf32> to vector<16xf32>
    %get3A_2046 = arith.constant 2 : i32
    %get3A_2047 = arith.index_cast %get3A_2046 : i32 to index
    %get3A_2048 = arith.constant 96 : index
    %get3A_2049 = tpu.vector_load %arg13[%get3A_2047, %get3A_2048] {strides = array<i32>} : memref<10x128xf32, #tpu.memory_space<vmem>>, vector<1x16xf32>,
    %get3A_2050 = vector.shape_cast %get3A_2049 : vector<1x16xf32> to vector<16xf32>
    %sub3A_2051 = arith.subf %get3A_2045, %get3A_2050 : vector<16xf32>
    %abs3A_2052 = math.absf %sub3A_2051 : vector<16xf32>
    %mul3A_2053 = arith.mulf %convert_element_type3A_2040, %abs3A_2052 : vector<16xf32>
    %add3A_2054 = arith.addf %add3A_2036, %mul3A_2053 : vector<16xf32>
    %get3A_2055 = arith.constant 112 : index
    %get3A_2056 = tpu.vector_load %arg12[%get3A_2055] {strides = array<i32>} : memref<128xi32, #tpu.memory_space<vmem>>, vector<16xi32>,
    %get3A_2057 = vector.shape_cast %get3A_2056 : vector<16xi32> to vector<16xi32>
    %convert_element_type3A_2058 = arith.sitofp %get3A_2057 : vector<16xi32> to vector<16xf32>
    %get3A_2059 = arith.constant 2 : i32
    %get3A_2060 = arith.index_cast %get3A_2059 : i32 to index
    %get3A_2061 = arith.constant 112 : index
    %get3A_2062 = tpu.vector_load %arg16[%get3A_2060, %get3A_2061] {strides = array<i32>} : memref<10x128xf32, #tpu.memory_space<vmem>>, vector<1x16xf32>,
    %get3A_2063 = vector.shape_cast %get3A_2062 : vector<1x16xf32> to vector<16xf32>
    %get3A_2064 = arith.constant 2 : i32
    %get3A_2065 = arith.index_cast %get3A_2064 : i32 to index
    %get3A_2066 = arith.constant 112 : index
    %get3A_2067 = tpu.vector_load %arg13[%get3A_2065, %get3A_2066] {strides = array<i32>} : memref<10x128xf32, #tpu.memory_space<vmem>>, vector<1x16xf32>,
    %get3A_2068 = vector.shape_cast %get3A_2067 : vector<1x16xf32> to vector<16xf32>
    %sub3A_2069 = arith.subf %get3A_2063, %get3A_2068 : vector<16xf32>
    %abs3A_2070 = math.absf %sub3A_2069 : vector<16xf32>
    %mul3A_2071 = arith.mulf %convert_element_type3A_2058, %abs3A_2070 : vector<16xf32>
    %add3A_2072 = arith.addf %add3A_2054, %mul3A_2071 : vector<16xf32>
    %swap3A_2073 = arith.constant 32 : index
    %swap3A_2074 = tpu.vector_load %arg18[%swap3A_2073] {strides = array<i32>} : memref<160xf32, #tpu.memory_space<vmem>>, vector<16xf32>,
    %swap3A_2075 = vector.shape_cast %swap3A_2074 : vector<16xf32> to vector<16xf32>
    %swap3A_2076 = vector.shape_cast %add3A_2072 : vector<16xf32> to vector<16xf32>
    tpu.vector_store %arg18[%swap3A_2073], %swap3A_2076 {strides = array<i32>} : memref<160xf32, #tpu.memory_space<vmem>>, vector<16xf32>,
    %broadcast_in_dim3A_2077 = arith.constant 0.000000e+00 : f32
    %broadcast_in_dim3A_2078 = vector.broadcast %broadcast_in_dim3A_2077 : f32 to vector<16xf32>
    %get3A_2079 = arith.constant 0 : index
    %get3A_2080 = tpu.vector_load %arg12[%get3A_2079] {strides = array<i32>} : memref<128xi32, #tpu.memory_space<vmem>>, vector<16xi32>,
    %get3A_2081 = vector.shape_cast %get3A_2080 : vector<16xi32> to vector<16xi32>
    %convert_element_type3A_2082 = arith.sitofp %get3A_2081 : vector<16xi32> to vector<16xf32>
    %get3A_2083 = arith.constant 3 : i32
    %get3A_2084 = arith.index_cast %get3A_2083 : i32 to index
    %get3A_2085 = arith.constant 0 : index
    %get3A_2086 = tpu.vector_load %arg16[%get3A_2084, %get3A_2085] {strides = array<i32>} : memref<10x128xf32, #tpu.memory_space<vmem>>, vector<1x16xf32>,
    %get3A_2087 = vector.shape_cast %get3A_2086 : vector<1x16xf32> to vector<16xf32>
    %get3A_2088 = arith.constant 3 : i32
    %get3A_2089 = arith.index_cast %get3A_2088 : i32 to index
    %get3A_2090 = arith.constant 0 : index
    %get3A_2091 = tpu.vector_load %arg13[%get3A_2089, %get3A_2090] {strides = array<i32>} : memref<10x128xf32, #tpu.memory_space<vmem>>, vector<1x16xf32>,
    %get3A_2092 = vector.shape_cast %get3A_2091 : vector<1x16xf32> to vector<16xf32>
    %sub3A_2093 = arith.subf %get3A_2087, %get3A_2092 : vector<16xf32>
    %abs3A_2094 = math.absf %sub3A_2093 : vector<16xf32>
    %mul3A_2095 = arith.mulf %convert_element_type3A_2082, %abs3A_2094 : vector<16xf32>
    %add3A_2096 = arith.addf %broadcast_in_dim3A_2078, %mul3A_2095 : vector<16xf32>
    %get3A_2097 = arith.constant 16 : index
    %get3A_2098 = tpu.vector_load %arg12[%get3A_2097] {strides = array<i32>} : memref<128xi32, #tpu.memory_space<vmem>>, vector<16xi32>,
    %get3A_2099 = vector.shape_cast %get3A_2098 : vector<16xi32> to vector<16xi32>
    %convert_element_type3A_2100 = arith.sitofp %get3A_2099 : vector<16xi32> to vector<16xf32>
    %get3A_2101 = arith.constant 3 : i32
    %get3A_2102 = arith.index_cast %get3A_2101 : i32 to index
    %get3A_2103 = arith.constant 16 : index
    %get3A_2104 = tpu.vector_load %arg16[%get3A_2102, %get3A_2103] {strides = array<i32>} : memref<10x128xf32, #tpu.memory_space<vmem>>, vector<1x16xf32>,
    %get3A_2105 = vector.shape_cast %get3A_2104 : vector<1x16xf32> to vector<16xf32>
    %get3A_2106 = arith.constant 3 : i32
    %get3A_2107 = arith.index_cast %get3A_2106 : i32 to index
    %get3A_2108 = arith.constant 16 : index
    %get3A_2109 = tpu.vector_load %arg13[%get3A_2107, %get3A_2108] {strides = array<i32>} : memref<10x128xf32, #tpu.memory_space<vmem>>, vector<1x16xf32>,
    %get3A_2110 = vector.shape_cast %get3A_2109 : vector<1x16xf32> to vector<16xf32>
    %sub3A_2111 = arith.subf %get3A_2105, %get3A_2110 : vector<16xf32>
    %abs3A_2112 = math.absf %sub3A_2111 : vector<16xf32>
    %mul3A_2113 = arith.mulf %convert_element_type3A_2100, %abs3A_2112 : vector<16xf32>
    %add3A_2114 = arith.addf %add3A_2096, %mul3A_2113 : vector<16xf32>
    %get3A_2115 = arith.constant 32 : index
    %get3A_2116 = tpu.vector_load %arg12[%get3A_2115] {strides = array<i32>} : memref<128xi32, #tpu.memory_space<vmem>>, vector<16xi32>,
    %get3A_2117 = vector.shape_cast %get3A_2116 : vector<16xi32> to vector<16xi32>
    %convert_element_type3A_2118 = arith.sitofp %get3A_2117 : vector<16xi32> to vector<16xf32>
    %get3A_2119 = arith.constant 3 : i32
    %get3A_2120 = arith.index_cast %get3A_2119 : i32 to index
    %get3A_2121 = arith.constant 32 : index
    %get3A_2122 = tpu.vector_load %arg16[%get3A_2120, %get3A_2121] {strides = array<i32>} : memref<10x128xf32, #tpu.memory_space<vmem>>, vector<1x16xf32>,
    %get3A_2123 = vector.shape_cast %get3A_2122 : vector<1x16xf32> to vector<16xf32>
    %get3A_2124 = arith.constant 3 : i32
    %get3A_2125 = arith.index_cast %get3A_2124 : i32 to index
    %get3A_2126 = arith.constant 32 : index
    %get3A_2127 = tpu.vector_load %arg13[%get3A_2125, %get3A_2126] {strides = array<i32>} : memref<10x128xf32, #tpu.memory_space<vmem>>, vector<1x16xf32>,
    %get3A_2128 = vector.shape_cast %get3A_2127 : vector<1x16xf32> to vector<16xf32>
    %sub3A_2129 = arith.subf %get3A_2123, %get3A_2128 : vector<16xf32>
    %abs3A_2130 = math.absf %sub3A_2129 : vector<16xf32>
    %mul3A_2131 = arith.mulf %convert_element_type3A_2118, %abs3A_2130 : vector<16xf32>
    %add3A_2132 = arith.addf %add3A_2114, %mul3A_2131 : vector<16xf32>
    %get3A_2133 = arith.constant 48 : index
    %get3A_2134 = tpu.vector_load %arg12[%get3A_2133] {strides = array<i32>} : memref<128xi32, #tpu.memory_space<vmem>>, vector<16xi32>,
    %get3A_2135 = vector.shape_cast %get3A_2134 : vector<16xi32> to vector<16xi32>
    %convert_element_type3A_2136 = arith.sitofp %get3A_2135 : vector<16xi32> to vector<16xf32>
    %get3A_2137 = arith.constant 3 : i32
    %get3A_2138 = arith.index_cast %get3A_2137 : i32 to index
    %get3A_2139 = arith.constant 48 : index
    %get3A_2140 = tpu.vector_load %arg16[%get3A_2138, %get3A_2139] {strides = array<i32>} : memref<10x128xf32, #tpu.memory_space<vmem>>, vector<1x16xf32>,
    %get3A_2141 = vector.shape_cast %get3A_2140 : vector<1x16xf32> to vector<16xf32>
    %get3A_2142 = arith.constant 3 : i32
    %get3A_2143 = arith.index_cast %get3A_2142 : i32 to index
    %get3A_2144 = arith.constant 48 : index
    %get3A_2145 = tpu.vector_load %arg13[%get3A_2143, %get3A_2144] {strides = array<i32>} : memref<10x128xf32, #tpu.memory_space<vmem>>, vector<1x16xf32>,
    %get3A_2146 = vector.shape_cast %get3A_2145 : vector<1x16xf32> to vector<16xf32>
    %sub3A_2147 = arith.subf %get3A_2141, %get3A_2146 : vector<16xf32>
    %abs3A_2148 = math.absf %sub3A_2147 : vector<16xf32>
    %mul3A_2149 = arith.mulf %convert_element_type3A_2136, %abs3A_2148 : vector<16xf32>
    %add3A_2150 = arith.addf %add3A_2132, %mul3A_2149 : vector<16xf32>
    %get3A_2151 = arith.constant 64 : index
    %get3A_2152 = tpu.vector_load %arg12[%get3A_2151] {strides = array<i32>} : memref<128xi32, #tpu.memory_space<vmem>>, vector<16xi32>,
    %get3A_2153 = vector.shape_cast %get3A_2152 : vector<16xi32> to vector<16xi32>
    %convert_element_type3A_2154 = arith.sitofp %get3A_2153 : vector<16xi32> to vector<16xf32>
    %get3A_2155 = arith.constant 3 : i32
    %get3A_2156 = arith.index_cast %get3A_2155 : i32 to index
    %get3A_2157 = arith.constant 64 : index
    %get3A_2158 = tpu.vector_load %arg16[%get3A_2156, %get3A_2157] {strides = array<i32>} : memref<10x128xf32, #tpu.memory_space<vmem>>, vector<1x16xf32>,
    %get3A_2159 = vector.shape_cast %get3A_2158 : vector<1x16xf32> to vector<16xf32>
    %get3A_2160 = arith.constant 3 : i32
    %get3A_2161 = arith.index_cast %get3A_2160 : i32 to index
    %get3A_2162 = arith.constant 64 : index
    %get3A_2163 = tpu.vector_load %arg13[%get3A_2161, %get3A_2162] {strides = array<i32>} : memref<10x128xf32, #tpu.memory_space<vmem>>, vector<1x16xf32>,
    %get3A_2164 = vector.shape_cast %get3A_2163 : vector<1x16xf32> to vector<16xf32>
    %sub3A_2165 = arith.subf %get3A_2159, %get3A_2164 : vector<16xf32>
    %abs3A_2166 = math.absf %sub3A_2165 : vector<16xf32>
    %mul3A_2167 = arith.mulf %convert_element_type3A_2154, %abs3A_2166 : vector<16xf32>
    %add3A_2168 = arith.addf %add3A_2150, %mul3A_2167 : vector<16xf32>
    %get3A_2169 = arith.constant 80 : index
    %get3A_2170 = tpu.vector_load %arg12[%get3A_2169] {strides = array<i32>} : memref<128xi32, #tpu.memory_space<vmem>>, vector<16xi32>,
    %get3A_2171 = vector.shape_cast %get3A_2170 : vector<16xi32> to vector<16xi32>
    %convert_element_type3A_2172 = arith.sitofp %get3A_2171 : vector<16xi32> to vector<16xf32>
    %get3A_2173 = arith.constant 3 : i32
    %get3A_2174 = arith.index_cast %get3A_2173 : i32 to index
    %get3A_2175 = arith.constant 80 : index
    %get3A_2176 = tpu.vector_load %arg16[%get3A_2174, %get3A_2175] {strides = array<i32>} : memref<10x128xf32, #tpu.memory_space<vmem>>, vector<1x16xf32>,
    %get3A_2177 = vector.shape_cast %get3A_2176 : vector<1x16xf32> to vector<16xf32>
    %get3A_2178 = arith.constant 3 : i32
    %get3A_2179 = arith.index_cast %get3A_2178 : i32 to index
    %get3A_2180 = arith.constant 80 : index
    %get3A_2181 = tpu.vector_load %arg13[%get3A_2179, %get3A_2180] {strides = array<i32>} : memref<10x128xf32, #tpu.memory_space<vmem>>, vector<1x16xf32>,
    %get3A_2182 = vector.shape_cast %get3A_2181 : vector<1x16xf32> to vector<16xf32>
    %sub3A_2183 = arith.subf %get3A_2177, %get3A_2182 : vector<16xf32>
    %abs3A_2184 = math.absf %sub3A_2183 : vector<16xf32>
    %mul3A_2185 = arith.mulf %convert_element_type3A_2172, %abs3A_2184 : vector<16xf32>
    %add3A_2186 = arith.addf %add3A_2168, %mul3A_2185 : vector<16xf32>
    %get3A_2187 = arith.constant 96 : index
    %get3A_2188 = tpu.vector_load %arg12[%get3A_2187] {strides = array<i32>} : memref<128xi32, #tpu.memory_space<vmem>>, vector<16xi32>,
    %get3A_2189 = vector.shape_cast %get3A_2188 : vector<16xi32> to vector<16xi32>
    %convert_element_type3A_2190 = arith.sitofp %get3A_2189 : vector<16xi32> to vector<16xf32>
    %get3A_2191 = arith.constant 3 : i32
    %get3A_2192 = arith.index_cast %get3A_2191 : i32 to index
    %get3A_2193 = arith.constant 96 : index
    %get3A_2194 = tpu.vector_load %arg16[%get3A_2192, %get3A_2193] {strides = array<i32>} : memref<10x128xf32, #tpu.memory_space<vmem>>, vector<1x16xf32>,
    %get3A_2195 = vector.shape_cast %get3A_2194 : vector<1x16xf32> to vector<16xf32>
    %get3A_2196 = arith.constant 3 : i32
    %get3A_2197 = arith.index_cast %get3A_2196 : i32 to index
    %get3A_2198 = arith.constant 96 : index
    %get3A_2199 = tpu.vector_load %arg13[%get3A_2197, %get3A_2198] {strides = array<i32>} : memref<10x128xf32, #tpu.memory_space<vmem>>, vector<1x16xf32>,
    %get3A_2200 = vector.shape_cast %get3A_2199 : vector<1x16xf32> to vector<16xf32>
    %sub3A_2201 = arith.subf %get3A_2195, %get3A_2200 : vector<16xf32>
    %abs3A_2202 = math.absf %sub3A_2201 : vector<16xf32>
    %mul3A_2203 = arith.mulf %convert_element_type3A_2190, %abs3A_2202 : vector<16xf32>
    %add3A_2204 = arith.addf %add3A_2186, %mul3A_2203 : vector<16xf32>
    %get3A_2205 = arith.constant 112 : index
    %get3A_2206 = tpu.vector_load %arg12[%get3A_2205] {strides = array<i32>} : memref<128xi32, #tpu.memory_space<vmem>>, vector<16xi32>,
    %get3A_2207 = vector.shape_cast %get3A_2206 : vector<16xi32> to vector<16xi32>
    %convert_element_type3A_2208 = arith.sitofp %get3A_2207 : vector<16xi32> to vector<16xf32>
    %get3A_2209 = arith.constant 3 : i32
    %get3A_2210 = arith.index_cast %get3A_2209 : i32 to index
    %get3A_2211 = arith.constant 112 : index
    %get3A_2212 = tpu.vector_load %arg16[%get3A_2210, %get3A_2211] {strides = array<i32>} : memref<10x128xf32, #tpu.memory_space<vmem>>, vector<1x16xf32>,
    %get3A_2213 = vector.shape_cast %get3A_2212 : vector<1x16xf32> to vector<16xf32>
    %get3A_2214 = arith.constant 3 : i32
    %get3A_2215 = arith.index_cast %get3A_2214 : i32 to index
    %get3A_2216 = arith.constant 112 : index
    %get3A_2217 = tpu.vector_load %arg13[%get3A_2215, %get3A_2216] {strides = array<i32>} : memref<10x128xf32, #tpu.memory_space<vmem>>, vector<1x16xf32>,
    %get3A_2218 = vector.shape_cast %get3A_2217 : vector<1x16xf32> to vector<16xf32>
    %sub3A_2219 = arith.subf %get3A_2213, %get3A_2218 : vector<16xf32>
    %abs3A_2220 = math.absf %sub3A_2219 : vector<16xf32>
    %mul3A_2221 = arith.mulf %convert_element_type3A_2208, %abs3A_2220 : vector<16xf32>
    %add3A_2222 = arith.addf %add3A_2204, %mul3A_2221 : vector<16xf32>
    %swap3A_2223 = arith.constant 48 : index
    %swap3A_2224 = tpu.vector_load %arg18[%swap3A_2223] {strides = array<i32>} : memref<160xf32, #tpu.memory_space<vmem>>, vector<16xf32>,
    %swap3A_2225 = vector.shape_cast %swap3A_2224 : vector<16xf32> to vector<16xf32>
    %swap3A_2226 = vector.shape_cast %add3A_2222 : vector<16xf32> to vector<16xf32>
    tpu.vector_store %arg18[%swap3A_2223], %swap3A_2226 {strides = array<i32>} : memref<160xf32, #tpu.memory_space<vmem>>, vector<16xf32>,
    %broadcast_in_dim3A_2227 = arith.constant 0.000000e+00 : f32
    %broadcast_in_dim3A_2228 = vector.broadcast %broadcast_in_dim3A_2227 : f32 to vector<16xf32>
    %get3A_2229 = arith.constant 0 : index
    %get3A_2230 = tpu.vector_load %arg12[%get3A_2229] {strides = array<i32>} : memref<128xi32, #tpu.memory_space<vmem>>, vector<16xi32>,
    %get3A_2231 = vector.shape_cast %get3A_2230 : vector<16xi32> to vector<16xi32>
    %convert_element_type3A_2232 = arith.sitofp %get3A_2231 : vector<16xi32> to vector<16xf32>
    %get3A_2233 = arith.constant 4 : i32
    %get3A_2234 = arith.index_cast %get3A_2233 : i32 to index
    %get3A_2235 = arith.constant 0 : index
    %get3A_2236 = tpu.vector_load %arg16[%get3A_2234, %get3A_2235] {strides = array<i32>} : memref<10x128xf32, #tpu.memory_space<vmem>>, vector<1x16xf32>,
    %get3A_2237 = vector.shape_cast %get3A_2236 : vector<1x16xf32> to vector<16xf32>
    %get3A_2238 = arith.constant 4 : i32
    %get3A_2239 = arith.index_cast %get3A_2238 : i32 to index
    %get3A_2240 = arith.constant 0 : index
    %get3A_2241 = tpu.vector_load %arg13[%get3A_2239, %get3A_2240] {strides = array<i32>} : memref<10x128xf32, #tpu.memory_space<vmem>>, vector<1x16xf32>,
    %get3A_2242 = vector.shape_cast %get3A_2241 : vector<1x16xf32> to vector<16xf32>
    %sub3A_2243 = arith.subf %get3A_2237, %get3A_2242 : vector<16xf32>
    %abs3A_2244 = math.absf %sub3A_2243 : vector<16xf32>
    %mul3A_2245 = arith.mulf %convert_element_type3A_2232, %abs3A_2244 : vector<16xf32>
    %add3A_2246 = arith.addf %broadcast_in_dim3A_2228, %mul3A_2245 : vector<16xf32>
    %get3A_2247 = arith.constant 16 : index
    %get3A_2248 = tpu.vector_load %arg12[%get3A_2247] {strides = array<i32>} : memref<128xi32, #tpu.memory_space<vmem>>, vector<16xi32>,
    %get3A_2249 = vector.shape_cast %get3A_2248 : vector<16xi32> to vector<16xi32>
    %convert_element_type3A_2250 = arith.sitofp %get3A_2249 : vector<16xi32> to vector<16xf32>
    %get3A_2251 = arith.constant 4 : i32
    %get3A_2252 = arith.index_cast %get3A_2251 : i32 to index
    %get3A_2253 = arith.constant 16 : index
    %get3A_2254 = tpu.vector_load %arg16[%get3A_2252, %get3A_2253] {strides = array<i32>} : memref<10x128xf32, #tpu.memory_space<vmem>>, vector<1x16xf32>,
    %get3A_2255 = vector.shape_cast %get3A_2254 : vector<1x16xf32> to vector<16xf32>
    %get3A_2256 = arith.constant 4 : i32
    %get3A_2257 = arith.index_cast %get3A_2256 : i32 to index
    %get3A_2258 = arith.constant 16 : index
    %get3A_2259 = tpu.vector_load %arg13[%get3A_2257, %get3A_2258] {strides = array<i32>} : memref<10x128xf32, #tpu.memory_space<vmem>>, vector<1x16xf32>,
    %get3A_2260 = vector.shape_cast %get3A_2259 : vector<1x16xf32> to vector<16xf32>
    %sub3A_2261 = arith.subf %get3A_2255, %get3A_2260 : vector<16xf32>
    %abs3A_2262 = math.absf %sub3A_2261 : vector<16xf32>
    %mul3A_2263 = arith.mulf %convert_element_type3A_2250, %abs3A_2262 : vector<16xf32>
    %add3A_2264 = arith.addf %add3A_2246, %mul3A_2263 : vector<16xf32>
    %get3A_2265 = arith.constant 32 : index
    %get3A_2266 = tpu.vector_load %arg12[%get3A_2265] {strides = array<i32>} : memref<128xi32, #tpu.memory_space<vmem>>, vector<16xi32>,
    %get3A_2267 = vector.shape_cast %get3A_2266 : vector<16xi32> to vector<16xi32>
    %convert_element_type3A_2268 = arith.sitofp %get3A_2267 : vector<16xi32> to vector<16xf32>
    %get3A_2269 = arith.constant 4 : i32
    %get3A_2270 = arith.index_cast %get3A_2269 : i32 to index
    %get3A_2271 = arith.constant 32 : index
    %get3A_2272 = tpu.vector_load %arg16[%get3A_2270, %get3A_2271] {strides = array<i32>} : memref<10x128xf32, #tpu.memory_space<vmem>>, vector<1x16xf32>,
    %get3A_2273 = vector.shape_cast %get3A_2272 : vector<1x16xf32> to vector<16xf32>
    %get3A_2274 = arith.constant 4 : i32
    %get3A_2275 = arith.index_cast %get3A_2274 : i32 to index
    %get3A_2276 = arith.constant 32 : index
    %get3A_2277 = tpu.vector_load %arg13[%get3A_2275, %get3A_2276] {strides = array<i32>} : memref<10x128xf32, #tpu.memory_space<vmem>>, vector<1x16xf32>,
    %get3A_2278 = vector.shape_cast %get3A_2277 : vector<1x16xf32> to vector<16xf32>
    %sub3A_2279 = arith.subf %get3A_2273, %get3A_2278 : vector<16xf32>
    %abs3A_2280 = math.absf %sub3A_2279 : vector<16xf32>
    %mul3A_2281 = arith.mulf %convert_element_type3A_2268, %abs3A_2280 : vector<16xf32>
    %add3A_2282 = arith.addf %add3A_2264, %mul3A_2281 : vector<16xf32>
    %get3A_2283 = arith.constant 48 : index
    %get3A_2284 = tpu.vector_load %arg12[%get3A_2283] {strides = array<i32>} : memref<128xi32, #tpu.memory_space<vmem>>, vector<16xi32>,
    %get3A_2285 = vector.shape_cast %get3A_2284 : vector<16xi32> to vector<16xi32>
    %convert_element_type3A_2286 = arith.sitofp %get3A_2285 : vector<16xi32> to vector<16xf32>
    %get3A_2287 = arith.constant 4 : i32
    %get3A_2288 = arith.index_cast %get3A_2287 : i32 to index
    %get3A_2289 = arith.constant 48 : index
    %get3A_2290 = tpu.vector_load %arg16[%get3A_2288, %get3A_2289] {strides = array<i32>} : memref<10x128xf32, #tpu.memory_space<vmem>>, vector<1x16xf32>,
    %get3A_2291 = vector.shape_cast %get3A_2290 : vector<1x16xf32> to vector<16xf32>
    %get3A_2292 = arith.constant 4 : i32
    %get3A_2293 = arith.index_cast %get3A_2292 : i32 to index
    %get3A_2294 = arith.constant 48 : index
    %get3A_2295 = tpu.vector_load %arg13[%get3A_2293, %get3A_2294] {strides = array<i32>} : memref<10x128xf32, #tpu.memory_space<vmem>>, vector<1x16xf32>,
    %get3A_2296 = vector.shape_cast %get3A_2295 : vector<1x16xf32> to vector<16xf32>
    %sub3A_2297 = arith.subf %get3A_2291, %get3A_2296 : vector<16xf32>
    %abs3A_2298 = math.absf %sub3A_2297 : vector<16xf32>
    %mul3A_2299 = arith.mulf %convert_element_type3A_2286, %abs3A_2298 : vector<16xf32>
    %add3A_2300 = arith.addf %add3A_2282, %mul3A_2299 : vector<16xf32>
    %get3A_2301 = arith.constant 64 : index
    %get3A_2302 = tpu.vector_load %arg12[%get3A_2301] {strides = array<i32>} : memref<128xi32, #tpu.memory_space<vmem>>, vector<16xi32>,
    %get3A_2303 = vector.shape_cast %get3A_2302 : vector<16xi32> to vector<16xi32>
    %convert_element_type3A_2304 = arith.sitofp %get3A_2303 : vector<16xi32> to vector<16xf32>
    %get3A_2305 = arith.constant 4 : i32
    %get3A_2306 = arith.index_cast %get3A_2305 : i32 to index
    %get3A_2307 = arith.constant 64 : index
    %get3A_2308 = tpu.vector_load %arg16[%get3A_2306, %get3A_2307] {strides = array<i32>} : memref<10x128xf32, #tpu.memory_space<vmem>>, vector<1x16xf32>,
    %get3A_2309 = vector.shape_cast %get3A_2308 : vector<1x16xf32> to vector<16xf32>
    %get3A_2310 = arith.constant 4 : i32
    %get3A_2311 = arith.index_cast %get3A_2310 : i32 to index
    %get3A_2312 = arith.constant 64 : index
    %get3A_2313 = tpu.vector_load %arg13[%get3A_2311, %get3A_2312] {strides = array<i32>} : memref<10x128xf32, #tpu.memory_space<vmem>>, vector<1x16xf32>,
    %get3A_2314 = vector.shape_cast %get3A_2313 : vector<1x16xf32> to vector<16xf32>
    %sub3A_2315 = arith.subf %get3A_2309, %get3A_2314 : vector<16xf32>
    %abs3A_2316 = math.absf %sub3A_2315 : vector<16xf32>
    %mul3A_2317 = arith.mulf %convert_element_type3A_2304, %abs3A_2316 : vector<16xf32>
    %add3A_2318 = arith.addf %add3A_2300, %mul3A_2317 : vector<16xf32>
    %get3A_2319 = arith.constant 80 : index
    %get3A_2320 = tpu.vector_load %arg12[%get3A_2319] {strides = array<i32>} : memref<128xi32, #tpu.memory_space<vmem>>, vector<16xi32>,
    %get3A_2321 = vector.shape_cast %get3A_2320 : vector<16xi32> to vector<16xi32>
    %convert_element_type3A_2322 = arith.sitofp %get3A_2321 : vector<16xi32> to vector<16xf32>
    %get3A_2323 = arith.constant 4 : i32
    %get3A_2324 = arith.index_cast %get3A_2323 : i32 to index
    %get3A_2325 = arith.constant 80 : index
    %get3A_2326 = tpu.vector_load %arg16[%get3A_2324, %get3A_2325] {strides = array<i32>} : memref<10x128xf32, #tpu.memory_space<vmem>>, vector<1x16xf32>,
    %get3A_2327 = vector.shape_cast %get3A_2326 : vector<1x16xf32> to vector<16xf32>
    %get3A_2328 = arith.constant 4 : i32
    %get3A_2329 = arith.index_cast %get3A_2328 : i32 to index
    %get3A_2330 = arith.constant 80 : index
    %get3A_2331 = tpu.vector_load %arg13[%get3A_2329, %get3A_2330] {strides = array<i32>} : memref<10x128xf32, #tpu.memory_space<vmem>>, vector<1x16xf32>,
    %get3A_2332 = vector.shape_cast %get3A_2331 : vector<1x16xf32> to vector<16xf32>
    %sub3A_2333 = arith.subf %get3A_2327, %get3A_2332 : vector<16xf32>
    %abs3A_2334 = math.absf %sub3A_2333 : vector<16xf32>
    %mul3A_2335 = arith.mulf %convert_element_type3A_2322, %abs3A_2334 : vector<16xf32>
    %add3A_2336 = arith.addf %add3A_2318, %mul3A_2335 : vector<16xf32>
    %get3A_2337 = arith.constant 96 : index
    %get3A_2338 = tpu.vector_load %arg12[%get3A_2337] {strides = array<i32>} : memref<128xi32, #tpu.memory_space<vmem>>, vector<16xi32>,
    %get3A_2339 = vector.shape_cast %get3A_2338 : vector<16xi32> to vector<16xi32>
    %convert_element_type3A_2340 = arith.sitofp %get3A_2339 : vector<16xi32> to vector<16xf32>
    %get3A_2341 = arith.constant 4 : i32
    %get3A_2342 = arith.index_cast %get3A_2341 : i32 to index
    %get3A_2343 = arith.constant 96 : index
    %get3A_2344 = tpu.vector_load %arg16[%get3A_2342, %get3A_2343] {strides = array<i32>} : memref<10x128xf32, #tpu.memory_space<vmem>>, vector<1x16xf32>,
    %get3A_2345 = vector.shape_cast %get3A_2344 : vector<1x16xf32> to vector<16xf32>
    %get3A_2346 = arith.constant 4 : i32
    %get3A_2347 = arith.index_cast %get3A_2346 : i32 to index
    %get3A_2348 = arith.constant 96 : index
    %get3A_2349 = tpu.vector_load %arg13[%get3A_2347, %get3A_2348] {strides = array<i32>} : memref<10x128xf32, #tpu.memory_space<vmem>>, vector<1x16xf32>,
    %get3A_2350 = vector.shape_cast %get3A_2349 : vector<1x16xf32> to vector<16xf32>
    %sub3A_2351 = arith.subf %get3A_2345, %get3A_2350 : vector<16xf32>
    %abs3A_2352 = math.absf %sub3A_2351 : vector<16xf32>
    %mul3A_2353 = arith.mulf %convert_element_type3A_2340, %abs3A_2352 : vector<16xf32>
    %add3A_2354 = arith.addf %add3A_2336, %mul3A_2353 : vector<16xf32>
    %get3A_2355 = arith.constant 112 : index
    %get3A_2356 = tpu.vector_load %arg12[%get3A_2355] {strides = array<i32>} : memref<128xi32, #tpu.memory_space<vmem>>, vector<16xi32>,
    %get3A_2357 = vector.shape_cast %get3A_2356 : vector<16xi32> to vector<16xi32>
    %convert_element_type3A_2358 = arith.sitofp %get3A_2357 : vector<16xi32> to vector<16xf32>
    %get3A_2359 = arith.constant 4 : i32
    %get3A_2360 = arith.index_cast %get3A_2359 : i32 to index
    %get3A_2361 = arith.constant 112 : index
    %get3A_2362 = tpu.vector_load %arg16[%get3A_2360, %get3A_2361] {strides = array<i32>} : memref<10x128xf32, #tpu.memory_space<vmem>>, vector<1x16xf32>,
    %get3A_2363 = vector.shape_cast %get3A_2362 : vector<1x16xf32> to vector<16xf32>
    %get3A_2364 = arith.constant 4 : i32
    %get3A_2365 = arith.index_cast %get3A_2364 : i32 to index
    %get3A_2366 = arith.constant 112 : index
    %get3A_2367 = tpu.vector_load %arg13[%get3A_2365, %get3A_2366] {strides = array<i32>} : memref<10x128xf32, #tpu.memory_space<vmem>>, vector<1x16xf32>,
    %get3A_2368 = vector.shape_cast %get3A_2367 : vector<1x16xf32> to vector<16xf32>
    %sub3A_2369 = arith.subf %get3A_2363, %get3A_2368 : vector<16xf32>
    %abs3A_2370 = math.absf %sub3A_2369 : vector<16xf32>
    %mul3A_2371 = arith.mulf %convert_element_type3A_2358, %abs3A_2370 : vector<16xf32>
    %add3A_2372 = arith.addf %add3A_2354, %mul3A_2371 : vector<16xf32>
    %swap3A_2373 = arith.constant 64 : index
    %swap3A_2374 = tpu.vector_load %arg18[%swap3A_2373] {strides = array<i32>} : memref<160xf32, #tpu.memory_space<vmem>>, vector<16xf32>,
    %swap3A_2375 = vector.shape_cast %swap3A_2374 : vector<16xf32> to vector<16xf32>
    %swap3A_2376 = vector.shape_cast %add3A_2372 : vector<16xf32> to vector<16xf32>
    tpu.vector_store %arg18[%swap3A_2373], %swap3A_2376 {strides = array<i32>} : memref<160xf32, #tpu.memory_space<vmem>>, vector<16xf32>,
    %broadcast_in_dim3A_2377 = arith.constant 0.000000e+00 : f32
    %broadcast_in_dim3A_2378 = vector.broadcast %broadcast_in_dim3A_2377 : f32 to vector<16xf32>
    %get3A_2379 = arith.constant 0 : index
    %get3A_2380 = tpu.vector_load %arg12[%get3A_2379] {strides = array<i32>} : memref<128xi32, #tpu.memory_space<vmem>>, vector<16xi32>,
    %get3A_2381 = vector.shape_cast %get3A_2380 : vector<16xi32> to vector<16xi32>
    %convert_element_type3A_2382 = arith.sitofp %get3A_2381 : vector<16xi32> to vector<16xf32>
    %get3A_2383 = arith.constant 5 : i32
    %get3A_2384 = arith.index_cast %get3A_2383 : i32 to index
    %get3A_2385 = arith.constant 0 : index
    %get3A_2386 = tpu.vector_load %arg16[%get3A_2384, %get3A_2385] {strides = array<i32>} : memref<10x128xf32, #tpu.memory_space<vmem>>, vector<1x16xf32>,
    %get3A_2387 = vector.shape_cast %get3A_2386 : vector<1x16xf32> to vector<16xf32>
    %get3A_2388 = arith.constant 5 : i32
    %get3A_2389 = arith.index_cast %get3A_2388 : i32 to index
    %get3A_2390 = arith.constant 0 : index
    %get3A_2391 = tpu.vector_load %arg13[%get3A_2389, %get3A_2390] {strides = array<i32>} : memref<10x128xf32, #tpu.memory_space<vmem>>, vector<1x16xf32>,
    %get3A_2392 = vector.shape_cast %get3A_2391 : vector<1x16xf32> to vector<16xf32>
    %sub3A_2393 = arith.subf %get3A_2387, %get3A_2392 : vector<16xf32>
    %abs3A_2394 = math.absf %sub3A_2393 : vector<16xf32>
    %mul3A_2395 = arith.mulf %convert_element_type3A_2382, %abs3A_2394 : vector<16xf32>
    %add3A_2396 = arith.addf %broadcast_in_dim3A_2378, %mul3A_2395 : vector<16xf32>
    %get3A_2397 = arith.constant 16 : index
    %get3A_2398 = tpu.vector_load %arg12[%get3A_2397] {strides = array<i32>} : memref<128xi32, #tpu.memory_space<vmem>>, vector<16xi32>,
    %get3A_2399 = vector.shape_cast %get3A_2398 : vector<16xi32> to vector<16xi32>
    %convert_element_type3A_2400 = arith.sitofp %get3A_2399 : vector<16xi32> to vector<16xf32>
    %get3A_2401 = arith.constant 5 : i32
    %get3A_2402 = arith.index_cast %get3A_2401 : i32 to index
    %get3A_2403 = arith.constant 16 : index
    %get3A_2404 = tpu.vector_load %arg16[%get3A_2402, %get3A_2403] {strides = array<i32>} : memref<10x128xf32, #tpu.memory_space<vmem>>, vector<1x16xf32>,
    %get3A_2405 = vector.shape_cast %get3A_2404 : vector<1x16xf32> to vector<16xf32>
    %get3A_2406 = arith.constant 5 : i32
    %get3A_2407 = arith.index_cast %get3A_2406 : i32 to index
    %get3A_2408 = arith.constant 16 : index
    %get3A_2409 = tpu.vector_load %arg13[%get3A_2407, %get3A_2408] {strides = array<i32>} : memref<10x128xf32, #tpu.memory_space<vmem>>, vector<1x16xf32>,
    %get3A_2410 = vector.shape_cast %get3A_2409 : vector<1x16xf32> to vector<16xf32>
    %sub3A_2411 = arith.subf %get3A_2405, %get3A_2410 : vector<16xf32>
    %abs3A_2412 = math.absf %sub3A_2411 : vector<16xf32>
    %mul3A_2413 = arith.mulf %convert_element_type3A_2400, %abs3A_2412 : vector<16xf32>
    %add3A_2414 = arith.addf %add3A_2396, %mul3A_2413 : vector<16xf32>
    %get3A_2415 = arith.constant 32 : index
    %get3A_2416 = tpu.vector_load %arg12[%get3A_2415] {strides = array<i32>} : memref<128xi32, #tpu.memory_space<vmem>>, vector<16xi32>,
    %get3A_2417 = vector.shape_cast %get3A_2416 : vector<16xi32> to vector<16xi32>
    %convert_element_type3A_2418 = arith.sitofp %get3A_2417 : vector<16xi32> to vector<16xf32>
    %get3A_2419 = arith.constant 5 : i32
    %get3A_2420 = arith.index_cast %get3A_2419 : i32 to index
    %get3A_2421 = arith.constant 32 : index
    %get3A_2422 = tpu.vector_load %arg16[%get3A_2420, %get3A_2421] {strides = array<i32>} : memref<10x128xf32, #tpu.memory_space<vmem>>, vector<1x16xf32>,
    %get3A_2423 = vector.shape_cast %get3A_2422 : vector<1x16xf32> to vector<16xf32>
    %get3A_2424 = arith.constant 5 : i32
    %get3A_2425 = arith.index_cast %get3A_2424 : i32 to index
    %get3A_2426 = arith.constant 32 : index
    %get3A_2427 = tpu.vector_load %arg13[%get3A_2425, %get3A_2426] {strides = array<i32>} : memref<10x128xf32, #tpu.memory_space<vmem>>, vector<1x16xf32>,
    %get3A_2428 = vector.shape_cast %get3A_2427 : vector<1x16xf32> to vector<16xf32>
    %sub3A_2429 = arith.subf %get3A_2423, %get3A_2428 : vector<16xf32>
    %abs3A_2430 = math.absf %sub3A_2429 : vector<16xf32>
    %mul3A_2431 = arith.mulf %convert_element_type3A_2418, %abs3A_2430 : vector<16xf32>
    %add3A_2432 = arith.addf %add3A_2414, %mul3A_2431 : vector<16xf32>
    %get3A_2433 = arith.constant 48 : index
    %get3A_2434 = tpu.vector_load %arg12[%get3A_2433] {strides = array<i32>} : memref<128xi32, #tpu.memory_space<vmem>>, vector<16xi32>,
    %get3A_2435 = vector.shape_cast %get3A_2434 : vector<16xi32> to vector<16xi32>
    %convert_element_type3A_2436 = arith.sitofp %get3A_2435 : vector<16xi32> to vector<16xf32>
    %get3A_2437 = arith.constant 5 : i32
    %get3A_2438 = arith.index_cast %get3A_2437 : i32 to index
    %get3A_2439 = arith.constant 48 : index
    %get3A_2440 = tpu.vector_load %arg16[%get3A_2438, %get3A_2439] {strides = array<i32>} : memref<10x128xf32, #tpu.memory_space<vmem>>, vector<1x16xf32>,
    %get3A_2441 = vector.shape_cast %get3A_2440 : vector<1x16xf32> to vector<16xf32>
    %get3A_2442 = arith.constant 5 : i32
    %get3A_2443 = arith.index_cast %get3A_2442 : i32 to index
    %get3A_2444 = arith.constant 48 : index
    %get3A_2445 = tpu.vector_load %arg13[%get3A_2443, %get3A_2444] {strides = array<i32>} : memref<10x128xf32, #tpu.memory_space<vmem>>, vector<1x16xf32>,
    %get3A_2446 = vector.shape_cast %get3A_2445 : vector<1x16xf32> to vector<16xf32>
    %sub3A_2447 = arith.subf %get3A_2441, %get3A_2446 : vector<16xf32>
    %abs3A_2448 = math.absf %sub3A_2447 : vector<16xf32>
    %mul3A_2449 = arith.mulf %convert_element_type3A_2436, %abs3A_2448 : vector<16xf32>
    %add3A_2450 = arith.addf %add3A_2432, %mul3A_2449 : vector<16xf32>
    %get3A_2451 = arith.constant 64 : index
    %get3A_2452 = tpu.vector_load %arg12[%get3A_2451] {strides = array<i32>} : memref<128xi32, #tpu.memory_space<vmem>>, vector<16xi32>,
    %get3A_2453 = vector.shape_cast %get3A_2452 : vector<16xi32> to vector<16xi32>
    %convert_element_type3A_2454 = arith.sitofp %get3A_2453 : vector<16xi32> to vector<16xf32>
    %get3A_2455 = arith.constant 5 : i32
    %get3A_2456 = arith.index_cast %get3A_2455 : i32 to index
    %get3A_2457 = arith.constant 64 : index
    %get3A_2458 = tpu.vector_load %arg16[%get3A_2456, %get3A_2457] {strides = array<i32>} : memref<10x128xf32, #tpu.memory_space<vmem>>, vector<1x16xf32>,
    %get3A_2459 = vector.shape_cast %get3A_2458 : vector<1x16xf32> to vector<16xf32>
    %get3A_2460 = arith.constant 5 : i32
    %get3A_2461 = arith.index_cast %get3A_2460 : i32 to index
    %get3A_2462 = arith.constant 64 : index
    %get3A_2463 = tpu.vector_load %arg13[%get3A_2461, %get3A_2462] {strides = array<i32>} : memref<10x128xf32, #tpu.memory_space<vmem>>, vector<1x16xf32>,
    %get3A_2464 = vector.shape_cast %get3A_2463 : vector<1x16xf32> to vector<16xf32>
    %sub3A_2465 = arith.subf %get3A_2459, %get3A_2464 : vector<16xf32>
    %abs3A_2466 = math.absf %sub3A_2465 : vector<16xf32>
    %mul3A_2467 = arith.mulf %convert_element_type3A_2454, %abs3A_2466 : vector<16xf32>
    %add3A_2468 = arith.addf %add3A_2450, %mul3A_2467 : vector<16xf32>
    %get3A_2469 = arith.constant 80 : index
    %get3A_2470 = tpu.vector_load %arg12[%get3A_2469] {strides = array<i32>} : memref<128xi32, #tpu.memory_space<vmem>>, vector<16xi32>,
    %get3A_2471 = vector.shape_cast %get3A_2470 : vector<16xi32> to vector<16xi32>
    %convert_element_type3A_2472 = arith.sitofp %get3A_2471 : vector<16xi32> to vector<16xf32>
    %get3A_2473 = arith.constant 5 : i32
    %get3A_2474 = arith.index_cast %get3A_2473 : i32 to index
    %get3A_2475 = arith.constant 80 : index
    %get3A_2476 = tpu.vector_load %arg16[%get3A_2474, %get3A_2475] {strides = array<i32>} : memref<10x128xf32, #tpu.memory_space<vmem>>, vector<1x16xf32>,
    %get3A_2477 = vector.shape_cast %get3A_2476 : vector<1x16xf32> to vector<16xf32>
    %get3A_2478 = arith.constant 5 : i32
    %get3A_2479 = arith.index_cast %get3A_2478 : i32 to index
    %get3A_2480 = arith.constant 80 : index
    %get3A_2481 = tpu.vector_load %arg13[%get3A_2479, %get3A_2480] {strides = array<i32>} : memref<10x128xf32, #tpu.memory_space<vmem>>, vector<1x16xf32>,
    %get3A_2482 = vector.shape_cast %get3A_2481 : vector<1x16xf32> to vector<16xf32>
    %sub3A_2483 = arith.subf %get3A_2477, %get3A_2482 : vector<16xf32>
    %abs3A_2484 = math.absf %sub3A_2483 : vector<16xf32>
    %mul3A_2485 = arith.mulf %convert_element_type3A_2472, %abs3A_2484 : vector<16xf32>
    %add3A_2486 = arith.addf %add3A_2468, %mul3A_2485 : vector<16xf32>
    %get3A_2487 = arith.constant 96 : index
    %get3A_2488 = tpu.vector_load %arg12[%get3A_2487] {strides = array<i32>} : memref<128xi32, #tpu.memory_space<vmem>>, vector<16xi32>,
    %get3A_2489 = vector.shape_cast %get3A_2488 : vector<16xi32> to vector<16xi32>
    %convert_element_type3A_2490 = arith.sitofp %get3A_2489 : vector<16xi32> to vector<16xf32>
    %get3A_2491 = arith.constant 5 : i32
    %get3A_2492 = arith.index_cast %get3A_2491 : i32 to index
    %get3A_2493 = arith.constant 96 : index
    %get3A_2494 = tpu.vector_load %arg16[%get3A_2492, %get3A_2493] {strides = array<i32>} : memref<10x128xf32, #tpu.memory_space<vmem>>, vector<1x16xf32>,
    %get3A_2495 = vector.shape_cast %get3A_2494 : vector<1x16xf32> to vector<16xf32>
    %get3A_2496 = arith.constant 5 : i32
    %get3A_2497 = arith.index_cast %get3A_2496 : i32 to index
    %get3A_2498 = arith.constant 96 : index
    %get3A_2499 = tpu.vector_load %arg13[%get3A_2497, %get3A_2498] {strides = array<i32>} : memref<10x128xf32, #tpu.memory_space<vmem>>, vector<1x16xf32>,
    %get3A_2500 = vector.shape_cast %get3A_2499 : vector<1x16xf32> to vector<16xf32>
    %sub3A_2501 = arith.subf %get3A_2495, %get3A_2500 : vector<16xf32>
    %abs3A_2502 = math.absf %sub3A_2501 : vector<16xf32>
    %mul3A_2503 = arith.mulf %convert_element_type3A_2490, %abs3A_2502 : vector<16xf32>
    %add3A_2504 = arith.addf %add3A_2486, %mul3A_2503 : vector<16xf32>
    %get3A_2505 = arith.constant 112 : index
    %get3A_2506 = tpu.vector_load %arg12[%get3A_2505] {strides = array<i32>} : memref<128xi32, #tpu.memory_space<vmem>>, vector<16xi32>,
    %get3A_2507 = vector.shape_cast %get3A_2506 : vector<16xi32> to vector<16xi32>
    %convert_element_type3A_2508 = arith.sitofp %get3A_2507 : vector<16xi32> to vector<16xf32>
    %get3A_2509 = arith.constant 5 : i32
    %get3A_2510 = arith.index_cast %get3A_2509 : i32 to index
    %get3A_2511 = arith.constant 112 : index
    %get3A_2512 = tpu.vector_load %arg16[%get3A_2510, %get3A_2511] {strides = array<i32>} : memref<10x128xf32, #tpu.memory_space<vmem>>, vector<1x16xf32>,
    %get3A_2513 = vector.shape_cast %get3A_2512 : vector<1x16xf32> to vector<16xf32>
    %get3A_2514 = arith.constant 5 : i32
    %get3A_2515 = arith.index_cast %get3A_2514 : i32 to index
    %get3A_2516 = arith.constant 112 : index
    %get3A_2517 = tpu.vector_load %arg13[%get3A_2515, %get3A_2516] {strides = array<i32>} : memref<10x128xf32, #tpu.memory_space<vmem>>, vector<1x16xf32>,
    %get3A_2518 = vector.shape_cast %get3A_2517 : vector<1x16xf32> to vector<16xf32>
    %sub3A_2519 = arith.subf %get3A_2513, %get3A_2518 : vector<16xf32>
    %abs3A_2520 = math.absf %sub3A_2519 : vector<16xf32>
    %mul3A_2521 = arith.mulf %convert_element_type3A_2508, %abs3A_2520 : vector<16xf32>
    %add3A_2522 = arith.addf %add3A_2504, %mul3A_2521 : vector<16xf32>
    %swap3A_2523 = arith.constant 80 : index
    %swap3A_2524 = tpu.vector_load %arg18[%swap3A_2523] {strides = array<i32>} : memref<160xf32, #tpu.memory_space<vmem>>, vector<16xf32>,
    %swap3A_2525 = vector.shape_cast %swap3A_2524 : vector<16xf32> to vector<16xf32>
    %swap3A_2526 = vector.shape_cast %add3A_2522 : vector<16xf32> to vector<16xf32>
    tpu.vector_store %arg18[%swap3A_2523], %swap3A_2526 {strides = array<i32>} : memref<160xf32, #tpu.memory_space<vmem>>, vector<16xf32>,
    %broadcast_in_dim3A_2527 = arith.constant 0.000000e+00 : f32
    %broadcast_in_dim3A_2528 = vector.broadcast %broadcast_in_dim3A_2527 : f32 to vector<16xf32>
    %get3A_2529 = arith.constant 0 : index
    %get3A_2530 = tpu.vector_load %arg12[%get3A_2529] {strides = array<i32>} : memref<128xi32, #tpu.memory_space<vmem>>, vector<16xi32>,
    %get3A_2531 = vector.shape_cast %get3A_2530 : vector<16xi32> to vector<16xi32>
    %convert_element_type3A_2532 = arith.sitofp %get3A_2531 : vector<16xi32> to vector<16xf32>
    %get3A_2533 = arith.constant 6 : i32
    %get3A_2534 = arith.index_cast %get3A_2533 : i32 to index
    %get3A_2535 = arith.constant 0 : index
    %get3A_2536 = tpu.vector_load %arg16[%get3A_2534, %get3A_2535] {strides = array<i32>} : memref<10x128xf32, #tpu.memory_space<vmem>>, vector<1x16xf32>,
    %get3A_2537 = vector.shape_cast %get3A_2536 : vector<1x16xf32> to vector<16xf32>
    %get3A_2538 = arith.constant 6 : i32
    %get3A_2539 = arith.index_cast %get3A_2538 : i32 to index
    %get3A_2540 = arith.constant 0 : index
    %get3A_2541 = tpu.vector_load %arg13[%get3A_2539, %get3A_2540] {strides = array<i32>} : memref<10x128xf32, #tpu.memory_space<vmem>>, vector<1x16xf32>,
    %get3A_2542 = vector.shape_cast %get3A_2541 : vector<1x16xf32> to vector<16xf32>
    %sub3A_2543 = arith.subf %get3A_2537, %get3A_2542 : vector<16xf32>
    %abs3A_2544 = math.absf %sub3A_2543 : vector<16xf32>
    %mul3A_2545 = arith.mulf %convert_element_type3A_2532, %abs3A_2544 : vector<16xf32>
    %add3A_2546 = arith.addf %broadcast_in_dim3A_2528, %mul3A_2545 : vector<16xf32>
    %get3A_2547 = arith.constant 16 : index
    %get3A_2548 = tpu.vector_load %arg12[%get3A_2547] {strides = array<i32>} : memref<128xi32, #tpu.memory_space<vmem>>, vector<16xi32>,
    %get3A_2549 = vector.shape_cast %get3A_2548 : vector<16xi32> to vector<16xi32>
    %convert_element_type3A_2550 = arith.sitofp %get3A_2549 : vector<16xi32> to vector<16xf32>
    %get3A_2551 = arith.constant 6 : i32
    %get3A_2552 = arith.index_cast %get3A_2551 : i32 to index
    %get3A_2553 = arith.constant 16 : index
    %get3A_2554 = tpu.vector_load %arg16[%get3A_2552, %get3A_2553] {strides = array<i32>} : memref<10x128xf32, #tpu.memory_space<vmem>>, vector<1x16xf32>,
    %get3A_2555 = vector.shape_cast %get3A_2554 : vector<1x16xf32> to vector<16xf32>
    %get3A_2556 = arith.constant 6 : i32
    %get3A_2557 = arith.index_cast %get3A_2556 : i32 to index
    %get3A_2558 = arith.constant 16 : index
    %get3A_2559 = tpu.vector_load %arg13[%get3A_2557, %get3A_2558] {strides = array<i32>} : memref<10x128xf32, #tpu.memory_space<vmem>>, vector<1x16xf32>,
    %get3A_2560 = vector.shape_cast %get3A_2559 : vector<1x16xf32> to vector<16xf32>
    %sub3A_2561 = arith.subf %get3A_2555, %get3A_2560 : vector<16xf32>
    %abs3A_2562 = math.absf %sub3A_2561 : vector<16xf32>
    %mul3A_2563 = arith.mulf %convert_element_type3A_2550, %abs3A_2562 : vector<16xf32>
    %add3A_2564 = arith.addf %add3A_2546, %mul3A_2563 : vector<16xf32>
    %get3A_2565 = arith.constant 32 : index
    %get3A_2566 = tpu.vector_load %arg12[%get3A_2565] {strides = array<i32>} : memref<128xi32, #tpu.memory_space<vmem>>, vector<16xi32>,
    %get3A_2567 = vector.shape_cast %get3A_2566 : vector<16xi32> to vector<16xi32>
    %convert_element_type3A_2568 = arith.sitofp %get3A_2567 : vector<16xi32> to vector<16xf32>
    %get3A_2569 = arith.constant 6 : i32
    %get3A_2570 = arith.index_cast %get3A_2569 : i32 to index
    %get3A_2571 = arith.constant 32 : index
    %get3A_2572 = tpu.vector_load %arg16[%get3A_2570, %get3A_2571] {strides = array<i32>} : memref<10x128xf32, #tpu.memory_space<vmem>>, vector<1x16xf32>,
    %get3A_2573 = vector.shape_cast %get3A_2572 : vector<1x16xf32> to vector<16xf32>
    %get3A_2574 = arith.constant 6 : i32
    %get3A_2575 = arith.index_cast %get3A_2574 : i32 to index
    %get3A_2576 = arith.constant 32 : index
    %get3A_2577 = tpu.vector_load %arg13[%get3A_2575, %get3A_2576] {strides = array<i32>} : memref<10x128xf32, #tpu.memory_space<vmem>>, vector<1x16xf32>,
    %get3A_2578 = vector.shape_cast %get3A_2577 : vector<1x16xf32> to vector<16xf32>
    %sub3A_2579 = arith.subf %get3A_2573, %get3A_2578 : vector<16xf32>
    %abs3A_2580 = math.absf %sub3A_2579 : vector<16xf32>
    %mul3A_2581 = arith.mulf %convert_element_type3A_2568, %abs3A_2580 : vector<16xf32>
    %add3A_2582 = arith.addf %add3A_2564, %mul3A_2581 : vector<16xf32>
    %get3A_2583 = arith.constant 48 : index
    %get3A_2584 = tpu.vector_load %arg12[%get3A_2583] {strides = array<i32>} : memref<128xi32, #tpu.memory_space<vmem>>, vector<16xi32>,
    %get3A_2585 = vector.shape_cast %get3A_2584 : vector<16xi32> to vector<16xi32>
    %convert_element_type3A_2586 = arith.sitofp %get3A_2585 : vector<16xi32> to vector<16xf32>
    %get3A_2587 = arith.constant 6 : i32
    %get3A_2588 = arith.index_cast %get3A_2587 : i32 to index
    %get3A_2589 = arith.constant 48 : index
    %get3A_2590 = tpu.vector_load %arg16[%get3A_2588, %get3A_2589] {strides = array<i32>} : memref<10x128xf32, #tpu.memory_space<vmem>>, vector<1x16xf32>,
    %get3A_2591 = vector.shape_cast %get3A_2590 : vector<1x16xf32> to vector<16xf32>
    %get3A_2592 = arith.constant 6 : i32
    %get3A_2593 = arith.index_cast %get3A_2592 : i32 to index
    %get3A_2594 = arith.constant 48 : index
    %get3A_2595 = tpu.vector_load %arg13[%get3A_2593, %get3A_2594] {strides = array<i32>} : memref<10x128xf32, #tpu.memory_space<vmem>>, vector<1x16xf32>,
    %get3A_2596 = vector.shape_cast %get3A_2595 : vector<1x16xf32> to vector<16xf32>
    %sub3A_2597 = arith.subf %get3A_2591, %get3A_2596 : vector<16xf32>
    %abs3A_2598 = math.absf %sub3A_2597 : vector<16xf32>
    %mul3A_2599 = arith.mulf %convert_element_type3A_2586, %abs3A_2598 : vector<16xf32>
    %add3A_2600 = arith.addf %add3A_2582, %mul3A_2599 : vector<16xf32>
    %get3A_2601 = arith.constant 64 : index
    %get3A_2602 = tpu.vector_load %arg12[%get3A_2601] {strides = array<i32>} : memref<128xi32, #tpu.memory_space<vmem>>, vector<16xi32>,
    %get3A_2603 = vector.shape_cast %get3A_2602 : vector<16xi32> to vector<16xi32>
    %convert_element_type3A_2604 = arith.sitofp %get3A_2603 : vector<16xi32> to vector<16xf32>
    %get3A_2605 = arith.constant 6 : i32
    %get3A_2606 = arith.index_cast %get3A_2605 : i32 to index
    %get3A_2607 = arith.constant 64 : index
    %get3A_2608 = tpu.vector_load %arg16[%get3A_2606, %get3A_2607] {strides = array<i32>} : memref<10x128xf32, #tpu.memory_space<vmem>>, vector<1x16xf32>,
    %get3A_2609 = vector.shape_cast %get3A_2608 : vector<1x16xf32> to vector<16xf32>
    %get3A_2610 = arith.constant 6 : i32
    %get3A_2611 = arith.index_cast %get3A_2610 : i32 to index
    %get3A_2612 = arith.constant 64 : index
    %get3A_2613 = tpu.vector_load %arg13[%get3A_2611, %get3A_2612] {strides = array<i32>} : memref<10x128xf32, #tpu.memory_space<vmem>>, vector<1x16xf32>,
    %get3A_2614 = vector.shape_cast %get3A_2613 : vector<1x16xf32> to vector<16xf32>
    %sub3A_2615 = arith.subf %get3A_2609, %get3A_2614 : vector<16xf32>
    %abs3A_2616 = math.absf %sub3A_2615 : vector<16xf32>
    %mul3A_2617 = arith.mulf %convert_element_type3A_2604, %abs3A_2616 : vector<16xf32>
    %add3A_2618 = arith.addf %add3A_2600, %mul3A_2617 : vector<16xf32>
    %get3A_2619 = arith.constant 80 : index
    %get3A_2620 = tpu.vector_load %arg12[%get3A_2619] {strides = array<i32>} : memref<128xi32, #tpu.memory_space<vmem>>, vector<16xi32>,
    %get3A_2621 = vector.shape_cast %get3A_2620 : vector<16xi32> to vector<16xi32>
    %convert_element_type3A_2622 = arith.sitofp %get3A_2621 : vector<16xi32> to vector<16xf32>
    %get3A_2623 = arith.constant 6 : i32
    %get3A_2624 = arith.index_cast %get3A_2623 : i32 to index
    %get3A_2625 = arith.constant 80 : index
    %get3A_2626 = tpu.vector_load %arg16[%get3A_2624, %get3A_2625] {strides = array<i32>} : memref<10x128xf32, #tpu.memory_space<vmem>>, vector<1x16xf32>,
    %get3A_2627 = vector.shape_cast %get3A_2626 : vector<1x16xf32> to vector<16xf32>
    %get3A_2628 = arith.constant 6 : i32
    %get3A_2629 = arith.index_cast %get3A_2628 : i32 to index
    %get3A_2630 = arith.constant 80 : index
    %get3A_2631 = tpu.vector_load %arg13[%get3A_2629, %get3A_2630] {strides = array<i32>} : memref<10x128xf32, #tpu.memory_space<vmem>>, vector<1x16xf32>,
    %get3A_2632 = vector.shape_cast %get3A_2631 : vector<1x16xf32> to vector<16xf32>
    %sub3A_2633 = arith.subf %get3A_2627, %get3A_2632 : vector<16xf32>
    %abs3A_2634 = math.absf %sub3A_2633 : vector<16xf32>
    %mul3A_2635 = arith.mulf %convert_element_type3A_2622, %abs3A_2634 : vector<16xf32>
    %add3A_2636 = arith.addf %add3A_2618, %mul3A_2635 : vector<16xf32>
    %get3A_2637 = arith.constant 96 : index
    %get3A_2638 = tpu.vector_load %arg12[%get3A_2637] {strides = array<i32>} : memref<128xi32, #tpu.memory_space<vmem>>, vector<16xi32>,
    %get3A_2639 = vector.shape_cast %get3A_2638 : vector<16xi32> to vector<16xi32>
    %convert_element_type3A_2640 = arith.sitofp %get3A_2639 : vector<16xi32> to vector<16xf32>
    %get3A_2641 = arith.constant 6 : i32
    %get3A_2642 = arith.index_cast %get3A_2641 : i32 to index
    %get3A_2643 = arith.constant 96 : index
    %get3A_2644 = tpu.vector_load %arg16[%get3A_2642, %get3A_2643] {strides = array<i32>} : memref<10x128xf32, #tpu.memory_space<vmem>>, vector<1x16xf32>,
    %get3A_2645 = vector.shape_cast %get3A_2644 : vector<1x16xf32> to vector<16xf32>
    %get3A_2646 = arith.constant 6 : i32
    %get3A_2647 = arith.index_cast %get3A_2646 : i32 to index
    %get3A_2648 = arith.constant 96 : index
    %get3A_2649 = tpu.vector_load %arg13[%get3A_2647, %get3A_2648] {strides = array<i32>} : memref<10x128xf32, #tpu.memory_space<vmem>>, vector<1x16xf32>,
    %get3A_2650 = vector.shape_cast %get3A_2649 : vector<1x16xf32> to vector<16xf32>
    %sub3A_2651 = arith.subf %get3A_2645, %get3A_2650 : vector<16xf32>
    %abs3A_2652 = math.absf %sub3A_2651 : vector<16xf32>
    %mul3A_2653 = arith.mulf %convert_element_type3A_2640, %abs3A_2652 : vector<16xf32>
    %add3A_2654 = arith.addf %add3A_2636, %mul3A_2653 : vector<16xf32>
    %get3A_2655 = arith.constant 112 : index
    %get3A_2656 = tpu.vector_load %arg12[%get3A_2655] {strides = array<i32>} : memref<128xi32, #tpu.memory_space<vmem>>, vector<16xi32>,
    %get3A_2657 = vector.shape_cast %get3A_2656 : vector<16xi32> to vector<16xi32>
    %convert_element_type3A_2658 = arith.sitofp %get3A_2657 : vector<16xi32> to vector<16xf32>
    %get3A_2659 = arith.constant 6 : i32
    %get3A_2660 = arith.index_cast %get3A_2659 : i32 to index
    %get3A_2661 = arith.constant 112 : index
    %get3A_2662 = tpu.vector_load %arg16[%get3A_2660, %get3A_2661] {strides = array<i32>} : memref<10x128xf32, #tpu.memory_space<vmem>>, vector<1x16xf32>,
    %get3A_2663 = vector.shape_cast %get3A_2662 : vector<1x16xf32> to vector<16xf32>
    %get3A_2664 = arith.constant 6 : i32
    %get3A_2665 = arith.index_cast %get3A_2664 : i32 to index
    %get3A_2666 = arith.constant 112 : index
    %get3A_2667 = tpu.vector_load %arg13[%get3A_2665, %get3A_2666] {strides = array<i32>} : memref<10x128xf32, #tpu.memory_space<vmem>>, vector<1x16xf32>,
    %get3A_2668 = vector.shape_cast %get3A_2667 : vector<1x16xf32> to vector<16xf32>
    %sub3A_2669 = arith.subf %get3A_2663, %get3A_2668 : vector<16xf32>
    %abs3A_2670 = math.absf %sub3A_2669 : vector<16xf32>
    %mul3A_2671 = arith.mulf %convert_element_type3A_2658, %abs3A_2670 : vector<16xf32>
    %add3A_2672 = arith.addf %add3A_2654, %mul3A_2671 : vector<16xf32>
    %swap3A_2673 = arith.constant 96 : index
    %swap3A_2674 = tpu.vector_load %arg18[%swap3A_2673] {strides = array<i32>} : memref<160xf32, #tpu.memory_space<vmem>>, vector<16xf32>,
    %swap3A_2675 = vector.shape_cast %swap3A_2674 : vector<16xf32> to vector<16xf32>
    %swap3A_2676 = vector.shape_cast %add3A_2672 : vector<16xf32> to vector<16xf32>
    tpu.vector_store %arg18[%swap3A_2673], %swap3A_2676 {strides = array<i32>} : memref<160xf32, #tpu.memory_space<vmem>>, vector<16xf32>,
    %broadcast_in_dim3A_2677 = arith.constant 0.000000e+00 : f32
    %broadcast_in_dim3A_2678 = vector.broadcast %broadcast_in_dim3A_2677 : f32 to vector<16xf32>
    %get3A_2679 = arith.constant 0 : index
    %get3A_2680 = tpu.vector_load %arg12[%get3A_2679] {strides = array<i32>} : memref<128xi32, #tpu.memory_space<vmem>>, vector<16xi32>,
    %get3A_2681 = vector.shape_cast %get3A_2680 : vector<16xi32> to vector<16xi32>
    %convert_element_type3A_2682 = arith.sitofp %get3A_2681 : vector<16xi32> to vector<16xf32>
    %get3A_2683 = arith.constant 7 : i32
    %get3A_2684 = arith.index_cast %get3A_2683 : i32 to index
    %get3A_2685 = arith.constant 0 : index
    %get3A_2686 = tpu.vector_load %arg16[%get3A_2684, %get3A_2685] {strides = array<i32>} : memref<10x128xf32, #tpu.memory_space<vmem>>, vector<1x16xf32>,
    %get3A_2687 = vector.shape_cast %get3A_2686 : vector<1x16xf32> to vector<16xf32>
    %get3A_2688 = arith.constant 7 : i32
    %get3A_2689 = arith.index_cast %get3A_2688 : i32 to index
    %get3A_2690 = arith.constant 0 : index
    %get3A_2691 = tpu.vector_load %arg13[%get3A_2689, %get3A_2690] {strides = array<i32>} : memref<10x128xf32, #tpu.memory_space<vmem>>, vector<1x16xf32>,
    %get3A_2692 = vector.shape_cast %get3A_2691 : vector<1x16xf32> to vector<16xf32>
    %sub3A_2693 = arith.subf %get3A_2687, %get3A_2692 : vector<16xf32>
    %abs3A_2694 = math.absf %sub3A_2693 : vector<16xf32>
    %mul3A_2695 = arith.mulf %convert_element_type3A_2682, %abs3A_2694 : vector<16xf32>
    %add3A_2696 = arith.addf %broadcast_in_dim3A_2678, %mul3A_2695 : vector<16xf32>
    %get3A_2697 = arith.constant 16 : index
    %get3A_2698 = tpu.vector_load %arg12[%get3A_2697] {strides = array<i32>} : memref<128xi32, #tpu.memory_space<vmem>>, vector<16xi32>,
    %get3A_2699 = vector.shape_cast %get3A_2698 : vector<16xi32> to vector<16xi32>
    %convert_element_type3A_2700 = arith.sitofp %get3A_2699 : vector<16xi32> to vector<16xf32>
    %get3A_2701 = arith.constant 7 : i32
    %get3A_2702 = arith.index_cast %get3A_2701 : i32 to index
    %get3A_2703 = arith.constant 16 : index
    %get3A_2704 = tpu.vector_load %arg16[%get3A_2702, %get3A_2703] {strides = array<i32>} : memref<10x128xf32, #tpu.memory_space<vmem>>, vector<1x16xf32>,
    %get3A_2705 = vector.shape_cast %get3A_2704 : vector<1x16xf32> to vector<16xf32>
    %get3A_2706 = arith.constant 7 : i32
    %get3A_2707 = arith.index_cast %get3A_2706 : i32 to index
    %get3A_2708 = arith.constant 16 : index
    %get3A_2709 = tpu.vector_load %arg13[%get3A_2707, %get3A_2708] {strides = array<i32>} : memref<10x128xf32, #tpu.memory_space<vmem>>, vector<1x16xf32>,
    %get3A_2710 = vector.shape_cast %get3A_2709 : vector<1x16xf32> to vector<16xf32>
    %sub3A_2711 = arith.subf %get3A_2705, %get3A_2710 : vector<16xf32>
    %abs3A_2712 = math.absf %sub3A_2711 : vector<16xf32>
    %mul3A_2713 = arith.mulf %convert_element_type3A_2700, %abs3A_2712 : vector<16xf32>
    %add3A_2714 = arith.addf %add3A_2696, %mul3A_2713 : vector<16xf32>
    %get3A_2715 = arith.constant 32 : index
    %get3A_2716 = tpu.vector_load %arg12[%get3A_2715] {strides = array<i32>} : memref<128xi32, #tpu.memory_space<vmem>>, vector<16xi32>,
    %get3A_2717 = vector.shape_cast %get3A_2716 : vector<16xi32> to vector<16xi32>
    %convert_element_type3A_2718 = arith.sitofp %get3A_2717 : vector<16xi32> to vector<16xf32>
    %get3A_2719 = arith.constant 7 : i32
    %get3A_2720 = arith.index_cast %get3A_2719 : i32 to index
    %get3A_2721 = arith.constant 32 : index
    %get3A_2722 = tpu.vector_load %arg16[%get3A_2720, %get3A_2721] {strides = array<i32>} : memref<10x128xf32, #tpu.memory_space<vmem>>, vector<1x16xf32>,
    %get3A_2723 = vector.shape_cast %get3A_2722 : vector<1x16xf32> to vector<16xf32>
    %get3A_2724 = arith.constant 7 : i32
    %get3A_2725 = arith.index_cast %get3A_2724 : i32 to index
    %get3A_2726 = arith.constant 32 : index
    %get3A_2727 = tpu.vector_load %arg13[%get3A_2725, %get3A_2726] {strides = array<i32>} : memref<10x128xf32, #tpu.memory_space<vmem>>, vector<1x16xf32>,
    %get3A_2728 = vector.shape_cast %get3A_2727 : vector<1x16xf32> to vector<16xf32>
    %sub3A_2729 = arith.subf %get3A_2723, %get3A_2728 : vector<16xf32>
    %abs3A_2730 = math.absf %sub3A_2729 : vector<16xf32>
    %mul3A_2731 = arith.mulf %convert_element_type3A_2718, %abs3A_2730 : vector<16xf32>
    %add3A_2732 = arith.addf %add3A_2714, %mul3A_2731 : vector<16xf32>
    %get3A_2733 = arith.constant 48 : index
    %get3A_2734 = tpu.vector_load %arg12[%get3A_2733] {strides = array<i32>} : memref<128xi32, #tpu.memory_space<vmem>>, vector<16xi32>,
    %get3A_2735 = vector.shape_cast %get3A_2734 : vector<16xi32> to vector<16xi32>
    %convert_element_type3A_2736 = arith.sitofp %get3A_2735 : vector<16xi32> to vector<16xf32>
    %get3A_2737 = arith.constant 7 : i32
    %get3A_2738 = arith.index_cast %get3A_2737 : i32 to index
    %get3A_2739 = arith.constant 48 : index
    %get3A_2740 = tpu.vector_load %arg16[%get3A_2738, %get3A_2739] {strides = array<i32>} : memref<10x128xf32, #tpu.memory_space<vmem>>, vector<1x16xf32>,
    %get3A_2741 = vector.shape_cast %get3A_2740 : vector<1x16xf32> to vector<16xf32>
    %get3A_2742 = arith.constant 7 : i32
    %get3A_2743 = arith.index_cast %get3A_2742 : i32 to index
    %get3A_2744 = arith.constant 48 : index
    %get3A_2745 = tpu.vector_load %arg13[%get3A_2743, %get3A_2744] {strides = array<i32>} : memref<10x128xf32, #tpu.memory_space<vmem>>, vector<1x16xf32>,
    %get3A_2746 = vector.shape_cast %get3A_2745 : vector<1x16xf32> to vector<16xf32>
    %sub3A_2747 = arith.subf %get3A_2741, %get3A_2746 : vector<16xf32>
    %abs3A_2748 = math.absf %sub3A_2747 : vector<16xf32>
    %mul3A_2749 = arith.mulf %convert_element_type3A_2736, %abs3A_2748 : vector<16xf32>
    %add3A_2750 = arith.addf %add3A_2732, %mul3A_2749 : vector<16xf32>
    %get3A_2751 = arith.constant 64 : index
    %get3A_2752 = tpu.vector_load %arg12[%get3A_2751] {strides = array<i32>} : memref<128xi32, #tpu.memory_space<vmem>>, vector<16xi32>,
    %get3A_2753 = vector.shape_cast %get3A_2752 : vector<16xi32> to vector<16xi32>
    %convert_element_type3A_2754 = arith.sitofp %get3A_2753 : vector<16xi32> to vector<16xf32>
    %get3A_2755 = arith.constant 7 : i32
    %get3A_2756 = arith.index_cast %get3A_2755 : i32 to index
    %get3A_2757 = arith.constant 64 : index
    %get3A_2758 = tpu.vector_load %arg16[%get3A_2756, %get3A_2757] {strides = array<i32>} : memref<10x128xf32, #tpu.memory_space<vmem>>, vector<1x16xf32>,
    %get3A_2759 = vector.shape_cast %get3A_2758 : vector<1x16xf32> to vector<16xf32>
    %get3A_2760 = arith.constant 7 : i32
    %get3A_2761 = arith.index_cast %get3A_2760 : i32 to index
    %get3A_2762 = arith.constant 64 : index
    %get3A_2763 = tpu.vector_load %arg13[%get3A_2761, %get3A_2762] {strides = array<i32>} : memref<10x128xf32, #tpu.memory_space<vmem>>, vector<1x16xf32>,
    %get3A_2764 = vector.shape_cast %get3A_2763 : vector<1x16xf32> to vector<16xf32>
    %sub3A_2765 = arith.subf %get3A_2759, %get3A_2764 : vector<16xf32>
    %abs3A_2766 = math.absf %sub3A_2765 : vector<16xf32>
    %mul3A_2767 = arith.mulf %convert_element_type3A_2754, %abs3A_2766 : vector<16xf32>
    %add3A_2768 = arith.addf %add3A_2750, %mul3A_2767 : vector<16xf32>
    %get3A_2769 = arith.constant 80 : index
    %get3A_2770 = tpu.vector_load %arg12[%get3A_2769] {strides = array<i32>} : memref<128xi32, #tpu.memory_space<vmem>>, vector<16xi32>,
    %get3A_2771 = vector.shape_cast %get3A_2770 : vector<16xi32> to vector<16xi32>
    %convert_element_type3A_2772 = arith.sitofp %get3A_2771 : vector<16xi32> to vector<16xf32>
    %get3A_2773 = arith.constant 7 : i32
    %get3A_2774 = arith.index_cast %get3A_2773 : i32 to index
    %get3A_2775 = arith.constant 80 : index
    %get3A_2776 = tpu.vector_load %arg16[%get3A_2774, %get3A_2775] {strides = array<i32>} : memref<10x128xf32, #tpu.memory_space<vmem>>, vector<1x16xf32>,
    %get3A_2777 = vector.shape_cast %get3A_2776 : vector<1x16xf32> to vector<16xf32>
    %get3A_2778 = arith.constant 7 : i32
    %get3A_2779 = arith.index_cast %get3A_2778 : i32 to index
    %get3A_2780 = arith.constant 80 : index
    %get3A_2781 = tpu.vector_load %arg13[%get3A_2779, %get3A_2780] {strides = array<i32>} : memref<10x128xf32, #tpu.memory_space<vmem>>, vector<1x16xf32>,
    %get3A_2782 = vector.shape_cast %get3A_2781 : vector<1x16xf32> to vector<16xf32>
    %sub3A_2783 = arith.subf %get3A_2777, %get3A_2782 : vector<16xf32>
    %abs3A_2784 = math.absf %sub3A_2783 : vector<16xf32>
    %mul3A_2785 = arith.mulf %convert_element_type3A_2772, %abs3A_2784 : vector<16xf32>
    %add3A_2786 = arith.addf %add3A_2768, %mul3A_2785 : vector<16xf32>
    %get3A_2787 = arith.constant 96 : index
    %get3A_2788 = tpu.vector_load %arg12[%get3A_2787] {strides = array<i32>} : memref<128xi32, #tpu.memory_space<vmem>>, vector<16xi32>,
    %get3A_2789 = vector.shape_cast %get3A_2788 : vector<16xi32> to vector<16xi32>
    %convert_element_type3A_2790 = arith.sitofp %get3A_2789 : vector<16xi32> to vector<16xf32>
    %get3A_2791 = arith.constant 7 : i32
    %get3A_2792 = arith.index_cast %get3A_2791 : i32 to index
    %get3A_2793 = arith.constant 96 : index
    %get3A_2794 = tpu.vector_load %arg16[%get3A_2792, %get3A_2793] {strides = array<i32>} : memref<10x128xf32, #tpu.memory_space<vmem>>, vector<1x16xf32>,
    %get3A_2795 = vector.shape_cast %get3A_2794 : vector<1x16xf32> to vector<16xf32>
    %get3A_2796 = arith.constant 7 : i32
    %get3A_2797 = arith.index_cast %get3A_2796 : i32 to index
    %get3A_2798 = arith.constant 96 : index
    %get3A_2799 = tpu.vector_load %arg13[%get3A_2797, %get3A_2798] {strides = array<i32>} : memref<10x128xf32, #tpu.memory_space<vmem>>, vector<1x16xf32>,
    %get3A_2800 = vector.shape_cast %get3A_2799 : vector<1x16xf32> to vector<16xf32>
    %sub3A_2801 = arith.subf %get3A_2795, %get3A_2800 : vector<16xf32>
    %abs3A_2802 = math.absf %sub3A_2801 : vector<16xf32>
    %mul3A_2803 = arith.mulf %convert_element_type3A_2790, %abs3A_2802 : vector<16xf32>
    %add3A_2804 = arith.addf %add3A_2786, %mul3A_2803 : vector<16xf32>
    %get3A_2805 = arith.constant 112 : index
    %get3A_2806 = tpu.vector_load %arg12[%get3A_2805] {strides = array<i32>} : memref<128xi32, #tpu.memory_space<vmem>>, vector<16xi32>,
    %get3A_2807 = vector.shape_cast %get3A_2806 : vector<16xi32> to vector<16xi32>
    %convert_element_type3A_2808 = arith.sitofp %get3A_2807 : vector<16xi32> to vector<16xf32>
    %get3A_2809 = arith.constant 7 : i32
    %get3A_2810 = arith.index_cast %get3A_2809 : i32 to index
    %get3A_2811 = arith.constant 112 : index
    %get3A_2812 = tpu.vector_load %arg16[%get3A_2810, %get3A_2811] {strides = array<i32>} : memref<10x128xf32, #tpu.memory_space<vmem>>, vector<1x16xf32>,
    %get3A_2813 = vector.shape_cast %get3A_2812 : vector<1x16xf32> to vector<16xf32>
    %get3A_2814 = arith.constant 7 : i32
    %get3A_2815 = arith.index_cast %get3A_2814 : i32 to index
    %get3A_2816 = arith.constant 112 : index
    %get3A_2817 = tpu.vector_load %arg13[%get3A_2815, %get3A_2816] {strides = array<i32>} : memref<10x128xf32, #tpu.memory_space<vmem>>, vector<1x16xf32>,
    %get3A_2818 = vector.shape_cast %get3A_2817 : vector<1x16xf32> to vector<16xf32>
    %sub3A_2819 = arith.subf %get3A_2813, %get3A_2818 : vector<16xf32>
    %abs3A_2820 = math.absf %sub3A_2819 : vector<16xf32>
    %mul3A_2821 = arith.mulf %convert_element_type3A_2808, %abs3A_2820 : vector<16xf32>
    %add3A_2822 = arith.addf %add3A_2804, %mul3A_2821 : vector<16xf32>
    %swap3A_2823 = arith.constant 112 : index
    %swap3A_2824 = tpu.vector_load %arg18[%swap3A_2823] {strides = array<i32>} : memref<160xf32, #tpu.memory_space<vmem>>, vector<16xf32>,
    %swap3A_2825 = vector.shape_cast %swap3A_2824 : vector<16xf32> to vector<16xf32>
    %swap3A_2826 = vector.shape_cast %add3A_2822 : vector<16xf32> to vector<16xf32>
    tpu.vector_store %arg18[%swap3A_2823], %swap3A_2826 {strides = array<i32>} : memref<160xf32, #tpu.memory_space<vmem>>, vector<16xf32>,
    %broadcast_in_dim3A_2827 = arith.constant 0.000000e+00 : f32
    %broadcast_in_dim3A_2828 = vector.broadcast %broadcast_in_dim3A_2827 : f32 to vector<16xf32>
    %get3A_2829 = arith.constant 0 : index
    %get3A_2830 = tpu.vector_load %arg12[%get3A_2829] {strides = array<i32>} : memref<128xi32, #tpu.memory_space<vmem>>, vector<16xi32>,
    %get3A_2831 = vector.shape_cast %get3A_2830 : vector<16xi32> to vector<16xi32>
    %convert_element_type3A_2832 = arith.sitofp %get3A_2831 : vector<16xi32> to vector<16xf32>
    %get3A_2833 = arith.constant 8 : i32
    %get3A_2834 = arith.index_cast %get3A_2833 : i32 to index
    %get3A_2835 = arith.constant 0 : index
    %get3A_2836 = tpu.vector_load %arg16[%get3A_2834, %get3A_2835] {strides = array<i32>} : memref<10x128xf32, #tpu.memory_space<vmem>>, vector<1x16xf32>,
    %get3A_2837 = vector.shape_cast %get3A_2836 : vector<1x16xf32> to vector<16xf32>
    %get3A_2838 = arith.constant 8 : i32
    %get3A_2839 = arith.index_cast %get3A_2838 : i32 to index
    %get3A_2840 = arith.constant 0 : index
    %get3A_2841 = tpu.vector_load %arg13[%get3A_2839, %get3A_2840] {strides = array<i32>} : memref<10x128xf32, #tpu.memory_space<vmem>>, vector<1x16xf32>,
    %get3A_2842 = vector.shape_cast %get3A_2841 : vector<1x16xf32> to vector<16xf32>
    %sub3A_2843 = arith.subf %get3A_2837, %get3A_2842 : vector<16xf32>
    %abs3A_2844 = math.absf %sub3A_2843 : vector<16xf32>
    %mul3A_2845 = arith.mulf %convert_element_type3A_2832, %abs3A_2844 : vector<16xf32>
    %add3A_2846 = arith.addf %broadcast_in_dim3A_2828, %mul3A_2845 : vector<16xf32>
    %get3A_2847 = arith.constant 16 : index
    %get3A_2848 = tpu.vector_load %arg12[%get3A_2847] {strides = array<i32>} : memref<128xi32, #tpu.memory_space<vmem>>, vector<16xi32>,
    %get3A_2849 = vector.shape_cast %get3A_2848 : vector<16xi32> to vector<16xi32>
    %convert_element_type3A_2850 = arith.sitofp %get3A_2849 : vector<16xi32> to vector<16xf32>
    %get3A_2851 = arith.constant 8 : i32
    %get3A_2852 = arith.index_cast %get3A_2851 : i32 to index
    %get3A_2853 = arith.constant 16 : index
    %get3A_2854 = tpu.vector_load %arg16[%get3A_2852, %get3A_2853] {strides = array<i32>} : memref<10x128xf32, #tpu.memory_space<vmem>>, vector<1x16xf32>,
    %get3A_2855 = vector.shape_cast %get3A_2854 : vector<1x16xf32> to vector<16xf32>
    %get3A_2856 = arith.constant 8 : i32
    %get3A_2857 = arith.index_cast %get3A_2856 : i32 to index
    %get3A_2858 = arith.constant 16 : index
    %get3A_2859 = tpu.vector_load %arg13[%get3A_2857, %get3A_2858] {strides = array<i32>} : memref<10x128xf32, #tpu.memory_space<vmem>>, vector<1x16xf32>,
    %get3A_2860 = vector.shape_cast %get3A_2859 : vector<1x16xf32> to vector<16xf32>
    %sub3A_2861 = arith.subf %get3A_2855, %get3A_2860 : vector<16xf32>
    %abs3A_2862 = math.absf %sub3A_2861 : vector<16xf32>
    %mul3A_2863 = arith.mulf %convert_element_type3A_2850, %abs3A_2862 : vector<16xf32>
    %add3A_2864 = arith.addf %add3A_2846, %mul3A_2863 : vector<16xf32>
    %get3A_2865 = arith.constant 32 : index
    %get3A_2866 = tpu.vector_load %arg12[%get3A_2865] {strides = array<i32>} : memref<128xi32, #tpu.memory_space<vmem>>, vector<16xi32>,
    %get3A_2867 = vector.shape_cast %get3A_2866 : vector<16xi32> to vector<16xi32>
    %convert_element_type3A_2868 = arith.sitofp %get3A_2867 : vector<16xi32> to vector<16xf32>
    %get3A_2869 = arith.constant 8 : i32
    %get3A_2870 = arith.index_cast %get3A_2869 : i32 to index
    %get3A_2871 = arith.constant 32 : index
    %get3A_2872 = tpu.vector_load %arg16[%get3A_2870, %get3A_2871] {strides = array<i32>} : memref<10x128xf32, #tpu.memory_space<vmem>>, vector<1x16xf32>,
    %get3A_2873 = vector.shape_cast %get3A_2872 : vector<1x16xf32> to vector<16xf32>
    %get3A_2874 = arith.constant 8 : i32
    %get3A_2875 = arith.index_cast %get3A_2874 : i32 to index
    %get3A_2876 = arith.constant 32 : index
    %get3A_2877 = tpu.vector_load %arg13[%get3A_2875, %get3A_2876] {strides = array<i32>} : memref<10x128xf32, #tpu.memory_space<vmem>>, vector<1x16xf32>,
    %get3A_2878 = vector.shape_cast %get3A_2877 : vector<1x16xf32> to vector<16xf32>
    %sub3A_2879 = arith.subf %get3A_2873, %get3A_2878 : vector<16xf32>
    %abs3A_2880 = math.absf %sub3A_2879 : vector<16xf32>
    %mul3A_2881 = arith.mulf %convert_element_type3A_2868, %abs3A_2880 : vector<16xf32>
    %add3A_2882 = arith.addf %add3A_2864, %mul3A_2881 : vector<16xf32>
    %get3A_2883 = arith.constant 48 : index
    %get3A_2884 = tpu.vector_load %arg12[%get3A_2883] {strides = array<i32>} : memref<128xi32, #tpu.memory_space<vmem>>, vector<16xi32>,
    %get3A_2885 = vector.shape_cast %get3A_2884 : vector<16xi32> to vector<16xi32>
    %convert_element_type3A_2886 = arith.sitofp %get3A_2885 : vector<16xi32> to vector<16xf32>
    %get3A_2887 = arith.constant 8 : i32
    %get3A_2888 = arith.index_cast %get3A_2887 : i32 to index
    %get3A_2889 = arith.constant 48 : index
    %get3A_2890 = tpu.vector_load %arg16[%get3A_2888, %get3A_2889] {strides = array<i32>} : memref<10x128xf32, #tpu.memory_space<vmem>>, vector<1x16xf32>,
    %get3A_2891 = vector.shape_cast %get3A_2890 : vector<1x16xf32> to vector<16xf32>
    %get3A_2892 = arith.constant 8 : i32
    %get3A_2893 = arith.index_cast %get3A_2892 : i32 to index
    %get3A_2894 = arith.constant 48 : index
    %get3A_2895 = tpu.vector_load %arg13[%get3A_2893, %get3A_2894] {strides = array<i32>} : memref<10x128xf32, #tpu.memory_space<vmem>>, vector<1x16xf32>,
    %get3A_2896 = vector.shape_cast %get3A_2895 : vector<1x16xf32> to vector<16xf32>
    %sub3A_2897 = arith.subf %get3A_2891, %get3A_2896 : vector<16xf32>
    %abs3A_2898 = math.absf %sub3A_2897 : vector<16xf32>
    %mul3A_2899 = arith.mulf %convert_element_type3A_2886, %abs3A_2898 : vector<16xf32>
    %add3A_2900 = arith.addf %add3A_2882, %mul3A_2899 : vector<16xf32>
    %get3A_2901 = arith.constant 64 : index
    %get3A_2902 = tpu.vector_load %arg12[%get3A_2901] {strides = array<i32>} : memref<128xi32, #tpu.memory_space<vmem>>, vector<16xi32>,
    %get3A_2903 = vector.shape_cast %get3A_2902 : vector<16xi32> to vector<16xi32>
    %convert_element_type3A_2904 = arith.sitofp %get3A_2903 : vector<16xi32> to vector<16xf32>
    %get3A_2905 = arith.constant 8 : i32
    %get3A_2906 = arith.index_cast %get3A_2905 : i32 to index
    %get3A_2907 = arith.constant 64 : index
    %get3A_2908 = tpu.vector_load %arg16[%get3A_2906, %get3A_2907] {strides = array<i32>} : memref<10x128xf32, #tpu.memory_space<vmem>>, vector<1x16xf32>,
    %get3A_2909 = vector.shape_cast %get3A_2908 : vector<1x16xf32> to vector<16xf32>
    %get3A_2910 = arith.constant 8 : i32
    %get3A_2911 = arith.index_cast %get3A_2910 : i32 to index
    %get3A_2912 = arith.constant 64 : index
    %get3A_2913 = tpu.vector_load %arg13[%get3A_2911, %get3A_2912] {strides = array<i32>} : memref<10x128xf32, #tpu.memory_space<vmem>>, vector<1x16xf32>,
    %get3A_2914 = vector.shape_cast %get3A_2913 : vector<1x16xf32> to vector<16xf32>
    %sub3A_2915 = arith.subf %get3A_2909, %get3A_2914 : vector<16xf32>
    %abs3A_2916 = math.absf %sub3A_2915 : vector<16xf32>
    %mul3A_2917 = arith.mulf %convert_element_type3A_2904, %abs3A_2916 : vector<16xf32>
    %add3A_2918 = arith.addf %add3A_2900, %mul3A_2917 : vector<16xf32>
    %get3A_2919 = arith.constant 80 : index
    %get3A_2920 = tpu.vector_load %arg12[%get3A_2919] {strides = array<i32>} : memref<128xi32, #tpu.memory_space<vmem>>, vector<16xi32>,
    %get3A_2921 = vector.shape_cast %get3A_2920 : vector<16xi32> to vector<16xi32>
    %convert_element_type3A_2922 = arith.sitofp %get3A_2921 : vector<16xi32> to vector<16xf32>
    %get3A_2923 = arith.constant 8 : i32
    %get3A_2924 = arith.index_cast %get3A_2923 : i32 to index
    %get3A_2925 = arith.constant 80 : index
    %get3A_2926 = tpu.vector_load %arg16[%get3A_2924, %get3A_2925] {strides = array<i32>} : memref<10x128xf32, #tpu.memory_space<vmem>>, vector<1x16xf32>,
    %get3A_2927 = vector.shape_cast %get3A_2926 : vector<1x16xf32> to vector<16xf32>
    %get3A_2928 = arith.constant 8 : i32
    %get3A_2929 = arith.index_cast %get3A_2928 : i32 to index
    %get3A_2930 = arith.constant 80 : index
    %get3A_2931 = tpu.vector_load %arg13[%get3A_2929, %get3A_2930] {strides = array<i32>} : memref<10x128xf32, #tpu.memory_space<vmem>>, vector<1x16xf32>,
    %get3A_2932 = vector.shape_cast %get3A_2931 : vector<1x16xf32> to vector<16xf32>
    %sub3A_2933 = arith.subf %get3A_2927, %get3A_2932 : vector<16xf32>
    %abs3A_2934 = math.absf %sub3A_2933 : vector<16xf32>
    %mul3A_2935 = arith.mulf %convert_element_type3A_2922, %abs3A_2934 : vector<16xf32>
    %add3A_2936 = arith.addf %add3A_2918, %mul3A_2935 : vector<16xf32>
    %get3A_2937 = arith.constant 96 : index
    %get3A_2938 = tpu.vector_load %arg12[%get3A_2937] {strides = array<i32>} : memref<128xi32, #tpu.memory_space<vmem>>, vector<16xi32>,
    %get3A_2939 = vector.shape_cast %get3A_2938 : vector<16xi32> to vector<16xi32>
    %convert_element_type3A_2940 = arith.sitofp %get3A_2939 : vector<16xi32> to vector<16xf32>
    %get3A_2941 = arith.constant 8 : i32
    %get3A_2942 = arith.index_cast %get3A_2941 : i32 to index
    %get3A_2943 = arith.constant 96 : index
    %get3A_2944 = tpu.vector_load %arg16[%get3A_2942, %get3A_2943] {strides = array<i32>} : memref<10x128xf32, #tpu.memory_space<vmem>>, vector<1x16xf32>,
    %get3A_2945 = vector.shape_cast %get3A_2944 : vector<1x16xf32> to vector<16xf32>
    %get3A_2946 = arith.constant 8 : i32
    %get3A_2947 = arith.index_cast %get3A_2946 : i32 to index
    %get3A_2948 = arith.constant 96 : index
    %get3A_2949 = tpu.vector_load %arg13[%get3A_2947, %get3A_2948] {strides = array<i32>} : memref<10x128xf32, #tpu.memory_space<vmem>>, vector<1x16xf32>,
    %get3A_2950 = vector.shape_cast %get3A_2949 : vector<1x16xf32> to vector<16xf32>
    %sub3A_2951 = arith.subf %get3A_2945, %get3A_2950 : vector<16xf32>
    %abs3A_2952 = math.absf %sub3A_2951 : vector<16xf32>
    %mul3A_2953 = arith.mulf %convert_element_type3A_2940, %abs3A_2952 : vector<16xf32>
    %add3A_2954 = arith.addf %add3A_2936, %mul3A_2953 : vector<16xf32>
    %get3A_2955 = arith.constant 112 : index
    %get3A_2956 = tpu.vector_load %arg12[%get3A_2955] {strides = array<i32>} : memref<128xi32, #tpu.memory_space<vmem>>, vector<16xi32>,
    %get3A_2957 = vector.shape_cast %get3A_2956 : vector<16xi32> to vector<16xi32>
    %convert_element_type3A_2958 = arith.sitofp %get3A_2957 : vector<16xi32> to vector<16xf32>
    %get3A_2959 = arith.constant 8 : i32
    %get3A_2960 = arith.index_cast %get3A_2959 : i32 to index
    %get3A_2961 = arith.constant 112 : index
    %get3A_2962 = tpu.vector_load %arg16[%get3A_2960, %get3A_2961] {strides = array<i32>} : memref<10x128xf32, #tpu.memory_space<vmem>>, vector<1x16xf32>,
    %get3A_2963 = vector.shape_cast %get3A_2962 : vector<1x16xf32> to vector<16xf32>
    %get3A_2964 = arith.constant 8 : i32
    %get3A_2965 = arith.index_cast %get3A_2964 : i32 to index
    %get3A_2966 = arith.constant 112 : index
    %get3A_2967 = tpu.vector_load %arg13[%get3A_2965, %get3A_2966] {strides = array<i32>} : memref<10x128xf32, #tpu.memory_space<vmem>>, vector<1x16xf32>,
    %get3A_2968 = vector.shape_cast %get3A_2967 : vector<1x16xf32> to vector<16xf32>
    %sub3A_2969 = arith.subf %get3A_2963, %get3A_2968 : vector<16xf32>
    %abs3A_2970 = math.absf %sub3A_2969 : vector<16xf32>
    %mul3A_2971 = arith.mulf %convert_element_type3A_2958, %abs3A_2970 : vector<16xf32>
    %add3A_2972 = arith.addf %add3A_2954, %mul3A_2971 : vector<16xf32>
    %swap3A_2973 = arith.constant 128 : index
    %swap3A_2974 = tpu.vector_load %arg18[%swap3A_2973] {strides = array<i32>} : memref<160xf32, #tpu.memory_space<vmem>>, vector<16xf32>,
    %swap3A_2975 = vector.shape_cast %swap3A_2974 : vector<16xf32> to vector<16xf32>
    %swap3A_2976 = vector.shape_cast %add3A_2972 : vector<16xf32> to vector<16xf32>
    tpu.vector_store %arg18[%swap3A_2973], %swap3A_2976 {strides = array<i32>} : memref<160xf32, #tpu.memory_space<vmem>>, vector<16xf32>,
    %broadcast_in_dim3A_2977 = arith.constant 0.000000e+00 : f32
    %broadcast_in_dim3A_2978 = vector.broadcast %broadcast_in_dim3A_2977 : f32 to vector<16xf32>
    %get3A_2979 = arith.constant 0 : index
    %get3A_2980 = tpu.vector_load %arg12[%get3A_2979] {strides = array<i32>} : memref<128xi32, #tpu.memory_space<vmem>>, vector<16xi32>,
    %get3A_2981 = vector.shape_cast %get3A_2980 : vector<16xi32> to vector<16xi32>
    %convert_element_type3A_2982 = arith.sitofp %get3A_2981 : vector<16xi32> to vector<16xf32>
    %get3A_2983 = arith.constant 9 : i32
    %get3A_2984 = arith.index_cast %get3A_2983 : i32 to index
    %get3A_2985 = arith.constant 0 : index
    %get3A_2986 = tpu.vector_load %arg16[%get3A_2984, %get3A_2985] {strides = array<i32>} : memref<10x128xf32, #tpu.memory_space<vmem>>, vector<1x16xf32>,
    %get3A_2987 = vector.shape_cast %get3A_2986 : vector<1x16xf32> to vector<16xf32>
    %get3A_2988 = arith.constant 9 : i32
    %get3A_2989 = arith.index_cast %get3A_2988 : i32 to index
    %get3A_2990 = arith.constant 0 : index
    %get3A_2991 = tpu.vector_load %arg13[%get3A_2989, %get3A_2990] {strides = array<i32>} : memref<10x128xf32, #tpu.memory_space<vmem>>, vector<1x16xf32>,
    %get3A_2992 = vector.shape_cast %get3A_2991 : vector<1x16xf32> to vector<16xf32>
    %sub3A_2993 = arith.subf %get3A_2987, %get3A_2992 : vector<16xf32>
    %abs3A_2994 = math.absf %sub3A_2993 : vector<16xf32>
    %mul3A_2995 = arith.mulf %convert_element_type3A_2982, %abs3A_2994 : vector<16xf32>
    %add3A_2996 = arith.addf %broadcast_in_dim3A_2978, %mul3A_2995 : vector<16xf32>
    %get3A_2997 = arith.constant 16 : index
    %get3A_2998 = tpu.vector_load %arg12[%get3A_2997] {strides = array<i32>} : memref<128xi32, #tpu.memory_space<vmem>>, vector<16xi32>,
    %get3A_2999 = vector.shape_cast %get3A_2998 : vector<16xi32> to vector<16xi32>
    %convert_element_type3A_3000 = arith.sitofp %get3A_2999 : vector<16xi32> to vector<16xf32>
    %get3A_3001 = arith.constant 9 : i32
    %get3A_3002 = arith.index_cast %get3A_3001 : i32 to index
    %get3A_3003 = arith.constant 16 : index
    %get3A_3004 = tpu.vector_load %arg16[%get3A_3002, %get3A_3003] {strides = array<i32>} : memref<10x128xf32, #tpu.memory_space<vmem>>, vector<1x16xf32>,
    %get3A_3005 = vector.shape_cast %get3A_3004 : vector<1x16xf32> to vector<16xf32>
    %get3A_3006 = arith.constant 9 : i32
    %get3A_3007 = arith.index_cast %get3A_3006 : i32 to index
    %get3A_3008 = arith.constant 16 : index
    %get3A_3009 = tpu.vector_load %arg13[%get3A_3007, %get3A_3008] {strides = array<i32>} : memref<10x128xf32, #tpu.memory_space<vmem>>, vector<1x16xf32>,
    %get3A_3010 = vector.shape_cast %get3A_3009 : vector<1x16xf32> to vector<16xf32>
    %sub3A_3011 = arith.subf %get3A_3005, %get3A_3010 : vector<16xf32>
    %abs3A_3012 = math.absf %sub3A_3011 : vector<16xf32>
    %mul3A_3013 = arith.mulf %convert_element_type3A_3000, %abs3A_3012 : vector<16xf32>
    %add3A_3014 = arith.addf %add3A_2996, %mul3A_3013 : vector<16xf32>
    %get3A_3015 = arith.constant 32 : index
    %get3A_3016 = tpu.vector_load %arg12[%get3A_3015] {strides = array<i32>} : memref<128xi32, #tpu.memory_space<vmem>>, vector<16xi32>,
    %get3A_3017 = vector.shape_cast %get3A_3016 : vector<16xi32> to vector<16xi32>
    %convert_element_type3A_3018 = arith.sitofp %get3A_3017 : vector<16xi32> to vector<16xf32>
    %get3A_3019 = arith.constant 9 : i32
    %get3A_3020 = arith.index_cast %get3A_3019 : i32 to index
    %get3A_3021 = arith.constant 32 : index
    %get3A_3022 = tpu.vector_load %arg16[%get3A_3020, %get3A_3021] {strides = array<i32>} : memref<10x128xf32, #tpu.memory_space<vmem>>, vector<1x16xf32>,
    %get3A_3023 = vector.shape_cast %get3A_3022 : vector<1x16xf32> to vector<16xf32>
    %get3A_3024 = arith.constant 9 : i32
    %get3A_3025 = arith.index_cast %get3A_3024 : i32 to index
    %get3A_3026 = arith.constant 32 : index
    %get3A_3027 = tpu.vector_load %arg13[%get3A_3025, %get3A_3026] {strides = array<i32>} : memref<10x128xf32, #tpu.memory_space<vmem>>, vector<1x16xf32>,
    %get3A_3028 = vector.shape_cast %get3A_3027 : vector<1x16xf32> to vector<16xf32>
    %sub3A_3029 = arith.subf %get3A_3023, %get3A_3028 : vector<16xf32>
    %abs3A_3030 = math.absf %sub3A_3029 : vector<16xf32>
    %mul3A_3031 = arith.mulf %convert_element_type3A_3018, %abs3A_3030 : vector<16xf32>
    %add3A_3032 = arith.addf %add3A_3014, %mul3A_3031 : vector<16xf32>
    %get3A_3033 = arith.constant 48 : index
    %get3A_3034 = tpu.vector_load %arg12[%get3A_3033] {strides = array<i32>} : memref<128xi32, #tpu.memory_space<vmem>>, vector<16xi32>,
    %get3A_3035 = vector.shape_cast %get3A_3034 : vector<16xi32> to vector<16xi32>
    %convert_element_type3A_3036 = arith.sitofp %get3A_3035 : vector<16xi32> to vector<16xf32>
    %get3A_3037 = arith.constant 9 : i32
    %get3A_3038 = arith.index_cast %get3A_3037 : i32 to index
    %get3A_3039 = arith.constant 48 : index
    %get3A_3040 = tpu.vector_load %arg16[%get3A_3038, %get3A_3039] {strides = array<i32>} : memref<10x128xf32, #tpu.memory_space<vmem>>, vector<1x16xf32>,
    %get3A_3041 = vector.shape_cast %get3A_3040 : vector<1x16xf32> to vector<16xf32>
    %get3A_3042 = arith.constant 9 : i32
    %get3A_3043 = arith.index_cast %get3A_3042 : i32 to index
    %get3A_3044 = arith.constant 48 : index
    %get3A_3045 = tpu.vector_load %arg13[%get3A_3043, %get3A_3044] {strides = array<i32>} : memref<10x128xf32, #tpu.memory_space<vmem>>, vector<1x16xf32>,
    %get3A_3046 = vector.shape_cast %get3A_3045 : vector<1x16xf32> to vector<16xf32>
    %sub3A_3047 = arith.subf %get3A_3041, %get3A_3046 : vector<16xf32>
    %abs3A_3048 = math.absf %sub3A_3047 : vector<16xf32>
    %mul3A_3049 = arith.mulf %convert_element_type3A_3036, %abs3A_3048 : vector<16xf32>
    %add3A_3050 = arith.addf %add3A_3032, %mul3A_3049 : vector<16xf32>
    %get3A_3051 = arith.constant 64 : index
    %get3A_3052 = tpu.vector_load %arg12[%get3A_3051] {strides = array<i32>} : memref<128xi32, #tpu.memory_space<vmem>>, vector<16xi32>,
    %get3A_3053 = vector.shape_cast %get3A_3052 : vector<16xi32> to vector<16xi32>
    %convert_element_type3A_3054 = arith.sitofp %get3A_3053 : vector<16xi32> to vector<16xf32>
    %get3A_3055 = arith.constant 9 : i32
    %get3A_3056 = arith.index_cast %get3A_3055 : i32 to index
    %get3A_3057 = arith.constant 64 : index
    %get3A_3058 = tpu.vector_load %arg16[%get3A_3056, %get3A_3057] {strides = array<i32>} : memref<10x128xf32, #tpu.memory_space<vmem>>, vector<1x16xf32>,
    %get3A_3059 = vector.shape_cast %get3A_3058 : vector<1x16xf32> to vector<16xf32>
    %get3A_3060 = arith.constant 9 : i32
    %get3A_3061 = arith.index_cast %get3A_3060 : i32 to index
    %get3A_3062 = arith.constant 64 : index
    %get3A_3063 = tpu.vector_load %arg13[%get3A_3061, %get3A_3062] {strides = array<i32>} : memref<10x128xf32, #tpu.memory_space<vmem>>, vector<1x16xf32>,
    %get3A_3064 = vector.shape_cast %get3A_3063 : vector<1x16xf32> to vector<16xf32>
    %sub3A_3065 = arith.subf %get3A_3059, %get3A_3064 : vector<16xf32>
    %abs3A_3066 = math.absf %sub3A_3065 : vector<16xf32>
    %mul3A_3067 = arith.mulf %convert_element_type3A_3054, %abs3A_3066 : vector<16xf32>
    %add3A_3068 = arith.addf %add3A_3050, %mul3A_3067 : vector<16xf32>
    %get3A_3069 = arith.constant 80 : index
    %get3A_3070 = tpu.vector_load %arg12[%get3A_3069] {strides = array<i32>} : memref<128xi32, #tpu.memory_space<vmem>>, vector<16xi32>,
    %get3A_3071 = vector.shape_cast %get3A_3070 : vector<16xi32> to vector<16xi32>
    %convert_element_type3A_3072 = arith.sitofp %get3A_3071 : vector<16xi32> to vector<16xf32>
    %get3A_3073 = arith.constant 9 : i32
    %get3A_3074 = arith.index_cast %get3A_3073 : i32 to index
    %get3A_3075 = arith.constant 80 : index
    %get3A_3076 = tpu.vector_load %arg16[%get3A_3074, %get3A_3075] {strides = array<i32>} : memref<10x128xf32, #tpu.memory_space<vmem>>, vector<1x16xf32>,
    %get3A_3077 = vector.shape_cast %get3A_3076 : vector<1x16xf32> to vector<16xf32>
    %get3A_3078 = arith.constant 9 : i32
    %get3A_3079 = arith.index_cast %get3A_3078 : i32 to index
    %get3A_3080 = arith.constant 80 : index
    %get3A_3081 = tpu.vector_load %arg13[%get3A_3079, %get3A_3080] {strides = array<i32>} : memref<10x128xf32, #tpu.memory_space<vmem>>, vector<1x16xf32>,
    %get3A_3082 = vector.shape_cast %get3A_3081 : vector<1x16xf32> to vector<16xf32>
    %sub3A_3083 = arith.subf %get3A_3077, %get3A_3082 : vector<16xf32>
    %abs3A_3084 = math.absf %sub3A_3083 : vector<16xf32>
    %mul3A_3085 = arith.mulf %convert_element_type3A_3072, %abs3A_3084 : vector<16xf32>
    %add3A_3086 = arith.addf %add3A_3068, %mul3A_3085 : vector<16xf32>
    %get3A_3087 = arith.constant 96 : index
    %get3A_3088 = tpu.vector_load %arg12[%get3A_3087] {strides = array<i32>} : memref<128xi32, #tpu.memory_space<vmem>>, vector<16xi32>,
    %get3A_3089 = vector.shape_cast %get3A_3088 : vector<16xi32> to vector<16xi32>
    %convert_element_type3A_3090 = arith.sitofp %get3A_3089 : vector<16xi32> to vector<16xf32>
    %get3A_3091 = arith.constant 9 : i32
    %get3A_3092 = arith.index_cast %get3A_3091 : i32 to index
    %get3A_3093 = arith.constant 96 : index
    %get3A_3094 = tpu.vector_load %arg16[%get3A_3092, %get3A_3093] {strides = array<i32>} : memref<10x128xf32, #tpu.memory_space<vmem>>, vector<1x16xf32>,
    %get3A_3095 = vector.shape_cast %get3A_3094 : vector<1x16xf32> to vector<16xf32>
    %get3A_3096 = arith.constant 9 : i32
    %get3A_3097 = arith.index_cast %get3A_3096 : i32 to index
    %get3A_3098 = arith.constant 96 : index
    %get3A_3099 = tpu.vector_load %arg13[%get3A_3097, %get3A_3098] {strides = array<i32>} : memref<10x128xf32, #tpu.memory_space<vmem>>, vector<1x16xf32>,
    %get3A_3100 = vector.shape_cast %get3A_3099 : vector<1x16xf32> to vector<16xf32>
    %sub3A_3101 = arith.subf %get3A_3095, %get3A_3100 : vector<16xf32>
    %abs3A_3102 = math.absf %sub3A_3101 : vector<16xf32>
    %mul3A_3103 = arith.mulf %convert_element_type3A_3090, %abs3A_3102 : vector<16xf32>
    %add3A_3104 = arith.addf %add3A_3086, %mul3A_3103 : vector<16xf32>
    %get3A_3105 = arith.constant 112 : index
    %get3A_3106 = tpu.vector_load %arg12[%get3A_3105] {strides = array<i32>} : memref<128xi32, #tpu.memory_space<vmem>>, vector<16xi32>,
    %get3A_3107 = vector.shape_cast %get3A_3106 : vector<16xi32> to vector<16xi32>
    %convert_element_type3A_3108 = arith.sitofp %get3A_3107 : vector<16xi32> to vector<16xf32>
    %get3A_3109 = arith.constant 9 : i32
    %get3A_3110 = arith.index_cast %get3A_3109 : i32 to index
    %get3A_3111 = arith.constant 112 : index
    %get3A_3112 = tpu.vector_load %arg16[%get3A_3110, %get3A_3111] {strides = array<i32>} : memref<10x128xf32, #tpu.memory_space<vmem>>, vector<1x16xf32>,
    %get3A_3113 = vector.shape_cast %get3A_3112 : vector<1x16xf32> to vector<16xf32>
    %get3A_3114 = arith.constant 9 : i32
    %get3A_3115 = arith.index_cast %get3A_3114 : i32 to index
    %get3A_3116 = arith.constant 112 : index
    %get3A_3117 = tpu.vector_load %arg13[%get3A_3115, %get3A_3116] {strides = array<i32>} : memref<10x128xf32, #tpu.memory_space<vmem>>, vector<1x16xf32>,
    %get3A_3118 = vector.shape_cast %get3A_3117 : vector<1x16xf32> to vector<16xf32>
    %sub3A_3119 = arith.subf %get3A_3113, %get3A_3118 : vector<16xf32>
    %abs3A_3120 = math.absf %sub3A_3119 : vector<16xf32>
    %mul3A_3121 = arith.mulf %convert_element_type3A_3108, %abs3A_3120 : vector<16xf32>
    %add3A_3122 = arith.addf %add3A_3104, %mul3A_3121 : vector<16xf32>
    %swap3A_3123 = arith.constant 144 : index
    %swap3A_3124 = tpu.vector_load %arg18[%swap3A_3123] {strides = array<i32>} : memref<160xf32, #tpu.memory_space<vmem>>, vector<16xf32>,
    %swap3A_3125 = vector.shape_cast %swap3A_3124 : vector<16xf32> to vector<16xf32>
    %swap3A_3126 = vector.shape_cast %add3A_3122 : vector<16xf32> to vector<16xf32>
    tpu.vector_store %arg18[%swap3A_3123], %swap3A_3126 {strides = array<i32>} : memref<160xf32, #tpu.memory_space<vmem>>, vector<16xf32>,
    "tpu.region"() ({
      %run_scoped3A = tpu.sem_alloc : memref<!tpu.dma_semaphore, #tpu.memory_space<semaphore_mem>>
      %dma_start3A_3127 = arith.constant 0 : i32
      %dma_start3A_3128 = tpu.memref_slice %arg8[%add3A, %dma_start3A_3127] : memref<32x160xf32, #tpu.memory_space<hbm>> -> memref<1x160xf32, #tpu.memory_space<hbm>>
      %dma_start3A_3129 = tpu.memref_squeeze %dma_start3A_3128 : memref<1x160xf32, #tpu.memory_space<hbm>> -> memref<160xf32, #tpu.memory_space<hbm>>
      %dma_start3A_3130 = arith.constant 0 : i32
      %dma_start3A_3131 = tpu.memref_slice %arg8[%add3A, %dma_start3A_3130] : memref<32x160xf32, #tpu.memory_space<hbm>> -> memref<1x160xf32, #tpu.memory_space<hbm>>
      %dma_start3A_3132 = tpu.memref_squeeze %dma_start3A_3131 : memref<1x160xf32, #tpu.memory_space<hbm>> -> memref<160xf32, #tpu.memory_space<hbm>>
      tpu.enqueue_dma source(%arg18 : memref<160xf32, #tpu.memory_space<vmem>>) target(%dma_start3A_3132 : memref<160xf32, #tpu.memory_space<hbm>>) target_semaphore(%run_scoped3A : memref<!tpu.dma_semaphore, #tpu.memory_space<semaphore_mem>>)
      %dma_wait3A_3133 = arith.constant 0 : i32
      %dma_wait3A_3134 = tpu.memref_slice %arg8[%add3A, %dma_wait3A_3133] : memref<32x160xf32, #tpu.memory_space<hbm>> -> memref<1x160xf32, #tpu.memory_space<hbm>>
      %dma_wait3A_3135 = tpu.memref_squeeze %dma_wait3A_3134 : memref<1x160xf32, #tpu.memory_space<hbm>> -> memref<160xf32, #tpu.memory_space<hbm>>
      %dma_wait3A_3136 = arith.constant 0 : i32
      %dma_wait3A_3137 = tpu.memref_slice %arg8[%add3A, %dma_wait3A_3136] : memref<32x160xf32, #tpu.memory_space<hbm>> -> memref<1x160xf32, #tpu.memory_space<hbm>>
      %dma_wait3A_3138 = tpu.memref_squeeze %dma_wait3A_3137 : memref<1x160xf32, #tpu.memory_space<hbm>> -> memref<160xf32, #tpu.memory_space<hbm>>
      tpu.wait_dma2 semaphore(%run_scoped3A : memref<!tpu.dma_semaphore, #tpu.memory_space<semaphore_mem>>) src(%arg18 : memref<160xf32, #tpu.memory_space<vmem>>) dst(%dma_wait3A_3138 : memref<160xf32, #tpu.memory_space<hbm>>)
      tpu.yield
    }) : () -> ()
    "tpu.region"() ({
      %run_scoped3A = tpu.sem_alloc : memref<!tpu.dma_semaphore, #tpu.memory_space<semaphore_mem>>
      %dma_start3A_3127 = arith.constant 0 : i32
      %dma_start3A_3128 = tpu.memref_slice %arg9[%add3A, %dma_start3A_3127] : memref<32x128xf32, #tpu.memory_space<hbm>> -> memref<1x128xf32, #tpu.memory_space<hbm>>
      %dma_start3A_3129 = tpu.memref_squeeze %dma_start3A_3128 : memref<1x128xf32, #tpu.memory_space<hbm>> -> memref<128xf32, #tpu.memory_space<hbm>>
      %dma_start3A_3130 = arith.constant 0 : i32
      %dma_start3A_3131 = tpu.memref_slice %arg9[%add3A, %dma_start3A_3130] : memref<32x128xf32, #tpu.memory_space<hbm>> -> memref<1x128xf32, #tpu.memory_space<hbm>>
      %dma_start3A_3132 = tpu.memref_squeeze %dma_start3A_3131 : memref<1x128xf32, #tpu.memory_space<hbm>> -> memref<128xf32, #tpu.memory_space<hbm>>
      tpu.enqueue_dma source(%arg17 : memref<128xf32, #tpu.memory_space<vmem>>) target(%dma_start3A_3132 : memref<128xf32, #tpu.memory_space<hbm>>) target_semaphore(%run_scoped3A : memref<!tpu.dma_semaphore, #tpu.memory_space<semaphore_mem>>)
      %dma_wait3A_3133 = arith.constant 0 : i32
      %dma_wait3A_3134 = tpu.memref_slice %arg9[%add3A, %dma_wait3A_3133] : memref<32x128xf32, #tpu.memory_space<hbm>> -> memref<1x128xf32, #tpu.memory_space<hbm>>
      %dma_wait3A_3135 = tpu.memref_squeeze %dma_wait3A_3134 : memref<1x128xf32, #tpu.memory_space<hbm>> -> memref<128xf32, #tpu.memory_space<hbm>>
      %dma_wait3A_3136 = arith.constant 0 : i32
      %dma_wait3A_3137 = tpu.memref_slice %arg9[%add3A, %dma_wait3A_3136] : memref<32x128xf32, #tpu.memory_space<hbm>> -> memref<1x128xf32, #tpu.memory_space<hbm>>
      %dma_wait3A_3138 = tpu.memref_squeeze %dma_wait3A_3137 : memref<1x128xf32, #tpu.memory_space<hbm>> -> memref<128xf32, #tpu.memory_space<hbm>>
      tpu.wait_dma2 semaphore(%run_scoped3A : memref<!tpu.dma_semaphore, #tpu.memory_space<semaphore_mem>>) src(%arg17 : memref<128xf32, #tpu.memory_space<vmem>>) dst(%dma_wait3A_3138 : memref<128xf32, #tpu.memory_space<hbm>>)
      tpu.yield
    }) : () -> ()
    return
  }
}

module attributes {stable_mosaic.version = 14 : i64} {
  func.func @_tc_combine_body(%arg0: memref<1x1xf32, #tpu.memory_space<smem>>, %arg1: memref<32x128xf32, #tpu.memory_space<vmem>>, %arg2: memref<32x128xi32, #tpu.memory_space<vmem>>, %arg3: memref<32x160xf32, #tpu.memory_space<vmem>>, %arg4: memref<1x1xf32, #tpu.memory_space<smem>>) attributes {dimension_semantics = [], scalar_prefetch = 0 : i64, scratch_operands = 0 : i64, tpu.core_type = #tpu.core_type<tc>} {
    %get3A = arith.constant 0 : index
    %get3A_0 = arith.constant 0 : index
    %get3A_1 = memref.load %arg0[%get3A, %get3A_0] : memref<1x1xf32, #tpu.memory_space<smem>>
    %get3A_2 = arith.constant 0 : index
    %get3A_3 = arith.constant 0 : index
    %get3A_4 = vector.load %arg2[%get3A_2, %get3A_3] : memref<32x128xi32, #tpu.memory_space<vmem>>, vector<32x128xi32>
    %convert_element_type3A = arith.sitofp %get3A_4 : vector<32x128xi32> to vector<32x128xf32>
    %get3A_5 = arith.constant 0 : index
    %get3A_6 = arith.constant 0 : index
    %get3A_7 = vector.load %arg1[%get3A_5, %get3A_6] : memref<32x128xf32, #tpu.memory_space<vmem>>, vector<32x128xf32>
    %neg3A = arith.constant 0.000000e+00 : f32
    %neg3A_8 = vector.broadcast %neg3A : f32 to vector<32x128xf32>
    %neg3A_9 = arith.subf %neg3A_8, %get3A_7 : vector<32x128xf32>
    %exp3A = math.exp %neg3A_9 : vector<32x128xf32>
    %add3A = arith.constant 1.000000e+00 : f32
    %add3A_10 = vector.broadcast %add3A : f32 to vector<32x128xf32>
    %add3A_11 = arith.addf %add3A_10, %exp3A : vector<32x128xf32>
    %div3A = arith.constant 1.000000e+00 : f32
    %div3A_12 = vector.broadcast %div3A : f32 to vector<32x128xf32>
    %div3A_13 = arith.divf %div3A_12, %add3A_11 : vector<32x128xf32>
    %jit3A = arith.constant 9.99999974E-5 : f32
    %jit3A_14 = arith.constant 0.999899983 : f32
    %max3A = vector.broadcast %jit3A : f32 to vector<32x128xf32>
    %max3A_15 = arith.maximumf %max3A, %div3A_13 : vector<32x128xf32>
    %min3A = vector.broadcast %jit3A_14 : f32 to vector<32x128xf32>
    %min3A_16 = arith.minimumf %min3A, %max3A_15 : vector<32x128xf32>
    %sub3A = arith.constant 1.000000e+00 : f32
    %sub3A_17 = vector.broadcast %sub3A : f32 to vector<32x128xf32>
    %sub3A_18 = arith.subf %sub3A_17, %min3A_16 : vector<32x128xf32>
    %log3A = math.log %min3A_16 : vector<32x128xf32>
    %mul3A = arith.mulf %log3A, %sub3A_18 : vector<32x128xf32>
    %mul3A_19 = arith.mulf %mul3A, %sub3A_18 : vector<32x128xf32>
    %mul3A_20 = arith.mulf %mul3A_19, %convert_element_type3A : vector<32x128xf32>
    %reduce_sum3A = vector.shape_cast %mul3A_20 : vector<32x128xf32> to vector<1x32x128xf32>
    %reduce_sum3A_21 = arith.constant dense<0.000000e+00> : vector<1xf32>
    %reduce_sum3A_22 = vector.multi_reduction <add>, %reduce_sum3A, %reduce_sum3A_21 [1, 2] : vector<1x32x128xf32> to vector<1xf32>
    %reduce_sum3A_23 = vector.shape_cast %reduce_sum3A_22 : vector<1xf32> to vector<1x1x1xf32>
    %reduce_sum3A_24 = vector.extract %reduce_sum3A_23[0, 0, 0] : f32 from vector<1x1x1xf32>
    %reduce_sum3A_25 = vector.shape_cast %convert_element_type3A : vector<32x128xf32> to vector<1x32x128xf32>
    %reduce_sum3A_26 = arith.constant dense<0.000000e+00> : vector<1xf32>
    %reduce_sum3A_27 = vector.multi_reduction <add>, %reduce_sum3A_25, %reduce_sum3A_26 [1, 2] : vector<1x32x128xf32> to vector<1xf32>
    %reduce_sum3A_28 = vector.shape_cast %reduce_sum3A_27 : vector<1xf32> to vector<1x1x1xf32>
    %reduce_sum3A_29 = vector.extract %reduce_sum3A_28[0, 0, 0] : f32 from vector<1x1x1xf32>
    %eq3A = arith.constant 0.000000e+00 : f32
    %eq3A_30 = arith.cmpf oeq, %reduce_sum3A_29, %eq3A : f32
    %neg3A_31 = arith.constant 0.000000e+00 : f32
    %neg3A_32 = arith.subf %neg3A_31, %get3A_1 : f32
    %add3A_33 = arith.addf %reduce_sum3A_24, %get3A_1 : f32
    %neg3A_34 = arith.constant 0.000000e+00 : f32
    %neg3A_35 = arith.subf %neg3A_34, %add3A_33 : f32
    %max3A_36 = arith.constant 1.000000e+00 : f32
    %max3A_37 = arith.maximumf %reduce_sum3A_29, %max3A_36 : f32
    %div3A_38 = arith.divf %neg3A_35, %max3A_37 : f32
    %select_n3A = arith.select %eq3A_30, %neg3A_32, %div3A_38 : f32
    %iota3A = tpu.iota {dimensions = array<i32: 1>} : vector<32x160xi32>
    %ge3A = arith.constant 128 : i32
    %ge3A_39 = vector.broadcast %ge3A : i32 to vector<32x160xi32>
    %ge3A_40 = arith.cmpi sge, %iota3A, %ge3A_39 : vector<32x160xi32>
    %jit3A_41 = arith.constant 2.000000e-01 : f32
    %jit3A_42 = arith.constant 1.000000e+00 : f32
    %broadcast_in_dim3A = vector.broadcast %jit3A_41 : f32 to vector<32x160xf32>
    %broadcast_in_dim3A_43 = vector.broadcast %jit3A_42 : f32 to vector<32x160xf32>
    %select_n3A_44 = arith.select %ge3A_40, %broadcast_in_dim3A, %broadcast_in_dim3A_43 : vector<32x160xi1>, vector<32x160xf32>
    %get3A_45 = arith.constant 0 : index
    %get3A_46 = arith.constant 0 : index
    %get3A_47 = vector.load %arg3[%get3A_45, %get3A_46] : memref<32x160xf32, #tpu.memory_space<vmem>>, vector<32x160xf32>
    %mul3A_48 = arith.mulf %get3A_47, %select_n3A_44 : vector<32x160xf32>
    %reduce_sum3A_49 = vector.shape_cast %mul3A_48 : vector<32x160xf32> to vector<1x32x160xf32>
    %reduce_sum3A_50 = arith.constant dense<0.000000e+00> : vector<1xf32>
    %reduce_sum3A_51 = vector.multi_reduction <add>, %reduce_sum3A_49, %reduce_sum3A_50 [1, 2] : vector<1x32x160xf32> to vector<1xf32>
    %reduce_sum3A_52 = vector.shape_cast %reduce_sum3A_51 : vector<1xf32> to vector<1x1x1xf32>
    %reduce_sum3A_53 = vector.extract %reduce_sum3A_52[0, 0, 0] : f32 from vector<1x1x1xf32>
    %add3A_54 = arith.constant 9.99999974E-5 : f32
    %add3A_55 = arith.addf %reduce_sum3A_29, %add3A_54 : f32
    %div3A_56 = arith.divf %reduce_sum3A_53, %add3A_55 : f32
    %mul3A_57 = arith.constant 2.500000e-01 : f32
    %mul3A_58 = arith.mulf %mul3A_57, %div3A_56 : f32
    %add3A_59 = arith.addf %select_n3A, %mul3A_58 : f32
    %swap3A = arith.constant 0 : index
    %swap3A_60 = arith.constant 0 : index
    %swap3A_61 = memref.load %arg4[%swap3A, %swap3A_60] : memref<1x1xf32, #tpu.memory_space<smem>>
    memref.store %add3A_59, %arg4[%swap3A, %swap3A_60] : memref<1x1xf32, #tpu.memory_space<smem>>
    return
  }
}

module attributes {stable_mosaic.version = 14 : i64} {
  func.func @_tc_neg_body(%arg0: i32, %arg1: memref<2048x512xf32, #tpu.memory_space<vmem>>, %arg2: memref<2048x512xf32, #tpu.memory_space<vmem>>, %arg3: memref<1x1xf32, #tpu.memory_space<smem>>, %arg4: memref<1xf32, #tpu.memory_space<smem>>) attributes {dimension_semantics = [#tpu.dimension_semantics<arbitrary>], iteration_bounds = array<i64: 4>, scalar_prefetch = 0 : i64, scratch_operands = 1 : i64, tpu.core_type = #tpu.core_type<tc>, window_params = [{transform_indices = @transform_0, window_bounds = array<i64: 2048, 512>}, {transform_indices = @transform_1, window_bounds = array<i64: 2048, 512>}, {transform_indices = @transform_2, window_bounds = array<i64: 1, 1>}]} {
    %eq3A = arith.constant 0 : i32
    %eq3A_0 = arith.cmpi eq, %arg0, %eq3A : i32
    %convert_element_type3A = arith.extui %eq3A_0 : i1 to i32
    %cond3A = arith.constant 0 : i32
    %cond3A_1 = arith.cmpi ne, %convert_element_type3A, %cond3A : i32
    scf.if %cond3A_1 {
      %swap3A_40 = arith.constant 0.000000e+00 : f32
      %swap3A_41 = arith.constant 0 : index
      %swap3A_42 = memref.load %arg4[%swap3A_41] : memref<1xf32, #tpu.memory_space<smem>>
      memref.store %swap3A_40, %arg4[%swap3A_41] : memref<1xf32, #tpu.memory_space<smem>>
    } else {
    }
    %get3A = arith.constant 0 : index
    %get3A_2 = arith.constant 0 : index
    %get3A_3 = vector.load %arg1[%get3A, %get3A_2] : memref<2048x512xf32, #tpu.memory_space<vmem>>, vector<2048x512xf32>
    %get3A_4 = arith.constant 0 : index
    %get3A_5 = arith.constant 0 : index
    %get3A_6 = vector.load %arg2[%get3A_4, %get3A_5] : memref<2048x512xf32, #tpu.memory_space<vmem>>, vector<2048x512xf32>
    %mul3A = arith.constant 5.000000e-01 : f32
    %mul3A_7 = vector.broadcast %mul3A : f32 to vector<2048x512xf32>
    %mul3A_8 = arith.mulf %mul3A_7, %get3A_3 : vector<2048x512xf32>
    %tanh3A = math.tanh %mul3A_8 : vector<2048x512xf32>
    %mul3A_9 = arith.constant 5.000000e-01 : f32
    %mul3A_10 = vector.broadcast %mul3A_9 : f32 to vector<2048x512xf32>
    %mul3A_11 = arith.mulf %mul3A_10, %tanh3A : vector<2048x512xf32>
    %sub3A = arith.constant 5.000000e-01 : f32
    %sub3A_12 = vector.broadcast %sub3A : f32 to vector<2048x512xf32>
    %sub3A_13 = arith.subf %sub3A_12, %mul3A_11 : vector<2048x512xf32>
    %jit3A = arith.constant 9.99999974E-5 : f32
    %jit3A_14 = arith.constant 0.999899983 : f32
    %max3A = vector.broadcast %jit3A : f32 to vector<2048x512xf32>
    %max3A_15 = arith.maximumf %max3A, %sub3A_13 : vector<2048x512xf32>
    %min3A = vector.broadcast %jit3A_14 : f32 to vector<2048x512xf32>
    %min3A_16 = arith.minimumf %min3A, %max3A_15 : vector<2048x512xf32>
    %sub3A_17 = arith.constant 1.000000e+00 : f32
    %sub3A_18 = vector.broadcast %sub3A_17 : f32 to vector<2048x512xf32>
    %sub3A_19 = arith.subf %sub3A_18, %min3A_16 : vector<2048x512xf32>
    %sub3A_20 = arith.constant 1.000000e+00 : f32
    %sub3A_21 = vector.broadcast %sub3A_20 : f32 to vector<2048x512xf32>
    %sub3A_22 = arith.subf %sub3A_21, %get3A_6 : vector<2048x512xf32>
    %mul3A_23 = arith.mulf %sub3A_22, %sub3A_22 : vector<2048x512xf32>
    %get3A_24 = arith.constant 0 : index
    %get3A_25 = memref.load %arg4[%get3A_24] : memref<1xf32, #tpu.memory_space<smem>>
    %log3A = math.log %min3A_16 : vector<2048x512xf32>
    %mul3A_26 = arith.mulf %sub3A_19, %sub3A_19 : vector<2048x512xf32>
    %mul3A_27 = arith.mulf %log3A, %mul3A_26 : vector<2048x512xf32>
    %mul3A_28 = arith.mulf %mul3A_23, %mul3A_23 : vector<2048x512xf32>
    %mul3A_29 = arith.mulf %mul3A_27, %mul3A_28 : vector<2048x512xf32>
    %reduce_sum3A = vector.shape_cast %mul3A_29 : vector<2048x512xf32> to vector<1x2048x512xf32>
    %reduce_sum3A_30 = arith.constant dense<0.000000e+00> : vector<1xf32>
    %reduce_sum3A_31 = vector.multi_reduction <add>, %reduce_sum3A, %reduce_sum3A_30 [1, 2] : vector<1x2048x512xf32> to vector<1xf32>
    %reduce_sum3A_32 = vector.shape_cast %reduce_sum3A_31 : vector<1xf32> to vector<1x1x1xf32>
    %reduce_sum3A_33 = vector.extract %reduce_sum3A_32[0, 0, 0] : f32 from vector<1x1x1xf32>
    %add3A = arith.addf %get3A_25, %reduce_sum3A_33 : f32
    %swap3A = arith.constant 0 : index
    %swap3A_34 = memref.load %arg4[%swap3A] : memref<1xf32, #tpu.memory_space<smem>>
    memref.store %add3A, %arg4[%swap3A] : memref<1xf32, #tpu.memory_space<smem>>
    %eq3A_35 = arith.constant 3 : i32
    %eq3A_36 = arith.cmpi eq, %arg0, %eq3A_35 : i32
    %convert_element_type3A_37 = arith.extui %eq3A_36 : i1 to i32
    %cond3A_38 = arith.constant 0 : i32
    %cond3A_39 = arith.cmpi ne, %convert_element_type3A_37, %cond3A_38 : i32
    scf.if %cond3A_39 {
      %get3A_40 = arith.constant 0 : index
      %get3A_41 = memref.load %arg4[%get3A_40] : memref<1xf32, #tpu.memory_space<smem>>
      %swap3A_42 = arith.constant 0 : index
      %swap3A_43 = arith.constant 0 : index
      %swap3A_44 = memref.load %arg3[%swap3A_42, %swap3A_43] : memref<1x1xf32, #tpu.memory_space<smem>>
      memref.store %get3A_41, %arg3[%swap3A_42, %swap3A_43] : memref<1x1xf32, #tpu.memory_space<smem>>
    } else {
    }
    return
  }
  func.func @transform_0(%arg0: i32) -> (i32, i32) {
    %c0_i32 = arith.constant 0 : i32
    %c0_i32_0 = arith.constant 0 : i32
    return %arg0, %c0_i32 : i32, i32
  }
  func.func @transform_1(%arg0: i32) -> (i32, i32) {
    %c0_i32 = arith.constant 0 : i32
    %c0_i32_0 = arith.constant 0 : i32
    return %arg0, %c0_i32 : i32, i32
  }
  func.func @transform_2(%arg0: i32) -> (i32, i32) {
    %c0_i32 = arith.constant 0 : i32
    %c0_i32_0 = arith.constant 0 : i32
    %c0_i32_1 = arith.constant 0 : i32
    return %c0_i32, %c0_i32_0 : i32, i32
  }
}

</mosaic_0001>

<sc_bundles>
// kernel: kernel.5.cloned.1.call-start
scs
__scs_entry_jumppad:
0x0: {  	(pc) =	sbr.rel $0x88, $3  }
0x1: {  	(tag) =	ssettag $0x0;
	lr =	simm.s32 $0x1  }
0x2: {  	[smem:$0x3F9A] =	sst lr;
	_ =	strace $0xD0000000  }
0x3: {  	_ = 	snop  }
0x4: {  	_ = 	snop  }
0x5: {  	_ = 	snop  }
0x6: {  	_ = 	snop  }
0x7: {  	_ = 	snop  }
__scs_overlays_trampoline_lowered:
0x8: {  	[smem:$0x3FA9] =	sst s0  }
0x9: {  	[smem:$0x3FAA] =	sst s1  }
0xa: {  	[smem:$0x3FAB] =	sst s2  }
0xb: {  	[smem:$0x3FAC] =	sst s3  }
0xc: {  	[smem:$0x3FAD] =	sst s4  }
0xd: {  	[smem:$0x3FAE] =	sst s5  }
0xe: {  	[smem:$0x3FAF] =	sst s6  }
0xf: {  	[smem:$0x3FB0] =	sst s7  }
0x10: {  	[smem:$0x3FB1] =	sst s8  }
0x11: {  	[smem:$0x3FB2] =	sst s9;
	s0 =	simm.s32 @!p0 $0x0  }
0x12: {  	s1 =	sld [smem:$0x3F98];
	s0 =	simm.s32 @p0 $0x1  }
0x13: {  	[smem:$0x3FB3] =	sst s0;
	s0 =	simm.s32 @!p1 $0x0  }
0x14: {  	s2 =	sld [smem:$0x3F97];
	s0 =	simm.s32 @p1 $0x1  }
0x15: {  	[smem:$0x3FB4] =	sst s0;
	s0 =	simm.s32 @!p2 $0x0  }
0x16: {  	s3 =	sld [smem:$0x3FDB];
	s0 =	simm.s32 @p2 $0x1  }
0x17: {  	s4 =	simm.s32 $0x1BF5;
	[smem:$0x3FB6] =	sst s0  }
0x18: {  	s0 =	sld [smem:$0x3F99];
	_ =	swait.ge [sflag:s4], $0x0  }
0x19: {  	s7 =	sld [smem:$0x3F9A]  }
0x1a: {  	s8 =	sadd.s32 $0xFFFFE003, lr  }
0x1b: {  	s9 =	sadd.s32 $0xFFFFFEF7, lr;
	s5 =	simm.s32 $0xFFFFFFFF;
	p2 =	slt.u32 s8, $0xFFFFF086  }
0x1c: {  	p1 =	slt.u32 s9, $0xF7A;
	s5 =	simm.s32 @!p2 $0x0  }
0x1d: {  	s5 =	simm.s32 @p1 $0x1;
	p0 =	seq.s32 s7, s2  }
0x1e: {  	s7 =	smul.u32 @!p0 $0xF7A, s2;
	p2 =	seq.s32 @!p0 s5, $0x0  }
0x1f: {  	s9 =	smul.u32 $0xF7A, s1;
	s8 =	simm.s32 @!p0 $0x1BF5;
	p2 =	por !p2, p0  }
0x20: {  	[sflag:s8] =	ssyncset.s32 @!p0 $0xFFFFF086;
	s6 =	sadd.s32 @!p0 s3, s7;
	s7 =	simm.s32 @!p0 $0x108  }
0x21: {  	s3 =	sadd.s32 s3, s9;
	s6 =	sadd.s32 @!p0 $0x88, s6;
	s7 =	simm.s32 @p2 $0x1082  }
0x22: {  	[simem:s7], [sflag:s8] =	dma.local @!p0 [hbm:s6], $0xF7A  }
0x23: {  	s9 =	sor.u32 $0xD0000000, s2;
	s6 =	simm.s32 $0x108;
	_ =	swait.ge @!p0 [sflag:s8], $0x0  }
0x24: {  	s3 =	sadd.s32 $0x88, s3;
	s6 =	simm.s32 @!p1 $0x1082;
	[sflag:s4] =	ssyncset.s32 $0xFFFFF086  }
0x25: {  	[simem:s6], [sflag:s4] =	dma.local [hbm:s3], $0xF7A  }
0x26: {  	[smem:$0x3F9A] =	sst s1;
	(tag) =	ssettag s2;
	_ =	strace s9  }
0x27: {  	s1 =	sld [smem:$0x3FAA]  }
0x28: {  	s2 =	sld [smem:$0x3FAB]  }
0x29: {  	s4 =	sld [smem:$0x3FAD]  }
0x2a: {  	p0 =	seq.s32 s5, $0x0;
	s5 =	sld [smem:$0x3FAE]  }
0x2b: {  	s6 =	sld [smem:$0x3FAF]  }
0x2c: {  	s7 =	sld [smem:$0x3FB0]  }
0x2d: {  	s3 =	simm.s32 $0x108;
	s8 =	sld [smem:$0x3FB1]  }
0x2e: {  	s3 =	simm.s32 @!p0 $0x1082;
	s9 =	sld [smem:$0x3FB2]  }
0x2f: {  	lr =	sadd.s32 s0, s3;
	s0 =	sld [smem:$0x3FA9]  }
0x30: {  	s3 =	sld [smem:$0x3FAC]  }
0x31: {  	[smem:$0x3FB5] =	sst s10  }
0x32: {  	s10 =	sld [smem:$0x3FB3];
	_ =	sdelay $0x3  }
0x33: {  	p0 =	seq.s32 s10, $0x1;
	s10 =	sld [smem:$0x3FB5];
	_ =	sdelay $0x3  }
0x34: {  	[smem:$0x3FB5] =	sst s10  }
0x35: {  	s10 =	sld [smem:$0x3FB4];
	_ =	sdelay $0x3  }
0x36: {  	p1 =	seq.s32 s10, $0x1;
	s10 =	sld [smem:$0x3FB5];
	_ =	sdelay $0x3  }
0x37: {  	[smem:$0x3FB5] =	sst s10  }
0x38: {  	s10 =	sld [smem:$0x3FB6]  }
0x39: {  	_ = 	snop;
	(pc) =	sbr.ind lr, $3  }
0x3a: {  	_ = 	snop  }
0x3b: {  	_ = 	snop  }
0x3c: {  	p2 =	seq.s32 s10, $0x1;
	s10 =	sld [smem:$0x3FB5]  }
0x3d: {  	_ =	shalt  }
0x3e: {  	_ =	shalt  }
0x3f: {  	_ =	shalt  }
0x40: {  	_ =	shalt  }
0x41: {  	_ =	shalt  }
0x42: {  	_ =	shalt  }
0x43: {  	_ =	shalt  }
0x44: {  	_ =	shalt  }
0x45: {  	_ =	shalt  }
0x46: {  	_ =	shalt  }
0x47: {  	_ =	shalt  }
0x48: {  	_ =	shalt  }
0x49: {  	_ =	shalt  }
0x4a: {  	_ =	shalt  }
0x4b: {  	_ =	shalt  }
0x4c: {  	_ =	shalt  }
0x4d: {  	_ =	shalt  }
0x4e: {  	_ =	shalt  }
0x4f: {  	_ =	shalt  }
0x50: {  	_ =	shalt  }
0x51: {  	_ =	shalt  }
0x52: {  	_ =	shalt  }
0x53: {  	_ =	shalt  }
0x54: {  	_ =	shalt  }
0x55: {  	_ =	shalt  }
0x56: {  	_ =	shalt  }
0x57: {  	_ =	shalt  }
0x58: {  	_ =	shalt  }
0x59: {  	_ =	shalt  }
0x5a: {  	_ =	shalt  }
0x5b: {  	_ =	shalt  }
0x5c: {  	_ =	shalt  }
0x5d: {  	_ =	shalt  }
0x5e: {  	_ =	shalt  }
0x5f: {  	_ =	shalt  }
0x60: {  	_ =	shalt  }
0x61: {  	_ =	shalt  }
0x62: {  	_ =	shalt  }
0x63: {  	_ =	shalt  }
0x64: {  	_ =	shalt  }
0x65: {  	_ =	shalt  }
0x66: {  	_ =	shalt  }
0x67: {  	_ =	shalt  }
0x68: {  	_ =	shalt  }
0x69: {  	_ =	shalt  }
0x6a: {  	_ =	shalt  }
0x6b: {  	_ =	shalt  }
0x6c: {  	_ =	shalt  }
0x6d: {  	_ =	shalt  }
0x6e: {  	_ =	shalt  }
0x6f: {  	_ =	shalt  }
0x70: {  	_ =	shalt  }
0x71: {  	_ =	shalt  }
0x72: {  	_ =	shalt  }
0x73: {  	_ =	shalt  }
0x74: {  	_ =	shalt  }
0x75: {  	_ =	shalt  }
0x76: {  	_ =	shalt  }
0x77: {  	_ =	shalt  }
0x78: {  	_ =	shalt  }
0x79: {  	_ =	shalt  }
0x7a: {  	_ =	shalt  }
0x7b: {  	_ =	shalt  }
0x7c: {  	_ =	shalt  }
0x7d: {  	_ =	shalt  }
0x7e: {  	_ =	shalt  }
0x7f: {  	_ =	shalt  }
0x80: {  	_ =	shalt  }
0x81: {  	_ =	shalt  }
0x82: {  	_ =	shalt  }
0x83: {  	_ =	shalt  }
0x84: {  	_ =	shalt  }
0x85: {  	_ =	shalt  }
0x86: {  	_ =	shalt  }
0x87: {  	_ =	shalt  }
.Lfunc_end0:
.L_simem_size_0:
called_computation_lowered:
.L_overlay_start_0:
0x88: {  	s2 =	sld [smem:$0x3FD9]  }
0x89: {  	s3 =	sld [smem:$0x3FFE];
	_ =	sdelay $0x1  }
0x8a: {  	s1 =	srdreg.scid  }
0x8b: {  	s0 =	sand.u32 $0x1, s1  }
0x8c: {  	s17 =	sshll.u32 s0, $0xA;
	s2 =	sadd.s32 s3, s2  }
0x8d: {  	s2 =	sadd.s32 s2, s17  }
0x8e: {  	[smem:$0x3FC1] =	sst s2  }
0x8f: {  	_ = 	snop  }
0x90: {  	s2 =	sld [smem:$0x3FC9]  }
0x91: {  	s18 =	sld [smem:$0x3FC7];
	(tm) =	ssettm $0x1  }
0x92: {  	s4 =	sld [smem:$0x3FFB];
	_ =	sdelay $0x3  }
0x93: {  	_ =	strace s4  }
0x94: {  	s4 =	sld [smem:$0x3FFC];
	_ =	sdelay $0x3  }
0x95: {  	_ =	strace s4  }
0x96: {  	s4 =	sld [smem:$0x3FFD];
	_ =	sdelay $0x3  }
0x97: {  	_ =	strace s4  }
0x98: {  	_ =	strace $0x8FFFFFFF  }
0x99: {  	s19 =	sld [smem:$0x3FDB];
	_ =	sdelay $0x1  }
0x9a: {  	s5 =	simm.s32 $_scs_section_size  }
0x9b: {  	s6 =	simm.s32 $_size__tile_overlayer_lowered;
	s7 =	simm.s32 $_tile_overlayer_lowered  }
0x9c: {  	s22 =	simm.s32 $0x1BFF;
	s21 =	sshll.u32 s7, $0x1;
	s4 =	sadd.s32 s5, s19  }
0x9d: {  	s8 =	simm.s32 $0x0;
	s20 =	sshll.u32 s6, $0x1;
	s6 =	sadd.s32 s21, s4  }
0x9e: {  	[timem:s8], [sflag:s22] =	dma.local [hbm:s6], s20  }
0x9f: {  	_ =	swait.ge [sflag:s22], s20  }
0xa0: {  	s5 =	ssub.s32 $0x0, s20;
	[sflag:s22] =	ssyncset.done $0x0  }
0xa1: {  	[sflag:s22] =	ssyncadd.s32 s5;
	_ =	sdelay $0x1  }
0xa2: {  	s23 =	simm.s32 $0x1B8B  }
0xa3: {  	_ =	swait.ge [sflag:s23], $0x1  }
0xa4: {  	[sflag:s23] =	ssyncset.done $0x0  }
0xa5: {  	s25 =	simm.s32 $0x1B8E;
	s24 =	sld [smem:$0x3FFE];
	[sflag:s23] =	ssyncadd.s32 $0xFFFFFFFF  }
0xa6: {  	s26 =	simm.s32 $execute0_lowered;
	[smem:$0x3FD2] =	sst s25  }
0xa7: {  	s6 =	sshll.u32 s26, $0x1;
	_ =	strace $0x80000046;
	[dreg:$0x1] =	wrdreg $0xFFFFFFFF  }
0xa8: {  	s28 =	simm.s32 $_size_execute0_lowered;
	s4 =	sadd.s32 s4, s6;
	[dreg:$0x0] =	wrdreg $0x0  }
0xa9: {  	s6 =	sshll.u32 s28, $0x1;
	[dreg:$0x2] =	wrdreg s4  }
0xaa: {  	[dreg:$0x3] =	wrdreg s6  }
0xab: {  	[dreg:$0x4] =	wrdreg $0xC0  }
0xac: {  	_ =	task [dreg:s8], $0x5FFFF  }
0xad: {  	[dreg:$0x1] =	wrdreg $0xFFFFFFFF  }
0xae: {  	[dreg:$0x0] =	wrdreg $0x60  }
0xaf: {  	[dreg:$0x2] =	wrdreg s24  }
0xb0: {  	[dreg:$0x3] =	wrdreg s18  }
0xb1: {  	[dreg:$0x4] =	wrdreg s2  }
0xb2: {  	[dreg:$0x5] =	wrdreg $0x9  }
0xb3: {  	_ =	task.clear_ibuf [dreg:s8], $0x6FFFF;
	_ =	strace $0x90000046  }
0xb4: {  	s29 =	simm.s32 $0x9;
	_ =	strace $0x80000048  }
0xb5: {  	_ =	swait.ge [sflag:s29], $0x1  }
0xb6: {  	[sflag:s29] =	ssyncadd.s32 $0xFFFFFFFF  }
0xb7: {  	_ =	strace $0x90000048  }
0xb8: {  	_ =	sfence  }
0xb9: {  	s30 =	sld [smem:$0x0];
	_ =	sdelay $0x2  }
0xba: {  	s31 =	sshll.u32 s1, $0xD;
	s1 =	sshrl.u32 s1, $0x2  }
0xbb: {  	s3 =	sand.u32 $0x4000, s31;
	s1 =	sadd.s32 s1, s30  }
0xbc: {  	s0 =	sor.u32 s3, s0;
	s1 =	sshll.u32 s1, $0x11  }
0xbd: {  	s0 =	sor.u32 s1, s0  }
0xbe: {  	s0 =	sadd.s32 $0x8F2B, s0  }
0xbf: {  	[sflag:s0] =	ssyncadd.remote.s32 $0x1  }
0xc0: {  	_ =	sfence.sel $0xFFFF  }
0xc1: {  	[dreg:$0x0] =	wrdreg $0xFFFFFFFF;
	(pc) =	sbr.abs _section_cstart, $3  }
0xc2: {  	[dreg:$0x1] =	wrdreg $0xFFFFFFFF  }
0xc3: {  	_ =	task.clear_ibuf [dreg:s8], $0x2FFFF;
	_ =	strace $0x9FFFFFFF  }
0xc4: {  	(tm) =	ssettm $0x7FFFFFFF  }
0xc5: {  	_ =	shalt  }
tec
execute0_lowered:
.L_overlay_start_1:
0x0: {  	(tag) =	ssettag $0x1  }
0x1: {  	s1 =	srdreg.scid  }
0x2: {  	s0 =	stileid.u32;
	s4 =	rddreg [dreg:$0x0]  }
0x3: {  	s14 =	rddreg [dreg:$0x2];
	s11 =	simm.s32 $0x100;
	s12 =	simm.s32 $0x180  }
0x4: {  	s13 =	simm.s32 $0x200;
	s2 =	sand.u32 $0x1, s1;
	s3 =	sshll.u32 s0, $0x8  }
0x5: {  	s1 =	rddreg [dreg:$0x1];
	s6 =	sshrl.u32 s0, $0x2;
	s5 =	sshll.u32 s2, $0x7  }
0x6: {  	[dreg:$0x4] =	wrdreg s14;
	s5 =	sor.u32 s5, s3;
	s3 =	simm.s32 $0x0  }
0x7: {  	s26 =	sshrl.u32 s0, $0x1;
	s14 =	simm.s32 $0x280;
	[smem:$0x7FF] =	sst s3  }
0x8: {  	s8 =	sshll.u32 s6, $0xA;
	_ =	strace $0x80000047;
	[dreg:$0x14] =	wrdreg s11  }
0x9: {  	s6 =	sshll.u32 s6, $0xB;
	s2 =	ssub.s32 $0x2, s2;
	[dreg:$0x15] =	wrdreg s12  }
0xa: {  	s7 =	sand.u32 $0x380, s5;
	s5 =	sadd.s32 s5, s4;
	[dreg:$0x16] =	wrdreg s13  }
0xb: {  	s23 =	sshrl.u32 s2, $0x1;
	s17 =	sadd.s32 $0x1200, s5;
	[dreg:$0x17] =	wrdreg s14  }
0xc: {  	s8 =	sor.u32 s8, s7;
	s18 =	sadd.s32 $0x1210, s5;
	[dreg:$0x8] =	wrdreg s17  }
0xd: {  	s6 =	sor.u32 s6, s7;
	s19 =	sadd.s32 $0x1220, s5;
	[dreg:$0x9] =	wrdreg s18  }
0xe: {  	s20 =	sadd.s32 $0x1230, s5;
	s21 =	sadd.s32 $0x1240, s5;
	[dreg:$0xa] =	wrdreg s19  }
0xf: {  	s22 =	sadd.s32 $0x1250, s5;
	s24 =	sadd.s32 $0x1260, s5;
	[dreg:$0xb] =	wrdreg s20  }
0x10: {  	s7 =	ssub.s32 s2, s23;
	s25 =	sadd.s32 $0x1270, s5;
	[dreg:$0xc] =	wrdreg s21  }
0x11: {  	s0 =	sadd.s32 $0x2200, s5;
	s5 =	sadd.s32 $0x2210, s5;
	[dreg:$0xd] =	wrdreg s22  }
0x12: {  	s11 =	simm.s32 $0x1280;
	s12 =	simm.s32 $0xA80;
	[dreg:$0xe] =	wrdreg s24  }
0x13: {  	s13 =	simm.s32 $0x1300;
	s14 =	simm.s32 $0xB00;
	[dreg:$0xf] =	wrdreg s25  }
0x14: {  	s2 =	simm.s32 $0x1A80;
	s8 =	sshrl.u32 s8, $0x3;
	[dreg:$0x10] =	wrdreg s0  }
0x15: {  	s6 =	sshrl.u32 s6, $0x3;
	[dreg:$0x11] =	wrdreg s5;
	s17 =	simm.s32 $0x480  }
0x16: {  	s20 =	smul.u32 $0x280000, s26;
	s18 =	simm.s32 $0x500;
	[dreg:$0x1a] =	wrdreg s17  }
0x17: {  	s19 =	simm.s32 $0x580;
	s5 =	simm.s32 $0x2;
	[dreg:$0x1b] =	wrdreg s18  }
0x18: {  	s22 =	simm.s32 $0x600;
	s8 =	sadd.s32 s8, s4;
	[dreg:$0x1c] =	wrdreg s19  }
0x19: {  	s4 =	sadd.s32 s6, s4;
	s6 =	simm.s32 $0x80;
	[dreg:$0x1d] =	wrdreg s22  }
0x1a: {  	s17 =	simm.s32 $0x1400;
	s18 =	simm.s32 $0xC00;
	s19 =	simm.s32 $0x1480  }
0x1b: {  	s22 =	simm.s32 $0xD00;
	s9 =	sadd.s32 $0x3200, s8;
	s15 =	sadd.s32 $0x3400, s8  }
0x1c: {  	s16 =	sadd.s32 $0x1000, s8;
	s4 =	sadd.s32 $0x3600, s4;
	s21 =	sor.u32 $0x40000, s20;
	v0 =	vmov s20  }
0x1d: {  	s10 =	sadd.s32 $0x3A00, s8;
	s23 =	sadd.s32 $0x80000, s20;
	[dreg:$0x5] =	wrdreg s9;
	[tilespmem:$0x1FF50] =	vst v0;
	v54 =	vmov s21  }
0x1e: {  	s24 =	sadd.s32 $0xC0000, s20;
	s25 =	sadd.s32 $0x100000, s20;
	[dreg:$0x6] =	wrdreg s15;
	v55 =	vmov s23;
	[tilespmem:$0x1FF60] =	vst v54  }
0x1f: {  	s28 =	sadd.s32 $0x180000, s20;
	s29 =	sadd.s32 $0x1C0000, s20;
	[dreg:$0x7] =	wrdreg s16;
	v56 =	vmov s24;
	[tilespmem:$0x1FF70] =	vst v55  }
0x20: {  	s30 =	sadd.s32 $0x200000, s20;
	s31 =	sadd.s32 $0x240000, s20;
	[dreg:$0x12] =	wrdreg s4;
	v57 =	vmov s25;
	[tilespmem:$0x1FF80] =	vst v56  }
0x21: {  	s9 =	sshll.u32 s26, $0x13;
	[dreg:$0x13] =	wrdreg s10;
	s26 =	sadd.s32 $0x140000, s20;
	v59 =	vmov s28;
	[tilespmem:$0x1FF90] =	vst v57  }
0x22: {  	s15 =	simm.s32 $0x300;
	s16 =	simm.s32 $0x380;
	s4 =	smax.u32 s7, $0x1;
	v60 =	vmov s29;
	[tilespmem:$0x1FFB0] =	vst v59  }
0x23: {  	s7 =	simm.s32 $0x400;
	s20 =	simm.s32 $0xC80;
	s21 =	simm.s32 $0x1500;
	v61 =	vmov s30;
	[tilespmem:$0x1FFC0] =	vst v60  }
0x24: {  	s23 =	simm.s32 $0x1580;
	s24 =	simm.s32 $0xD80;
	s25 =	simm.s32 $0x1600;
	v62 =	vmov s31;
	[tilespmem:$0x1FFD0] =	vst v61  }
0x25: {  	s28 =	simm.s32 $0x1680;
	s29 =	simm.s32 $0x1180;
	[dreg:$0x18] =	wrdreg s15;
	v58 =	vmov s26;
	[tilespmem:$0x1FFE0] =	vst v62  }
0x26: {  	s30 =	simm.s32 $0x1A00;
	s31 =	simm.s32 $0x1;
	[dreg:$0x19] =	wrdreg s16;
	v63 =	vmov s9;
	[tilespmem:$0x1FFA0] =	vst v58  }
0x27: {  	s15 =	simm.s32 $0x1380;
	s16 =	simm.s32 $0xB80;
	s26 =	simm.s32 $0xE00;
	[tilespmem:$0x1FFF0] =	vst v63  }
.LBB2_1:
0x28: {  	s0 =	rddreg [dreg:$0x5]  }
0x29: {  	[tilespmem:s3], [sflag:$0x2] =	stream.linear.gather [hbm4b:s0+s3], $0x80, $0x38;
	[tilespmem:$0x1B80] =	vst v63  }
0x2a: {  	_ =	swait.ge [sflag:s5], $0x80  }
0x2b: {  	[sflag:s5] =	ssyncset.done $0x0  }
0x2c: {  	s9 =	rddreg [dreg:$0x6];
	[sflag:s5] =	ssyncadd.s32 $0xFFFFFF80  }
0x2d: {  	[tilespmem:s6], [sflag:$0x2] =	stream.linear.gather [hbm4b:s9+s3], $0x80, $0x38;
	[tilespmem:$0x1B80] =	vst v63  }
0x2e: {  	_ =	swait.ge [sflag:s5], $0x80  }
0x2f: {  	s10 =	rddreg [dreg:$0x7];
	[sflag:s5] =	ssyncset.done $0x0  }
0x30: {  	s8 =	rddreg [dreg:$0x14];
	[sflag:s5] =	ssyncadd.s32 $0xFFFFFF80  }
0x31: {  	[tilespmem:s8], [sflag:$0x2] =	stream.linear.gather [hbm4b:s10+s3], $0x80, $0x38;
	[tilespmem:$0x1B80] =	vst v63  }
0x32: {  	_ =	swait.ge [sflag:s5], $0x80  }
0x33: {  	s9 =	rddreg [dreg:$0x8]  }
0x34: {  	s10 =	rddreg [dreg:$0x15]  }
0x35: {  	[sflag:s5] =	ssyncset.done $0x0;
	s0 =	rddreg [dreg:$0x9]  }
0x36: {  	s8 =	rddreg [dreg:$0x16];
	[sflag:s5] =	ssyncadd.s32 $0xFFFFFF80  }
0x37: {  	[tilespmem:s10], [sflag:$0x1] =	stream.linear.gather [hbm4b:s9+s3], $0x80, $0x38;
	[tilespmem:$0x1B80] =	vst v63  }
0x38: {  	s9 =	rddreg [dreg:$0xa]  }
0x39: {  	s10 =	rddreg [dreg:$0x17]  }
0x3a: {  	[tilespmem:s8], [sflag:$0x1] =	stream.linear.gather [hbm4b:s0+s3], $0x80, $0x38;
	[tilespmem:$0x1B80] =	vst v63  }
0x3b: {  	s0 =	rddreg [dreg:$0xb]  }
0x3c: {  	s8 =	rddreg [dreg:$0x18]  }
0x3d: {  	[tilespmem:s10], [sflag:$0x1] =	stream.linear.gather [hbm4b:s9+s3], $0x80, $0x38;
	[tilespmem:$0x1B80] =	vst v63  }
0x3e: {  	s9 =	rddreg [dreg:$0xc]  }
0x3f: {  	s10 =	rddreg [dreg:$0x19]  }
0x40: {  	[tilespmem:s8], [sflag:$0x1] =	stream.linear.gather [hbm4b:s0+s3], $0x80, $0x38;
	[tilespmem:$0x1B80] =	vst v63  }
0x41: {  	s8 =	rddreg [dreg:$0xd]  }
0x42: {  	s0 =	rddreg [dreg:$0xe]  }
0x43: {  	[tilespmem:s10], [sflag:$0x1] =	stream.linear.gather [hbm4b:s9+s3], $0x80, $0x38;
	[tilespmem:$0x1B80] =	vst v63  }
0x44: {  	s9 =	rddreg [dreg:$0xf]  }
0x45: {  	s10 =	rddreg [dreg:$0x1b]  }
0x46: {  	[tilespmem:s7], [sflag:$0x1] =	stream.linear.gather [hbm4b:s8+s3], $0x80, $0x38;
	[tilespmem:$0x1B80] =	vst v63  }
0x47: {  	s8 =	rddreg [dreg:$0x1a]  }
0x48: {  	[tilespmem:s8], [sflag:$0x1] =	stream.linear.gather [hbm4b:s0+s3], $0x80, $0x38;
	[tilespmem:$0x1B80] =	vst v63  }
0x49: {  	s0 =	rddreg [dreg:$0x10]  }
0x4a: {  	s8 =	rddreg [dreg:$0x1c]  }
0x4b: {  	[tilespmem:s10], [sflag:$0x1] =	stream.linear.gather [hbm4b:s9+s3], $0x80, $0x38;
	[tilespmem:$0x1B80] =	vst v63  }
0x4c: {  	s9 =	rddreg [dreg:$0x11]  }
0x4d: {  	[tilespmem:s8], [sflag:$0x1] =	stream.linear.gather [hbm4b:s0+s3], $0x80, $0x38;
	[tilespmem:$0x1B80] =	vst v63  }
0x4e: {  	s10 =	rddreg [dreg:$0x1d]  }
0x4f: {  	[tilespmem:s10], [sflag:$0x1] =	stream.linear.gather [hbm4b:s9+s3], $0x80, $0x38;
	[tilespmem:$0x1B80] =	vst v63  }
0x50: {  	v0 =	vld [tilespmem:$0x0];
	_ =	sdelay $0x2  }
0x51: {  	v7 =	vld [tilespmem:$0x1FF50]  }
0x52: {  	v8 =	vld [tilespmem:$0x1FF60]  }
0x53: {  	v9 =	vld [tilespmem:$0x1FF70];
	v1 =	vshll.u32 v0, $0x3  }
0x54: {  	v10 =	vld [tilespmem:$0x1FF80];
	v2 =	vshrl.u32 v0, $0x2;
	v0 =	vand.u32 $0xFFFFF07F, v0;
	v1 =	vand.u32 $0xC00, v1  }
0x55: {  	v11 =	vld [tilespmem:$0x1FF90];
	v2 =	vand.u32 $0x380, v2;
	v0 =	vor.u32 v1, v0  }
0x56: {  	v12 =	vld [tilespmem:$0x1FFA0];
	v0 =	vor.u32 v2, v0  }
0x57: {  	v13 =	vld [tilespmem:$0x1FFB0];
	v53 =	vadd.s32 v7, v0  }
0x58: {  	v3 =	vld [tilespmem:$0x10];
	v54 =	vadd.s32 v8, v0;
	[tilespmem:$0x980] =	vst v53  }
0x59: {  	v14 =	vld [tilespmem:$0x1FFC0];
	v56 =	vadd.s32 v9, v0;
	[tilespmem:$0xA00] =	vst v54  }
0x5a: {  	v15 =	vld [tilespmem:$0x1FFD0];
	v57 =	vadd.s32 v10, v0;
	[tilespmem:$0xA80] =	vst v56  }
0x5b: {  	v16 =	vld [tilespmem:$0x1FFE0];
	v58 =	vadd.s32 v11, v0;
	[tilespmem:$0xB00] =	vst v57  }
0x5c: {  	v59 =	vadd.s32 v12, v0;
	[tilespmem:$0xB80] =	vst v58  }
0x5d: {  	v6 =	vshll.u32 v3, $0x3;
	v63 =	vshrl.u32 v3, $0x2;
	v60 =	vadd.s32 v13, v0;
	[tilespmem:$0xC00] =	vst v59  }
0x5e: {  	v3 =	vand.u32 $0xFFFFF07F, v3;
	v62 =	vand.u32 $0xC00, v6;
	v4 =	vadd.s32 v14, v0;
	[tilespmem:$0xC80] =	vst v60  }
0x5f: {  	v18 =	vand.u32 $0x380, v63;
	v3 =	vor.u32 v62, v3;
	v5 =	vadd.s32 v15, v0;
	[tilespmem:$0xD00] =	vst v4  }
0x60: {  	v19 =	vor.u32 v18, v3;
	v61 =	vadd.s32 v16, v0;
	[tilespmem:$0xD80] =	vst v5  }
0x61: {  	v20 =	vadd.s32 v7, v19;
	[tilespmem:$0xE00] =	vst v61  }
0x62: {  	v24 =	vld [tilespmem:$0x20];
	v21 =	vadd.s32 v8, v19;
	[tilespmem:$0x990] =	vst v20  }
0x63: {  	v17 =	vld [tilespmem:$0x1FFF0];
	v23 =	vadd.s32 v9, v19;
	[tilespmem:$0xA10] =	vst v21  }
0x64: {  	v55 =	vld [tilespmem:$0x80];
	v25 =	vadd.s32 v10, v19;
	[tilespmem:$0xA90] =	vst v23  }
0x65: {  	v26 =	vadd.s32 v11, v19;
	[tilespmem:$0xB10] =	vst v25  }
0x66: {  	v22 =	vld [tilespmem:$0x90];
	v27 =	vadd.s32 v12, v19;
	[tilespmem:$0xB90] =	vst v26  }
0x67: {  	v31 =	vshll.u32 v24, $0x3;
	v33 =	vshrl.u32 v24, $0x2;
	v28 =	vadd.s32 v13, v19;
	[tilespmem:$0xC10] =	vst v27  }
0x68: {  	v32 =	vand.u32 $0xC00, v31;
	v34 =	vand.u32 $0x380, v33;
	v29 =	vadd.s32 v14, v19;
	[tilespmem:$0xC90] =	vst v28  }
0x69: {  	v2 =	vshll.u32 v55, $0x12;
	v0 =	vadd.s32 v17, v0;
	v30 =	vadd.s32 v16, v19;
	[tilespmem:$0xD10] =	vst v29  }
0x6a: {  	v3 =	vand.u32 $0xFFFFF07F, v24;
	v1 =	vadd.s32 v17, v19;
	v0 =	vadd.s32 v2, v0;
	[tilespmem:$0xE10] =	vst v30  }
0x6b: {  	v3 =	vor.u32 v32, v3;
	v5 =	vadd.s32 v15, v19;
	v2 =	vshll.u32 v22, $0x12;
	[tilespmem:$0x1180] =	vst v0  }
0x6c: {  	v36 =	vor.u32 v34, v3;
	[tilespmem:$0xD90] =	vst v5;
	v35 =	vadd.s32 v2, v1  }
0x6d: {  	v37 =	vadd.s32 v7, v36;
	[tilespmem:$0x1190] =	vst v35  }
0x6e: {  	v41 =	vld [tilespmem:$0x30];
	v38 =	vadd.s32 v8, v36;
	[tilespmem:$0x9A0] =	vst v37  }
0x6f: {  	v40 =	vadd.s32 v9, v36;
	[tilespmem:$0xA20] =	vst v38  }
0x70: {  	v42 =	vadd.s32 v10, v36;
	[tilespmem:$0xAA0] =	vst v40  }
0x71: {  	v39 =	vld [tilespmem:$0xA0];
	v43 =	vadd.s32 v11, v36;
	[tilespmem:$0xB20] =	vst v42  }
0x72: {  	v44 =	vadd.s32 v12, v36;
	[tilespmem:$0xBA0] =	vst v43  }
0x73: {  	v48 =	vshll.u32 v41, $0x3;
	v50 =	vshrl.u32 v41, $0x2;
	v45 =	vadd.s32 v13, v36;
	[tilespmem:$0xC20] =	vst v44  }
0x74: {  	v49 =	vand.u32 $0xC00, v48;
	v51 =	vand.u32 $0x380, v50;
	v46 =	vadd.s32 v14, v36;
	[tilespmem:$0xCA0] =	vst v45  }
0x75: {  	v3 =	vand.u32 $0xFFFFF07F, v41;
	v5 =	vadd.s32 v15, v36;
	v47 =	vadd.s32 v16, v36;
	[tilespmem:$0xD20] =	vst v46  }
0x76: {  	v2 =	vshll.u32 v39, $0x12;
	v1 =	vadd.s32 v17, v36;
	v3 =	vor.u32 v49, v3;
	[tilespmem:$0xDA0] =	vst v5  }
0x77: {  	[tilespmem:$0xE20] =	vst v47;
	v52 =	vadd.s32 v2, v1;
	v53 =	vor.u32 v51, v3  }
0x78: {  	[tilespmem:$0x11A0] =	vst v52;
	v54 =	vadd.s32 v7, v53  }
0x79: {  	v55 =	vadd.s32 v8, v53;
	[tilespmem:$0x9B0] =	vst v54  }
0x7a: {  	v57 =	vadd.s32 v9, v53;
	v58 =	vld [tilespmem:$0x40];
	[tilespmem:$0xA30] =	vst v55  }
0x7b: {  	v59 =	vadd.s32 v10, v53;
	[tilespmem:$0xAB0] =	vst v57  }
0x7c: {  	v56 =	vld [tilespmem:$0xB0];
	v60 =	vadd.s32 v11, v53;
	[tilespmem:$0xB30] =	vst v59  }
0x7d: {  	v61 =	vadd.s32 v12, v53;
	[tilespmem:$0xBB0] =	vst v60  }
0x7e: {  	v62 =	vadd.s32 v13, v53;
	v63 =	vadd.s32 v14, v53;
	v5 =	vadd.s32 v15, v53;
	[tilespmem:$0xC30] =	vst v61  }
0x7f: {  	v18 =	vadd.s32 v16, v53;
	v1 =	vadd.s32 v17, v53;
	[tilespmem:$0xCB0] =	vst v62;
	v19 =	vshll.u32 v58, $0x3  }
0x80: {  	[tilespmem:$0xD30] =	vst v63;
	v21 =	vshrl.u32 v58, $0x2;
	v3 =	vand.u32 $0xFFFFF07F, v58;
	v20 =	vand.u32 $0xC00, v19  }
0x81: {  	[tilespmem:$0xDB0] =	vst v5;
	v2 =	vshll.u32 v56, $0x12;
	v22 =	vand.u32 $0x380, v21;
	v3 =	vor.u32 v20, v3  }
0x82: {  	[tilespmem:$0xE30] =	vst v18;
	v23 =	vadd.s32 v2, v1;
	v24 =	vor.u32 v22, v3  }
0x83: {  	[tilespmem:$0x11B0] =	vst v23;
	v25 =	vadd.s32 v7, v24  }
0x84: {  	v29 =	vld [tilespmem:$0x50];
	v26 =	vadd.s32 v8, v24;
	[tilespmem:$0x9C0] =	vst v25  }
0x85: {  	v27 =	vld [tilespmem:$0xC0];
	v28 =	vadd.s32 v9, v24;
	[tilespmem:$0xA40] =	vst v26  }
0x86: {  	v30 =	vadd.s32 v10, v24;
	[tilespmem:$0xAC0] =	vst v28  }
0x87: {  	v31 =	vadd.s32 v11, v24;
	[tilespmem:$0xB40] =	vst v30  }
0x88: {  	v32 =	vadd.s32 v12, v24;
	[tilespmem:$0xBC0] =	vst v31  }
0x89: {  	v36 =	vshll.u32 v29, $0x3;
	v38 =	vshrl.u32 v29, $0x2;
	v33 =	vadd.s32 v13, v24;
	[tilespmem:$0xC40] =	vst v32  }
0x8a: {  	v2 =	vshll.u32 v27, $0x12;
	v37 =	vand.u32 $0xC00, v36;
	v34 =	vadd.s32 v14, v24;
	[tilespmem:$0xCC0] =	vst v33  }
0x8b: {  	v39 =	vand.u32 $0x380, v38;
	v3 =	vand.u32 $0xFFFFF07F, v29;
	v5 =	vadd.s32 v15, v24;
	[tilespmem:$0xD40] =	vst v34  }
0x8c: {  	v35 =	vadd.s32 v16, v24;
	v1 =	vadd.s32 v17, v24;
	v3 =	vor.u32 v37, v3;
	[tilespmem:$0xDC0] =	vst v5  }
0x8d: {  	[tilespmem:$0xE40] =	vst v35;
	v40 =	vadd.s32 v2, v1;
	v41 =	vor.u32 v39, v3  }
0x8e: {  	[tilespmem:$0x11C0] =	vst v40;
	v42 =	vadd.s32 v7, v41  }
0x8f: {  	v46 =	vld [tilespmem:$0x60];
	v43 =	vadd.s32 v8, v41;
	[tilespmem:$0x9D0] =	vst v42  }
0x90: {  	v45 =	vadd.s32 v9, v41;
	[tilespmem:$0xA50] =	vst v43  }
0x91: {  	v44 =	vld [tilespmem:$0xD0];
	v47 =	vadd.s32 v10, v41;
	[tilespmem:$0xAD0] =	vst v45  }
0x92: {  	v48 =	vadd.s32 v11, v41;
	[tilespmem:$0xB50] =	vst v47  }
0x93: {  	v49 =	vadd.s32 v12, v41;
	[tilespmem:$0xBD0] =	vst v48  }
0x94: {  	v53 =	vshll.u32 v46, $0x3;
	v55 =	vshrl.u32 v46, $0x2;
	v50 =	vadd.s32 v13, v41;
	[tilespmem:$0xC50] =	vst v49  }
0x95: {  	v54 =	vand.u32 $0xC00, v53;
	v56 =	vand.u32 $0x380, v55;
	v51 =	vadd.s32 v14, v41;
	[tilespmem:$0xCD0] =	vst v50  }
0x96: {  	v2 =	vshll.u32 v44, $0x12;
	v3 =	vand.u32 $0xFFFFF07F, v46;
	v5 =	vadd.s32 v15, v41;
	[tilespmem:$0xD50] =	vst v51  }
0x97: {  	v52 =	vadd.s32 v16, v41;
	v1 =	vadd.s32 v17, v41;
	v3 =	vor.u32 v54, v3;
	[tilespmem:$0xDD0] =	vst v5  }
0x98: {  	[tilespmem:$0xE50] =	vst v52;
	v57 =	vadd.s32 v2, v1;
	v58 =	vor.u32 v56, v3  }
0x99: {  	[tilespmem:$0x11D0] =	vst v57;
	v59 =	vadd.s32 v7, v58  }
0x9a: {  	v63 =	vld [tilespmem:$0x70];
	v60 =	vadd.s32 v8, v58;
	[tilespmem:$0x9E0] =	vst v59  }
0x9b: {  	v62 =	vadd.s32 v9, v58;
	[tilespmem:$0xA60] =	vst v60  }
0x9c: {  	v61 =	vld [tilespmem:$0xE0];
	v5 =	vadd.s32 v10, v58;
	[tilespmem:$0xAE0] =	vst v62  }
0x9d: {  	v6 =	vadd.s32 v11, v58;
	[tilespmem:$0xB60] =	vst v5  }
0x9e: {  	v18 =	vadd.s32 v12, v58;
	[tilespmem:$0xBE0] =	vst v6  }
0x9f: {  	v22 =	vshll.u32 v63, $0x3;
	v24 =	vshrl.u32 v63, $0x2;
	v19 =	vadd.s32 v13, v58;
	[tilespmem:$0xC60] =	vst v18  }
0xa0: {  	v23 =	vand.u32 $0xC00, v22;
	v25 =	vand.u32 $0x380, v24;
	v20 =	vadd.s32 v14, v58;
	[tilespmem:$0xCE0] =	vst v19  }
0xa1: {  	v2 =	vshll.u32 v61, $0x12;
	v3 =	vand.u32 $0xFFFFF07F, v63;
	v21 =	vadd.s32 v16, v58;
	[tilespmem:$0xD60] =	vst v20  }
0xa2: {  	v1 =	vadd.s32 v17, v58;
	v3 =	vor.u32 v23, v3;
	v5 =	vadd.s32 v15, v58;
	[tilespmem:$0xE60] =	vst v21  }
0xa3: {  	v26 =	vadd.s32 v2, v1;
	v27 =	vor.u32 v25, v3;
	[tilespmem:$0xDE0] =	vst v5  }
0xa4: {  	[tilespmem:$0x11E0] =	vst v26;
	v28 =	vadd.s32 v7, v27  }
0xa5: {  	v29 =	vadd.s32 v8, v27;
	[tilespmem:$0x9F0] =	vst v28  }
0xa6: {  	v30 =	vadd.s32 v9, v27;
	[tilespmem:$0xA70] =	vst v29  }
0xa7: {  	v31 =	vadd.s32 v10, v27;
	[tilespmem:$0xAF0] =	vst v30  }
0xa8: {  	v33 =	vld [tilespmem:$0xF0];
	v32 =	vadd.s32 v11, v27;
	[tilespmem:$0xB70] =	vst v31  }
0xa9: {  	v34 =	vadd.s32 v12, v27;
	[tilespmem:$0xBF0] =	vst v32  }
0xaa: {  	v35 =	vadd.s32 v13, v27;
	[tilespmem:$0xC70] =	vst v34  }
0xab: {  	v36 =	vadd.s32 v14, v27;
	[tilespmem:$0xCF0] =	vst v35  }
0xac: {  	v37 =	vadd.s32 v15, v27;
	[tilespmem:$0xD70] =	vst v36  }
0xad: {  	v38 =	vadd.s32 v16, v27;
	v2 =	vshll.u32 v33, $0x12;
	v1 =	vadd.s32 v17, v27;
	[tilespmem:$0xDF0] =	vst v37  }
0xae: {  	[tilespmem:$0xE70] =	vst v38;
	v39 =	vadd.s32 v2, v1  }
0xaf: {  	s8 =	simm.s32 $0x980;
	s9 =	simm.s32 $0x1200;
	[tilespmem:$0x11F0] =	vst v39  }
0xb0: {  	[tilespmem:s9], [sflag:$0x1] =	stream.indirect.gather [hbm4b:s1+s6], $0x1, s8, s6, $0xb8;
	[tilespmem:$0x1B80] =	vst v63  }
0xb1: {  	s10 =	simm.s32 $0xA00  }
0xb2: {  	[tilespmem:s11], [sflag:$0x1] =	stream.indirect.gather [hbm4b:s1+s6], $0x1, s10, s6, $0xb8;
	[tilespmem:$0x1B80] =	vst v63  }
0xb3: {  	_ = 	snop  }
0xb4: {  	[tilespmem:s13], [sflag:$0x1] =	stream.indirect.gather [hbm4b:s1+s6], $0x1, s12, s6, $0xb8;
	[tilespmem:$0x1B80] =	vst v63  }
0xb5: {  	_ = 	snop  }
0xb6: {  	[tilespmem:s15], [sflag:$0x1] =	stream.indirect.gather [hbm4b:s1+s6], $0x1, s14, s6, $0xb8;
	[tilespmem:$0x1B80] =	vst v63  }
0xb7: {  	_ = 	snop  }
0xb8: {  	[tilespmem:s17], [sflag:$0x1] =	stream.indirect.gather [hbm4b:s1+s6], $0x1, s16, s6, $0xb8;
	[tilespmem:$0x1B80] =	vst v63  }
0xb9: {  	_ = 	snop  }
0xba: {  	[tilespmem:s19], [sflag:$0x1] =	stream.indirect.gather [hbm4b:s1+s6], $0x1, s18, s6, $0xb8;
	[tilespmem:$0x1B80] =	vst v63  }
0xbb: {  	_ = 	snop  }
0xbc: {  	[tilespmem:s21], [sflag:$0x1] =	stream.indirect.gather [hbm4b:s1+s6], $0x1, s20, s6, $0xb8;
	[tilespmem:$0x1B80] =	vst v63  }
0xbd: {  	_ = 	snop  }
0xbe: {  	[tilespmem:s23], [sflag:$0x1] =	stream.indirect.gather [hbm4b:s1+s6], $0x1, s22, s6, $0xb8;
	[tilespmem:$0x1B80] =	vst v63  }
0xbf: {  	_ = 	snop  }
0xc0: {  	[tilespmem:s25], [sflag:$0x1] =	stream.indirect.gather [hbm4b:s1+s6], $0x1, s24, s6, $0xb8;
	[tilespmem:$0x1B80] =	vst v63  }
0xc1: {  	_ = 	snop  }
0xc2: {  	[tilespmem:s28], [sflag:$0x1] =	stream.indirect.gather [hbm4b:s1+s6], $0x1, s26, s6, $0xb8;
	[tilespmem:$0x1B80] =	vst v63  }
0xc3: {  	s8 =	rddreg [dreg:$0x4]  }
0xc4: {  	[tilespmem:s30], [sflag:$0x1] =	stream.indirect.gather [hbm4b:s8+s6], $0x1, s29, s6, $0xb8;
	[tilespmem:$0x1B80] =	vst v63  }
0xc5: {  	_ =	swait.ge [sflag:s31], $0x80  }
0xc6: {  	[sflag:s31] =	ssyncset.done $0x0  }
0xc7: {  	[sflag:s31] =	ssyncadd.s32 $0xFFFFFF80  }
0xc8: {  	_ =	swait.ge [sflag:s31], $0x80  }
0xc9: {  	[sflag:s31] =	ssyncset.done $0x0  }
0xca: {  	[sflag:s31] =	ssyncadd.s32 $0xFFFFFF80  }
0xcb: {  	_ =	swait.ge [sflag:s31], $0x80  }
0xcc: {  	[sflag:s31] =	ssyncset.done $0x0  }
0xcd: {  	[sflag:s31] =	ssyncadd.s32 $0xFFFFFF80  }
0xce: {  	_ =	swait.ge [sflag:s31], $0x80  }
0xcf: {  	[sflag:s31] =	ssyncset.done $0x0  }
0xd0: {  	[sflag:s31] =	ssyncadd.s32 $0xFFFFFF80  }
0xd1: {  	_ =	swait.ge [sflag:s31], $0x80  }
0xd2: {  	[sflag:s31] =	ssyncset.done $0x0  }
0xd3: {  	[sflag:s31] =	ssyncadd.s32 $0xFFFFFF80  }
0xd4: {  	_ =	swait.ge [sflag:s31], $0x80  }
0xd5: {  	[sflag:s31] =	ssyncset.done $0x0  }
0xd6: {  	[sflag:s31] =	ssyncadd.s32 $0xFFFFFF80  }
0xd7: {  	_ =	swait.ge [sflag:s31], $0x80  }
0xd8: {  	[sflag:s31] =	ssyncset.done $0x0  }
0xd9: {  	[sflag:s31] =	ssyncadd.s32 $0xFFFFFF80  }
0xda: {  	_ =	swait.ge [sflag:s31], $0x80  }
0xdb: {  	[sflag:s31] =	ssyncset.done $0x0  }
0xdc: {  	[sflag:s31] =	ssyncadd.s32 $0xFFFFFF80  }
0xdd: {  	_ =	swait.ge [sflag:s31], $0x80  }
0xde: {  	[sflag:s31] =	ssyncset.done $0x0  }
0xdf: {  	[sflag:s31] =	ssyncadd.s32 $0xFFFFFF80  }
0xe0: {  	_ =	swait.ge [sflag:s31], $0x80  }
0xe1: {  	[sflag:s31] =	ssyncset.done $0x0  }
0xe2: {  	[sflag:s31] =	ssyncadd.s32 $0xFFFFFF80  }
0xe3: {  	_ =	swait.ge [sflag:s31], $0x80  }
0xe4: {  	[sflag:s31] =	ssyncset.done $0x0  }
0xe5: {  	[sflag:s31] =	ssyncadd.s32 $0xFFFFFF80  }
0xe6: {  	_ =	swait.ge [sflag:s31], $0x80  }
0xe7: {  	[sflag:s31] =	ssyncset.done $0x0  }
0xe8: {  	[sflag:s31] =	ssyncadd.s32 $0xFFFFFF80  }
0xe9: {  	_ =	swait.ge [sflag:s31], $0x80  }
0xea: {  	[sflag:s31] =	ssyncset.done $0x0  }
0xeb: {  	[sflag:s31] =	ssyncadd.s32 $0xFFFFFF80  }
0xec: {  	_ =	swait.ge [sflag:s31], $0x80  }
0xed: {  	[sflag:s31] =	ssyncset.done $0x0  }
0xee: {  	[sflag:s31] =	ssyncadd.s32 $0xFFFFFF80  }
0xef: {  	_ =	swait.ge [sflag:s31], $0x80  }
0xf0: {  	[sflag:s31] =	ssyncset.done $0x0  }
0xf1: {  	[sflag:s31] =	ssyncadd.s32 $0xFFFFFF80  }
0xf2: {  	_ =	swait.ge [sflag:s31], $0x80  }
0xf3: {  	[sflag:s31] =	ssyncset.done $0x0  }
0xf4: {  	[sflag:s31] =	ssyncadd.s32 $0xFFFFFF80  }
0xf5: {  	_ =	swait.ge [sflag:s31], $0x80  }
0xf6: {  	[sflag:s31] =	ssyncset.done $0x0  }
0xf7: {  	[sflag:s31] =	ssyncadd.s32 $0xFFFFFF80  }
0xf8: {  	_ =	swait.ge [sflag:s31], $0x80  }
0xf9: {  	[sflag:s31] =	ssyncset.done $0x0  }
0xfa: {  	[sflag:s31] =	ssyncadd.s32 $0xFFFFFF80  }
0xfb: {  	_ =	swait.ge [sflag:s31], $0x80  }
0xfc: {  	[sflag:s31] =	ssyncset.done $0x0  }
0xfd: {  	[sflag:s31] =	ssyncadd.s32 $0xFFFFFF80  }
0xfe: {  	_ =	swait.ge [sflag:s31], $0x80  }
0xff: {  	[sflag:s31] =	ssyncset.done $0x0  }
0x100: {  	[sflag:s31] =	ssyncadd.s32 $0xFFFFFF80  }
0x101: {  	_ =	swait.ge [sflag:s31], $0x80  }
0x102: {  	[sflag:s31] =	ssyncset.done $0x0  }
0x103: {  	[sflag:s31] =	ssyncadd.s32 $0xFFFFFF80  }
0x104: {  	v55 =	vld [tilespmem:$0x100]  }
0x105: {  	v62 =	vld [tilespmem:$0x1200]  }
0x106: {  	v0 =	vld [tilespmem:$0x180]  }
0x107: {  	v5 =	vld [tilespmem:$0x110]  }
0x108: {  	v2 =	vld [tilespmem:$0x1210]  }
0x109: {  	v1 =	vld [tilespmem:$0x190]  }
0x10a: {  	v10 =	vld [tilespmem:$0x120]  }
0x10b: {  	v4 =	vld [tilespmem:$0x1220]  }
0x10c: {  	v3 =	vld [tilespmem:$0x1A0]  }
0x10d: {  	v13 =	vld [tilespmem:$0x130]  }
0x10e: {  	v7 =	vld [tilespmem:$0x1230]  }
0x10f: {  	v6 =	vld [tilespmem:$0x1B0]  }
0x110: {  	v17 =	vld [tilespmem:$0x140]  }
0x111: {  	v16 =	vld [tilespmem:$0x1240]  }
0x112: {  	v14 =	vld [tilespmem:$0x1C0]  }
0x113: {  	v44 =	vld [tilespmem:$0x150]  }
0x114: {  	v47 =	vld [tilespmem:$0x1250]  }
0x115: {  	v19 =	vld [tilespmem:$0x1D0]  }
0x116: {  	v29 =	vld [tilespmem:$0x160]  }
0x117: {  	v31 =	vld [tilespmem:$0x1260]  }
0x118: {  	v58 =	vld [tilespmem:$0x1E0]  }
0x119: {  	v39 =	vld [tilespmem:$0x170]  }
0x11a: {  	v34 =	vld [tilespmem:$0x1270]  }
0x11b: {  	v51 =	vld [tilespmem:$0x1F0]  }
0x11c: {  	v15 =	vld [tilespmem:$0x100]  }
0x11d: {  	v9 =	vld [tilespmem:$0x1280]  }
0x11e: {  	v8 =	vld [tilespmem:$0x200]  }
0x11f: {  	v18 =	vld [tilespmem:$0x110]  }
0x120: {  	v12 =	vld [tilespmem:$0x1290]  }
0x121: {  	v11 =	vld [tilespmem:$0x210]  }
0x122: {  	v22 =	vld [tilespmem:$0x120]  }
0x123: {  	v20 =	vld [tilespmem:$0x12A0]  }
0x124: {  	v38 =	vld [tilespmem:$0x220]  }
0x125: {  	v56 =	vld [tilespmem:$0x130]  }
0x126: {  	v46 =	vld [tilespmem:$0x12B0]  }
0x127: {  	v21 =	vld [tilespmem:$0x230]  }
0x128: {  	v48 =	vld [tilespmem:$0x140]  }
0x129: {  	v59 =	vld [tilespmem:$0x12C0]  }
0x12a: {  	v33 =	vld [tilespmem:$0x240]  }
0x12b: {  	v41 =	vld [tilespmem:$0x150]  }
0x12c: {  	v30 =	vld [tilespmem:$0x12D0]  }
0x12d: {  	v32 =	vld [tilespmem:$0x250]  }
0x12e: {  	v23 =	vld [tilespmem:$0x160]  }
0x12f: {  	v60 =	vld [tilespmem:$0x12E0]  }
0x130: {  	v52 =	vld [tilespmem:$0x260]  }
0x131: {  	v40 =	vld [tilespmem:$0x170]  }
0x132: {  	v42 =	vld [tilespmem:$0x12F0]  }
0x133: {  	v43 =	vld [tilespmem:$0x270]  }
0x134: {  	v27 =	vld [tilespmem:$0x100]  }
0x135: {  	v24 =	vld [tilespmem:$0x1300]  }
0x136: {  	v28 =	vld [tilespmem:$0x110]  }
0x137: {  	v26 =	vld [tilespmem:$0x1310]  }
0x138: {  	v25 =	vld [tilespmem:$0x290]  }
0x139: {  	v35 =	vld [tilespmem:$0x1320]  }
0x13a: {  	v63 =	vld [tilespmem:$0x1360]  }
0x13b: {  	v49 =	vld [tilespmem:$0x130]  }
0x13c: {  	v37 =	vld [tilespmem:$0x1330]  }
0x13d: {  	v36 =	vld [tilespmem:$0x2B0]  }
0x13e: {  	v57 =	vld [tilespmem:$0x1340]  }
0x13f: {  	[tilespmem:$0x1FC40] =	vst v63;
	v63 =	vld [tilespmem:$0x120]  }
0x140: {  	v54 =	vld [tilespmem:$0x2C0]  }
0x141: {  	v45 =	vld [tilespmem:$0x150]  }
0x142: {  	v50 =	vld [tilespmem:$0x1350]  }
0x143: {  	v53 =	vld [tilespmem:$0x2D0]  }
0x144: {  	[tilespmem:$0x1FC60] =	vst v63;
	v63 =	vld [tilespmem:$0x13A0]  }
0x145: {  	v61 =	vld [tilespmem:$0x160]  }
0x146: {  	[tilespmem:$0x1FBA0] =	vst v23;
	v23 =	vld [tilespmem:$0x280]  }
0x147: {  	[tilespmem:$0x1FCE0] =	vst v40;
	v40 =	vld [tilespmem:$0x120]  }
0x148: {  	[tilespmem:$0x1FC00] =	vst v42;
	v42 =	vld [tilespmem:$0x2A0]  }
0x149: {  	[tilespmem:$0x1FC20] =	vst v63;
	v63 =	vld [tilespmem:$0x320]  }
0x14a: {  	[tilespmem:$0x1FC10] =	vst v43;
	v43 =	vld [tilespmem:$0x140]  }
0x14b: {  	[tilespmem:$0x1FBE0] =	vst v45;
	v45 =	vld [tilespmem:$0x2E0]  }
0x14c: {  	[tilespmem:$0x1FC90] =	vst v61;
	v61 =	vld [tilespmem:$0x2F0]  }
0x14d: {  	v0 =	vsub.f32 v62, v0;
	v62 =	vld [tilespmem:$0x140]  }
0x14e: {  	[tilespmem:$0x1FC30] =	vst v63;
	v63 =	vld [tilespmem:$0x130]  }
0x14f: {  	[tilespmem:$0x1FBC0] =	vst v50;
	v50 =	vld [tilespmem:$0x170]  }
0x150: {  	[tilespmem:$0x1FBD0] =	vst v53;
	v53 =	vld [tilespmem:$0x1370]  }
0x151: {  	[tilespmem:$0x1FD00] =	vst v61;
	v61 =	vld [tilespmem:$0x100]  }
0x152: {  	[tilespmem:$0x1FE60] =	vst v62;
	v62 =	vld [tilespmem:$0x1440]  }
0x153: {  	[tilespmem:$0x1FCA0] =	vst v63;
	v63 =	vld [tilespmem:$0x13B0]  }
0x154: {  	[tilespmem:$0x1FC50] =	vst v45;
	v45 =	vld [tilespmem:$0x1380]  }
0x155: {  	v55 =	vcvt.s32.f32 v55;
	[tilespmem:$0x1FBB0] =	vst v43;
	v43 =	vld [tilespmem:$0x300]  }
0x156: {  	v1 =	vsub.f32 v2, v1;
	v0 =	vand.u32 $0x7FFFFFFF, v0;
	[tilespmem:$0x1FDA0] =	vst v50;
	v50 =	vld [tilespmem:$0x110]  }
0x157: {  	v0 =	vmul.f32 v55, v0;
	v55 =	vcvt.s32.f32 v5;
	[tilespmem:$0x1FE40] =	vst v62;
	v62 =	vld [tilespmem:$0x150]  }
0x158: {  	v1 =	vand.u32 $0x7FFFFFFF, v1;
	[tilespmem:$0x1FC70] =	vst v63;
	v63 =	vld [tilespmem:$0x330]  }
0x159: {  	v3 =	vsub.f32 v4, v3;
	[tilespmem:$0x1FCF0] =	vst v53;
	v53 =	vld [tilespmem:$0x1390];
	v1 =	vmul.f32 v55, v1  }
0x15a: {  	v0 =	vadd.f32 $0.0e+00, v0;
	v55 =	vcvt.s32.f32 v10;
	v10 =	vsub.f32 v7, v6;
	v7 =	vld [tilespmem:$0x1460]  }
0x15b: {  	v3 =	vand.u32 $0x7FFFFFFF, v3;
	[tilespmem:$0x1FBF0] =	vst v50;
	v50 =	vld [tilespmem:$0x310]  }
0x15c: {  	v0 =	vadd.f32 v1, v0;
	v55 =	vmul.f32 v55, v3;
	[tilespmem:$0x1FEC0] =	vst v62;
	v62 =	vcvt.s32.f32 v13;
	v13 =	vld [tilespmem:$0x3E0]  }
0x15d: {  	v10 =	vand.u32 $0x7FFFFFFF, v10;
	[tilespmem:$0x1FC80] =	vst v63;
	v63 =	vld [tilespmem:$0x140]  }
0x15e: {  	v0 =	vadd.f32 v55, v0;
	v55 =	vmul.f32 v62, v10;
	v10 =	vld [tilespmem:$0x170]  }
0x15f: {  	v62 =	vsub.f32 v16, v14;
	v14 =	vld [tilespmem:$0x1470];
	v16 =	vsub.f32 v9, v8;
	v9 =	vcvt.s32.f32 v15  }
0x160: {  	v15 =	vcvt.s32.f32 v18;
	v18 =	vsub.f32 v20, v38;
	v38 =	vld [tilespmem:$0x410];
	v20 =	vcvt.s32.f32 v22  }
0x161: {  	v22 =	vsub.f32 v46, v21;
	v46 =	vcvt.s32.f32 v29;
	v29 =	vcvt.s32.f32 v48;
	v48 =	vld [tilespmem:$0x440]  }
0x162: {  	[tilespmem:$0x1FCD0] =	vst v63;
	v63 =	vld [tilespmem:$0x13C0]  }
0x163: {  	v2 =	vand.u32 $0x7FFFFFFF, v62;
	v62 =	vld [tilespmem:$0x1480]  }
0x164: {  	v0 =	vadd.f32 v55, v0;
	v55 =	vsub.f32 v47, v19;
	v47 =	vld [tilespmem:$0x400]  }
0x165: {  	v19 =	vsub.f32 v31, v58;
	v58 =	vld [tilespmem:$0x120]  }
0x166: {  	v31 =	vld [tilespmem:$0x14A0]  }
0x167: {  	[tilespmem:$0x1FCB0] =	vst v63;
	v63 =	vld [tilespmem:$0x340]  }
0x168: {  	[tilespmem:$0x1FEF0] =	vst v13;
	v13 =	vcvt.s32.f32 v17;
	v17 =	vld [tilespmem:$0x3F0]  }
0x169: {  	v1 =	vand.u32 $0x7FFFFFFF, v16;
	v3 =	vand.u32 $0x7FFFFFFF, v55;
	v55 =	vld [tilespmem:$0x110]  }
0x16a: {  	v1 =	vmul.f32 v9, v1;
	v9 =	vand.u32 $0x7FFFFFFF, v19;
	v19 =	vsub.f32 v30, v32;
	v32 =	vld [tilespmem:$0x14C0]  }
0x16b: {  	v30 =	vcvt.s32.f32 v28;
	v28 =	vld [tilespmem:$0x14E0]  }
0x16c: {  	[tilespmem:$0x1FCC0] =	vst v63;
	v63 =	vld [tilespmem:$0x150]  }
0x16d: {  	[tilespmem:$0x1FF30] =	vst v10;
	v10 =	vld [tilespmem:$0x100]  }
0x16e: {  	[tilespmem:$0x1FF00] =	vst v14;
	v14 =	vcvt.s32.f32 v44;
	v44 =	vld [tilespmem:$0x1490]  }
0x16f: {  	v2 =	vmul.f32 v13, v2;
	v13 =	vsub.f32 v12, v11;
	v12 =	vld [tilespmem:$0x130]  }
0x170: {  	v11 =	vsub.f32 v34, v51;
	v51 =	vld [tilespmem:$0x14B0]  }
0x171: {  	[tilespmem:$0x1FD80] =	vst v63;
	v63 =	vld [tilespmem:$0x13D0]  }
0x172: {  	v0 =	vadd.f32 v2, v0;
	v2 =	vand.u32 $0x7FFFFFFF, v18;
	v18 =	vsub.f32 v59, v33;
	v59 =	vld [tilespmem:$0x14D0]  }
0x173: {  	v16 =	vmul.f32 v14, v3;
	v14 =	vcvt.s32.f32 v39;
	v39 =	vsub.f32 v35, v42;
	v42 =	vld [tilespmem:$0x160]  }
0x174: {  	v35 =	vld [tilespmem:$0x1FBD0]  }
0x175: {  	v33 =	vcvt.s32.f32 v41;
	v41 =	vld [tilespmem:$0x1FBE0]  }
0x176: {  	[tilespmem:$0x1FD30] =	vst v63;
	v63 =	vld [tilespmem:$0x350]  }
0x177: {  	[tilespmem:$0x1FF10] =	vst v17;
	v17 =	vand.u32 $0x7FFFFFFF, v13;
	v2 =	vmul.f32 v20, v2;
	v20 =	vld [tilespmem:$0x430]  }
0x178: {  	v3 =	vmul.f32 v15, v17;
	v17 =	vld [tilespmem:$0x420]  }
0x179: {  	v0 =	vadd.f32 v16, v0;
	v16 =	vsub.f32 v24, v23;
	v23 =	vld [tilespmem:$0x150]  }
0x17a: {  	v4 =	vand.u32 $0x7FFFFFFF, v18;
	v18 =	vld [tilespmem:$0x460]  }
0x17b: {  	[tilespmem:$0x1FD40] =	vst v63;
	v63 =	vld [tilespmem:$0x160]  }
0x17c: {  	v24 =	vcvt.s32.f32 v27;
	v27 =	vsub.f32 v26, v25;
	v26 =	vld [tilespmem:$0x1FBB0]  }
0x17d: {  	v25 =	vsub.f32 v57, v54;
	v57 =	vld [tilespmem:$0x1FC00]  }
0x17e: {  	v32 =	vsub.f32 v32, v48;
	v48 =	vld [tilespmem:$0x150]  }
0x17f: {  	[tilespmem:$0x1FEB0] =	vst v10;
	v10 =	vcvt.s32.f32 v56;
	v56 =	vld [tilespmem:$0x140]  }
0x180: {  	v1 =	vadd.f32 $0.0e+00, v1;
	[tilespmem:$0x1FE20] =	vst v63;
	v63 =	vld [tilespmem:$0x13E0]  }
0x181: {  	[tilespmem:$0x1FF20] =	vst v12;
	v12 =	vsub.f32 v60, v52;
	v60 =	vld [tilespmem:$0x1FC10]  }
0x182: {  	[tilespmem:$0x1FEE0] =	vst v7;
	v1 =	vadd.f32 v3, v1;
	v3 =	vmul.f32 v46, v9;
	v7 =	vand.u32 $0x7FFFFFFF, v27;
	v46 =	vld [tilespmem:$0x450]  }
0x183: {  	v5 =	vand.u32 $0x7FFFFFFF, v22;
	v6 =	vmul.f32 v30, v7;
	v30 =	vld [tilespmem:$0x170]  }
0x184: {  	v13 =	vmul.f32 v10, v5;
	v5 =	vand.u32 $0x7FFFFFFF, v19;
	v19 =	vcvt.s32.f32 v49;
	v49 =	vld [tilespmem:$0x14F0]  }
0x185: {  	[tilespmem:$0x1FDD0] =	vst v63;
	v63 =	vld [tilespmem:$0x360]  }
0x186: {  	v15 =	vand.u32 $0x7FFFFFFF, v11;
	v7 =	vld [tilespmem:$0x1510]  }
0x187: {  	v0 =	vadd.f32 v3, v0;
	v3 =	vmul.f32 v14, v15;
	v15 =	vld [tilespmem:$0x1FBA0]  }
0x188: {  	v34 =	vmul.f32 v33, v5;
	v5 =	vand.u32 $0x7FFFFFFF, v39;
	v39 =	vsub.f32 v53, v50;
	v50 =	vld [tilespmem:$0x1FBF0]  }
0x189: {  	v33 =	vand.u32 $0x7FFFFFFF, v25;
	v25 =	vld [tilespmem:$0x1FC50]  }
0x18a: {  	[tilespmem:$0x1FDE0] =	vst v63;
	v63 =	vld [tilespmem:$0x170]  }
0x18b: {  	v1 =	vadd.f32 v2, v1;
	v2 =	vand.u32 $0x7FFFFFFF, v16;
	v16 =	vand.u32 $0x7FFFFFFF, v12;
	v12 =	vld [tilespmem:$0x1530]  }
0x18c: {  	v20 =	vsub.f32 v51, v20;
	v51 =	vld [tilespmem:$0x15C0]  }
0x18d: {  	v1 =	vadd.f32 v13, v1;
	v13 =	vcvt.s32.f32 v40;
	v40 =	vld [tilespmem:$0x470]  }
0x18e: {  	v14 =	vsub.f32 v37, v36;
	v0 =	vadd.f32 v3, v0;
	v3 =	vld [tilespmem:$0x100]  }
0x18f: {  	[tilespmem:$0x1FED0] =	vst v63;
	v63 =	vld [tilespmem:$0x13F0]  }
0x190: {  	v22 =	vand.u32 $0x7FFFFFFF, v14;
	v10 =	vsub.f32 v57, v60;
	v57 =	vld [tilespmem:$0x1FCE0]  }
0x191: {  	v2 =	vmul.f32 v24, v2;
	v24 =	vmul.f32 v19, v22;
	v22 =	vld [tilespmem:$0x1FC30]  }
0x192: {  	v5 =	vmul.f32 v13, v5;
	v13 =	vld [tilespmem:$0x120]  }
0x193: {  	v4 =	vmul.f32 v29, v4;
	v29 =	vsub.f32 v45, v43;
	[tilespmem:$0x1FF40] =	vst v0;
	v0 =	vcvt.s32.f32 v26;
	v26 =	vld [tilespmem:$0x1FC60]  }
0x194: {  	v37 =	vcvt.s32.f32 v61;
	[tilespmem:$0x1FE70] =	vst v63;
	v63 =	vld [tilespmem:$0x370]  }
0x195: {  	v1 =	vadd.f32 v4, v1;
	v4 =	vand.u32 $0x7FFFFFFF, v29;
	v29 =	vld [tilespmem:$0x1FC80]  }
0x196: {  	v2 =	vadd.f32 $0.0e+00, v2;
	v4 =	vmul.f32 v37, v4;
	v37 =	vld [tilespmem:$0x4A0]  }
0x197: {  	v1 =	vadd.f32 v34, v1;
	v34 =	vld [tilespmem:$0x1FBC0]  }
0x198: {  	v2 =	vadd.f32 v6, v2;
	v6 =	vmul.f32 v0, v33;
	v0 =	vld [tilespmem:$0x480]  }
0x199: {  	[tilespmem:$0x1FE80] =	vst v63;
	v63 =	vld [tilespmem:$0x100]  }
0x19a: {  	v9 =	vcvt.s32.f32 v15;
	v33 =	vld [tilespmem:$0x1FC90]  }
0x19b: {  	v2 =	vadd.f32 v5, v2;
	v5 =	vld [tilespmem:$0x110]  }
0x19c: {  	v21 =	vmul.f32 v9, v16;
	v16 =	vld [tilespmem:$0x490]  }
0x19d: {  	v52 =	vcvt.s32.f32 v50;
	v27 =	vadd.f32 v24, v2;
	v2 =	vld [tilespmem:$0x1500]  }
0x19e: {  	v54 =	vand.u32 $0x7FFFFFFF, v39;
	[tilespmem:$0x1FD50] =	vst v63;
	v63 =	vld [tilespmem:$0x1400]  }
0x19f: {  	v8 =	vmul.f32 v52, v54;
	v4 =	vadd.f32 $0.0e+00, v4;
	v19 =	vadd.f32 v21, v1;
	v21 =	vld [tilespmem:$0x1FC20]  }
0x1a0: {  	v24 =	vld [tilespmem:$0x1FC40]  }
0x1a1: {  	v4 =	vadd.f32 v8, v4;
	v8 =	vcvt.s32.f32 v26;
	v26 =	vld [tilespmem:$0x1540]  }
0x1a2: {  	v1 =	vadd.f32 v6, v27;
	v6 =	vld [tilespmem:$0x1520]  }
0x1a3: {  	[tilespmem:$0x1FD10] =	vst v63;
	v63 =	vld [tilespmem:$0x380]  }
0x1a4: {  	v27 =	vld [tilespmem:$0x1FC70]  }
0x1a5: {  	v43 =	vcvt.s32.f32 v41;
	v36 =	vsub.f32 v34, v35;
	v41 =	vld [tilespmem:$0x1FCB0]  }
0x1a6: {  	v34 =	vcvt.s32.f32 v33;
	v33 =	vld [tilespmem:$0x4C0]  }
0x1a7: {  	v45 =	vand.u32 $0x7FFFFFFF, v36;
	v36 =	vld [tilespmem:$0x1FCA0]  }
0x1a8: {  	v11 =	vcvt.s32.f32 v57;
	[tilespmem:$0x1FD20] =	vst v63;
	v63 =	vld [tilespmem:$0x110]  }
0x1a9: {  	v10 =	vand.u32 $0x7FFFFFFF, v10;
	v7 =	vsub.f32 v7, v16;
	v9 =	vsub.f32 v24, v25;
	v25 =	vld [tilespmem:$0x1FD00]  }
0x1aa: {  	v5 =	vcvt.s32.f32 v5;
	v24 =	vmul.f32 v11, v10;
	v10 =	vld [tilespmem:$0x1550]  }
0x1ab: {  	v0 =	vsub.f32 v2, v0;
	v2 =	vld [tilespmem:$0x170];
	v7 =	vand.u32 $0x7FFFFFFF, v7  }
0x1ac: {  	v5 =	vmul.f32 v5, v7;
	v7 =	vld [tilespmem:$0x580]  }
0x1ad: {  	v53 =	vmul.f32 v43, v45;
	[tilespmem:$0x1FD90] =	vst v63;
	v63 =	vld [tilespmem:$0x1410]  }
0x1ae: {  	v43 =	vld [tilespmem:$0x1FCC0]  }
0x1af: {  	v61 =	vadd.f32 v53, v1;
	v1 =	vsub.f32 v21, v22;
	v22 =	vld [tilespmem:$0x4B0]  }
0x1b0: {  	v53 =	vld [tilespmem:$0x1FCD0]  }
0x1b1: {  	v21 =	vld [tilespmem:$0x1FCF0]  }
0x1b2: {  	v3 =	vcvt.s32.f32 v3;
	v9 =	vand.u32 $0x7FFFFFFF, v9;
	[tilespmem:$0x1FD60] =	vst v63;
	v63 =	vld [tilespmem:$0x390]  }
0x1b3: {  	v0 =	vand.u32 $0x7FFFFFFF, v0;
	v15 =	vmul.f32 v34, v9;
	v9 =	vld [tilespmem:$0x140]  }
0x1b4: {  	v3 =	vmul.f32 v3, v0;
	v0 =	vld [tilespmem:$0x15F0]  }
0x1b5: {  	v14 =	vsub.f32 v27, v29;
	v35 =	vand.u32 $0x7FFFFFFF, v1;
	v1 =	vld [tilespmem:$0x130]  }
0x1b6: {  	v39 =	vcvt.s32.f32 v36;
	v45 =	vsub.f32 v41, v43;
	v11 =	vsub.f32 v21, v25;
	v21 =	vld [tilespmem:$0x150]  }
0x1b7: {  	v50 =	vand.u32 $0x7FFFFFFF, v14;
	v54 =	vcvt.s32.f32 v53;
	[tilespmem:$0x1FD70] =	vst v63;
	v63 =	vld [tilespmem:$0x120]  }
0x1b8: {  	v52 =	vmul.f32 v39, v50;
	v50 =	vld [tilespmem:$0x1FD80];
	v60 =	vand.u32 $0x7FFFFFFF, v45  }
0x1b9: {  	v34 =	vadd.f32 v15, v61;
	v61 =	vmul.f32 v54, v60;
	v60 =	vld [tilespmem:$0x1FDA0]  }
0x1ba: {  	v8 =	vmul.f32 v8, v35;
	v35 =	vld [tilespmem:$0x1FD30]  }
0x1bb: {  	v12 =	vsub.f32 v12, v22;
	v36 =	vld [tilespmem:$0x1FD40]  }
0x1bc: {  	v4 =	vadd.f32 v8, v4;
	v1 =	vcvt.s32.f32 v1;
	[tilespmem:$0x1FDF0] =	vst v63;
	v63 =	vld [tilespmem:$0x1420]  }
0x1bd: {  	v22 =	vld [tilespmem:$0x1610];
	v12 =	vand.u32 $0x7FFFFFFF, v12  }
0x1be: {  	v4 =	vadd.f32 v52, v4;
	v1 =	vmul.f32 v1, v12;
	v12 =	vld [tilespmem:$0x120]  }
0x1bf: {  	v39 =	vld [tilespmem:$0x1FD50]  }
0x1c0: {  	v4 =	vadd.f32 v61, v4;
	v61 =	vcvt.s32.f32 v60;
	v8 =	vsub.f32 v35, v36;
	v60 =	vld [tilespmem:$0x1FE20]  }
0x1c1: {  	[tilespmem:$0x1FDB0] =	vst v63;
	v63 =	vld [tilespmem:$0x3A0]  }
0x1c2: {  	v53 =	vand.u32 $0x7FFFFFFF, v8;
	v8 =	vld [tilespmem:$0x160]  }
0x1c3: {  	v11 =	vand.u32 $0x7FFFFFFF, v11;
	v27 =	vld [tilespmem:$0x1FD10]  }
0x1c4: {  	v41 =	vcvt.s32.f32 v39;
	v39 =	vmul.f32 v61, v11;
	v11 =	vld [tilespmem:$0x1570]  }
0x1c5: {  	v61 =	vcvt.s32.f32 v60;
	v60 =	vld [tilespmem:$0x1FE40]  }
0x1c6: {  	[tilespmem:$0x1FDC0] =	vst v63;
	v63 =	vld [tilespmem:$0x130]  }
0x1c7: {  	v39 =	vadd.f32 v39, v34;
	v34 =	vld [tilespmem:$0x110]  }
0x1c8: {  	v29 =	vld [tilespmem:$0x1FD20]  }
0x1c9: {  	v54 =	vld [tilespmem:$0x1FD90]  }
0x1ca: {  	v43 =	vld [tilespmem:$0x1FD60]  }
0x1cb: {  	[tilespmem:$0x1FE30] =	vst v63;
	v63 =	vld [tilespmem:$0x1430]  }
0x1cc: {  	v45 =	vld [tilespmem:$0x1FD70]  }
0x1cd: {  	v14 =	vsub.f32 v27, v29;
	v29 =	vld [tilespmem:$0x1560]  }
0x1ce: {  	v27 =	vcvt.s32.f32 v50;
	v50 =	vld [tilespmem:$0x1FDE0]  }
0x1cf: {  	v52 =	vand.u32 $0x7FFFFFFF, v14;
	v14 =	vld [tilespmem:$0x4D0]  }
0x1d0: {  	[tilespmem:$0x1FE00] =	vst v63;
	v63 =	vld [tilespmem:$0x3B0]  }
0x1d1: {  	v27 =	vmul.f32 v27, v53;
	v25 =	vsub.f32 v43, v45;
	v45 =	vld [tilespmem:$0x1FDD0]  }
0x1d2: {  	v15 =	vmul.f32 v41, v52;
	v57 =	vcvt.s32.f32 v54;
	v36 =	vld [tilespmem:$0x1FDB0]  }
0x1d3: {  	v25 =	vand.u32 $0x7FFFFFFF, v25;
	v43 =	vld [tilespmem:$0x1FDC0]  }
0x1d4: {  	v41 =	vadd.f32 v27, v4;
	v4 =	vld [tilespmem:$0x170];
	v15 =	vadd.f32 $0.0e+00, v15;
	v35 =	vmul.f32 v57, v25  }
0x1d5: {  	[tilespmem:$0x1FE10] =	vst v63;
	v63 =	vld [tilespmem:$0x3C0]  }
0x1d6: {  	v35 =	vadd.f32 v35, v15;
	v15 =	vld [tilespmem:$0x4F0]  }
0x1d7: {  	v10 =	vsub.f32 v10, v14;
	v54 =	vld [tilespmem:$0x1FE00]  }
0x1d8: {  	v21 =	vcvt.s32.f32 v21;
	v27 =	vsub.f32 v36, v43;
	v36 =	vsub.f32 v45, v50;
	v57 =	vld [tilespmem:$0x1FE10]  }
0x1d9: {  	v10 =	vand.u32 $0x7FFFFFFF, v10;
	v52 =	vld [tilespmem:$0x1FDF0]  }
0x1da: {  	v10 =	vmul.f32 v21, v10;
	v21 =	vld [tilespmem:$0x150];
	v36 =	vand.u32 $0x7FFFFFFF, v36;
	[tilespmem:$0x1FE50] =	vst v63  }
0x1db: {  	v50 =	vmul.f32 v61, v36;
	v61 =	vld [tilespmem:$0x1FE50]  }
0x1dc: {  	v25 =	vld [tilespmem:$0x4E0];
	v11 =	vsub.f32 v11, v15  }
0x1dd: {  	v4 =	vcvt.s32.f32 v4;
	v45 =	vsub.f32 v54, v57;
	v54 =	vld [tilespmem:$0x1FE30]  }
0x1de: {  	v53 =	vcvt.s32.f32 v52;
	v11 =	vand.u32 $0x7FFFFFFF, v11;
	v63 =	vld [tilespmem:$0x1450]  }
0x1df: {  	v4 =	vmul.f32 v4, v11;
	v11 =	vld [tilespmem:$0x5E0];
	v27 =	vand.u32 $0x7FFFFFFF, v27  }
0x1e0: {  	v43 =	vmul.f32 v53, v27;
	v53 =	vsub.f32 v60, v61;
	v60 =	vld [tilespmem:$0x1FE60]  }
0x1e1: {  	v27 =	vld [tilespmem:$0x100]  }
0x1e2: {  	v35 =	vadd.f32 v43, v35;
	v43 =	vld [tilespmem:$0x1590];
	v57 =	vcvt.s32.f32 v54  }
0x1e3: {  	[tilespmem:$0x1FE90] =	vst v63;
	v63 =	vld [tilespmem:$0x3D0];
	v54 =	vand.u32 $0x7FFFFFFF, v45  }
0x1e4: {  	v45 =	vld [tilespmem:$0x1580];
	v57 =	vmul.f32 v57, v54  }
0x1e5: {  	v54 =	vld [tilespmem:$0x500];
	v61 =	vcvt.s32.f32 v60  }
0x1e6: {  	v53 =	vand.u32 $0x7FFFFFFF, v53;
	v57 =	vadd.f32 v57, v35;
	v35 =	vsub.f32 v62, v47;
	v62 =	vld [tilespmem:$0x1FE90]  }
0x1e7: {  	v36 =	vadd.f32 v24, v19;
	v60 =	vld [tilespmem:$0x1FE70];
	v19 =	vmul.f32 v61, v53  }
0x1e8: {  	v61 =	vld [tilespmem:$0x1FE80]  }
0x1e9: {  	[tilespmem:$0x1FEA0] =	vst v63;
	v52 =	vadd.f32 v19, v57;
	v57 =	vld [tilespmem:$0x1FEB0]  }
0x1ea: {  	v53 =	vld [tilespmem:$0x1FEA0]  }
0x1eb: {  	v63 =	vld [tilespmem:$0x160]  }
0x1ec: {  	v47 =	vld [tilespmem:$0x510]  }
0x1ed: {  	v41 =	vadd.f32 v50, v41;
	v50 =	vsub.f32 v60, v61;
	v61 =	vld [tilespmem:$0x1FEC0]  }
0x1ee: {  	v38 =	vsub.f32 v44, v38;
	v19 =	vld [tilespmem:$0x120];
	v60 =	vcvt.s32.f32 v57  }
0x1ef: {  	v17 =	vsub.f32 v31, v17;
	v24 =	vsub.f32 v62, v53;
	v62 =	vand.u32 $0x7FFFFFFF, v35;
	v35 =	vld [tilespmem:$0x15A0]  }
0x1f0: {  	v55 =	vcvt.s32.f32 v55;
	v57 =	vld [tilespmem:$0x520];
	v53 =	vmul.f32 v60, v62  }
0x1f1: {  	v17 =	vand.u32 $0x7FFFFFFF, v17;
	v60 =	vand.u32 $0x7FFFFFFF, v38;
	v62 =	vcvt.s32.f32 v58;
	v58 =	vld [tilespmem:$0x1FED0]  }
0x1f2: {  	v44 =	vcvt.s32.f32 v61;
	v31 =	vmul.f32 v55, v60;
	v60 =	vld [tilespmem:$0x1FEE0];
	v61 =	vadd.f32 $0.0e+00, v53  }
0x1f3: {  	v17 =	vmul.f32 v62, v17;
	v62 =	vld [tilespmem:$0x1FF20]  }
0x1f4: {  	v24 =	vand.u32 $0x7FFFFFFF, v24;
	v38 =	vadd.f32 v31, v61;
	v61 =	vld [tilespmem:$0x1FEF0]  }
0x1f5: {  	v55 =	vld [tilespmem:$0x15B0];
	v44 =	vmul.f32 v44, v24  }
0x1f6: {  	v53 =	vld [tilespmem:$0x1FF00]  }
0x1f7: {  	v24 =	vld [tilespmem:$0x130];
	v44 =	vadd.f32 v44, v52;
	v52 =	vcvt.s32.f32 v58  }
0x1f8: {  	v50 =	vand.u32 $0x7FFFFFFF, v50;
	v31 =	vld [tilespmem:$0x140];
	v17 =	vadd.f32 v17, v38  }
0x1f9: {  	v58 =	vld [tilespmem:$0x530];
	v50 =	vmul.f32 v52, v50;
	v38 =	vcvt.s32.f32 v62;
	v52 =	vsub.f32 v60, v61  }
0x1fa: {  	v20 =	vand.u32 $0x7FFFFFFF, v20;
	v62 =	vld [tilespmem:$0x550];
	v61 =	vcvt.s32.f32 v63  }
0x1fb: {  	v60 =	vld [tilespmem:$0x1FF10];
	v20 =	vmul.f32 v38, v20;
	v52 =	vand.u32 $0x7FFFFFFF, v52  }
0x1fc: {  	v38 =	vcvt.s32.f32 v56;
	v52 =	vmul.f32 v61, v52;
	v61 =	vld [tilespmem:$0x1FF30]  }
0x1fd: {  	v32 =	vand.u32 $0x7FFFFFFF, v32;
	v56 =	vld [tilespmem:$0x15D0]  }
0x1fe: {  	v63 =	vsub.f32 v28, v18;
	v28 =	vld [tilespmem:$0x570];
	v17 =	vadd.f32 v20, v17;
	v32 =	vmul.f32 v38, v32  }
0x1ff: {  	v6 =	vsub.f32 v6, v37;
	v38 =	vld [tilespmem:$0x160]  }
0x200: {  	v23 =	vcvt.s32.f32 v23;
	v17 =	vadd.f32 v32, v17;
	v32 =	vld [tilespmem:$0x1600];
	v53 =	vsub.f32 v53, v60  }
0x201: {  	v6 =	vand.u32 $0x7FFFFFFF, v6;
	v3 =	vadd.f32 $0.0e+00, v3;
	v60 =	vld [tilespmem:$0x540];
	v61 =	vcvt.s32.f32 v61  }
0x202: {  	v2 =	vcvt.s32.f32 v2;
	v44 =	vadd.f32 v52, v44;
	v52 =	vld [tilespmem:$0x15E0];
	v53 =	vand.u32 $0x7FFFFFFF, v53  }
0x203: {  	v0 =	vsub.f32 v0, v28;
	v28 =	vld [tilespmem:$0x650];
	v20 =	vmul.f32 v61, v53;
	v61 =	vsub.f32 v59, v46  }
0x204: {  	v3 =	vadd.f32 v5, v3;
	v9 =	vcvt.s32.f32 v9;
	v12 =	vcvt.s32.f32 v12;
	v46 =	vld [tilespmem:$0x560]  }
0x205: {  	v8 =	vcvt.s32.f32 v8;
	v59 =	vcvt.s32.f32 v13;
	v13 =	vld [tilespmem:$0x100];
	v53 =	vand.u32 $0x7FFFFFFF, v61  }
0x206: {  	v61 =	vcvt.s32.f32 v42;
	v42 =	vsub.f32 v49, v40;
	v49 =	vcvt.s32.f32 v30;
	v30 =	vld [tilespmem:$0x5A0]  }
0x207: {  	v7 =	vsub.f32 v32, v7;
	v40 =	vsub.f32 v43, v47;
	v47 =	vcvt.s32.f32 v24;
	v24 =	vld [tilespmem:$0x1660]  }
0x208: {  	v0 =	vand.u32 $0x7FFFFFFF, v0;
	v6 =	vmul.f32 v59, v6;
	v43 =	vsub.f32 v35, v57;
	v35 =	vld [tilespmem:$0x5F0]  }
0x209: {  	v63 =	vand.u32 $0x7FFFFFFF, v63;
	v0 =	vmul.f32 v2, v0;
	v7 =	vand.u32 $0x7FFFFFFF, v7;
	v57 =	vld [tilespmem:$0x100]  }
0x20a: {  	v18 =	vmul.f32 v23, v53;
	v53 =	vsub.f32 v26, v33;
	v26 =	vld [tilespmem:$0x590];
	v3 =	vadd.f32 v6, v3  }
0x20b: {  	v23 =	vld [tilespmem:$0x1620];
	v5 =	vmul.f32 v61, v63;
	v6 =	vadd.f32 v20, v44;
	v61 =	vsub.f32 v45, v54  }
0x20c: {  	v33 =	vld [tilespmem:$0x1640];
	v63 =	vsub.f32 v29, v25;
	v44 =	vcvt.s32.f32 v19;
	v45 =	vsub.f32 v55, v58  }
0x20d: {  	v25 =	vld [tilespmem:$0x5B0];
	v55 =	vcvt.s32.f32 v48;
	v37 =	vadd.f32 v18, v17;
	v18 =	vand.u32 $0x7FFFFFFF, v42  }
0x20e: {  	v19 =	vld [tilespmem:$0x5D0];
	v59 =	vand.u32 $0x7FFFFFFF, v53;
	v42 =	vand.u32 $0x7FFFFFFF, v40;
	v53 =	vsub.f32 v56, v62  }
0x20f: {  	v48 =	vld [tilespmem:$0x16A0];
	v58 =	vsub.f32 v52, v46;
	v13 =	vcvt.s32.f32 v13;
	v18 =	vmul.f32 v49, v18  }
0x210: {  	v17 =	vld [tilespmem:$0x110];
	v3 =	vadd.f32 v1, v3;
	v9 =	vmul.f32 v9, v59;
	v14 =	vand.u32 $0x7FFFFFFF, v63  }
0x211: {  	v49 =	vand.u32 $0x7FFFFFFF, v45;
	v59 =	vld [tilespmem:$0x1680];
	v16 =	vadd.f32 v5, v37;
	v37 =	vcvt.s32.f32 v27  }
0x212: {  	v63 =	vld [tilespmem:$0x110];
	v5 =	vadd.f32 v50, v41;
	v41 =	vcvt.s32.f32 v34;
	v8 =	vmul.f32 v8, v14  }
0x213: {  	v27 =	vld [tilespmem:$0x5C0];
	v50 =	vsub.f32 v51, v60;
	v51 =	vcvt.s32.f32 v31;
	v56 =	vand.u32 $0x7FFFFFFF, v53  }
0x214: {  	v60 =	vcvt.s32.f32 v38;
	v3 =	vadd.f32 v9, v3;
	v9 =	vand.u32 $0x7FFFFFFF, v61;
	v61 =	vld [tilespmem:$0x600]  }
0x215: {  	v7 =	vmul.f32 v13, v7;
	v11 =	vsub.f32 v24, v11;
	v40 =	vsub.f32 v23, v30;
	v30 =	vld [tilespmem:$0x150]  }
0x216: {  	v22 =	vsub.f32 v22, v26;
	v1 =	vadd.f32 v18, v16;
	v16 =	vld [tilespmem:$0x130];
	v9 =	vmul.f32 v37, v9  }
0x217: {  	v18 =	vld [tilespmem:$0x1630];
	v20 =	vmul.f32 v41, v42;
	v54 =	vand.u32 $0x7FFFFFFF, v50;
	v7 =	vadd.f32 $0.0e+00, v7  }
0x218: {  	v41 =	vld [tilespmem:$0x1690];
	v11 =	vand.u32 $0x7FFFFFFF, v11;
	v3 =	vadd.f32 v10, v3;
	v10 =	vand.u32 $0x7FFFFFFF, v43  }
0x219: {  	v42 =	vld [tilespmem:$0x610];
	v62 =	vcvt.s32.f32 v17;
	v38 =	vand.u32 $0x7FFFFFFF, v22;
	v9 =	vadd.f32 $0.0e+00, v9  }
0x21a: {  	v50 =	vld [tilespmem:$0x620];
	v10 =	vmul.f32 v44, v10;
	v44 =	vand.u32 $0x7FFFFFFF, v40;
	v3 =	vadd.f32 v8, v3  }
0x21b: {  	v14 =	vld [tilespmem:$0x1650];
	v8 =	vmul.f32 v47, v49;
	v46 =	vmul.f32 v12, v44;
	v9 =	vadd.f32 v20, v9  }
0x21c: {  	v29 =	vld [tilespmem:$0x140];
	v52 =	vsub.f32 v59, v61;
	v20 =	vcvt.s32.f32 v57;
	v59 =	vcvt.s32.f32 v63  }
0x21d: {  	v45 =	vld [tilespmem:$0x120];
	v44 =	vcvt.s32.f32 v30;
	v3 =	vadd.f32 v4, v3;
	v47 =	vsub.f32 v18, v25  }
0x21e: {  	v31 =	vld [tilespmem:$0x1670];
	v4 =	vmul.f32 v51, v54;
	v54 =	vsub.f32 v33, v27;
	v9 =	vadd.f32 v10, v9  }
0x21f: {  	v57 =	vld [tilespmem:$0x130];
	v49 =	vcvt.s32.f32 v16;
	v17 =	vsub.f32 v41, v42;
	v12 =	vsub.f32 v48, v50  }
0x220: {  	v61 =	vld [tilespmem:$0x16C0];
	v33 =	vsub.f32 v14, v19;
	v10 =	vand.u32 $0x7FFFFFFF, v58;
	v8 =	vadd.f32 v8, v9  }
0x221: {  	v63 =	vld [tilespmem:$0x640];
	v42 =	vcvt.s32.f32 v21;
	v43 =	vmul.f32 v60, v10;
	v51 =	vand.u32 $0x7FFFFFFF, v47  }
0x222: {  	v25 =	vld [tilespmem:$0x16D0];
	v10 =	vand.u32 $0x7FFFFFFF, v52;
	v4 =	vadd.f32 v4, v8;
	v8 =	vmul.f32 v62, v38  }
0x223: {  	v53 =	vld [tilespmem:$0x16B0];
	v17 =	vand.u32 $0x7FFFFFFF, v17;
	v12 =	vand.u32 $0x7FFFFFFF, v12;
	v2 =	vand.u32 $0x7FFFFFFF, v33  }
0x224: {  	v9 =	vmul.f32 v55, v56;
	v55 =	vld [tilespmem:$0x630];
	v56 =	vcvt.s32.f32 v29;
	v7 =	vadd.f32 v8, v7  }
0x225: {  	v15 =	vld [tilespmem:$0x170];
	v52 =	vsub.f32 v31, v35;
	v58 =	vmul.f32 v20, v10;
	v10 =	vmul.f32 v59, v17  }
0x226: {  	v60 =	vld [tilespmem:$0x140];
	v2 =	vmul.f32 v42, v2;
	v8 =	vmul.f32 v49, v51;
	v7 =	vadd.f32 v46, v7  }
0x227: {  	v32 =	vld [tilespmem:$0x160];
	v27 =	vcvt.s32.f32 v57;
	v37 =	vsub.f32 v61, v63;
	v17 =	vsub.f32 v25, v28  }
0x228: {  	v34 =	vld [tilespmem:$0x160];
	v62 =	vcvt.s32.f32 v45;
	v7 =	vadd.f32 v8, v7;
	v8 =	vadd.f32 $0.0e+00, v58  }
0x229: {  	v41 =	vld [tilespmem:$0x660];
	v4 =	vadd.f32 v9, v4;
	v9 =	vand.u32 $0x7FFFFFFF, v54;
	v18 =	vsub.f32 v53, v55  }
0x22a: {  	v38 =	vld [tilespmem:$0x16E0];
	v26 =	vmul.f32 v62, v12;
	v9 =	vmul.f32 v56, v9;
	v8 =	vadd.f32 v10, v8  }
0x22b: {  	v45 =	vld [tilespmem:$0x670];
	v40 =	vcvt.s32.f32 v60;
	v4 =	vadd.f32 v43, v4;
	v29 =	vand.u32 $0x7FFFFFFF, v18  }
0x22c: {  	v43 =	vld [tilespmem:$0x16F0];
	v7 =	vadd.f32 v9, v7;
	v9 =	vmul.f32 v27, v29;
	v8 =	vadd.f32 v26, v8  }
0x22d: {  	v47 =	vld [tilespmem:$0x170];
	v57 =	vand.u32 $0x7FFFFFFF, v52;
	v12 =	vand.u32 $0x7FFFFFFF, v37;
	v17 =	vand.u32 $0x7FFFFFFF, v17  }
0x22e: {  	v46 =	vcvt.s32.f32 v34;
	v8 =	vadd.f32 v9, v8;
	v9 =	vmul.f32 v40, v12  }
0x22f: {  	[tilespmem:$0x1AA0] =	vst v39;
	v48 =	vmul.f32 v44, v17;
	v53 =	vcvt.s32.f32 v32;
	v51 =	vsub.f32 v38, v41  }
0x230: {  	[tilespmem:$0x1A90] =	vst v36;
	v49 =	vld [tilespmem:$0x1FF40];
	v55 =	vcvt.s32.f32 v15;
	v50 =	vmul.f32 v46, v11;
	v8 =	vadd.f32 v9, v8  }
0x231: {  	[tilespmem:$0x1AC0] =	vst v6;
	v11 =	vand.u32 $0x7FFFFFFF, v51;
	v54 =	vsub.f32 v43, v45;
	v2 =	vadd.f32 v2, v7  }
0x232: {  	[tilespmem:$0x1AB0] =	vst v5;
	v58 =	vcvt.s32.f32 v47;
	v56 =	vmul.f32 v53, v11;
	v8 =	vadd.f32 v48, v8  }
0x233: {  	[tilespmem:$0x1AD0] =	vst v1;
	v59 =	vmul.f32 v55, v57;
	v60 =	vand.u32 $0x7FFFFFFF, v54;
	v2 =	vadd.f32 v50, v2  }
0x234: {  	[tilespmem:$0x1AE0] =	vst v3;
	v0 =	vadd.f32 v0, v4;
	v62 =	vmul.f32 v58, v60;
	v61 =	vadd.f32 v56, v8  }
0x235: {  	[tilespmem:$0x1A80] =	vst v49;
	v2 =	vadd.f32 v59, v2  }
0x236: {  	[tilespmem:$0x1AF0] =	vst v0;
	v63 =	vadd.f32 v62, v61  }
0x237: {  	[tilespmem:$0x1B00] =	vst v2  }
0x238: {  	s9 =	rddreg [dreg:$0x12];
	[tilespmem:$0x1B10] =	vst v63  }
0x239: {  	[hbm4b:s9+s6] =	stream.strided.scatter [tilespmem:s2], [sflag:$0x2], $0x100, s7, s6, $0x38;
	[tilespmem:$0x1B80] =	vst v63  }
0x23a: {  	_ =	swait.ge [sflag:s5], $0x100  }
0x23b: {  	p0 =	sne.s32 s4, $0x1;
	[sflag:s5] =	ssyncset.done $0x0  }
.Ltmp0:
0x23c: {  	s10 =	rddreg [dreg:$0x13];
	[sflag:s5] =	ssyncadd.s32 $0xFFFFFF00;
	(pc) =	sbr.rel @p0 .LBB2_1-.Ltmp0, $4  }
0x23d: {  	[hbm4b:s10+s3] =	stream.linear.scatter [tilespmem:s30], [sflag:$0x2], $0x80, $0x38;
	[tilespmem:$0x1B80] =	vst v63  }
0x23e: {  	_ =	swait.ge [sflag:s5], $0x80  }
0x23f: {  	[sflag:s5] =	ssyncset.done $0x0  }
0x240: {  	s4 =	sadd.s32 $0xFFFFFFFF, s4;
	[sflag:s5] =	ssyncadd.s32 $0xFFFFFF80  }
0x241: {  	_ =	sfence.sel $0x180000  }
0x242: {  	[bflag:$0x0] =	sbarrier.arrive $0xFFFF  }
0x243: {  	_ =	strace $0x90000047  }
0x244: {  	s0 =	stileid.u32;
	[bflag:$0x2] =	sbarrier.arrive $0xFFFF  }
0x245: {  	p0 =	sne.s32 s0, $0x0;
	s0 =	rddreg [dreg:$0x3]  }
0x246: {  	s0 =	sadd.s32 @!p0 $0x100000, s0  }
0x247: {  	[sflag:s0] =	ssyncadd.tile.s32 @!p0 $0x1;
	_ =	shalt  }
.Lfunc_end2:
_tile_overlayer_lowered:
.L_overlay_start_2:
0x248: {  	(tag) =	ssettag $0x2  }
0x249: {  	s0 =	rddreg [dreg:$0x0];
	s2 =	stileid.u32  }
0x24a: {  	s1 =	rddreg [dreg:$0x1];
	p0 =	sne.s32 s2, $0x0  }
0x24b: {  	s3 =	rddreg [dreg:$0x2];
	[bflag:$0x3] =	sbarrier.arrive $0xFFFF;
	s2 =	simm.s32 @!p0 $0x1C02  }
0x24c: {  	[timem:s3], [sflag:s2] =	dma.local @!p0 [hbm:s0], s1  }
0x24d: {  	s0 =	simm.s32 @!p0 $0x2  }
0x24e: {  	_ =	swait.ge @!p0 [sflag:s0], s1  }
0x24f: {  	s1 =	ssub.s32 @!p0 $0x0, s1;
	[sflag:s0] =	ssyncset.done @!p0 $0x0  }
0x250: {  	[sflag:s0] =	ssyncadd.s32 @!p0 s1  }
0x251: {  	[bflag:$0x3] =	sbarrier.arrive $0xFFFF  }
0x252: {  	_ =	shalt  }

</sc_bundles>
